<compile_context>
chip_gen: v7x
topology: tpu7x:2x2x1
jax: 0.10.2.dev20260603
libtpu: 0.0.44.dev20260713+nightly
codegen_flags: <defaults>
</compile_context>

<pallas_src>
import functools

import jax
import jax.numpy as jnp
from jax import lax
from jax.experimental import pallas as pl
from jax.experimental.pallas import tpu as pltpu
from jax.experimental.pallas import tpu_sc as plsc

N = 10000
NPAD = 10240
E = 320000
D = 128

NC = 2
NS = 16
EDGES_PER_WORKER = E // (NC * NS)
BATCH = 80
NBATCH = EDGES_PER_WORKER // BATCH
SB = 25
NSUPER = NBATCH // SB
NRING = 3
ROWS_PER_TILE = NPAD // NS
ROW_CHUNK = BATCH
NCHUNK = ROWS_PER_TILE // ROW_CHUNK


def _matmul_body(x_ref, w_ref, o_ref):
    o_ref[...] = jnp.dot(x_ref[...], w_ref[...],
                         preferred_element_type=jnp.float32)


def _epilogue_body(p0_ref, p1_ref, prior_ref, b_ref, o_ref):
    o_ref[...] = prior_ref[...] * (p0_ref[0] + p1_ref[0]) + b_ref[...]


def _spmm_body(support_hbm, src_hbm, dst_hbm, w_hbm, out_hbm,
               src_t, dst_t, w_t, rows_t, sem_g, sem_s, acc_sh):
    c = lax.axis_index("c")
    s = lax.axis_index("s")
    row0 = s * ROWS_PER_TILE

    zeros16 = jnp.zeros((16,), jnp.float32)

    def _zero_row(r, carry):
        for k in range(D // 16):
            rows_t[0, r, pl.ds(k * 16, 16)] = zeros16
        return carry

    lax.fori_loop(0, ROW_CHUNK, _zero_row, 0)

    def _zsem(t):
        q = t % (2 * NRING)
        return sem_g.at[q] if q < NRING else sem_s.at[q - NRING]

    def _zdst(t):
        return acc_sh.at[pl.ds(row0 + t * ROW_CHUNK, ROW_CHUNK)]

    for t in range(NCHUNK):
        if t >= 2 * NRING:
            pltpu.make_async_copy(rows_t.at[0], _zdst(t - 2 * NRING),
                                  _zsem(t)).wait()
        pltpu.async_copy(rows_t.at[0], _zdst(t), _zsem(t))
    for t in range(max(0, NCHUNK - 2 * NRING), NCHUNK):
        pltpu.make_async_copy(rows_t.at[0], _zdst(t), _zsem(t)).wait()
    plsc.subcore_barrier()

    def _g_start(j, p):
        pltpu.async_copy(support_hbm.at[src_t.at[j]], rows_t.at[p],
                         sem_g.at[p])

    def _g_wait(j, p):
        pltpu.make_async_copy(support_hbm.at[src_t.at[j]], rows_t.at[p],
                              sem_g.at[p]).wait()

    def _s_start(j, p):
        pltpu.async_copy(rows_t.at[p], acc_sh.at[dst_t.at[j]],
                         sem_s.at[p], add=True)

    def _s_wait(p):
        pltpu.make_async_copy(rows_t.at[p], acc_sh.at[dst_t.at[0]],
                              sem_s.at[p]).wait()

    def _scale(j, p):
        for g in range(BATCH // 16):
            wv16 = w_t[j, pl.ds(g * 16, 16)]

            def _edge(e16, ecarry, wv16=wv16, g=g):
                wv = lax.gather(
                    wv16, jnp.full((16, 1), e16, jnp.int32),
                    dimension_numbers=lax.GatherDimensionNumbers(
                        offset_dims=(), collapsed_slice_dims=(0,),
                        start_index_map=(0,)),
                    slice_sizes=(1,),
                    mode=lax.GatherScatterMode.PROMISE_IN_BOUNDS)
                e = g * 16 + e16
                for k in range(D // 16):
                    sl = pl.ds(k * 16, 16)
                    rows_t[p, e, sl] = rows_t[p, e, sl] * wv
                return ecarry

            lax.fori_loop(0, 16, _edge, 0)

    def _super(t, carry):
        pltpu.async_copy(src_hbm.at[c, s, t], src_t, sem_g.at[0])
        pltpu.async_copy(dst_hbm.at[c, s, t], dst_t, sem_g.at[1])
        pltpu.async_copy(w_hbm.at[c, s, t], w_t, sem_g.at[2])
        pltpu.make_async_copy(src_hbm.at[c, s, t], src_t, sem_g.at[0]).wait()
        pltpu.make_async_copy(dst_hbm.at[c, s, t], dst_t, sem_g.at[1]).wait()
        pltpu.make_async_copy(w_hbm.at[c, s, t], w_t, sem_g.at[2]).wait()

        _g_start(0, 0)
        _g_start(1, 1)

        def _triple(k, kcarry):
            base = 3 * k
            _g_wait(base, 0)

            @pl.when(k >= 1)
            def _():
                _s_wait(2)

            _g_start(base + 2, 2)
            _scale(base, 0)
            _s_start(base, 0)

            _g_wait(base + 1, 1)
            _s_wait(0)
            _g_start(base + 3, 0)
            _scale(base + 1, 1)
            _s_start(base + 1, 1)

            _g_wait(base + 2, 2)

            @pl.when(k <= 6)
            def _():
                _s_wait(1)
                _g_start(base + 4, 1)

            _scale(base + 2, 2)
            _s_start(base + 2, 2)
            return kcarry

        lax.fori_loop(0, SB // 3, _triple, 0)

        _g_wait(SB - 1, 0)
        _scale(SB - 1, 0)
        _s_start(SB - 1, 0)

        for q in range(NRING):
            _s_wait(q)
        return carry

    lax.fori_loop(0, NSUPER, _super, 0)
    plsc.subcore_barrier()

    def _sl(t):
        return pl.ds(row0 + t * ROW_CHUNK, ROW_CHUNK)

    for t in range(NCHUNK):
        q = t % NRING
        if t >= NRING:
            pltpu.make_async_copy(rows_t.at[q], out_hbm.at[c, _sl(t - NRING)],
                                  sem_s.at[q]).wait()
        pltpu.async_copy(acc_sh.at[_sl(t)], rows_t.at[q], sem_g.at[q])
        pltpu.make_async_copy(acc_sh.at[_sl(t)], rows_t.at[q],
                              sem_g.at[q]).wait()
        pltpu.async_copy(rows_t.at[q], out_hbm.at[c, _sl(t)], sem_s.at[q])
    for t in range(NCHUNK - NRING, NCHUNK):
        q = t % NRING
        pltpu.make_async_copy(rows_t.at[q], out_hbm.at[c, _sl(t)],
                              sem_s.at[q]).wait()


_spmm = pl.kernel(
    _spmm_body,
    out_type=jax.ShapeDtypeStruct((NC, NPAD, D), jnp.float32),
    mesh=plsc.VectorSubcoreMesh(core_axis_name="c", subcore_axis_name="s",
                                num_cores=NC, num_subcores=NS),
    scratch_types=[
        pltpu.VMEM((SB, BATCH), jnp.int32),
        pltpu.VMEM((SB, BATCH), jnp.int32),
        pltpu.VMEM((SB, BATCH), jnp.float32),
        pltpu.VMEM((NRING, BATCH, D), jnp.float32),
        pltpu.SemaphoreType.DMA((NRING,)),
        pltpu.SemaphoreType.DMA((NRING,)),
        pltpu.VMEM_SHARED((NPAD, D), jnp.float32),
    ],
)


def kernel(input_feature, adjacency_edge_index, adjacency_edge_weight,
           prior_probability_tensor, W, b):
    support = pl.pallas_call(
        _matmul_body,
        grid=(2,),
        in_specs=[
            pl.BlockSpec((NPAD // 2, D), lambda i: (i, 0)),
            pl.BlockSpec((D, D), lambda i: (0, 0)),
        ],
        out_specs=pl.BlockSpec((NPAD // 2, D), lambda i: (i, 0)),
        out_shape=jax.ShapeDtypeStruct((NPAD, D), jnp.float32),
    )(input_feature, W)

    src = adjacency_edge_index[0].reshape(NC, NS, NSUPER, SB, BATCH)
    dst = adjacency_edge_index[1].reshape(NC, NS, NSUPER, SB, BATCH)
    wgt = adjacency_edge_weight.reshape(NC, NS, NSUPER, SB, BATCH)

    partials = _spmm(support, src, dst, wgt)

    out = pl.pallas_call(
        _epilogue_body,
        grid=(2,),
        in_specs=[
            pl.BlockSpec((1, N // 2, D), lambda i: (0, i, 0)),
            pl.BlockSpec((1, N // 2, D), lambda i: (1, i, 0)),
            pl.BlockSpec((N // 2, D), lambda i: (i, 0)),
            pl.BlockSpec((1, D), lambda i: (0, 0)),
        ],
        out_specs=pl.BlockSpec((N // 2, D), lambda i: (i, 0)),
        out_shape=jax.ShapeDtypeStruct((N, D), jnp.float32),
    )(partials, partials, prior_probability_tensor, b.reshape(1, D))
    return out

# --- scband reference (transcript-rebuilt; emitter-appended) ---
"""Pipeline reference for scband-graph-convolution-16578573762726 (READ-ONLY COPY).

The authoritative reference and input builder live on the scoring server;
editing this copy changes nothing except your own understanding.
"""

import jax, jax.numpy as jnp
import numpy as np

N = 10000
E = 320000
DIN = 128
DOUT = 128


def setup_inputs(seed: int = 0) -> dict:
    key = jax.random.key(seed)
    k1, k2, k3, k4, k5, k6 = jax.random.split(key, 6)
    input_feature = jax.random.normal(k1, (N, DIN), dtype=jnp.float32)
    adjacency_edge_index = jax.random.randint(k2, (2, E), 0, N, dtype=jnp.int32)
    adjacency_edge_weight = jax.random.uniform(k3, (E,), dtype=jnp.float32)
    prior_probability_tensor = jax.random.uniform(k4, (N, DOUT), dtype=jnp.float32)
    stdv = 1.0 / np.sqrt(DOUT)
    W = jax.random.uniform(k5, (DIN, DOUT), minval=-stdv, maxval=stdv, dtype=jnp.float32)
    b = jax.random.uniform(k6, (DOUT,), minval=-stdv, maxval=stdv, dtype=jnp.float32)
    return {
        "input_feature": input_feature,
        "adjacency_edge_index": adjacency_edge_index,
        "adjacency_edge_weight": adjacency_edge_weight,
        "prior_probability_tensor": prior_probability_tensor,
        "W": W,
        "b": b,
    }


def reference(input_feature, adjacency_edge_index, adjacency_edge_weight, prior_probability_tensor, W, b):
    # support = X @ Theta
    support = input_feature @ W
    # output = spmm(A, support): gather rows by src, scale by edge weight, scatter-add by dst
    src = adjacency_edge_index[0]
    dst = adjacency_edge_index[1]
    msgs = support[src] * adjacency_edge_weight[:, None]
    output = jax.ops.segment_sum(msgs, dst, num_segments=N)
    # output_dim == prior dim branch: elementwise prior multiply, then bias
    prior_probability_output = prior_probability_tensor * output
    return prior_probability_output + b

if __name__ == "__main__":
    import jax
    _d = setup_inputs()
    print(jax.jit(kernel)(*tuple(_d.values())))

</pallas_src>

<mosaic_0001>
#map = affine_map<(d0, d1) -> (0, 0)>
#map1 = affine_map<(d0, d1) -> (0, 0, 0, 0, 0)>
#map2 = affine_map<(d0, d1) -> (0, 0, 0)>
module attributes {stable_mosaic.version = 14 : i64} {
  func.func @_spmm_body(%arg0: i32, %arg1: i32, %arg2: memref<10240x128xf32, #tpu.memory_space<hbm>>, %arg3: memref<2x16x5x25x80xi32, #tpu.memory_space<hbm>>, %arg4: memref<2x16x5x25x80xi32, #tpu.memory_space<hbm>>, %arg5: memref<2x16x5x25x80xf32, #tpu.memory_space<hbm>>, %arg6: memref<2x10240x128xf32, #tpu.memory_space<hbm>>, %arg7: memref<25x80xi32, #tpu.memory_space<vmem>>, %arg8: memref<25x80xi32, #tpu.memory_space<vmem>>, %arg9: memref<25x80xf32, #tpu.memory_space<vmem>>, %arg10: memref<3x80x128xf32, #tpu.memory_space<vmem>>, %arg11: memref<3x!tpu.dma_semaphore, #tpu.memory_space<semaphore_mem>>, %arg12: memref<3x!tpu.dma_semaphore, #tpu.memory_space<semaphore_mem>>, %arg13: memref<10240x128xf32, #tpu.memory_space<vmem_shared>>) attributes {dimension_semantics = [#tpu.dimension_semantics<core_parallel>, #tpu.dimension_semantics<subcore_parallel>], iteration_bounds = array<i64: 2, 16>, scalar_prefetch = 0 : i64, scratch_operands = 7 : i64, tpu.core_type = #tpu.core_type<sc_vector_subcore>, window_params = [{transform_indices = #map}, {transform_indices = #map1}, {transform_indices = #map1}, {transform_indices = #map1}, {transform_indices = #map2}]} {
    %mul3A = arith.constant 640 : i32
    %mul3A_0 = arith.muli %arg1, %mul3A : i32
    %broadcast_in_dim3A = arith.constant 0.000000e+00 : f32
    %broadcast_in_dim3A_1 = vector.broadcast %broadcast_in_dim3A : f32 to vector<16xf32>
    %scan3A = arith.constant 0 : i32
    %scan3A_2 = arith.constant 0 : i32
    %scan3A_3 = arith.constant 80 : i32
    %scan3A_4 = arith.addi %scan3A_2, %scan3A_3 : i32
    %scan3A_5 = arith.constant 1 : i32
    scf.for %scan3A_907 = %scan3A_2 to %scan3A_4 step %scan3A_5  : i32 {
      %swap3A = arith.constant 0 : i32
      %swap3A_908 = arith.index_cast %swap3A : i32 to index
      %swap3A_909 = arith.index_cast %scan3A_907 : i32 to index
      %swap3A_910 = arith.constant 0 : index
      %swap3A_911 = tpu.vector_load %arg10[%swap3A_908, %swap3A_909, %swap3A_910] {strides = array<i32>} : memref<3x80x128xf32, #tpu.memory_space<vmem>>, vector<1x1x16xf32>,
      %swap3A_912 = vector.shape_cast %swap3A_911 : vector<1x1x16xf32> to vector<16xf32>
      %swap3A_913 = vector.shape_cast %broadcast_in_dim3A_1 : vector<16xf32> to vector<1x1x16xf32>
      tpu.vector_store %arg10[%swap3A_908, %swap3A_909, %swap3A_910], %swap3A_913 {strides = array<i32>} : memref<3x80x128xf32, #tpu.memory_space<vmem>>, vector<1x1x16xf32>,
      %swap3A_914 = arith.constant 0 : i32
      %swap3A_915 = arith.index_cast %swap3A_914 : i32 to index
      %swap3A_916 = arith.index_cast %scan3A_907 : i32 to index
      %swap3A_917 = arith.constant 16 : index
      %swap3A_918 = tpu.vector_load %arg10[%swap3A_915, %swap3A_916, %swap3A_917] {strides = array<i32>} : memref<3x80x128xf32, #tpu.memory_space<vmem>>, vector<1x1x16xf32>,
      %swap3A_919 = vector.shape_cast %swap3A_918 : vector<1x1x16xf32> to vector<16xf32>
      %swap3A_920 = vector.shape_cast %broadcast_in_dim3A_1 : vector<16xf32> to vector<1x1x16xf32>
      tpu.vector_store %arg10[%swap3A_915, %swap3A_916, %swap3A_917], %swap3A_920 {strides = array<i32>} : memref<3x80x128xf32, #tpu.memory_space<vmem>>, vector<1x1x16xf32>,
      %swap3A_921 = arith.constant 0 : i32
      %swap3A_922 = arith.index_cast %swap3A_921 : i32 to index
      %swap3A_923 = arith.index_cast %scan3A_907 : i32 to index
      %swap3A_924 = arith.constant 32 : index
      %swap3A_925 = tpu.vector_load %arg10[%swap3A_922, %swap3A_923, %swap3A_924] {strides = array<i32>} : memref<3x80x128xf32, #tpu.memory_space<vmem>>, vector<1x1x16xf32>,
      %swap3A_926 = vector.shape_cast %swap3A_925 : vector<1x1x16xf32> to vector<16xf32>
      %swap3A_927 = vector.shape_cast %broadcast_in_dim3A_1 : vector<16xf32> to vector<1x1x16xf32>
      tpu.vector_store %arg10[%swap3A_922, %swap3A_923, %swap3A_924], %swap3A_927 {strides = array<i32>} : memref<3x80x128xf32, #tpu.memory_space<vmem>>, vector<1x1x16xf32>,
      %swap3A_928 = arith.constant 0 : i32
      %swap3A_929 = arith.index_cast %swap3A_928 : i32 to index
      %swap3A_930 = arith.index_cast %scan3A_907 : i32 to index
      %swap3A_931 = arith.constant 48 : index
      %swap3A_932 = tpu.vector_load %arg10[%swap3A_929, %swap3A_930, %swap3A_931] {strides = array<i32>} : memref<3x80x128xf32, #tpu.memory_space<vmem>>, vector<1x1x16xf32>,
      %swap3A_933 = vector.shape_cast %swap3A_932 : vector<1x1x16xf32> to vector<16xf32>
      %swap3A_934 = vector.shape_cast %broadcast_in_dim3A_1 : vector<16xf32> to vector<1x1x16xf32>
      tpu.vector_store %arg10[%swap3A_929, %swap3A_930, %swap3A_931], %swap3A_934 {strides = array<i32>} : memref<3x80x128xf32, #tpu.memory_space<vmem>>, vector<1x1x16xf32>,
      %swap3A_935 = arith.constant 0 : i32
      %swap3A_936 = arith.index_cast %swap3A_935 : i32 to index
      %swap3A_937 = arith.index_cast %scan3A_907 : i32 to index
      %swap3A_938 = arith.constant 64 : index
      %swap3A_939 = tpu.vector_load %arg10[%swap3A_936, %swap3A_937, %swap3A_938] {strides = array<i32>} : memref<3x80x128xf32, #tpu.memory_space<vmem>>, vector<1x1x16xf32>,
      %swap3A_940 = vector.shape_cast %swap3A_939 : vector<1x1x16xf32> to vector<16xf32>
      %swap3A_941 = vector.shape_cast %broadcast_in_dim3A_1 : vector<16xf32> to vector<1x1x16xf32>
      tpu.vector_store %arg10[%swap3A_936, %swap3A_937, %swap3A_938], %swap3A_941 {strides = array<i32>} : memref<3x80x128xf32, #tpu.memory_space<vmem>>, vector<1x1x16xf32>,
      %swap3A_942 = arith.constant 0 : i32
      %swap3A_943 = arith.index_cast %swap3A_942 : i32 to index
      %swap3A_944 = arith.index_cast %scan3A_907 : i32 to index
      %swap3A_945 = arith.constant 80 : index
      %swap3A_946 = tpu.vector_load %arg10[%swap3A_943, %swap3A_944, %swap3A_945] {strides = array<i32>} : memref<3x80x128xf32, #tpu.memory_space<vmem>>, vector<1x1x16xf32>,
      %swap3A_947 = vector.shape_cast %swap3A_946 : vector<1x1x16xf32> to vector<16xf32>
      %swap3A_948 = vector.shape_cast %broadcast_in_dim3A_1 : vector<16xf32> to vector<1x1x16xf32>
      tpu.vector_store %arg10[%swap3A_943, %swap3A_944, %swap3A_945], %swap3A_948 {strides = array<i32>} : memref<3x80x128xf32, #tpu.memory_space<vmem>>, vector<1x1x16xf32>,
      %swap3A_949 = arith.constant 0 : i32
      %swap3A_950 = arith.index_cast %swap3A_949 : i32 to index
      %swap3A_951 = arith.index_cast %scan3A_907 : i32 to index
      %swap3A_952 = arith.constant 96 : index
      %swap3A_953 = tpu.vector_load %arg10[%swap3A_950, %swap3A_951, %swap3A_952] {strides = array<i32>} : memref<3x80x128xf32, #tpu.memory_space<vmem>>, vector<1x1x16xf32>,
      %swap3A_954 = vector.shape_cast %swap3A_953 : vector<1x1x16xf32> to vector<16xf32>
      %swap3A_955 = vector.shape_cast %broadcast_in_dim3A_1 : vector<16xf32> to vector<1x1x16xf32>
      tpu.vector_store %arg10[%swap3A_950, %swap3A_951, %swap3A_952], %swap3A_955 {strides = array<i32>} : memref<3x80x128xf32, #tpu.memory_space<vmem>>, vector<1x1x16xf32>,
      %swap3A_956 = arith.constant 0 : i32
      %swap3A_957 = arith.index_cast %swap3A_956 : i32 to index
      %swap3A_958 = arith.index_cast %scan3A_907 : i32 to index
      %swap3A_959 = arith.constant 112 : index
      %swap3A_960 = tpu.vector_load %arg10[%swap3A_957, %swap3A_958, %swap3A_959] {strides = array<i32>} : memref<3x80x128xf32, #tpu.memory_space<vmem>>, vector<1x1x16xf32>,
      %swap3A_961 = vector.shape_cast %swap3A_960 : vector<1x1x16xf32> to vector<16xf32>
      %swap3A_962 = vector.shape_cast %broadcast_in_dim3A_1 : vector<16xf32> to vector<1x1x16xf32>
      tpu.vector_store %arg10[%swap3A_957, %swap3A_958, %swap3A_959], %swap3A_962 {strides = array<i32>} : memref<3x80x128xf32, #tpu.memory_space<vmem>>, vector<1x1x16xf32>,
    }
    %scan3A_6 = arith.constant 80 : i32
    %add3A = arith.constant 0 : i32
    %add3A_7 = arith.addi %mul3A_0, %add3A : i32
    %dma_start3A = arith.constant 0 : i32
    %dma_start3A_8 = arith.constant 0 : i32
    %dma_start3A_9 = arith.constant 0 : i32
    %dma_start3A_10 = arith.constant 0 : i32
    %dma_start3A_11 = tpu.memref_slice %arg10[%dma_start3A, %dma_start3A_9, %dma_start3A_10] : memref<3x80x128xf32, #tpu.memory_space<vmem>> -> memref<1x80x128xf32, #tpu.memory_space<vmem>>
    %dma_start3A_12 = tpu.memref_squeeze %dma_start3A_11 : memref<1x80x128xf32, #tpu.memory_space<vmem>> -> memref<80x128xf32, #tpu.memory_space<vmem>>
    %dma_start3A_13 = arith.constant 0 : i32
    %dma_start3A_14 = tpu.memref_slice %arg13[%add3A_7, %dma_start3A_13] : memref<10240x128xf32, #tpu.memory_space<vmem_shared>> -> memref<80x128xf32, #tpu.memory_space<vmem_shared>>
    %dma_start3A_15 = tpu.memref_slice %arg11[%dma_start3A_8] : memref<3x!tpu.dma_semaphore, #tpu.memory_space<semaphore_mem>> -> memref<1x!tpu.dma_semaphore, #tpu.memory_space<semaphore_mem>>
    %dma_start3A_16 = tpu.memref_squeeze %dma_start3A_15 : memref<1x!tpu.dma_semaphore, #tpu.memory_space<semaphore_mem>> -> memref<!tpu.dma_semaphore, #tpu.memory_space<semaphore_mem>>
    %dma_start3A_17 = arith.constant 0 : i32
    %dma_start3A_18 = tpu.memref_slice %arg13[%add3A_7, %dma_start3A_17] : memref<10240x128xf32, #tpu.memory_space<vmem_shared>> -> memref<80x128xf32, #tpu.memory_space<vmem_shared>>
    %dma_start3A_19 = arith.constant 0 : i32
    %dma_start3A_20 = arith.constant 0 : i32
    %dma_start3A_21 = tpu.memref_slice %arg10[%dma_start3A, %dma_start3A_19, %dma_start3A_20] : memref<3x80x128xf32, #tpu.memory_space<vmem>> -> memref<1x80x128xf32, #tpu.memory_space<vmem>>
    %dma_start3A_22 = tpu.memref_squeeze %dma_start3A_21 : memref<1x80x128xf32, #tpu.memory_space<vmem>> -> memref<80x128xf32, #tpu.memory_space<vmem>>
    tpu.enqueue_dma source(%dma_start3A_22 : memref<80x128xf32, #tpu.memory_space<vmem>>) target(%dma_start3A_18 : memref<80x128xf32, #tpu.memory_space<vmem_shared>>) target_semaphore(%dma_start3A_16 : memref<!tpu.dma_semaphore, #tpu.memory_space<semaphore_mem>>)
    %add3A_23 = arith.constant 80 : i32
    %add3A_24 = arith.addi %mul3A_0, %add3A_23 : i32
    %dma_start3A_25 = arith.constant 0 : i32
    %dma_start3A_26 = arith.constant 1 : i32
    %dma_start3A_27 = arith.constant 0 : i32
    %dma_start3A_28 = arith.constant 0 : i32
    %dma_start3A_29 = tpu.memref_slice %arg10[%dma_start3A_25, %dma_start3A_27, %dma_start3A_28] : memref<3x80x128xf32, #tpu.memory_space<vmem>> -> memref<1x80x128xf32, #tpu.memory_space<vmem>>
    %dma_start3A_30 = tpu.memref_squeeze %dma_start3A_29 : memref<1x80x128xf32, #tpu.memory_space<vmem>> -> memref<80x128xf32, #tpu.memory_space<vmem>>
    %dma_start3A_31 = arith.constant 0 : i32
    %dma_start3A_32 = tpu.memref_slice %arg13[%add3A_24, %dma_start3A_31] : memref<10240x128xf32, #tpu.memory_space<vmem_shared>> -> memref<80x128xf32, #tpu.memory_space<vmem_shared>>
    %dma_start3A_33 = tpu.memref_slice %arg11[%dma_start3A_26] : memref<3x!tpu.dma_semaphore, #tpu.memory_space<semaphore_mem>> -> memref<1x!tpu.dma_semaphore, #tpu.memory_space<semaphore_mem>>
    %dma_start3A_34 = tpu.memref_squeeze %dma_start3A_33 : memref<1x!tpu.dma_semaphore, #tpu.memory_space<semaphore_mem>> -> memref<!tpu.dma_semaphore, #tpu.memory_space<semaphore_mem>>
    %dma_start3A_35 = arith.constant 0 : i32
    %dma_start3A_36 = tpu.memref_slice %arg13[%add3A_24, %dma_start3A_35] : memref<10240x128xf32, #tpu.memory_space<vmem_shared>> -> memref<80x128xf32, #tpu.memory_space<vmem_shared>>
    %dma_start3A_37 = arith.constant 0 : i32
    %dma_start3A_38 = arith.constant 0 : i32
    %dma_start3A_39 = tpu.memref_slice %arg10[%dma_start3A_25, %dma_start3A_37, %dma_start3A_38] : memref<3x80x128xf32, #tpu.memory_space<vmem>> -> memref<1x80x128xf32, #tpu.memory_space<vmem>>
    %dma_start3A_40 = tpu.memref_squeeze %dma_start3A_39 : memref<1x80x128xf32, #tpu.memory_space<vmem>> -> memref<80x128xf32, #tpu.memory_space<vmem>>
    tpu.enqueue_dma source(%dma_start3A_40 : memref<80x128xf32, #tpu.memory_space<vmem>>) target(%dma_start3A_36 : memref<80x128xf32, #tpu.memory_space<vmem_shared>>) target_semaphore(%dma_start3A_34 : memref<!tpu.dma_semaphore, #tpu.memory_space<semaphore_mem>>)
    %add3A_41 = arith.constant 160 : i32
    %add3A_42 = arith.addi %mul3A_0, %add3A_41 : i32
    %dma_start3A_43 = arith.constant 0 : i32
    %dma_start3A_44 = arith.constant 2 : i32
    %dma_start3A_45 = arith.constant 0 : i32
    %dma_start3A_46 = arith.constant 0 : i32
    %dma_start3A_47 = tpu.memref_slice %arg10[%dma_start3A_43, %dma_start3A_45, %dma_start3A_46] : memref<3x80x128xf32, #tpu.memory_space<vmem>> -> memref<1x80x128xf32, #tpu.memory_space<vmem>>
    %dma_start3A_48 = tpu.memref_squeeze %dma_start3A_47 : memref<1x80x128xf32, #tpu.memory_space<vmem>> -> memref<80x128xf32, #tpu.memory_space<vmem>>
    %dma_start3A_49 = arith.constant 0 : i32
    %dma_start3A_50 = tpu.memref_slice %arg13[%add3A_42, %dma_start3A_49] : memref<10240x128xf32, #tpu.memory_space<vmem_shared>> -> memref<80x128xf32, #tpu.memory_space<vmem_shared>>
    %dma_start3A_51 = tpu.memref_slice %arg11[%dma_start3A_44] : memref<3x!tpu.dma_semaphore, #tpu.memory_space<semaphore_mem>> -> memref<1x!tpu.dma_semaphore, #tpu.memory_space<semaphore_mem>>
    %dma_start3A_52 = tpu.memref_squeeze %dma_start3A_51 : memref<1x!tpu.dma_semaphore, #tpu.memory_space<semaphore_mem>> -> memref<!tpu.dma_semaphore, #tpu.memory_space<semaphore_mem>>
    %dma_start3A_53 = arith.constant 0 : i32
    %dma_start3A_54 = tpu.memref_slice %arg13[%add3A_42, %dma_start3A_53] : memref<10240x128xf32, #tpu.memory_space<vmem_shared>> -> memref<80x128xf32, #tpu.memory_space<vmem_shared>>
    %dma_start3A_55 = arith.constant 0 : i32
    %dma_start3A_56 = arith.constant 0 : i32
    %dma_start3A_57 = tpu.memref_slice %arg10[%dma_start3A_43, %dma_start3A_55, %dma_start3A_56] : memref<3x80x128xf32, #tpu.memory_space<vmem>> -> memref<1x80x128xf32, #tpu.memory_space<vmem>>
    %dma_start3A_58 = tpu.memref_squeeze %dma_start3A_57 : memref<1x80x128xf32, #tpu.memory_space<vmem>> -> memref<80x128xf32, #tpu.memory_space<vmem>>
    tpu.enqueue_dma source(%dma_start3A_58 : memref<80x128xf32, #tpu.memory_space<vmem>>) target(%dma_start3A_54 : memref<80x128xf32, #tpu.memory_space<vmem_shared>>) target_semaphore(%dma_start3A_52 : memref<!tpu.dma_semaphore, #tpu.memory_space<semaphore_mem>>)
    %add3A_59 = arith.constant 240 : i32
    %add3A_60 = arith.addi %mul3A_0, %add3A_59 : i32
    %dma_start3A_61 = arith.constant 0 : i32
    %dma_start3A_62 = arith.constant 0 : i32
    %dma_start3A_63 = arith.constant 0 : i32
    %dma_start3A_64 = arith.constant 0 : i32
    %dma_start3A_65 = tpu.memref_slice %arg10[%dma_start3A_61, %dma_start3A_63, %dma_start3A_64] : memref<3x80x128xf32, #tpu.memory_space<vmem>> -> memref<1x80x128xf32, #tpu.memory_space<vmem>>
    %dma_start3A_66 = tpu.memref_squeeze %dma_start3A_65 : memref<1x80x128xf32, #tpu.memory_space<vmem>> -> memref<80x128xf32, #tpu.memory_space<vmem>>
    %dma_start3A_67 = arith.constant 0 : i32
    %dma_start3A_68 = tpu.memref_slice %arg13[%add3A_60, %dma_start3A_67] : memref<10240x128xf32, #tpu.memory_space<vmem_shared>> -> memref<80x128xf32, #tpu.memory_space<vmem_shared>>
    %dma_start3A_69 = tpu.memref_slice %arg12[%dma_start3A_62] : memref<3x!tpu.dma_semaphore, #tpu.memory_space<semaphore_mem>> -> memref<1x!tpu.dma_semaphore, #tpu.memory_space<semaphore_mem>>
    %dma_start3A_70 = tpu.memref_squeeze %dma_start3A_69 : memref<1x!tpu.dma_semaphore, #tpu.memory_space<semaphore_mem>> -> memref<!tpu.dma_semaphore, #tpu.memory_space<semaphore_mem>>
    %dma_start3A_71 = arith.constant 0 : i32
    %dma_start3A_72 = tpu.memref_slice %arg13[%add3A_60, %dma_start3A_71] : memref<10240x128xf32, #tpu.memory_space<vmem_shared>> -> memref<80x128xf32, #tpu.memory_space<vmem_shared>>
    %dma_start3A_73 = arith.constant 0 : i32
    %dma_start3A_74 = arith.constant 0 : i32
    %dma_start3A_75 = tpu.memref_slice %arg10[%dma_start3A_61, %dma_start3A_73, %dma_start3A_74] : memref<3x80x128xf32, #tpu.memory_space<vmem>> -> memref<1x80x128xf32, #tpu.memory_space<vmem>>
    %dma_start3A_76 = tpu.memref_squeeze %dma_start3A_75 : memref<1x80x128xf32, #tpu.memory_space<vmem>> -> memref<80x128xf32, #tpu.memory_space<vmem>>
    tpu.enqueue_dma source(%dma_start3A_76 : memref<80x128xf32, #tpu.memory_space<vmem>>) target(%dma_start3A_72 : memref<80x128xf32, #tpu.memory_space<vmem_shared>>) target_semaphore(%dma_start3A_70 : memref<!tpu.dma_semaphore, #tpu.memory_space<semaphore_mem>>)
    %add3A_77 = arith.constant 320 : i32
    %add3A_78 = arith.addi %mul3A_0, %add3A_77 : i32
    %dma_start3A_79 = arith.constant 0 : i32
    %dma_start3A_80 = arith.constant 1 : i32
    %dma_start3A_81 = arith.constant 0 : i32
    %dma_start3A_82 = arith.constant 0 : i32
    %dma_start3A_83 = tpu.memref_slice %arg10[%dma_start3A_79, %dma_start3A_81, %dma_start3A_82] : memref<3x80x128xf32, #tpu.memory_space<vmem>> -> memref<1x80x128xf32, #tpu.memory_space<vmem>>
    %dma_start3A_84 = tpu.memref_squeeze %dma_start3A_83 : memref<1x80x128xf32, #tpu.memory_space<vmem>> -> memref<80x128xf32, #tpu.memory_space<vmem>>
    %dma_start3A_85 = arith.constant 0 : i32
    %dma_start3A_86 = tpu.memref_slice %arg13[%add3A_78, %dma_start3A_85] : memref<10240x128xf32, #tpu.memory_space<vmem_shared>> -> memref<80x128xf32, #tpu.memory_space<vmem_shared>>
    %dma_start3A_87 = tpu.memref_slice %arg12[%dma_start3A_80] : memref<3x!tpu.dma_semaphore, #tpu.memory_space<semaphore_mem>> -> memref<1x!tpu.dma_semaphore, #tpu.memory_space<semaphore_mem>>
    %dma_start3A_88 = tpu.memref_squeeze %dma_start3A_87 : memref<1x!tpu.dma_semaphore, #tpu.memory_space<semaphore_mem>> -> memref<!tpu.dma_semaphore, #tpu.memory_space<semaphore_mem>>
    %dma_start3A_89 = arith.constant 0 : i32
    %dma_start3A_90 = tpu.memref_slice %arg13[%add3A_78, %dma_start3A_89] : memref<10240x128xf32, #tpu.memory_space<vmem_shared>> -> memref<80x128xf32, #tpu.memory_space<vmem_shared>>
    %dma_start3A_91 = arith.constant 0 : i32
    %dma_start3A_92 = arith.constant 0 : i32
    %dma_start3A_93 = tpu.memref_slice %arg10[%dma_start3A_79, %dma_start3A_91, %dma_start3A_92] : memref<3x80x128xf32, #tpu.memory_space<vmem>> -> memref<1x80x128xf32, #tpu.memory_space<vmem>>
    %dma_start3A_94 = tpu.memref_squeeze %dma_start3A_93 : memref<1x80x128xf32, #tpu.memory_space<vmem>> -> memref<80x128xf32, #tpu.memory_space<vmem>>
    tpu.enqueue_dma source(%dma_start3A_94 : memref<80x128xf32, #tpu.memory_space<vmem>>) target(%dma_start3A_90 : memref<80x128xf32, #tpu.memory_space<vmem_shared>>) target_semaphore(%dma_start3A_88 : memref<!tpu.dma_semaphore, #tpu.memory_space<semaphore_mem>>)
    %add3A_95 = arith.constant 400 : i32
    %add3A_96 = arith.addi %mul3A_0, %add3A_95 : i32
    %dma_start3A_97 = arith.constant 0 : i32
    %dma_start3A_98 = arith.constant 2 : i32
    %dma_start3A_99 = arith.constant 0 : i32
    %dma_start3A_100 = arith.constant 0 : i32
    %dma_start3A_101 = tpu.memref_slice %arg10[%dma_start3A_97, %dma_start3A_99, %dma_start3A_100] : memref<3x80x128xf32, #tpu.memory_space<vmem>> -> memref<1x80x128xf32, #tpu.memory_space<vmem>>
    %dma_start3A_102 = tpu.memref_squeeze %dma_start3A_101 : memref<1x80x128xf32, #tpu.memory_space<vmem>> -> memref<80x128xf32, #tpu.memory_space<vmem>>
    %dma_start3A_103 = arith.constant 0 : i32
    %dma_start3A_104 = tpu.memref_slice %arg13[%add3A_96, %dma_start3A_103] : memref<10240x128xf32, #tpu.memory_space<vmem_shared>> -> memref<80x128xf32, #tpu.memory_space<vmem_shared>>
    %dma_start3A_105 = tpu.memref_slice %arg12[%dma_start3A_98] : memref<3x!tpu.dma_semaphore, #tpu.memory_space<semaphore_mem>> -> memref<1x!tpu.dma_semaphore, #tpu.memory_space<semaphore_mem>>
    %dma_start3A_106 = tpu.memref_squeeze %dma_start3A_105 : memref<1x!tpu.dma_semaphore, #tpu.memory_space<semaphore_mem>> -> memref<!tpu.dma_semaphore, #tpu.memory_space<semaphore_mem>>
    %dma_start3A_107 = arith.constant 0 : i32
    %dma_start3A_108 = tpu.memref_slice %arg13[%add3A_96, %dma_start3A_107] : memref<10240x128xf32, #tpu.memory_space<vmem_shared>> -> memref<80x128xf32, #tpu.memory_space<vmem_shared>>
    %dma_start3A_109 = arith.constant 0 : i32
    %dma_start3A_110 = arith.constant 0 : i32
    %dma_start3A_111 = tpu.memref_slice %arg10[%dma_start3A_97, %dma_start3A_109, %dma_start3A_110] : memref<3x80x128xf32, #tpu.memory_space<vmem>> -> memref<1x80x128xf32, #tpu.memory_space<vmem>>
    %dma_start3A_112 = tpu.memref_squeeze %dma_start3A_111 : memref<1x80x128xf32, #tpu.memory_space<vmem>> -> memref<80x128xf32, #tpu.memory_space<vmem>>
    tpu.enqueue_dma source(%dma_start3A_112 : memref<80x128xf32, #tpu.memory_space<vmem>>) target(%dma_start3A_108 : memref<80x128xf32, #tpu.memory_space<vmem_shared>>) target_semaphore(%dma_start3A_106 : memref<!tpu.dma_semaphore, #tpu.memory_space<semaphore_mem>>)
    %add3A_113 = arith.constant 0 : i32
    %add3A_114 = arith.addi %mul3A_0, %add3A_113 : i32
    %dma_wait3A = arith.constant 0 : i32
    %dma_wait3A_115 = arith.constant 0 : i32
    %dma_wait3A_116 = arith.constant 0 : i32
    %dma_wait3A_117 = arith.constant 0 : i32
    %dma_wait3A_118 = tpu.memref_slice %arg10[%dma_wait3A, %dma_wait3A_116, %dma_wait3A_117] : memref<3x80x128xf32, #tpu.memory_space<vmem>> -> memref<1x80x128xf32, #tpu.memory_space<vmem>>
    %dma_wait3A_119 = tpu.memref_squeeze %dma_wait3A_118 : memref<1x80x128xf32, #tpu.memory_space<vmem>> -> memref<80x128xf32, #tpu.memory_space<vmem>>
    %dma_wait3A_120 = arith.constant 0 : i32
    %dma_wait3A_121 = tpu.memref_slice %arg13[%add3A_114, %dma_wait3A_120] : memref<10240x128xf32, #tpu.memory_space<vmem_shared>> -> memref<80x128xf32, #tpu.memory_space<vmem_shared>>
    %dma_wait3A_122 = tpu.memref_slice %arg11[%dma_wait3A_115] : memref<3x!tpu.dma_semaphore, #tpu.memory_space<semaphore_mem>> -> memref<1x!tpu.dma_semaphore, #tpu.memory_space<semaphore_mem>>
    %dma_wait3A_123 = tpu.memref_squeeze %dma_wait3A_122 : memref<1x!tpu.dma_semaphore, #tpu.memory_space<semaphore_mem>> -> memref<!tpu.dma_semaphore, #tpu.memory_space<semaphore_mem>>
    %dma_wait3A_124 = arith.constant 0 : i32
    %dma_wait3A_125 = tpu.memref_slice %arg13[%add3A_114, %dma_wait3A_124] : memref<10240x128xf32, #tpu.memory_space<vmem_shared>> -> memref<80x128xf32, #tpu.memory_space<vmem_shared>>
    %dma_wait3A_126 = arith.constant 0 : i32
    %dma_wait3A_127 = arith.constant 0 : i32
    %dma_wait3A_128 = tpu.memref_slice %arg10[%dma_wait3A, %dma_wait3A_126, %dma_wait3A_127] : memref<3x80x128xf32, #tpu.memory_space<vmem>> -> memref<1x80x128xf32, #tpu.memory_space<vmem>>
    %dma_wait3A_129 = tpu.memref_squeeze %dma_wait3A_128 : memref<1x80x128xf32, #tpu.memory_space<vmem>> -> memref<80x128xf32, #tpu.memory_space<vmem>>
    tpu.wait_dma2 semaphore(%dma_wait3A_123 : memref<!tpu.dma_semaphore, #tpu.memory_space<semaphore_mem>>) src(%dma_wait3A_129 : memref<80x128xf32, #tpu.memory_space<vmem>>) dst(%dma_wait3A_125 : memref<80x128xf32, #tpu.memory_space<vmem_shared>>)
    %add3A_130 = arith.constant 480 : i32
    %add3A_131 = arith.addi %mul3A_0, %add3A_130 : i32
    %dma_start3A_132 = arith.constant 0 : i32
    %dma_start3A_133 = arith.constant 0 : i32
    %dma_start3A_134 = arith.constant 0 : i32
    %dma_start3A_135 = arith.constant 0 : i32
    %dma_start3A_136 = tpu.memref_slice %arg10[%dma_start3A_132, %dma_start3A_134, %dma_start3A_135] : memref<3x80x128xf32, #tpu.memory_space<vmem>> -> memref<1x80x128xf32, #tpu.memory_space<vmem>>
    %dma_start3A_137 = tpu.memref_squeeze %dma_start3A_136 : memref<1x80x128xf32, #tpu.memory_space<vmem>> -> memref<80x128xf32, #tpu.memory_space<vmem>>
    %dma_start3A_138 = arith.constant 0 : i32
    %dma_start3A_139 = tpu.memref_slice %arg13[%add3A_131, %dma_start3A_138] : memref<10240x128xf32, #tpu.memory_space<vmem_shared>> -> memref<80x128xf32, #tpu.memory_space<vmem_shared>>
    %dma_start3A_140 = tpu.memref_slice %arg11[%dma_start3A_133] : memref<3x!tpu.dma_semaphore, #tpu.memory_space<semaphore_mem>> -> memref<1x!tpu.dma_semaphore, #tpu.memory_space<semaphore_mem>>
    %dma_start3A_141 = tpu.memref_squeeze %dma_start3A_140 : memref<1x!tpu.dma_semaphore, #tpu.memory_space<semaphore_mem>> -> memref<!tpu.dma_semaphore, #tpu.memory_space<semaphore_mem>>
    %dma_start3A_142 = arith.constant 0 : i32
    %dma_start3A_143 = tpu.memref_slice %arg13[%add3A_131, %dma_start3A_142] : memref<10240x128xf32, #tpu.memory_space<vmem_shared>> -> memref<80x128xf32, #tpu.memory_space<vmem_shared>>
    %dma_start3A_144 = arith.constant 0 : i32
    %dma_start3A_145 = arith.constant 0 : i32
    %dma_start3A_146 = tpu.memref_slice %arg10[%dma_start3A_132, %dma_start3A_144, %dma_start3A_145] : memref<3x80x128xf32, #tpu.memory_space<vmem>> -> memref<1x80x128xf32, #tpu.memory_space<vmem>>
    %dma_start3A_147 = tpu.memref_squeeze %dma_start3A_146 : memref<1x80x128xf32, #tpu.memory_space<vmem>> -> memref<80x128xf32, #tpu.memory_space<vmem>>
    tpu.enqueue_dma source(%dma_start3A_147 : memref<80x128xf32, #tpu.memory_space<vmem>>) target(%dma_start3A_143 : memref<80x128xf32, #tpu.memory_space<vmem_shared>>) target_semaphore(%dma_start3A_141 : memref<!tpu.dma_semaphore, #tpu.memory_space<semaphore_mem>>)
    %add3A_148 = arith.constant 80 : i32
    %add3A_149 = arith.addi %mul3A_0, %add3A_148 : i32
    %dma_wait3A_150 = arith.constant 0 : i32
    %dma_wait3A_151 = arith.constant 1 : i32
    %dma_wait3A_152 = arith.constant 0 : i32
    %dma_wait3A_153 = arith.constant 0 : i32
    %dma_wait3A_154 = tpu.memref_slice %arg10[%dma_wait3A_150, %dma_wait3A_152, %dma_wait3A_153] : memref<3x80x128xf32, #tpu.memory_space<vmem>> -> memref<1x80x128xf32, #tpu.memory_space<vmem>>
    %dma_wait3A_155 = tpu.memref_squeeze %dma_wait3A_154 : memref<1x80x128xf32, #tpu.memory_space<vmem>> -> memref<80x128xf32, #tpu.memory_space<vmem>>
    %dma_wait3A_156 = arith.constant 0 : i32
    %dma_wait3A_157 = tpu.memref_slice %arg13[%add3A_149, %dma_wait3A_156] : memref<10240x128xf32, #tpu.memory_space<vmem_shared>> -> memref<80x128xf32, #tpu.memory_space<vmem_shared>>
    %dma_wait3A_158 = tpu.memref_slice %arg11[%dma_wait3A_151] : memref<3x!tpu.dma_semaphore, #tpu.memory_space<semaphore_mem>> -> memref<1x!tpu.dma_semaphore, #tpu.memory_space<semaphore_mem>>
    %dma_wait3A_159 = tpu.memref_squeeze %dma_wait3A_158 : memref<1x!tpu.dma_semaphore, #tpu.memory_space<semaphore_mem>> -> memref<!tpu.dma_semaphore, #tpu.memory_space<semaphore_mem>>
    %dma_wait3A_160 = arith.constant 0 : i32
    %dma_wait3A_161 = tpu.memref_slice %arg13[%add3A_149, %dma_wait3A_160] : memref<10240x128xf32, #tpu.memory_space<vmem_shared>> -> memref<80x128xf32, #tpu.memory_space<vmem_shared>>
    %dma_wait3A_162 = arith.constant 0 : i32
    %dma_wait3A_163 = arith.constant 0 : i32
    %dma_wait3A_164 = tpu.memref_slice %arg10[%dma_wait3A_150, %dma_wait3A_162, %dma_wait3A_163] : memref<3x80x128xf32, #tpu.memory_space<vmem>> -> memref<1x80x128xf32, #tpu.memory_space<vmem>>
    %dma_wait3A_165 = tpu.memref_squeeze %dma_wait3A_164 : memref<1x80x128xf32, #tpu.memory_space<vmem>> -> memref<80x128xf32, #tpu.memory_space<vmem>>
    tpu.wait_dma2 semaphore(%dma_wait3A_159 : memref<!tpu.dma_semaphore, #tpu.memory_space<semaphore_mem>>) src(%dma_wait3A_165 : memref<80x128xf32, #tpu.memory_space<vmem>>) dst(%dma_wait3A_161 : memref<80x128xf32, #tpu.memory_space<vmem_shared>>)
    %add3A_166 = arith.constant 560 : i32
    %add3A_167 = arith.addi %mul3A_0, %add3A_166 : i32
    %dma_start3A_168 = arith.constant 0 : i32
    %dma_start3A_169 = arith.constant 1 : i32
    %dma_start3A_170 = arith.constant 0 : i32
    %dma_start3A_171 = arith.constant 0 : i32
    %dma_start3A_172 = tpu.memref_slice %arg10[%dma_start3A_168, %dma_start3A_170, %dma_start3A_171] : memref<3x80x128xf32, #tpu.memory_space<vmem>> -> memref<1x80x128xf32, #tpu.memory_space<vmem>>
    %dma_start3A_173 = tpu.memref_squeeze %dma_start3A_172 : memref<1x80x128xf32, #tpu.memory_space<vmem>> -> memref<80x128xf32, #tpu.memory_space<vmem>>
    %dma_start3A_174 = arith.constant 0 : i32
    %dma_start3A_175 = tpu.memref_slice %arg13[%add3A_167, %dma_start3A_174] : memref<10240x128xf32, #tpu.memory_space<vmem_shared>> -> memref<80x128xf32, #tpu.memory_space<vmem_shared>>
    %dma_start3A_176 = tpu.memref_slice %arg11[%dma_start3A_169] : memref<3x!tpu.dma_semaphore, #tpu.memory_space<semaphore_mem>> -> memref<1x!tpu.dma_semaphore, #tpu.memory_space<semaphore_mem>>
    %dma_start3A_177 = tpu.memref_squeeze %dma_start3A_176 : memref<1x!tpu.dma_semaphore, #tpu.memory_space<semaphore_mem>> -> memref<!tpu.dma_semaphore, #tpu.memory_space<semaphore_mem>>
    %dma_start3A_178 = arith.constant 0 : i32
    %dma_start3A_179 = tpu.memref_slice %arg13[%add3A_167, %dma_start3A_178] : memref<10240x128xf32, #tpu.memory_space<vmem_shared>> -> memref<80x128xf32, #tpu.memory_space<vmem_shared>>
    %dma_start3A_180 = arith.constant 0 : i32
    %dma_start3A_181 = arith.constant 0 : i32
    %dma_start3A_182 = tpu.memref_slice %arg10[%dma_start3A_168, %dma_start3A_180, %dma_start3A_181] : memref<3x80x128xf32, #tpu.memory_space<vmem>> -> memref<1x80x128xf32, #tpu.memory_space<vmem>>
    %dma_start3A_183 = tpu.memref_squeeze %dma_start3A_182 : memref<1x80x128xf32, #tpu.memory_space<vmem>> -> memref<80x128xf32, #tpu.memory_space<vmem>>
    tpu.enqueue_dma source(%dma_start3A_183 : memref<80x128xf32, #tpu.memory_space<vmem>>) target(%dma_start3A_179 : memref<80x128xf32, #tpu.memory_space<vmem_shared>>) target_semaphore(%dma_start3A_177 : memref<!tpu.dma_semaphore, #tpu.memory_space<semaphore_mem>>)
    %add3A_184 = arith.constant 160 : i32
    %add3A_185 = arith.addi %mul3A_0, %add3A_184 : i32
    %dma_wait3A_186 = arith.constant 0 : i32
    %dma_wait3A_187 = arith.constant 2 : i32
    %dma_wait3A_188 = arith.constant 0 : i32
    %dma_wait3A_189 = arith.constant 0 : i32
    %dma_wait3A_190 = tpu.memref_slice %arg10[%dma_wait3A_186, %dma_wait3A_188, %dma_wait3A_189] : memref<3x80x128xf32, #tpu.memory_space<vmem>> -> memref<1x80x128xf32, #tpu.memory_space<vmem>>
    %dma_wait3A_191 = tpu.memref_squeeze %dma_wait3A_190 : memref<1x80x128xf32, #tpu.memory_space<vmem>> -> memref<80x128xf32, #tpu.memory_space<vmem>>
    %dma_wait3A_192 = arith.constant 0 : i32
    %dma_wait3A_193 = tpu.memref_slice %arg13[%add3A_185, %dma_wait3A_192] : memref<10240x128xf32, #tpu.memory_space<vmem_shared>> -> memref<80x128xf32, #tpu.memory_space<vmem_shared>>
    %dma_wait3A_194 = tpu.memref_slice %arg11[%dma_wait3A_187] : memref<3x!tpu.dma_semaphore, #tpu.memory_space<semaphore_mem>> -> memref<1x!tpu.dma_semaphore, #tpu.memory_space<semaphore_mem>>
    %dma_wait3A_195 = tpu.memref_squeeze %dma_wait3A_194 : memref<1x!tpu.dma_semaphore, #tpu.memory_space<semaphore_mem>> -> memref<!tpu.dma_semaphore, #tpu.memory_space<semaphore_mem>>
    %dma_wait3A_196 = arith.constant 0 : i32
    %dma_wait3A_197 = tpu.memref_slice %arg13[%add3A_185, %dma_wait3A_196] : memref<10240x128xf32, #tpu.memory_space<vmem_shared>> -> memref<80x128xf32, #tpu.memory_space<vmem_shared>>
    %dma_wait3A_198 = arith.constant 0 : i32
    %dma_wait3A_199 = arith.constant 0 : i32
    %dma_wait3A_200 = tpu.memref_slice %arg10[%dma_wait3A_186, %dma_wait3A_198, %dma_wait3A_199] : memref<3x80x128xf32, #tpu.memory_space<vmem>> -> memref<1x80x128xf32, #tpu.memory_space<vmem>>
    %dma_wait3A_201 = tpu.memref_squeeze %dma_wait3A_200 : memref<1x80x128xf32, #tpu.memory_space<vmem>> -> memref<80x128xf32, #tpu.memory_space<vmem>>
    tpu.wait_dma2 semaphore(%dma_wait3A_195 : memref<!tpu.dma_semaphore, #tpu.memory_space<semaphore_mem>>) src(%dma_wait3A_201 : memref<80x128xf32, #tpu.memory_space<vmem>>) dst(%dma_wait3A_197 : memref<80x128xf32, #tpu.memory_space<vmem_shared>>)
    %add3A_202 = arith.constant 240 : i32
    %add3A_203 = arith.addi %mul3A_0, %add3A_202 : i32
    %dma_wait3A_204 = arith.constant 0 : i32
    %dma_wait3A_205 = arith.constant 0 : i32
    %dma_wait3A_206 = arith.constant 0 : i32
    %dma_wait3A_207 = arith.constant 0 : i32
    %dma_wait3A_208 = tpu.memref_slice %arg10[%dma_wait3A_204, %dma_wait3A_206, %dma_wait3A_207] : memref<3x80x128xf32, #tpu.memory_space<vmem>> -> memref<1x80x128xf32, #tpu.memory_space<vmem>>
    %dma_wait3A_209 = tpu.memref_squeeze %dma_wait3A_208 : memref<1x80x128xf32, #tpu.memory_space<vmem>> -> memref<80x128xf32, #tpu.memory_space<vmem>>
    %dma_wait3A_210 = arith.constant 0 : i32
    %dma_wait3A_211 = tpu.memref_slice %arg13[%add3A_203, %dma_wait3A_210] : memref<10240x128xf32, #tpu.memory_space<vmem_shared>> -> memref<80x128xf32, #tpu.memory_space<vmem_shared>>
    %dma_wait3A_212 = tpu.memref_slice %arg12[%dma_wait3A_205] : memref<3x!tpu.dma_semaphore, #tpu.memory_space<semaphore_mem>> -> memref<1x!tpu.dma_semaphore, #tpu.memory_space<semaphore_mem>>
    %dma_wait3A_213 = tpu.memref_squeeze %dma_wait3A_212 : memref<1x!tpu.dma_semaphore, #tpu.memory_space<semaphore_mem>> -> memref<!tpu.dma_semaphore, #tpu.memory_space<semaphore_mem>>
    %dma_wait3A_214 = arith.constant 0 : i32
    %dma_wait3A_215 = tpu.memref_slice %arg13[%add3A_203, %dma_wait3A_214] : memref<10240x128xf32, #tpu.memory_space<vmem_shared>> -> memref<80x128xf32, #tpu.memory_space<vmem_shared>>
    %dma_wait3A_216 = arith.constant 0 : i32
    %dma_wait3A_217 = arith.constant 0 : i32
    %dma_wait3A_218 = tpu.memref_slice %arg10[%dma_wait3A_204, %dma_wait3A_216, %dma_wait3A_217] : memref<3x80x128xf32, #tpu.memory_space<vmem>> -> memref<1x80x128xf32, #tpu.memory_space<vmem>>
    %dma_wait3A_219 = tpu.memref_squeeze %dma_wait3A_218 : memref<1x80x128xf32, #tpu.memory_space<vmem>> -> memref<80x128xf32, #tpu.memory_space<vmem>>
    tpu.wait_dma2 semaphore(%dma_wait3A_213 : memref<!tpu.dma_semaphore, #tpu.memory_space<semaphore_mem>>) src(%dma_wait3A_219 : memref<80x128xf32, #tpu.memory_space<vmem>>) dst(%dma_wait3A_215 : memref<80x128xf32, #tpu.memory_space<vmem_shared>>)
    %add3A_220 = arith.constant 320 : i32
    %add3A_221 = arith.addi %mul3A_0, %add3A_220 : i32
    %dma_wait3A_222 = arith.constant 0 : i32
    %dma_wait3A_223 = arith.constant 1 : i32
    %dma_wait3A_224 = arith.constant 0 : i32
    %dma_wait3A_225 = arith.constant 0 : i32
    %dma_wait3A_226 = tpu.memref_slice %arg10[%dma_wait3A_222, %dma_wait3A_224, %dma_wait3A_225] : memref<3x80x128xf32, #tpu.memory_space<vmem>> -> memref<1x80x128xf32, #tpu.memory_space<vmem>>
    %dma_wait3A_227 = tpu.memref_squeeze %dma_wait3A_226 : memref<1x80x128xf32, #tpu.memory_space<vmem>> -> memref<80x128xf32, #tpu.memory_space<vmem>>
    %dma_wait3A_228 = arith.constant 0 : i32
    %dma_wait3A_229 = tpu.memref_slice %arg13[%add3A_221, %dma_wait3A_228] : memref<10240x128xf32, #tpu.memory_space<vmem_shared>> -> memref<80x128xf32, #tpu.memory_space<vmem_shared>>
    %dma_wait3A_230 = tpu.memref_slice %arg12[%dma_wait3A_223] : memref<3x!tpu.dma_semaphore, #tpu.memory_space<semaphore_mem>> -> memref<1x!tpu.dma_semaphore, #tpu.memory_space<semaphore_mem>>
    %dma_wait3A_231 = tpu.memref_squeeze %dma_wait3A_230 : memref<1x!tpu.dma_semaphore, #tpu.memory_space<semaphore_mem>> -> memref<!tpu.dma_semaphore, #tpu.memory_space<semaphore_mem>>
    %dma_wait3A_232 = arith.constant 0 : i32
    %dma_wait3A_233 = tpu.memref_slice %arg13[%add3A_221, %dma_wait3A_232] : memref<10240x128xf32, #tpu.memory_space<vmem_shared>> -> memref<80x128xf32, #tpu.memory_space<vmem_shared>>
    %dma_wait3A_234 = arith.constant 0 : i32
    %dma_wait3A_235 = arith.constant 0 : i32
    %dma_wait3A_236 = tpu.memref_slice %arg10[%dma_wait3A_222, %dma_wait3A_234, %dma_wait3A_235] : memref<3x80x128xf32, #tpu.memory_space<vmem>> -> memref<1x80x128xf32, #tpu.memory_space<vmem>>
    %dma_wait3A_237 = tpu.memref_squeeze %dma_wait3A_236 : memref<1x80x128xf32, #tpu.memory_space<vmem>> -> memref<80x128xf32, #tpu.memory_space<vmem>>
    tpu.wait_dma2 semaphore(%dma_wait3A_231 : memref<!tpu.dma_semaphore, #tpu.memory_space<semaphore_mem>>) src(%dma_wait3A_237 : memref<80x128xf32, #tpu.memory_space<vmem>>) dst(%dma_wait3A_233 : memref<80x128xf32, #tpu.memory_space<vmem_shared>>)
    %add3A_238 = arith.constant 400 : i32
    %add3A_239 = arith.addi %mul3A_0, %add3A_238 : i32
    %dma_wait3A_240 = arith.constant 0 : i32
    %dma_wait3A_241 = arith.constant 2 : i32
    %dma_wait3A_242 = arith.constant 0 : i32
    %dma_wait3A_243 = arith.constant 0 : i32
    %dma_wait3A_244 = tpu.memref_slice %arg10[%dma_wait3A_240, %dma_wait3A_242, %dma_wait3A_243] : memref<3x80x128xf32, #tpu.memory_space<vmem>> -> memref<1x80x128xf32, #tpu.memory_space<vmem>>
    %dma_wait3A_245 = tpu.memref_squeeze %dma_wait3A_244 : memref<1x80x128xf32, #tpu.memory_space<vmem>> -> memref<80x128xf32, #tpu.memory_space<vmem>>
    %dma_wait3A_246 = arith.constant 0 : i32
    %dma_wait3A_247 = tpu.memref_slice %arg13[%add3A_239, %dma_wait3A_246] : memref<10240x128xf32, #tpu.memory_space<vmem_shared>> -> memref<80x128xf32, #tpu.memory_space<vmem_shared>>
    %dma_wait3A_248 = tpu.memref_slice %arg12[%dma_wait3A_241] : memref<3x!tpu.dma_semaphore, #tpu.memory_space<semaphore_mem>> -> memref<1x!tpu.dma_semaphore, #tpu.memory_space<semaphore_mem>>
    %dma_wait3A_249 = tpu.memref_squeeze %dma_wait3A_248 : memref<1x!tpu.dma_semaphore, #tpu.memory_space<semaphore_mem>> -> memref<!tpu.dma_semaphore, #tpu.memory_space<semaphore_mem>>
    %dma_wait3A_250 = arith.constant 0 : i32
    %dma_wait3A_251 = tpu.memref_slice %arg13[%add3A_239, %dma_wait3A_250] : memref<10240x128xf32, #tpu.memory_space<vmem_shared>> -> memref<80x128xf32, #tpu.memory_space<vmem_shared>>
    %dma_wait3A_252 = arith.constant 0 : i32
    %dma_wait3A_253 = arith.constant 0 : i32
    %dma_wait3A_254 = tpu.memref_slice %arg10[%dma_wait3A_240, %dma_wait3A_252, %dma_wait3A_253] : memref<3x80x128xf32, #tpu.memory_space<vmem>> -> memref<1x80x128xf32, #tpu.memory_space<vmem>>
    %dma_wait3A_255 = tpu.memref_squeeze %dma_wait3A_254 : memref<1x80x128xf32, #tpu.memory_space<vmem>> -> memref<80x128xf32, #tpu.memory_space<vmem>>
    tpu.wait_dma2 semaphore(%dma_wait3A_249 : memref<!tpu.dma_semaphore, #tpu.memory_space<semaphore_mem>>) src(%dma_wait3A_255 : memref<80x128xf32, #tpu.memory_space<vmem>>) dst(%dma_wait3A_251 : memref<80x128xf32, #tpu.memory_space<vmem_shared>>)
    %add3A_256 = arith.constant 480 : i32
    %add3A_257 = arith.addi %mul3A_0, %add3A_256 : i32
    %dma_wait3A_258 = arith.constant 0 : i32
    %dma_wait3A_259 = arith.constant 0 : i32
    %dma_wait3A_260 = arith.constant 0 : i32
    %dma_wait3A_261 = arith.constant 0 : i32
    %dma_wait3A_262 = tpu.memref_slice %arg10[%dma_wait3A_258, %dma_wait3A_260, %dma_wait3A_261] : memref<3x80x128xf32, #tpu.memory_space<vmem>> -> memref<1x80x128xf32, #tpu.memory_space<vmem>>
    %dma_wait3A_263 = tpu.memref_squeeze %dma_wait3A_262 : memref<1x80x128xf32, #tpu.memory_space<vmem>> -> memref<80x128xf32, #tpu.memory_space<vmem>>
    %dma_wait3A_264 = arith.constant 0 : i32
    %dma_wait3A_265 = tpu.memref_slice %arg13[%add3A_257, %dma_wait3A_264] : memref<10240x128xf32, #tpu.memory_space<vmem_shared>> -> memref<80x128xf32, #tpu.memory_space<vmem_shared>>
    %dma_wait3A_266 = tpu.memref_slice %arg11[%dma_wait3A_259] : memref<3x!tpu.dma_semaphore, #tpu.memory_space<semaphore_mem>> -> memref<1x!tpu.dma_semaphore, #tpu.memory_space<semaphore_mem>>
    %dma_wait3A_267 = tpu.memref_squeeze %dma_wait3A_266 : memref<1x!tpu.dma_semaphore, #tpu.memory_space<semaphore_mem>> -> memref<!tpu.dma_semaphore, #tpu.memory_space<semaphore_mem>>
    %dma_wait3A_268 = arith.constant 0 : i32
    %dma_wait3A_269 = tpu.memref_slice %arg13[%add3A_257, %dma_wait3A_268] : memref<10240x128xf32, #tpu.memory_space<vmem_shared>> -> memref<80x128xf32, #tpu.memory_space<vmem_shared>>
    %dma_wait3A_270 = arith.constant 0 : i32
    %dma_wait3A_271 = arith.constant 0 : i32
    %dma_wait3A_272 = tpu.memref_slice %arg10[%dma_wait3A_258, %dma_wait3A_270, %dma_wait3A_271] : memref<3x80x128xf32, #tpu.memory_space<vmem>> -> memref<1x80x128xf32, #tpu.memory_space<vmem>>
    %dma_wait3A_273 = tpu.memref_squeeze %dma_wait3A_272 : memref<1x80x128xf32, #tpu.memory_space<vmem>> -> memref<80x128xf32, #tpu.memory_space<vmem>>
    tpu.wait_dma2 semaphore(%dma_wait3A_267 : memref<!tpu.dma_semaphore, #tpu.memory_space<semaphore_mem>>) src(%dma_wait3A_273 : memref<80x128xf32, #tpu.memory_space<vmem>>) dst(%dma_wait3A_269 : memref<80x128xf32, #tpu.memory_space<vmem_shared>>)
    %add3A_274 = arith.constant 560 : i32
    %add3A_275 = arith.addi %mul3A_0, %add3A_274 : i32
    %dma_wait3A_276 = arith.constant 0 : i32
    %dma_wait3A_277 = arith.constant 1 : i32
    %dma_wait3A_278 = arith.constant 0 : i32
    %dma_wait3A_279 = arith.constant 0 : i32
    %dma_wait3A_280 = tpu.memref_slice %arg10[%dma_wait3A_276, %dma_wait3A_278, %dma_wait3A_279] : memref<3x80x128xf32, #tpu.memory_space<vmem>> -> memref<1x80x128xf32, #tpu.memory_space<vmem>>
    %dma_wait3A_281 = tpu.memref_squeeze %dma_wait3A_280 : memref<1x80x128xf32, #tpu.memory_space<vmem>> -> memref<80x128xf32, #tpu.memory_space<vmem>>
    %dma_wait3A_282 = arith.constant 0 : i32
    %dma_wait3A_283 = tpu.memref_slice %arg13[%add3A_275, %dma_wait3A_282] : memref<10240x128xf32, #tpu.memory_space<vmem_shared>> -> memref<80x128xf32, #tpu.memory_space<vmem_shared>>
    %dma_wait3A_284 = tpu.memref_slice %arg11[%dma_wait3A_277] : memref<3x!tpu.dma_semaphore, #tpu.memory_space<semaphore_mem>> -> memref<1x!tpu.dma_semaphore, #tpu.memory_space<semaphore_mem>>
    %dma_wait3A_285 = tpu.memref_squeeze %dma_wait3A_284 : memref<1x!tpu.dma_semaphore, #tpu.memory_space<semaphore_mem>> -> memref<!tpu.dma_semaphore, #tpu.memory_space<semaphore_mem>>
    %dma_wait3A_286 = arith.constant 0 : i32
    %dma_wait3A_287 = tpu.memref_slice %arg13[%add3A_275, %dma_wait3A_286] : memref<10240x128xf32, #tpu.memory_space<vmem_shared>> -> memref<80x128xf32, #tpu.memory_space<vmem_shared>>
    %dma_wait3A_288 = arith.constant 0 : i32
    %dma_wait3A_289 = arith.constant 0 : i32
    %dma_wait3A_290 = tpu.memref_slice %arg10[%dma_wait3A_276, %dma_wait3A_288, %dma_wait3A_289] : memref<3x80x128xf32, #tpu.memory_space<vmem>> -> memref<1x80x128xf32, #tpu.memory_space<vmem>>
    %dma_wait3A_291 = tpu.memref_squeeze %dma_wait3A_290 : memref<1x80x128xf32, #tpu.memory_space<vmem>> -> memref<80x128xf32, #tpu.memory_space<vmem>>
    tpu.wait_dma2 semaphore(%dma_wait3A_285 : memref<!tpu.dma_semaphore, #tpu.memory_space<semaphore_mem>>) src(%dma_wait3A_291 : memref<80x128xf32, #tpu.memory_space<vmem>>) dst(%dma_wait3A_287 : memref<80x128xf32, #tpu.memory_space<vmem_shared>>)
    %barrier3A = arith.constant 0 : index
    tpu.barrier barrier_id(%barrier3A)
    %scan3A_292 = arith.constant 0 : i32
    %scan3A_293 = arith.constant 0 : i32
    %scan3A_294 = arith.constant 5 : i32
    %scan3A_295 = arith.addi %scan3A_293, %scan3A_294 : i32
    %scan3A_296 = arith.constant 1 : i32
    scf.for %scan3A_907 = %scan3A_293 to %scan3A_295 step %scan3A_296  : i32 {
      %dma_start3A_908 = arith.constant 0 : i32
      %dma_start3A_909 = arith.constant 0 : i32
      %dma_start3A_910 = arith.constant 0 : i32
      %dma_start3A_911 = tpu.memref_slice %arg3[%arg0, %arg1, %scan3A_907, %dma_start3A_909, %dma_start3A_910] : memref<2x16x5x25x80xi32, #tpu.memory_space<hbm>> -> memref<1x1x1x25x80xi32, #tpu.memory_space<hbm>>
      %dma_start3A_912 = tpu.memref_squeeze %dma_start3A_911 : memref<1x1x1x25x80xi32, #tpu.memory_space<hbm>> -> memref<25x80xi32, #tpu.memory_space<hbm>>
      %dma_start3A_913 = tpu.memref_slice %arg11[%dma_start3A_908] : memref<3x!tpu.dma_semaphore, #tpu.memory_space<semaphore_mem>> -> memref<1x!tpu.dma_semaphore, #tpu.memory_space<semaphore_mem>>
      %dma_start3A_914 = tpu.memref_squeeze %dma_start3A_913 : memref<1x!tpu.dma_semaphore, #tpu.memory_space<semaphore_mem>> -> memref<!tpu.dma_semaphore, #tpu.memory_space<semaphore_mem>>
      %dma_start3A_915 = arith.constant 0 : i32
      %dma_start3A_916 = arith.constant 0 : i32
      %dma_start3A_917 = tpu.memref_slice %arg3[%arg0, %arg1, %scan3A_907, %dma_start3A_915, %dma_start3A_916] : memref<2x16x5x25x80xi32, #tpu.memory_space<hbm>> -> memref<1x1x1x25x80xi32, #tpu.memory_space<hbm>>
      %dma_start3A_918 = tpu.memref_squeeze %dma_start3A_917 : memref<1x1x1x25x80xi32, #tpu.memory_space<hbm>> -> memref<25x80xi32, #tpu.memory_space<hbm>>
      tpu.enqueue_dma source(%dma_start3A_918 : memref<25x80xi32, #tpu.memory_space<hbm>>) target(%arg7 : memref<25x80xi32, #tpu.memory_space<vmem>>) target_semaphore(%dma_start3A_914 : memref<!tpu.dma_semaphore, #tpu.memory_space<semaphore_mem>>)
      %dma_start3A_919 = arith.constant 1 : i32
      %dma_start3A_920 = arith.constant 0 : i32
      %dma_start3A_921 = arith.constant 0 : i32
      %dma_start3A_922 = tpu.memref_slice %arg4[%arg0, %arg1, %scan3A_907, %dma_start3A_920, %dma_start3A_921] : memref<2x16x5x25x80xi32, #tpu.memory_space<hbm>> -> memref<1x1x1x25x80xi32, #tpu.memory_space<hbm>>
      %dma_start3A_923 = tpu.memref_squeeze %dma_start3A_922 : memref<1x1x1x25x80xi32, #tpu.memory_space<hbm>> -> memref<25x80xi32, #tpu.memory_space<hbm>>
      %dma_start3A_924 = tpu.memref_slice %arg11[%dma_start3A_919] : memref<3x!tpu.dma_semaphore, #tpu.memory_space<semaphore_mem>> -> memref<1x!tpu.dma_semaphore, #tpu.memory_space<semaphore_mem>>
      %dma_start3A_925 = tpu.memref_squeeze %dma_start3A_924 : memref<1x!tpu.dma_semaphore, #tpu.memory_space<semaphore_mem>> -> memref<!tpu.dma_semaphore, #tpu.memory_space<semaphore_mem>>
      %dma_start3A_926 = arith.constant 0 : i32
      %dma_start3A_927 = arith.constant 0 : i32
      %dma_start3A_928 = tpu.memref_slice %arg4[%arg0, %arg1, %scan3A_907, %dma_start3A_926, %dma_start3A_927] : memref<2x16x5x25x80xi32, #tpu.memory_space<hbm>> -> memref<1x1x1x25x80xi32, #tpu.memory_space<hbm>>
      %dma_start3A_929 = tpu.memref_squeeze %dma_start3A_928 : memref<1x1x1x25x80xi32, #tpu.memory_space<hbm>> -> memref<25x80xi32, #tpu.memory_space<hbm>>
      tpu.enqueue_dma source(%dma_start3A_929 : memref<25x80xi32, #tpu.memory_space<hbm>>) target(%arg8 : memref<25x80xi32, #tpu.memory_space<vmem>>) target_semaphore(%dma_start3A_925 : memref<!tpu.dma_semaphore, #tpu.memory_space<semaphore_mem>>)
      %dma_start3A_930 = arith.constant 2 : i32
      %dma_start3A_931 = arith.constant 0 : i32
      %dma_start3A_932 = arith.constant 0 : i32
      %dma_start3A_933 = tpu.memref_slice %arg5[%arg0, %arg1, %scan3A_907, %dma_start3A_931, %dma_start3A_932] : memref<2x16x5x25x80xf32, #tpu.memory_space<hbm>> -> memref<1x1x1x25x80xf32, #tpu.memory_space<hbm>>
      %dma_start3A_934 = tpu.memref_squeeze %dma_start3A_933 : memref<1x1x1x25x80xf32, #tpu.memory_space<hbm>> -> memref<25x80xf32, #tpu.memory_space<hbm>>
      %dma_start3A_935 = tpu.memref_slice %arg11[%dma_start3A_930] : memref<3x!tpu.dma_semaphore, #tpu.memory_space<semaphore_mem>> -> memref<1x!tpu.dma_semaphore, #tpu.memory_space<semaphore_mem>>
      %dma_start3A_936 = tpu.memref_squeeze %dma_start3A_935 : memref<1x!tpu.dma_semaphore, #tpu.memory_space<semaphore_mem>> -> memref<!tpu.dma_semaphore, #tpu.memory_space<semaphore_mem>>
      %dma_start3A_937 = arith.constant 0 : i32
      %dma_start3A_938 = arith.constant 0 : i32
      %dma_start3A_939 = tpu.memref_slice %arg5[%arg0, %arg1, %scan3A_907, %dma_start3A_937, %dma_start3A_938] : memref<2x16x5x25x80xf32, #tpu.memory_space<hbm>> -> memref<1x1x1x25x80xf32, #tpu.memory_space<hbm>>
      %dma_start3A_940 = tpu.memref_squeeze %dma_start3A_939 : memref<1x1x1x25x80xf32, #tpu.memory_space<hbm>> -> memref<25x80xf32, #tpu.memory_space<hbm>>
      tpu.enqueue_dma source(%dma_start3A_940 : memref<25x80xf32, #tpu.memory_space<hbm>>) target(%arg9 : memref<25x80xf32, #tpu.memory_space<vmem>>) target_semaphore(%dma_start3A_936 : memref<!tpu.dma_semaphore, #tpu.memory_space<semaphore_mem>>)
      %dma_wait3A_941 = arith.constant 0 : i32
      %dma_wait3A_942 = arith.constant 0 : i32
      %dma_wait3A_943 = arith.constant 0 : i32
      %dma_wait3A_944 = tpu.memref_slice %arg3[%arg0, %arg1, %scan3A_907, %dma_wait3A_942, %dma_wait3A_943] : memref<2x16x5x25x80xi32, #tpu.memory_space<hbm>> -> memref<1x1x1x25x80xi32, #tpu.memory_space<hbm>>
      %dma_wait3A_945 = tpu.memref_squeeze %dma_wait3A_944 : memref<1x1x1x25x80xi32, #tpu.memory_space<hbm>> -> memref<25x80xi32, #tpu.memory_space<hbm>>
      %dma_wait3A_946 = tpu.memref_slice %arg11[%dma_wait3A_941] : memref<3x!tpu.dma_semaphore, #tpu.memory_space<semaphore_mem>> -> memref<1x!tpu.dma_semaphore, #tpu.memory_space<semaphore_mem>>
      %dma_wait3A_947 = tpu.memref_squeeze %dma_wait3A_946 : memref<1x!tpu.dma_semaphore, #tpu.memory_space<semaphore_mem>> -> memref<!tpu.dma_semaphore, #tpu.memory_space<semaphore_mem>>
      %dma_wait3A_948 = arith.constant 0 : i32
      %dma_wait3A_949 = arith.constant 0 : i32
      %dma_wait3A_950 = tpu.memref_slice %arg3[%arg0, %arg1, %scan3A_907, %dma_wait3A_948, %dma_wait3A_949] : memref<2x16x5x25x80xi32, #tpu.memory_space<hbm>> -> memref<1x1x1x25x80xi32, #tpu.memory_space<hbm>>
      %dma_wait3A_951 = tpu.memref_squeeze %dma_wait3A_950 : memref<1x1x1x25x80xi32, #tpu.memory_space<hbm>> -> memref<25x80xi32, #tpu.memory_space<hbm>>
      tpu.wait_dma2 semaphore(%dma_wait3A_947 : memref<!tpu.dma_semaphore, #tpu.memory_space<semaphore_mem>>) src(%dma_wait3A_951 : memref<25x80xi32, #tpu.memory_space<hbm>>) dst(%arg7 : memref<25x80xi32, #tpu.memory_space<vmem>>)
      %dma_wait3A_952 = arith.constant 1 : i32
      %dma_wait3A_953 = arith.constant 0 : i32
      %dma_wait3A_954 = arith.constant 0 : i32
      %dma_wait3A_955 = tpu.memref_slice %arg4[%arg0, %arg1, %scan3A_907, %dma_wait3A_953, %dma_wait3A_954] : memref<2x16x5x25x80xi32, #tpu.memory_space<hbm>> -> memref<1x1x1x25x80xi32, #tpu.memory_space<hbm>>
      %dma_wait3A_956 = tpu.memref_squeeze %dma_wait3A_955 : memref<1x1x1x25x80xi32, #tpu.memory_space<hbm>> -> memref<25x80xi32, #tpu.memory_space<hbm>>
      %dma_wait3A_957 = tpu.memref_slice %arg11[%dma_wait3A_952] : memref<3x!tpu.dma_semaphore, #tpu.memory_space<semaphore_mem>> -> memref<1x!tpu.dma_semaphore, #tpu.memory_space<semaphore_mem>>
      %dma_wait3A_958 = tpu.memref_squeeze %dma_wait3A_957 : memref<1x!tpu.dma_semaphore, #tpu.memory_space<semaphore_mem>> -> memref<!tpu.dma_semaphore, #tpu.memory_space<semaphore_mem>>
      %dma_wait3A_959 = arith.constant 0 : i32
      %dma_wait3A_960 = arith.constant 0 : i32
      %dma_wait3A_961 = tpu.memref_slice %arg4[%arg0, %arg1, %scan3A_907, %dma_wait3A_959, %dma_wait3A_960] : memref<2x16x5x25x80xi32, #tpu.memory_space<hbm>> -> memref<1x1x1x25x80xi32, #tpu.memory_space<hbm>>
      %dma_wait3A_962 = tpu.memref_squeeze %dma_wait3A_961 : memref<1x1x1x25x80xi32, #tpu.memory_space<hbm>> -> memref<25x80xi32, #tpu.memory_space<hbm>>
      tpu.wait_dma2 semaphore(%dma_wait3A_958 : memref<!tpu.dma_semaphore, #tpu.memory_space<semaphore_mem>>) src(%dma_wait3A_962 : memref<25x80xi32, #tpu.memory_space<hbm>>) dst(%arg8 : memref<25x80xi32, #tpu.memory_space<vmem>>)
      %dma_wait3A_963 = arith.constant 2 : i32
      %dma_wait3A_964 = arith.constant 0 : i32
      %dma_wait3A_965 = arith.constant 0 : i32
      %dma_wait3A_966 = tpu.memref_slice %arg5[%arg0, %arg1, %scan3A_907, %dma_wait3A_964, %dma_wait3A_965] : memref<2x16x5x25x80xf32, #tpu.memory_space<hbm>> -> memref<1x1x1x25x80xf32, #tpu.memory_space<hbm>>
      %dma_wait3A_967 = tpu.memref_squeeze %dma_wait3A_966 : memref<1x1x1x25x80xf32, #tpu.memory_space<hbm>> -> memref<25x80xf32, #tpu.memory_space<hbm>>
      %dma_wait3A_968 = tpu.memref_slice %arg11[%dma_wait3A_963] : memref<3x!tpu.dma_semaphore, #tpu.memory_space<semaphore_mem>> -> memref<1x!tpu.dma_semaphore, #tpu.memory_space<semaphore_mem>>
      %dma_wait3A_969 = tpu.memref_squeeze %dma_wait3A_968 : memref<1x!tpu.dma_semaphore, #tpu.memory_space<semaphore_mem>> -> memref<!tpu.dma_semaphore, #tpu.memory_space<semaphore_mem>>
      %dma_wait3A_970 = arith.constant 0 : i32
      %dma_wait3A_971 = arith.constant 0 : i32
      %dma_wait3A_972 = tpu.memref_slice %arg5[%arg0, %arg1, %scan3A_907, %dma_wait3A_970, %dma_wait3A_971] : memref<2x16x5x25x80xf32, #tpu.memory_space<hbm>> -> memref<1x1x1x25x80xf32, #tpu.memory_space<hbm>>
      %dma_wait3A_973 = tpu.memref_squeeze %dma_wait3A_972 : memref<1x1x1x25x80xf32, #tpu.memory_space<hbm>> -> memref<25x80xf32, #tpu.memory_space<hbm>>
      tpu.wait_dma2 semaphore(%dma_wait3A_969 : memref<!tpu.dma_semaphore, #tpu.memory_space<semaphore_mem>>) src(%dma_wait3A_973 : memref<25x80xf32, #tpu.memory_space<hbm>>) dst(%arg9 : memref<25x80xf32, #tpu.memory_space<vmem>>)
      %dma_start3A_974 = arith.constant 0 : i32
      %dma_start3A_975 = arith.constant 0 : i32
      %dma_start3A_976 = arith.constant 0 : i32
      %dma_start3A_977 = arith.constant 0 : i32
      %dma_start3A_978 = arith.constant 0 : i32
      %dma_start3A_979 = tpu.memref_slice %arg10[%dma_start3A_975, %dma_start3A_977, %dma_start3A_978] : memref<3x80x128xf32, #tpu.memory_space<vmem>> -> memref<1x80x128xf32, #tpu.memory_space<vmem>>
      %dma_start3A_980 = tpu.memref_squeeze %dma_start3A_979 : memref<1x80x128xf32, #tpu.memory_space<vmem>> -> memref<80x128xf32, #tpu.memory_space<vmem>>
      %dma_start3A_981 = arith.constant 0 : i32
      %dma_start3A_982 = tpu.memref_slice %arg7[%dma_start3A_974, %dma_start3A_981] : memref<25x80xi32, #tpu.memory_space<vmem>> -> memref<1x80xi32, #tpu.memory_space<vmem>>
      %dma_start3A_983 = tpu.memref_squeeze %dma_start3A_982 : memref<1x80xi32, #tpu.memory_space<vmem>> -> memref<80xi32, #tpu.memory_space<vmem>>
      %dma_start3A_984 = arith.constant 0 : i32
      %dma_start3A_985 = arith.constant 0 : i32
      %dma_start3A_986 = tpu.memref_slice %arg2[%dma_start3A_984, %dma_start3A_985] : memref<10240x128xf32, #tpu.memory_space<hbm>> -> memref<10240x128xf32, #tpu.memory_space<hbm>>
      %dma_start3A_987 = tpu.memref_slice %arg11[%dma_start3A_976] : memref<3x!tpu.dma_semaphore, #tpu.memory_space<semaphore_mem>> -> memref<1x!tpu.dma_semaphore, #tpu.memory_space<semaphore_mem>>
      %dma_start3A_988 = tpu.memref_squeeze %dma_start3A_987 : memref<1x!tpu.dma_semaphore, #tpu.memory_space<semaphore_mem>> -> memref<!tpu.dma_semaphore, #tpu.memory_space<semaphore_mem>>
      tpu.enqueue_indirect_dma source(%dma_start3A_986 : memref<10240x128xf32, #tpu.memory_space<hbm>>) target(%dma_start3A_980 : memref<80x128xf32, #tpu.memory_space<vmem>>) offsets(%dma_start3A_983 : memref<80xi32, #tpu.memory_space<vmem>>) semaphore(%dma_start3A_988 : memref<!tpu.dma_semaphore, #tpu.memory_space<semaphore_mem>>)
      %dma_start3A_989 = arith.constant 1 : i32
      %dma_start3A_990 = arith.constant 1 : i32
      %dma_start3A_991 = arith.constant 1 : i32
      %dma_start3A_992 = arith.constant 0 : i32
      %dma_start3A_993 = arith.constant 0 : i32
      %dma_start3A_994 = tpu.memref_slice %arg10[%dma_start3A_990, %dma_start3A_992, %dma_start3A_993] : memref<3x80x128xf32, #tpu.memory_space<vmem>> -> memref<1x80x128xf32, #tpu.memory_space<vmem>>
      %dma_start3A_995 = tpu.memref_squeeze %dma_start3A_994 : memref<1x80x128xf32, #tpu.memory_space<vmem>> -> memref<80x128xf32, #tpu.memory_space<vmem>>
      %dma_start3A_996 = arith.constant 0 : i32
      %dma_start3A_997 = tpu.memref_slice %arg7[%dma_start3A_989, %dma_start3A_996] : memref<25x80xi32, #tpu.memory_space<vmem>> -> memref<1x80xi32, #tpu.memory_space<vmem>>
      %dma_start3A_998 = tpu.memref_squeeze %dma_start3A_997 : memref<1x80xi32, #tpu.memory_space<vmem>> -> memref<80xi32, #tpu.memory_space<vmem>>
      %dma_start3A_999 = arith.constant 0 : i32
      %dma_start3A_1000 = arith.constant 0 : i32
      %dma_start3A_1001 = tpu.memref_slice %arg2[%dma_start3A_999, %dma_start3A_1000] : memref<10240x128xf32, #tpu.memory_space<hbm>> -> memref<10240x128xf32, #tpu.memory_space<hbm>>
      %dma_start3A_1002 = tpu.memref_slice %arg11[%dma_start3A_991] : memref<3x!tpu.dma_semaphore, #tpu.memory_space<semaphore_mem>> -> memref<1x!tpu.dma_semaphore, #tpu.memory_space<semaphore_mem>>
      %dma_start3A_1003 = tpu.memref_squeeze %dma_start3A_1002 : memref<1x!tpu.dma_semaphore, #tpu.memory_space<semaphore_mem>> -> memref<!tpu.dma_semaphore, #tpu.memory_space<semaphore_mem>>
      tpu.enqueue_indirect_dma source(%dma_start3A_1001 : memref<10240x128xf32, #tpu.memory_space<hbm>>) target(%dma_start3A_995 : memref<80x128xf32, #tpu.memory_space<vmem>>) offsets(%dma_start3A_998 : memref<80xi32, #tpu.memory_space<vmem>>) semaphore(%dma_start3A_1003 : memref<!tpu.dma_semaphore, #tpu.memory_space<semaphore_mem>>)
      %scan3A_1004 = arith.constant 0 : i32
      %scan3A_1005 = arith.constant 0 : i32
      %scan3A_1006 = arith.constant 8 : i32
      %scan3A_1007 = arith.addi %scan3A_1005, %scan3A_1006 : i32
      %scan3A_1008 = arith.constant 1 : i32
      scf.for %scan3A_1139 = %scan3A_1005 to %scan3A_1007 step %scan3A_1008  : i32 {
        %mul3A_1140 = arith.constant 3 : i32
        %mul3A_1141 = arith.muli %mul3A_1140, %scan3A_1139 : i32
        %dma_wait3A_1142 = arith.constant 0 : i32
        %dma_wait3A_1143 = arith.constant 0 : i32
        %dma_wait3A_1144 = arith.constant 0 : i32
        %dma_wait3A_1145 = arith.constant 0 : i32
        %dma_wait3A_1146 = tpu.memref_slice %arg10[%dma_wait3A_1142, %dma_wait3A_1144, %dma_wait3A_1145] : memref<3x80x128xf32, #tpu.memory_space<vmem>> -> memref<1x80x128xf32, #tpu.memory_space<vmem>>
        %dma_wait3A_1147 = tpu.memref_squeeze %dma_wait3A_1146 : memref<1x80x128xf32, #tpu.memory_space<vmem>> -> memref<80x128xf32, #tpu.memory_space<vmem>>
        %dma_wait3A_1148 = arith.constant 0 : i32
        %dma_wait3A_1149 = tpu.memref_slice %arg7[%mul3A_1141, %dma_wait3A_1148] : memref<25x80xi32, #tpu.memory_space<vmem>> -> memref<1x80xi32, #tpu.memory_space<vmem>>
        %dma_wait3A_1150 = tpu.memref_squeeze %dma_wait3A_1149 : memref<1x80xi32, #tpu.memory_space<vmem>> -> memref<80xi32, #tpu.memory_space<vmem>>
        %dma_wait3A_1151 = arith.constant 0 : i32
        %dma_wait3A_1152 = arith.constant 0 : i32
        %dma_wait3A_1153 = tpu.memref_slice %arg2[%dma_wait3A_1151, %dma_wait3A_1152] : memref<10240x128xf32, #tpu.memory_space<hbm>> -> memref<10240x128xf32, #tpu.memory_space<hbm>>
        %dma_wait3A_1154 = tpu.memref_slice %arg11[%dma_wait3A_1143] : memref<3x!tpu.dma_semaphore, #tpu.memory_space<semaphore_mem>> -> memref<1x!tpu.dma_semaphore, #tpu.memory_space<semaphore_mem>>
        %dma_wait3A_1155 = tpu.memref_squeeze %dma_wait3A_1154 : memref<1x!tpu.dma_semaphore, #tpu.memory_space<semaphore_mem>> -> memref<!tpu.dma_semaphore, #tpu.memory_space<semaphore_mem>>
        tpu.wait_indirect_dma semaphore(%dma_wait3A_1155 : memref<!tpu.dma_semaphore, #tpu.memory_space<semaphore_mem>>) src(%dma_wait3A_1153 : memref<10240x128xf32, #tpu.memory_space<hbm>>) dst(%dma_wait3A_1147 : memref<80x128xf32, #tpu.memory_space<vmem>>)
        %ge3A = arith.constant 1 : i32
        %ge3A_1156 = arith.cmpi sge, %scan3A_1139, %ge3A : i32
        %convert_element_type3A = arith.extui %ge3A_1156 : i1 to i32
        %cond3A = arith.constant 0 : i32
        %cond3A_1157 = arith.cmpi ne, %convert_element_type3A, %cond3A : i32
        scf.if %cond3A_1157 {
          %dma_wait3A_1441 = arith.constant 2 : i32
          %dma_wait3A_1442 = arith.constant 0 : i32
          %dma_wait3A_1443 = arith.constant 2 : i32
          %dma_wait3A_1444 = arith.constant 0 : i32
          %dma_wait3A_1445 = arith.constant 0 : i32
          %dma_wait3A_1446 = tpu.memref_slice %arg10[%dma_wait3A_1441, %dma_wait3A_1444, %dma_wait3A_1445] : memref<3x80x128xf32, #tpu.memory_space<vmem>> -> memref<1x80x128xf32, #tpu.memory_space<vmem>>
          %dma_wait3A_1447 = tpu.memref_squeeze %dma_wait3A_1446 : memref<1x80x128xf32, #tpu.memory_space<vmem>> -> memref<80x128xf32, #tpu.memory_space<vmem>>
          %dma_wait3A_1448 = arith.constant 0 : i32
          %dma_wait3A_1449 = tpu.memref_slice %arg8[%dma_wait3A_1442, %dma_wait3A_1448] : memref<25x80xi32, #tpu.memory_space<vmem>> -> memref<1x80xi32, #tpu.memory_space<vmem>>
          %dma_wait3A_1450 = tpu.memref_squeeze %dma_wait3A_1449 : memref<1x80xi32, #tpu.memory_space<vmem>> -> memref<80xi32, #tpu.memory_space<vmem>>
          %dma_wait3A_1451 = arith.constant 0 : i32
          %dma_wait3A_1452 = arith.constant 0 : i32
          %dma_wait3A_1453 = tpu.memref_slice %arg13[%dma_wait3A_1451, %dma_wait3A_1452] : memref<10240x128xf32, #tpu.memory_space<vmem_shared>> -> memref<10240x128xf32, #tpu.memory_space<vmem_shared>>
          %dma_wait3A_1454 = tpu.memref_slice %arg12[%dma_wait3A_1443] : memref<3x!tpu.dma_semaphore, #tpu.memory_space<semaphore_mem>> -> memref<1x!tpu.dma_semaphore, #tpu.memory_space<semaphore_mem>>
          %dma_wait3A_1455 = tpu.memref_squeeze %dma_wait3A_1454 : memref<1x!tpu.dma_semaphore, #tpu.memory_space<semaphore_mem>> -> memref<!tpu.dma_semaphore, #tpu.memory_space<semaphore_mem>>
          tpu.wait_indirect_dma semaphore(%dma_wait3A_1455 : memref<!tpu.dma_semaphore, #tpu.memory_space<semaphore_mem>>) src(%dma_wait3A_1447 : memref<80x128xf32, #tpu.memory_space<vmem>>) dst(%dma_wait3A_1453 : memref<10240x128xf32, #tpu.memory_space<vmem_shared>>)
        } else {
        }
        %add3A_1158 = arith.constant 2 : i32
        %add3A_1159 = arith.addi %mul3A_1141, %add3A_1158 : i32
        %dma_start3A_1160 = arith.constant 2 : i32
        %dma_start3A_1161 = arith.constant 2 : i32
        %dma_start3A_1162 = arith.constant 0 : i32
        %dma_start3A_1163 = arith.constant 0 : i32
        %dma_start3A_1164 = tpu.memref_slice %arg10[%dma_start3A_1160, %dma_start3A_1162, %dma_start3A_1163] : memref<3x80x128xf32, #tpu.memory_space<vmem>> -> memref<1x80x128xf32, #tpu.memory_space<vmem>>
        %dma_start3A_1165 = tpu.memref_squeeze %dma_start3A_1164 : memref<1x80x128xf32, #tpu.memory_space<vmem>> -> memref<80x128xf32, #tpu.memory_space<vmem>>
        %dma_start3A_1166 = arith.constant 0 : i32
        %dma_start3A_1167 = tpu.memref_slice %arg7[%add3A_1159, %dma_start3A_1166] : memref<25x80xi32, #tpu.memory_space<vmem>> -> memref<1x80xi32, #tpu.memory_space<vmem>>
        %dma_start3A_1168 = tpu.memref_squeeze %dma_start3A_1167 : memref<1x80xi32, #tpu.memory_space<vmem>> -> memref<80xi32, #tpu.memory_space<vmem>>
        %dma_start3A_1169 = arith.constant 0 : i32
        %dma_start3A_1170 = arith.constant 0 : i32
        %dma_start3A_1171 = tpu.memref_slice %arg2[%dma_start3A_1169, %dma_start3A_1170] : memref<10240x128xf32, #tpu.memory_space<hbm>> -> memref<10240x128xf32, #tpu.memory_space<hbm>>
        %dma_start3A_1172 = tpu.memref_slice %arg11[%dma_start3A_1161] : memref<3x!tpu.dma_semaphore, #tpu.memory_space<semaphore_mem>> -> memref<1x!tpu.dma_semaphore, #tpu.memory_space<semaphore_mem>>
        %dma_start3A_1173 = tpu.memref_squeeze %dma_start3A_1172 : memref<1x!tpu.dma_semaphore, #tpu.memory_space<semaphore_mem>> -> memref<!tpu.dma_semaphore, #tpu.memory_space<semaphore_mem>>
        tpu.enqueue_indirect_dma source(%dma_start3A_1171 : memref<10240x128xf32, #tpu.memory_space<hbm>>) target(%dma_start3A_1165 : memref<80x128xf32, #tpu.memory_space<vmem>>) offsets(%dma_start3A_1168 : memref<80xi32, #tpu.memory_space<vmem>>) semaphore(%dma_start3A_1173 : memref<!tpu.dma_semaphore, #tpu.memory_space<semaphore_mem>>)
        %get3A_1174 = arith.index_cast %mul3A_1141 : i32 to index
        %get3A_1175 = arith.constant 0 : index
        %get3A_1176 = tpu.vector_load %arg9[%get3A_1174, %get3A_1175] {strides = array<i32>} : memref<25x80xf32, #tpu.memory_space<vmem>>, vector<1x16xf32>,
        %get3A_1177 = vector.shape_cast %get3A_1176 : vector<1x16xf32> to vector<16xf32>
        %scan3A_1178 = arith.constant 0 : i32
        %scan3A_1179 = arith.constant 0 : i32
        %scan3A_1180 = arith.constant 16 : i32
        %scan3A_1181 = arith.addi %scan3A_1179, %scan3A_1180 : i32
        %scan3A_1182 = arith.constant 1 : i32
        scf.for %scan3A_1441 = %scan3A_1179 to %scan3A_1181 step %scan3A_1182  : i32 {
          %broadcast_in_dim3A_1442 = vector.broadcast %scan3A_1441 : i32 to vector<16x1xi32>
          %gather3A = vector.shape_cast %broadcast_in_dim3A_1442 : vector<16x1xi32> to vector<16xi32>
          %gather3A_1443 = tpu.dynamic_gather %get3A_1177[%gather3A] in [0] : vector<16xf32>, vector<16xi32> -> vector<16xf32>
          %add3A_1444 = arith.constant 0 : i32
          %add3A_1445 = arith.addi %add3A_1444, %scan3A_1441 : i32
          %get3A_1446 = arith.constant 0 : i32
          %get3A_1447 = arith.index_cast %get3A_1446 : i32 to index
          %get3A_1448 = arith.index_cast %add3A_1445 : i32 to index
          %get3A_1449 = arith.constant 0 : index
          %get3A_1450 = tpu.vector_load %arg10[%get3A_1447, %get3A_1448, %get3A_1449] {strides = array<i32>} : memref<3x80x128xf32, #tpu.memory_space<vmem>>, vector<1x1x16xf32>,
          %get3A_1451 = vector.shape_cast %get3A_1450 : vector<1x1x16xf32> to vector<16xf32>
          %mul3A_1452 = arith.mulf %get3A_1451, %gather3A_1443 : vector<16xf32>
          %swap3A = arith.constant 0 : i32
          %swap3A_1453 = arith.index_cast %swap3A : i32 to index
          %swap3A_1454 = arith.index_cast %add3A_1445 : i32 to index
          %swap3A_1455 = arith.constant 0 : index
          %swap3A_1456 = tpu.vector_load %arg10[%swap3A_1453, %swap3A_1454, %swap3A_1455] {strides = array<i32>} : memref<3x80x128xf32, #tpu.memory_space<vmem>>, vector<1x1x16xf32>,
          %swap3A_1457 = vector.shape_cast %swap3A_1456 : vector<1x1x16xf32> to vector<16xf32>
          %swap3A_1458 = vector.shape_cast %mul3A_1452 : vector<16xf32> to vector<1x1x16xf32>
          tpu.vector_store %arg10[%swap3A_1453, %swap3A_1454, %swap3A_1455], %swap3A_1458 {strides = array<i32>} : memref<3x80x128xf32, #tpu.memory_space<vmem>>, vector<1x1x16xf32>,
          %get3A_1459 = arith.constant 0 : i32
          %get3A_1460 = arith.index_cast %get3A_1459 : i32 to index
          %get3A_1461 = arith.index_cast %add3A_1445 : i32 to index
          %get3A_1462 = arith.constant 16 : index
          %get3A_1463 = tpu.vector_load %arg10[%get3A_1460, %get3A_1461, %get3A_1462] {strides = array<i32>} : memref<3x80x128xf32, #tpu.memory_space<vmem>>, vector<1x1x16xf32>,
          %get3A_1464 = vector.shape_cast %get3A_1463 : vector<1x1x16xf32> to vector<16xf32>
          %mul3A_1465 = arith.mulf %get3A_1464, %gather3A_1443 : vector<16xf32>
          %swap3A_1466 = arith.constant 0 : i32
          %swap3A_1467 = arith.index_cast %swap3A_1466 : i32 to index
          %swap3A_1468 = arith.index_cast %add3A_1445 : i32 to index
          %swap3A_1469 = arith.constant 16 : index
          %swap3A_1470 = tpu.vector_load %arg10[%swap3A_1467, %swap3A_1468, %swap3A_1469] {strides = array<i32>} : memref<3x80x128xf32, #tpu.memory_space<vmem>>, vector<1x1x16xf32>,
          %swap3A_1471 = vector.shape_cast %swap3A_1470 : vector<1x1x16xf32> to vector<16xf32>
          %swap3A_1472 = vector.shape_cast %mul3A_1465 : vector<16xf32> to vector<1x1x16xf32>
          tpu.vector_store %arg10[%swap3A_1467, %swap3A_1468, %swap3A_1469], %swap3A_1472 {strides = array<i32>} : memref<3x80x128xf32, #tpu.memory_space<vmem>>, vector<1x1x16xf32>,
          %get3A_1473 = arith.constant 0 : i32
          %get3A_1474 = arith.index_cast %get3A_1473 : i32 to index
          %get3A_1475 = arith.index_cast %add3A_1445 : i32 to index
          %get3A_1476 = arith.constant 32 : index
          %get3A_1477 = tpu.vector_load %arg10[%get3A_1474, %get3A_1475, %get3A_1476] {strides = array<i32>} : memref<3x80x128xf32, #tpu.memory_space<vmem>>, vector<1x1x16xf32>,
          %get3A_1478 = vector.shape_cast %get3A_1477 : vector<1x1x16xf32> to vector<16xf32>
          %mul3A_1479 = arith.mulf %get3A_1478, %gather3A_1443 : vector<16xf32>
          %swap3A_1480 = arith.constant 0 : i32
          %swap3A_1481 = arith.index_cast %swap3A_1480 : i32 to index
          %swap3A_1482 = arith.index_cast %add3A_1445 : i32 to index
          %swap3A_1483 = arith.constant 32 : index
          %swap3A_1484 = tpu.vector_load %arg10[%swap3A_1481, %swap3A_1482, %swap3A_1483] {strides = array<i32>} : memref<3x80x128xf32, #tpu.memory_space<vmem>>, vector<1x1x16xf32>,
          %swap3A_1485 = vector.shape_cast %swap3A_1484 : vector<1x1x16xf32> to vector<16xf32>
          %swap3A_1486 = vector.shape_cast %mul3A_1479 : vector<16xf32> to vector<1x1x16xf32>
          tpu.vector_store %arg10[%swap3A_1481, %swap3A_1482, %swap3A_1483], %swap3A_1486 {strides = array<i32>} : memref<3x80x128xf32, #tpu.memory_space<vmem>>, vector<1x1x16xf32>,
          %get3A_1487 = arith.constant 0 : i32
          %get3A_1488 = arith.index_cast %get3A_1487 : i32 to index
          %get3A_1489 = arith.index_cast %add3A_1445 : i32 to index
          %get3A_1490 = arith.constant 48 : index
          %get3A_1491 = tpu.vector_load %arg10[%get3A_1488, %get3A_1489, %get3A_1490] {strides = array<i32>} : memref<3x80x128xf32, #tpu.memory_space<vmem>>, vector<1x1x16xf32>,
          %get3A_1492 = vector.shape_cast %get3A_1491 : vector<1x1x16xf32> to vector<16xf32>
          %mul3A_1493 = arith.mulf %get3A_1492, %gather3A_1443 : vector<16xf32>
          %swap3A_1494 = arith.constant 0 : i32
          %swap3A_1495 = arith.index_cast %swap3A_1494 : i32 to index
          %swap3A_1496 = arith.index_cast %add3A_1445 : i32 to index
          %swap3A_1497 = arith.constant 48 : index
          %swap3A_1498 = tpu.vector_load %arg10[%swap3A_1495, %swap3A_1496, %swap3A_1497] {strides = array<i32>} : memref<3x80x128xf32, #tpu.memory_space<vmem>>, vector<1x1x16xf32>,
          %swap3A_1499 = vector.shape_cast %swap3A_1498 : vector<1x1x16xf32> to vector<16xf32>
          %swap3A_1500 = vector.shape_cast %mul3A_1493 : vector<16xf32> to vector<1x1x16xf32>
          tpu.vector_store %arg10[%swap3A_1495, %swap3A_1496, %swap3A_1497], %swap3A_1500 {strides = array<i32>} : memref<3x80x128xf32, #tpu.memory_space<vmem>>, vector<1x1x16xf32>,
          %get3A_1501 = arith.constant 0 : i32
          %get3A_1502 = arith.index_cast %get3A_1501 : i32 to index
          %get3A_1503 = arith.index_cast %add3A_1445 : i32 to index
          %get3A_1504 = arith.constant 64 : index
          %get3A_1505 = tpu.vector_load %arg10[%get3A_1502, %get3A_1503, %get3A_1504] {strides = array<i32>} : memref<3x80x128xf32, #tpu.memory_space<vmem>>, vector<1x1x16xf32>,
          %get3A_1506 = vector.shape_cast %get3A_1505 : vector<1x1x16xf32> to vector<16xf32>
          %mul3A_1507 = arith.mulf %get3A_1506, %gather3A_1443 : vector<16xf32>
          %swap3A_1508 = arith.constant 0 : i32
          %swap3A_1509 = arith.index_cast %swap3A_1508 : i32 to index
          %swap3A_1510 = arith.index_cast %add3A_1445 : i32 to index
          %swap3A_1511 = arith.constant 64 : index
          %swap3A_1512 = tpu.vector_load %arg10[%swap3A_1509, %swap3A_1510, %swap3A_1511] {strides = array<i32>} : memref<3x80x128xf32, #tpu.memory_space<vmem>>, vector<1x1x16xf32>,
          %swap3A_1513 = vector.shape_cast %swap3A_1512 : vector<1x1x16xf32> to vector<16xf32>
          %swap3A_1514 = vector.shape_cast %mul3A_1507 : vector<16xf32> to vector<1x1x16xf32>
          tpu.vector_store %arg10[%swap3A_1509, %swap3A_1510, %swap3A_1511], %swap3A_1514 {strides = array<i32>} : memref<3x80x128xf32, #tpu.memory_space<vmem>>, vector<1x1x16xf32>,
          %get3A_1515 = arith.constant 0 : i32
          %get3A_1516 = arith.index_cast %get3A_1515 : i32 to index
          %get3A_1517 = arith.index_cast %add3A_1445 : i32 to index
          %get3A_1518 = arith.constant 80 : index
          %get3A_1519 = tpu.vector_load %arg10[%get3A_1516, %get3A_1517, %get3A_1518] {strides = array<i32>} : memref<3x80x128xf32, #tpu.memory_space<vmem>>, vector<1x1x16xf32>,
          %get3A_1520 = vector.shape_cast %get3A_1519 : vector<1x1x16xf32> to vector<16xf32>
          %mul3A_1521 = arith.mulf %get3A_1520, %gather3A_1443 : vector<16xf32>
          %swap3A_1522 = arith.constant 0 : i32
          %swap3A_1523 = arith.index_cast %swap3A_1522 : i32 to index
          %swap3A_1524 = arith.index_cast %add3A_1445 : i32 to index
          %swap3A_1525 = arith.constant 80 : index
          %swap3A_1526 = tpu.vector_load %arg10[%swap3A_1523, %swap3A_1524, %swap3A_1525] {strides = array<i32>} : memref<3x80x128xf32, #tpu.memory_space<vmem>>, vector<1x1x16xf32>,
          %swap3A_1527 = vector.shape_cast %swap3A_1526 : vector<1x1x16xf32> to vector<16xf32>
          %swap3A_1528 = vector.shape_cast %mul3A_1521 : vector<16xf32> to vector<1x1x16xf32>
          tpu.vector_store %arg10[%swap3A_1523, %swap3A_1524, %swap3A_1525], %swap3A_1528 {strides = array<i32>} : memref<3x80x128xf32, #tpu.memory_space<vmem>>, vector<1x1x16xf32>,
          %get3A_1529 = arith.constant 0 : i32
          %get3A_1530 = arith.index_cast %get3A_1529 : i32 to index
          %get3A_1531 = arith.index_cast %add3A_1445 : i32 to index
          %get3A_1532 = arith.constant 96 : index
          %get3A_1533 = tpu.vector_load %arg10[%get3A_1530, %get3A_1531, %get3A_1532] {strides = array<i32>} : memref<3x80x128xf32, #tpu.memory_space<vmem>>, vector<1x1x16xf32>,
          %get3A_1534 = vector.shape_cast %get3A_1533 : vector<1x1x16xf32> to vector<16xf32>
          %mul3A_1535 = arith.mulf %get3A_1534, %gather3A_1443 : vector<16xf32>
          %swap3A_1536 = arith.constant 0 : i32
          %swap3A_1537 = arith.index_cast %swap3A_1536 : i32 to index
          %swap3A_1538 = arith.index_cast %add3A_1445 : i32 to index
          %swap3A_1539 = arith.constant 96 : index
          %swap3A_1540 = tpu.vector_load %arg10[%swap3A_1537, %swap3A_1538, %swap3A_1539] {strides = array<i32>} : memref<3x80x128xf32, #tpu.memory_space<vmem>>, vector<1x1x16xf32>,
          %swap3A_1541 = vector.shape_cast %swap3A_1540 : vector<1x1x16xf32> to vector<16xf32>
          %swap3A_1542 = vector.shape_cast %mul3A_1535 : vector<16xf32> to vector<1x1x16xf32>
          tpu.vector_store %arg10[%swap3A_1537, %swap3A_1538, %swap3A_1539], %swap3A_1542 {strides = array<i32>} : memref<3x80x128xf32, #tpu.memory_space<vmem>>, vector<1x1x16xf32>,
          %get3A_1543 = arith.constant 0 : i32
          %get3A_1544 = arith.index_cast %get3A_1543 : i32 to index
          %get3A_1545 = arith.index_cast %add3A_1445 : i32 to index
          %get3A_1546 = arith.constant 112 : index
          %get3A_1547 = tpu.vector_load %arg10[%get3A_1544, %get3A_1545, %get3A_1546] {strides = array<i32>} : memref<3x80x128xf32, #tpu.memory_space<vmem>>, vector<1x1x16xf32>,
          %get3A_1548 = vector.shape_cast %get3A_1547 : vector<1x1x16xf32> to vector<16xf32>
          %mul3A_1549 = arith.mulf %get3A_1548, %gather3A_1443 : vector<16xf32>
          %swap3A_1550 = arith.constant 0 : i32
          %swap3A_1551 = arith.index_cast %swap3A_1550 : i32 to index
          %swap3A_1552 = arith.index_cast %add3A_1445 : i32 to index
          %swap3A_1553 = arith.constant 112 : index
          %swap3A_1554 = tpu.vector_load %arg10[%swap3A_1551, %swap3A_1552, %swap3A_1553] {strides = array<i32>} : memref<3x80x128xf32, #tpu.memory_space<vmem>>, vector<1x1x16xf32>,
          %swap3A_1555 = vector.shape_cast %swap3A_1554 : vector<1x1x16xf32> to vector<16xf32>
          %swap3A_1556 = vector.shape_cast %mul3A_1549 : vector<16xf32> to vector<1x1x16xf32>
          tpu.vector_store %arg10[%swap3A_1551, %swap3A_1552, %swap3A_1553], %swap3A_1556 {strides = array<i32>} : memref<3x80x128xf32, #tpu.memory_space<vmem>>, vector<1x1x16xf32>,
        }
        %scan3A_1183 = arith.constant 16 : i32
        %get3A_1184 = arith.index_cast %mul3A_1141 : i32 to index
        %get3A_1185 = arith.constant 16 : index
        %get3A_1186 = tpu.vector_load %arg9[%get3A_1184, %get3A_1185] {strides = array<i32>} : memref<25x80xf32, #tpu.memory_space<vmem>>, vector<1x16xf32>,
        %get3A_1187 = vector.shape_cast %get3A_1186 : vector<1x16xf32> to vector<16xf32>
        %scan3A_1188 = arith.constant 0 : i32
        %scan3A_1189 = arith.constant 0 : i32
        %scan3A_1190 = arith.constant 16 : i32
        %scan3A_1191 = arith.addi %scan3A_1189, %scan3A_1190 : i32
        %scan3A_1192 = arith.constant 1 : i32
        scf.for %scan3A_1441 = %scan3A_1189 to %scan3A_1191 step %scan3A_1192  : i32 {
          %broadcast_in_dim3A_1442 = vector.broadcast %scan3A_1441 : i32 to vector<16x1xi32>
          %gather3A = vector.shape_cast %broadcast_in_dim3A_1442 : vector<16x1xi32> to vector<16xi32>
          %gather3A_1443 = tpu.dynamic_gather %get3A_1187[%gather3A] in [0] : vector<16xf32>, vector<16xi32> -> vector<16xf32>
          %add3A_1444 = arith.constant 16 : i32
          %add3A_1445 = arith.addi %add3A_1444, %scan3A_1441 : i32
          %get3A_1446 = arith.constant 0 : i32
          %get3A_1447 = arith.index_cast %get3A_1446 : i32 to index
          %get3A_1448 = arith.index_cast %add3A_1445 : i32 to index
          %get3A_1449 = arith.constant 0 : index
          %get3A_1450 = tpu.vector_load %arg10[%get3A_1447, %get3A_1448, %get3A_1449] {strides = array<i32>} : memref<3x80x128xf32, #tpu.memory_space<vmem>>, vector<1x1x16xf32>,
          %get3A_1451 = vector.shape_cast %get3A_1450 : vector<1x1x16xf32> to vector<16xf32>
          %mul3A_1452 = arith.mulf %get3A_1451, %gather3A_1443 : vector<16xf32>
          %swap3A = arith.constant 0 : i32
          %swap3A_1453 = arith.index_cast %swap3A : i32 to index
          %swap3A_1454 = arith.index_cast %add3A_1445 : i32 to index
          %swap3A_1455 = arith.constant 0 : index
          %swap3A_1456 = tpu.vector_load %arg10[%swap3A_1453, %swap3A_1454, %swap3A_1455] {strides = array<i32>} : memref<3x80x128xf32, #tpu.memory_space<vmem>>, vector<1x1x16xf32>,
          %swap3A_1457 = vector.shape_cast %swap3A_1456 : vector<1x1x16xf32> to vector<16xf32>
          %swap3A_1458 = vector.shape_cast %mul3A_1452 : vector<16xf32> to vector<1x1x16xf32>
          tpu.vector_store %arg10[%swap3A_1453, %swap3A_1454, %swap3A_1455], %swap3A_1458 {strides = array<i32>} : memref<3x80x128xf32, #tpu.memory_space<vmem>>, vector<1x1x16xf32>,
          %get3A_1459 = arith.constant 0 : i32
          %get3A_1460 = arith.index_cast %get3A_1459 : i32 to index
          %get3A_1461 = arith.index_cast %add3A_1445 : i32 to index
          %get3A_1462 = arith.constant 16 : index
          %get3A_1463 = tpu.vector_load %arg10[%get3A_1460, %get3A_1461, %get3A_1462] {strides = array<i32>} : memref<3x80x128xf32, #tpu.memory_space<vmem>>, vector<1x1x16xf32>,
          %get3A_1464 = vector.shape_cast %get3A_1463 : vector<1x1x16xf32> to vector<16xf32>
          %mul3A_1465 = arith.mulf %get3A_1464, %gather3A_1443 : vector<16xf32>
          %swap3A_1466 = arith.constant 0 : i32
          %swap3A_1467 = arith.index_cast %swap3A_1466 : i32 to index
          %swap3A_1468 = arith.index_cast %add3A_1445 : i32 to index
          %swap3A_1469 = arith.constant 16 : index
          %swap3A_1470 = tpu.vector_load %arg10[%swap3A_1467, %swap3A_1468, %swap3A_1469] {strides = array<i32>} : memref<3x80x128xf32, #tpu.memory_space<vmem>>, vector<1x1x16xf32>,
          %swap3A_1471 = vector.shape_cast %swap3A_1470 : vector<1x1x16xf32> to vector<16xf32>
          %swap3A_1472 = vector.shape_cast %mul3A_1465 : vector<16xf32> to vector<1x1x16xf32>
          tpu.vector_store %arg10[%swap3A_1467, %swap3A_1468, %swap3A_1469], %swap3A_1472 {strides = array<i32>} : memref<3x80x128xf32, #tpu.memory_space<vmem>>, vector<1x1x16xf32>,
          %get3A_1473 = arith.constant 0 : i32
          %get3A_1474 = arith.index_cast %get3A_1473 : i32 to index
          %get3A_1475 = arith.index_cast %add3A_1445 : i32 to index
          %get3A_1476 = arith.constant 32 : index
          %get3A_1477 = tpu.vector_load %arg10[%get3A_1474, %get3A_1475, %get3A_1476] {strides = array<i32>} : memref<3x80x128xf32, #tpu.memory_space<vmem>>, vector<1x1x16xf32>,
          %get3A_1478 = vector.shape_cast %get3A_1477 : vector<1x1x16xf32> to vector<16xf32>
          %mul3A_1479 = arith.mulf %get3A_1478, %gather3A_1443 : vector<16xf32>
          %swap3A_1480 = arith.constant 0 : i32
          %swap3A_1481 = arith.index_cast %swap3A_1480 : i32 to index
          %swap3A_1482 = arith.index_cast %add3A_1445 : i32 to index
          %swap3A_1483 = arith.constant 32 : index
          %swap3A_1484 = tpu.vector_load %arg10[%swap3A_1481, %swap3A_1482, %swap3A_1483] {strides = array<i32>} : memref<3x80x128xf32, #tpu.memory_space<vmem>>, vector<1x1x16xf32>,
          %swap3A_1485 = vector.shape_cast %swap3A_1484 : vector<1x1x16xf32> to vector<16xf32>
          %swap3A_1486 = vector.shape_cast %mul3A_1479 : vector<16xf32> to vector<1x1x16xf32>
          tpu.vector_store %arg10[%swap3A_1481, %swap3A_1482, %swap3A_1483], %swap3A_1486 {strides = array<i32>} : memref<3x80x128xf32, #tpu.memory_space<vmem>>, vector<1x1x16xf32>,
          %get3A_1487 = arith.constant 0 : i32
          %get3A_1488 = arith.index_cast %get3A_1487 : i32 to index
          %get3A_1489 = arith.index_cast %add3A_1445 : i32 to index
          %get3A_1490 = arith.constant 48 : index
          %get3A_1491 = tpu.vector_load %arg10[%get3A_1488, %get3A_1489, %get3A_1490] {strides = array<i32>} : memref<3x80x128xf32, #tpu.memory_space<vmem>>, vector<1x1x16xf32>,
          %get3A_1492 = vector.shape_cast %get3A_1491 : vector<1x1x16xf32> to vector<16xf32>
          %mul3A_1493 = arith.mulf %get3A_1492, %gather3A_1443 : vector<16xf32>
          %swap3A_1494 = arith.constant 0 : i32
          %swap3A_1495 = arith.index_cast %swap3A_1494 : i32 to index
          %swap3A_1496 = arith.index_cast %add3A_1445 : i32 to index
          %swap3A_1497 = arith.constant 48 : index
          %swap3A_1498 = tpu.vector_load %arg10[%swap3A_1495, %swap3A_1496, %swap3A_1497] {strides = array<i32>} : memref<3x80x128xf32, #tpu.memory_space<vmem>>, vector<1x1x16xf32>,
          %swap3A_1499 = vector.shape_cast %swap3A_1498 : vector<1x1x16xf32> to vector<16xf32>
          %swap3A_1500 = vector.shape_cast %mul3A_1493 : vector<16xf32> to vector<1x1x16xf32>
          tpu.vector_store %arg10[%swap3A_1495, %swap3A_1496, %swap3A_1497], %swap3A_1500 {strides = array<i32>} : memref<3x80x128xf32, #tpu.memory_space<vmem>>, vector<1x1x16xf32>,
          %get3A_1501 = arith.constant 0 : i32
          %get3A_1502 = arith.index_cast %get3A_1501 : i32 to index
          %get3A_1503 = arith.index_cast %add3A_1445 : i32 to index
          %get3A_1504 = arith.constant 64 : index
          %get3A_1505 = tpu.vector_load %arg10[%get3A_1502, %get3A_1503, %get3A_1504] {strides = array<i32>} : memref<3x80x128xf32, #tpu.memory_space<vmem>>, vector<1x1x16xf32>,
          %get3A_1506 = vector.shape_cast %get3A_1505 : vector<1x1x16xf32> to vector<16xf32>
          %mul3A_1507 = arith.mulf %get3A_1506, %gather3A_1443 : vector<16xf32>
          %swap3A_1508 = arith.constant 0 : i32
          %swap3A_1509 = arith.index_cast %swap3A_1508 : i32 to index
          %swap3A_1510 = arith.index_cast %add3A_1445 : i32 to index
          %swap3A_1511 = arith.constant 64 : index
          %swap3A_1512 = tpu.vector_load %arg10[%swap3A_1509, %swap3A_1510, %swap3A_1511] {strides = array<i32>} : memref<3x80x128xf32, #tpu.memory_space<vmem>>, vector<1x1x16xf32>,
          %swap3A_1513 = vector.shape_cast %swap3A_1512 : vector<1x1x16xf32> to vector<16xf32>
          %swap3A_1514 = vector.shape_cast %mul3A_1507 : vector<16xf32> to vector<1x1x16xf32>
          tpu.vector_store %arg10[%swap3A_1509, %swap3A_1510, %swap3A_1511], %swap3A_1514 {strides = array<i32>} : memref<3x80x128xf32, #tpu.memory_space<vmem>>, vector<1x1x16xf32>,
          %get3A_1515 = arith.constant 0 : i32
          %get3A_1516 = arith.index_cast %get3A_1515 : i32 to index
          %get3A_1517 = arith.index_cast %add3A_1445 : i32 to index
          %get3A_1518 = arith.constant 80 : index
          %get3A_1519 = tpu.vector_load %arg10[%get3A_1516, %get3A_1517, %get3A_1518] {strides = array<i32>} : memref<3x80x128xf32, #tpu.memory_space<vmem>>, vector<1x1x16xf32>,
          %get3A_1520 = vector.shape_cast %get3A_1519 : vector<1x1x16xf32> to vector<16xf32>
          %mul3A_1521 = arith.mulf %get3A_1520, %gather3A_1443 : vector<16xf32>
          %swap3A_1522 = arith.constant 0 : i32
          %swap3A_1523 = arith.index_cast %swap3A_1522 : i32 to index
          %swap3A_1524 = arith.index_cast %add3A_1445 : i32 to index
          %swap3A_1525 = arith.constant 80 : index
          %swap3A_1526 = tpu.vector_load %arg10[%swap3A_1523, %swap3A_1524, %swap3A_1525] {strides = array<i32>} : memref<3x80x128xf32, #tpu.memory_space<vmem>>, vector<1x1x16xf32>,
          %swap3A_1527 = vector.shape_cast %swap3A_1526 : vector<1x1x16xf32> to vector<16xf32>
          %swap3A_1528 = vector.shape_cast %mul3A_1521 : vector<16xf32> to vector<1x1x16xf32>
          tpu.vector_store %arg10[%swap3A_1523, %swap3A_1524, %swap3A_1525], %swap3A_1528 {strides = array<i32>} : memref<3x80x128xf32, #tpu.memory_space<vmem>>, vector<1x1x16xf32>,
          %get3A_1529 = arith.constant 0 : i32
          %get3A_1530 = arith.index_cast %get3A_1529 : i32 to index
          %get3A_1531 = arith.index_cast %add3A_1445 : i32 to index
          %get3A_1532 = arith.constant 96 : index
          %get3A_1533 = tpu.vector_load %arg10[%get3A_1530, %get3A_1531, %get3A_1532] {strides = array<i32>} : memref<3x80x128xf32, #tpu.memory_space<vmem>>, vector<1x1x16xf32>,
          %get3A_1534 = vector.shape_cast %get3A_1533 : vector<1x1x16xf32> to vector<16xf32>
          %mul3A_1535 = arith.mulf %get3A_1534, %gather3A_1443 : vector<16xf32>
          %swap3A_1536 = arith.constant 0 : i32
          %swap3A_1537 = arith.index_cast %swap3A_1536 : i32 to index
          %swap3A_1538 = arith.index_cast %add3A_1445 : i32 to index
          %swap3A_1539 = arith.constant 96 : index
          %swap3A_1540 = tpu.vector_load %arg10[%swap3A_1537, %swap3A_1538, %swap3A_1539] {strides = array<i32>} : memref<3x80x128xf32, #tpu.memory_space<vmem>>, vector<1x1x16xf32>,
          %swap3A_1541 = vector.shape_cast %swap3A_1540 : vector<1x1x16xf32> to vector<16xf32>
          %swap3A_1542 = vector.shape_cast %mul3A_1535 : vector<16xf32> to vector<1x1x16xf32>
          tpu.vector_store %arg10[%swap3A_1537, %swap3A_1538, %swap3A_1539], %swap3A_1542 {strides = array<i32>} : memref<3x80x128xf32, #tpu.memory_space<vmem>>, vector<1x1x16xf32>,
          %get3A_1543 = arith.constant 0 : i32
          %get3A_1544 = arith.index_cast %get3A_1543 : i32 to index
          %get3A_1545 = arith.index_cast %add3A_1445 : i32 to index
          %get3A_1546 = arith.constant 112 : index
          %get3A_1547 = tpu.vector_load %arg10[%get3A_1544, %get3A_1545, %get3A_1546] {strides = array<i32>} : memref<3x80x128xf32, #tpu.memory_space<vmem>>, vector<1x1x16xf32>,
          %get3A_1548 = vector.shape_cast %get3A_1547 : vector<1x1x16xf32> to vector<16xf32>
          %mul3A_1549 = arith.mulf %get3A_1548, %gather3A_1443 : vector<16xf32>
          %swap3A_1550 = arith.constant 0 : i32
          %swap3A_1551 = arith.index_cast %swap3A_1550 : i32 to index
          %swap3A_1552 = arith.index_cast %add3A_1445 : i32 to index
          %swap3A_1553 = arith.constant 112 : index
          %swap3A_1554 = tpu.vector_load %arg10[%swap3A_1551, %swap3A_1552, %swap3A_1553] {strides = array<i32>} : memref<3x80x128xf32, #tpu.memory_space<vmem>>, vector<1x1x16xf32>,
          %swap3A_1555 = vector.shape_cast %swap3A_1554 : vector<1x1x16xf32> to vector<16xf32>
          %swap3A_1556 = vector.shape_cast %mul3A_1549 : vector<16xf32> to vector<1x1x16xf32>
          tpu.vector_store %arg10[%swap3A_1551, %swap3A_1552, %swap3A_1553], %swap3A_1556 {strides = array<i32>} : memref<3x80x128xf32, #tpu.memory_space<vmem>>, vector<1x1x16xf32>,
        }
        %scan3A_1193 = arith.constant 16 : i32
        %get3A_1194 = arith.index_cast %mul3A_1141 : i32 to index
        %get3A_1195 = arith.constant 32 : index
        %get3A_1196 = tpu.vector_load %arg9[%get3A_1194, %get3A_1195] {strides = array<i32>} : memref<25x80xf32, #tpu.memory_space<vmem>>, vector<1x16xf32>,
        %get3A_1197 = vector.shape_cast %get3A_1196 : vector<1x16xf32> to vector<16xf32>
        %scan3A_1198 = arith.constant 0 : i32
        %scan3A_1199 = arith.constant 0 : i32
        %scan3A_1200 = arith.constant 16 : i32
        %scan3A_1201 = arith.addi %scan3A_1199, %scan3A_1200 : i32
        %scan3A_1202 = arith.constant 1 : i32
        scf.for %scan3A_1441 = %scan3A_1199 to %scan3A_1201 step %scan3A_1202  : i32 {
          %broadcast_in_dim3A_1442 = vector.broadcast %scan3A_1441 : i32 to vector<16x1xi32>
          %gather3A = vector.shape_cast %broadcast_in_dim3A_1442 : vector<16x1xi32> to vector<16xi32>
          %gather3A_1443 = tpu.dynamic_gather %get3A_1197[%gather3A] in [0] : vector<16xf32>, vector<16xi32> -> vector<16xf32>
          %add3A_1444 = arith.constant 32 : i32
          %add3A_1445 = arith.addi %add3A_1444, %scan3A_1441 : i32
          %get3A_1446 = arith.constant 0 : i32
          %get3A_1447 = arith.index_cast %get3A_1446 : i32 to index
          %get3A_1448 = arith.index_cast %add3A_1445 : i32 to index
          %get3A_1449 = arith.constant 0 : index
          %get3A_1450 = tpu.vector_load %arg10[%get3A_1447, %get3A_1448, %get3A_1449] {strides = array<i32>} : memref<3x80x128xf32, #tpu.memory_space<vmem>>, vector<1x1x16xf32>,
          %get3A_1451 = vector.shape_cast %get3A_1450 : vector<1x1x16xf32> to vector<16xf32>
          %mul3A_1452 = arith.mulf %get3A_1451, %gather3A_1443 : vector<16xf32>
          %swap3A = arith.constant 0 : i32
          %swap3A_1453 = arith.index_cast %swap3A : i32 to index
          %swap3A_1454 = arith.index_cast %add3A_1445 : i32 to index
          %swap3A_1455 = arith.constant 0 : index
          %swap3A_1456 = tpu.vector_load %arg10[%swap3A_1453, %swap3A_1454, %swap3A_1455] {strides = array<i32>} : memref<3x80x128xf32, #tpu.memory_space<vmem>>, vector<1x1x16xf32>,
          %swap3A_1457 = vector.shape_cast %swap3A_1456 : vector<1x1x16xf32> to vector<16xf32>
          %swap3A_1458 = vector.shape_cast %mul3A_1452 : vector<16xf32> to vector<1x1x16xf32>
          tpu.vector_store %arg10[%swap3A_1453, %swap3A_1454, %swap3A_1455], %swap3A_1458 {strides = array<i32>} : memref<3x80x128xf32, #tpu.memory_space<vmem>>, vector<1x1x16xf32>,
          %get3A_1459 = arith.constant 0 : i32
          %get3A_1460 = arith.index_cast %get3A_1459 : i32 to index
          %get3A_1461 = arith.index_cast %add3A_1445 : i32 to index
          %get3A_1462 = arith.constant 16 : index
          %get3A_1463 = tpu.vector_load %arg10[%get3A_1460, %get3A_1461, %get3A_1462] {strides = array<i32>} : memref<3x80x128xf32, #tpu.memory_space<vmem>>, vector<1x1x16xf32>,
          %get3A_1464 = vector.shape_cast %get3A_1463 : vector<1x1x16xf32> to vector<16xf32>
          %mul3A_1465 = arith.mulf %get3A_1464, %gather3A_1443 : vector<16xf32>
          %swap3A_1466 = arith.constant 0 : i32
          %swap3A_1467 = arith.index_cast %swap3A_1466 : i32 to index
          %swap3A_1468 = arith.index_cast %add3A_1445 : i32 to index
          %swap3A_1469 = arith.constant 16 : index
          %swap3A_1470 = tpu.vector_load %arg10[%swap3A_1467, %swap3A_1468, %swap3A_1469] {strides = array<i32>} : memref<3x80x128xf32, #tpu.memory_space<vmem>>, vector<1x1x16xf32>,
          %swap3A_1471 = vector.shape_cast %swap3A_1470 : vector<1x1x16xf32> to vector<16xf32>
          %swap3A_1472 = vector.shape_cast %mul3A_1465 : vector<16xf32> to vector<1x1x16xf32>
          tpu.vector_store %arg10[%swap3A_1467, %swap3A_1468, %swap3A_1469], %swap3A_1472 {strides = array<i32>} : memref<3x80x128xf32, #tpu.memory_space<vmem>>, vector<1x1x16xf32>,
          %get3A_1473 = arith.constant 0 : i32
          %get3A_1474 = arith.index_cast %get3A_1473 : i32 to index
          %get3A_1475 = arith.index_cast %add3A_1445 : i32 to index
          %get3A_1476 = arith.constant 32 : index
          %get3A_1477 = tpu.vector_load %arg10[%get3A_1474, %get3A_1475, %get3A_1476] {strides = array<i32>} : memref<3x80x128xf32, #tpu.memory_space<vmem>>, vector<1x1x16xf32>,
          %get3A_1478 = vector.shape_cast %get3A_1477 : vector<1x1x16xf32> to vector<16xf32>
          %mul3A_1479 = arith.mulf %get3A_1478, %gather3A_1443 : vector<16xf32>
          %swap3A_1480 = arith.constant 0 : i32
          %swap3A_1481 = arith.index_cast %swap3A_1480 : i32 to index
          %swap3A_1482 = arith.index_cast %add3A_1445 : i32 to index
          %swap3A_1483 = arith.constant 32 : index
          %swap3A_1484 = tpu.vector_load %arg10[%swap3A_1481, %swap3A_1482, %swap3A_1483] {strides = array<i32>} : memref<3x80x128xf32, #tpu.memory_space<vmem>>, vector<1x1x16xf32>,
          %swap3A_1485 = vector.shape_cast %swap3A_1484 : vector<1x1x16xf32> to vector<16xf32>
          %swap3A_1486 = vector.shape_cast %mul3A_1479 : vector<16xf32> to vector<1x1x16xf32>
          tpu.vector_store %arg10[%swap3A_1481, %swap3A_1482, %swap3A_1483], %swap3A_1486 {strides = array<i32>} : memref<3x80x128xf32, #tpu.memory_space<vmem>>, vector<1x1x16xf32>,
          %get3A_1487 = arith.constant 0 : i32
          %get3A_1488 = arith.index_cast %get3A_1487 : i32 to index
          %get3A_1489 = arith.index_cast %add3A_1445 : i32 to index
          %get3A_1490 = arith.constant 48 : index
          %get3A_1491 = tpu.vector_load %arg10[%get3A_1488, %get3A_1489, %get3A_1490] {strides = array<i32>} : memref<3x80x128xf32, #tpu.memory_space<vmem>>, vector<1x1x16xf32>,
          %get3A_1492 = vector.shape_cast %get3A_1491 : vector<1x1x16xf32> to vector<16xf32>
          %mul3A_1493 = arith.mulf %get3A_1492, %gather3A_1443 : vector<16xf32>
          %swap3A_1494 = arith.constant 0 : i32
          %swap3A_1495 = arith.index_cast %swap3A_1494 : i32 to index
          %swap3A_1496 = arith.index_cast %add3A_1445 : i32 to index
          %swap3A_1497 = arith.constant 48 : index
          %swap3A_1498 = tpu.vector_load %arg10[%swap3A_1495, %swap3A_1496, %swap3A_1497] {strides = array<i32>} : memref<3x80x128xf32, #tpu.memory_space<vmem>>, vector<1x1x16xf32>,
          %swap3A_1499 = vector.shape_cast %swap3A_1498 : vector<1x1x16xf32> to vector<16xf32>
          %swap3A_1500 = vector.shape_cast %mul3A_1493 : vector<16xf32> to vector<1x1x16xf32>
          tpu.vector_store %arg10[%swap3A_1495, %swap3A_1496, %swap3A_1497], %swap3A_1500 {strides = array<i32>} : memref<3x80x128xf32, #tpu.memory_space<vmem>>, vector<1x1x16xf32>,
          %get3A_1501 = arith.constant 0 : i32
          %get3A_1502 = arith.index_cast %get3A_1501 : i32 to index
          %get3A_1503 = arith.index_cast %add3A_1445 : i32 to index
          %get3A_1504 = arith.constant 64 : index
          %get3A_1505 = tpu.vector_load %arg10[%get3A_1502, %get3A_1503, %get3A_1504] {strides = array<i32>} : memref<3x80x128xf32, #tpu.memory_space<vmem>>, vector<1x1x16xf32>,
          %get3A_1506 = vector.shape_cast %get3A_1505 : vector<1x1x16xf32> to vector<16xf32>
          %mul3A_1507 = arith.mulf %get3A_1506, %gather3A_1443 : vector<16xf32>
          %swap3A_1508 = arith.constant 0 : i32
          %swap3A_1509 = arith.index_cast %swap3A_1508 : i32 to index
          %swap3A_1510 = arith.index_cast %add3A_1445 : i32 to index
          %swap3A_1511 = arith.constant 64 : index
          %swap3A_1512 = tpu.vector_load %arg10[%swap3A_1509, %swap3A_1510, %swap3A_1511] {strides = array<i32>} : memref<3x80x128xf32, #tpu.memory_space<vmem>>, vector<1x1x16xf32>,
          %swap3A_1513 = vector.shape_cast %swap3A_1512 : vector<1x1x16xf32> to vector<16xf32>
          %swap3A_1514 = vector.shape_cast %mul3A_1507 : vector<16xf32> to vector<1x1x16xf32>
          tpu.vector_store %arg10[%swap3A_1509, %swap3A_1510, %swap3A_1511], %swap3A_1514 {strides = array<i32>} : memref<3x80x128xf32, #tpu.memory_space<vmem>>, vector<1x1x16xf32>,
          %get3A_1515 = arith.constant 0 : i32
          %get3A_1516 = arith.index_cast %get3A_1515 : i32 to index
          %get3A_1517 = arith.index_cast %add3A_1445 : i32 to index
          %get3A_1518 = arith.constant 80 : index
          %get3A_1519 = tpu.vector_load %arg10[%get3A_1516, %get3A_1517, %get3A_1518] {strides = array<i32>} : memref<3x80x128xf32, #tpu.memory_space<vmem>>, vector<1x1x16xf32>,
          %get3A_1520 = vector.shape_cast %get3A_1519 : vector<1x1x16xf32> to vector<16xf32>
          %mul3A_1521 = arith.mulf %get3A_1520, %gather3A_1443 : vector<16xf32>
          %swap3A_1522 = arith.constant 0 : i32
          %swap3A_1523 = arith.index_cast %swap3A_1522 : i32 to index
          %swap3A_1524 = arith.index_cast %add3A_1445 : i32 to index
          %swap3A_1525 = arith.constant 80 : index
          %swap3A_1526 = tpu.vector_load %arg10[%swap3A_1523, %swap3A_1524, %swap3A_1525] {strides = array<i32>} : memref<3x80x128xf32, #tpu.memory_space<vmem>>, vector<1x1x16xf32>,
          %swap3A_1527 = vector.shape_cast %swap3A_1526 : vector<1x1x16xf32> to vector<16xf32>
          %swap3A_1528 = vector.shape_cast %mul3A_1521 : vector<16xf32> to vector<1x1x16xf32>
          tpu.vector_store %arg10[%swap3A_1523, %swap3A_1524, %swap3A_1525], %swap3A_1528 {strides = array<i32>} : memref<3x80x128xf32, #tpu.memory_space<vmem>>, vector<1x1x16xf32>,
          %get3A_1529 = arith.constant 0 : i32
          %get3A_1530 = arith.index_cast %get3A_1529 : i32 to index
          %get3A_1531 = arith.index_cast %add3A_1445 : i32 to index
          %get3A_1532 = arith.constant 96 : index
          %get3A_1533 = tpu.vector_load %arg10[%get3A_1530, %get3A_1531, %get3A_1532] {strides = array<i32>} : memref<3x80x128xf32, #tpu.memory_space<vmem>>, vector<1x1x16xf32>,
          %get3A_1534 = vector.shape_cast %get3A_1533 : vector<1x1x16xf32> to vector<16xf32>
          %mul3A_1535 = arith.mulf %get3A_1534, %gather3A_1443 : vector<16xf32>
          %swap3A_1536 = arith.constant 0 : i32
          %swap3A_1537 = arith.index_cast %swap3A_1536 : i32 to index
          %swap3A_1538 = arith.index_cast %add3A_1445 : i32 to index
          %swap3A_1539 = arith.constant 96 : index
          %swap3A_1540 = tpu.vector_load %arg10[%swap3A_1537, %swap3A_1538, %swap3A_1539] {strides = array<i32>} : memref<3x80x128xf32, #tpu.memory_space<vmem>>, vector<1x1x16xf32>,
          %swap3A_1541 = vector.shape_cast %swap3A_1540 : vector<1x1x16xf32> to vector<16xf32>
          %swap3A_1542 = vector.shape_cast %mul3A_1535 : vector<16xf32> to vector<1x1x16xf32>
          tpu.vector_store %arg10[%swap3A_1537, %swap3A_1538, %swap3A_1539], %swap3A_1542 {strides = array<i32>} : memref<3x80x128xf32, #tpu.memory_space<vmem>>, vector<1x1x16xf32>,
          %get3A_1543 = arith.constant 0 : i32
          %get3A_1544 = arith.index_cast %get3A_1543 : i32 to index
          %get3A_1545 = arith.index_cast %add3A_1445 : i32 to index
          %get3A_1546 = arith.constant 112 : index
          %get3A_1547 = tpu.vector_load %arg10[%get3A_1544, %get3A_1545, %get3A_1546] {strides = array<i32>} : memref<3x80x128xf32, #tpu.memory_space<vmem>>, vector<1x1x16xf32>,
          %get3A_1548 = vector.shape_cast %get3A_1547 : vector<1x1x16xf32> to vector<16xf32>
          %mul3A_1549 = arith.mulf %get3A_1548, %gather3A_1443 : vector<16xf32>
          %swap3A_1550 = arith.constant 0 : i32
          %swap3A_1551 = arith.index_cast %swap3A_1550 : i32 to index
          %swap3A_1552 = arith.index_cast %add3A_1445 : i32 to index
          %swap3A_1553 = arith.constant 112 : index
          %swap3A_1554 = tpu.vector_load %arg10[%swap3A_1551, %swap3A_1552, %swap3A_1553] {strides = array<i32>} : memref<3x80x128xf32, #tpu.memory_space<vmem>>, vector<1x1x16xf32>,
          %swap3A_1555 = vector.shape_cast %swap3A_1554 : vector<1x1x16xf32> to vector<16xf32>
          %swap3A_1556 = vector.shape_cast %mul3A_1549 : vector<16xf32> to vector<1x1x16xf32>
          tpu.vector_store %arg10[%swap3A_1551, %swap3A_1552, %swap3A_1553], %swap3A_1556 {strides = array<i32>} : memref<3x80x128xf32, #tpu.memory_space<vmem>>, vector<1x1x16xf32>,
        }
        %scan3A_1203 = arith.constant 16 : i32
        %get3A_1204 = arith.index_cast %mul3A_1141 : i32 to index
        %get3A_1205 = arith.constant 48 : index
        %get3A_1206 = tpu.vector_load %arg9[%get3A_1204, %get3A_1205] {strides = array<i32>} : memref<25x80xf32, #tpu.memory_space<vmem>>, vector<1x16xf32>,
        %get3A_1207 = vector.shape_cast %get3A_1206 : vector<1x16xf32> to vector<16xf32>
        %scan3A_1208 = arith.constant 0 : i32
        %scan3A_1209 = arith.constant 0 : i32
        %scan3A_1210 = arith.constant 16 : i32
        %scan3A_1211 = arith.addi %scan3A_1209, %scan3A_1210 : i32
        %scan3A_1212 = arith.constant 1 : i32
        scf.for %scan3A_1441 = %scan3A_1209 to %scan3A_1211 step %scan3A_1212  : i32 {
          %broadcast_in_dim3A_1442 = vector.broadcast %scan3A_1441 : i32 to vector<16x1xi32>
          %gather3A = vector.shape_cast %broadcast_in_dim3A_1442 : vector<16x1xi32> to vector<16xi32>
          %gather3A_1443 = tpu.dynamic_gather %get3A_1207[%gather3A] in [0] : vector<16xf32>, vector<16xi32> -> vector<16xf32>
          %add3A_1444 = arith.constant 48 : i32
          %add3A_1445 = arith.addi %add3A_1444, %scan3A_1441 : i32
          %get3A_1446 = arith.constant 0 : i32
          %get3A_1447 = arith.index_cast %get3A_1446 : i32 to index
          %get3A_1448 = arith.index_cast %add3A_1445 : i32 to index
          %get3A_1449 = arith.constant 0 : index
          %get3A_1450 = tpu.vector_load %arg10[%get3A_1447, %get3A_1448, %get3A_1449] {strides = array<i32>} : memref<3x80x128xf32, #tpu.memory_space<vmem>>, vector<1x1x16xf32>,
          %get3A_1451 = vector.shape_cast %get3A_1450 : vector<1x1x16xf32> to vector<16xf32>
          %mul3A_1452 = arith.mulf %get3A_1451, %gather3A_1443 : vector<16xf32>
          %swap3A = arith.constant 0 : i32
          %swap3A_1453 = arith.index_cast %swap3A : i32 to index
          %swap3A_1454 = arith.index_cast %add3A_1445 : i32 to index
          %swap3A_1455 = arith.constant 0 : index
          %swap3A_1456 = tpu.vector_load %arg10[%swap3A_1453, %swap3A_1454, %swap3A_1455] {strides = array<i32>} : memref<3x80x128xf32, #tpu.memory_space<vmem>>, vector<1x1x16xf32>,
          %swap3A_1457 = vector.shape_cast %swap3A_1456 : vector<1x1x16xf32> to vector<16xf32>
          %swap3A_1458 = vector.shape_cast %mul3A_1452 : vector<16xf32> to vector<1x1x16xf32>
          tpu.vector_store %arg10[%swap3A_1453, %swap3A_1454, %swap3A_1455], %swap3A_1458 {strides = array<i32>} : memref<3x80x128xf32, #tpu.memory_space<vmem>>, vector<1x1x16xf32>,
          %get3A_1459 = arith.constant 0 : i32
          %get3A_1460 = arith.index_cast %get3A_1459 : i32 to index
          %get3A_1461 = arith.index_cast %add3A_1445 : i32 to index
          %get3A_1462 = arith.constant 16 : index
          %get3A_1463 = tpu.vector_load %arg10[%get3A_1460, %get3A_1461, %get3A_1462] {strides = array<i32>} : memref<3x80x128xf32, #tpu.memory_space<vmem>>, vector<1x1x16xf32>,
          %get3A_1464 = vector.shape_cast %get3A_1463 : vector<1x1x16xf32> to vector<16xf32>
          %mul3A_1465 = arith.mulf %get3A_1464, %gather3A_1443 : vector<16xf32>
          %swap3A_1466 = arith.constant 0 : i32
          %swap3A_1467 = arith.index_cast %swap3A_1466 : i32 to index
          %swap3A_1468 = arith.index_cast %add3A_1445 : i32 to index
          %swap3A_1469 = arith.constant 16 : index
          %swap3A_1470 = tpu.vector_load %arg10[%swap3A_1467, %swap3A_1468, %swap3A_1469] {strides = array<i32>} : memref<3x80x128xf32, #tpu.memory_space<vmem>>, vector<1x1x16xf32>,
          %swap3A_1471 = vector.shape_cast %swap3A_1470 : vector<1x1x16xf32> to vector<16xf32>
          %swap3A_1472 = vector.shape_cast %mul3A_1465 : vector<16xf32> to vector<1x1x16xf32>
          tpu.vector_store %arg10[%swap3A_1467, %swap3A_1468, %swap3A_1469], %swap3A_1472 {strides = array<i32>} : memref<3x80x128xf32, #tpu.memory_space<vmem>>, vector<1x1x16xf32>,
          %get3A_1473 = arith.constant 0 : i32
          %get3A_1474 = arith.index_cast %get3A_1473 : i32 to index
          %get3A_1475 = arith.index_cast %add3A_1445 : i32 to index
          %get3A_1476 = arith.constant 32 : index
          %get3A_1477 = tpu.vector_load %arg10[%get3A_1474, %get3A_1475, %get3A_1476] {strides = array<i32>} : memref<3x80x128xf32, #tpu.memory_space<vmem>>, vector<1x1x16xf32>,
          %get3A_1478 = vector.shape_cast %get3A_1477 : vector<1x1x16xf32> to vector<16xf32>
          %mul3A_1479 = arith.mulf %get3A_1478, %gather3A_1443 : vector<16xf32>
          %swap3A_1480 = arith.constant 0 : i32
          %swap3A_1481 = arith.index_cast %swap3A_1480 : i32 to index
          %swap3A_1482 = arith.index_cast %add3A_1445 : i32 to index
          %swap3A_1483 = arith.constant 32 : index
          %swap3A_1484 = tpu.vector_load %arg10[%swap3A_1481, %swap3A_1482, %swap3A_1483] {strides = array<i32>} : memref<3x80x128xf32, #tpu.memory_space<vmem>>, vector<1x1x16xf32>,
          %swap3A_1485 = vector.shape_cast %swap3A_1484 : vector<1x1x16xf32> to vector<16xf32>
          %swap3A_1486 = vector.shape_cast %mul3A_1479 : vector<16xf32> to vector<1x1x16xf32>
          tpu.vector_store %arg10[%swap3A_1481, %swap3A_1482, %swap3A_1483], %swap3A_1486 {strides = array<i32>} : memref<3x80x128xf32, #tpu.memory_space<vmem>>, vector<1x1x16xf32>,
          %get3A_1487 = arith.constant 0 : i32
          %get3A_1488 = arith.index_cast %get3A_1487 : i32 to index
          %get3A_1489 = arith.index_cast %add3A_1445 : i32 to index
          %get3A_1490 = arith.constant 48 : index
          %get3A_1491 = tpu.vector_load %arg10[%get3A_1488, %get3A_1489, %get3A_1490] {strides = array<i32>} : memref<3x80x128xf32, #tpu.memory_space<vmem>>, vector<1x1x16xf32>,
          %get3A_1492 = vector.shape_cast %get3A_1491 : vector<1x1x16xf32> to vector<16xf32>
          %mul3A_1493 = arith.mulf %get3A_1492, %gather3A_1443 : vector<16xf32>
          %swap3A_1494 = arith.constant 0 : i32
          %swap3A_1495 = arith.index_cast %swap3A_1494 : i32 to index
          %swap3A_1496 = arith.index_cast %add3A_1445 : i32 to index
          %swap3A_1497 = arith.constant 48 : index
          %swap3A_1498 = tpu.vector_load %arg10[%swap3A_1495, %swap3A_1496, %swap3A_1497] {strides = array<i32>} : memref<3x80x128xf32, #tpu.memory_space<vmem>>, vector<1x1x16xf32>,
          %swap3A_1499 = vector.shape_cast %swap3A_1498 : vector<1x1x16xf32> to vector<16xf32>
          %swap3A_1500 = vector.shape_cast %mul3A_1493 : vector<16xf32> to vector<1x1x16xf32>
          tpu.vector_store %arg10[%swap3A_1495, %swap3A_1496, %swap3A_1497], %swap3A_1500 {strides = array<i32>} : memref<3x80x128xf32, #tpu.memory_space<vmem>>, vector<1x1x16xf32>,
          %get3A_1501 = arith.constant 0 : i32
          %get3A_1502 = arith.index_cast %get3A_1501 : i32 to index
          %get3A_1503 = arith.index_cast %add3A_1445 : i32 to index
          %get3A_1504 = arith.constant 64 : index
          %get3A_1505 = tpu.vector_load %arg10[%get3A_1502, %get3A_1503, %get3A_1504] {strides = array<i32>} : memref<3x80x128xf32, #tpu.memory_space<vmem>>, vector<1x1x16xf32>,
          %get3A_1506 = vector.shape_cast %get3A_1505 : vector<1x1x16xf32> to vector<16xf32>
          %mul3A_1507 = arith.mulf %get3A_1506, %gather3A_1443 : vector<16xf32>
          %swap3A_1508 = arith.constant 0 : i32
          %swap3A_1509 = arith.index_cast %swap3A_1508 : i32 to index
          %swap3A_1510 = arith.index_cast %add3A_1445 : i32 to index
          %swap3A_1511 = arith.constant 64 : index
          %swap3A_1512 = tpu.vector_load %arg10[%swap3A_1509, %swap3A_1510, %swap3A_1511] {strides = array<i32>} : memref<3x80x128xf32, #tpu.memory_space<vmem>>, vector<1x1x16xf32>,
          %swap3A_1513 = vector.shape_cast %swap3A_1512 : vector<1x1x16xf32> to vector<16xf32>
          %swap3A_1514 = vector.shape_cast %mul3A_1507 : vector<16xf32> to vector<1x1x16xf32>
          tpu.vector_store %arg10[%swap3A_1509, %swap3A_1510, %swap3A_1511], %swap3A_1514 {strides = array<i32>} : memref<3x80x128xf32, #tpu.memory_space<vmem>>, vector<1x1x16xf32>,
          %get3A_1515 = arith.constant 0 : i32
          %get3A_1516 = arith.index_cast %get3A_1515 : i32 to index
          %get3A_1517 = arith.index_cast %add3A_1445 : i32 to index
          %get3A_1518 = arith.constant 80 : index
          %get3A_1519 = tpu.vector_load %arg10[%get3A_1516, %get3A_1517, %get3A_1518] {strides = array<i32>} : memref<3x80x128xf32, #tpu.memory_space<vmem>>, vector<1x1x16xf32>,
          %get3A_1520 = vector.shape_cast %get3A_1519 : vector<1x1x16xf32> to vector<16xf32>
          %mul3A_1521 = arith.mulf %get3A_1520, %gather3A_1443 : vector<16xf32>
          %swap3A_1522 = arith.constant 0 : i32
          %swap3A_1523 = arith.index_cast %swap3A_1522 : i32 to index
          %swap3A_1524 = arith.index_cast %add3A_1445 : i32 to index
          %swap3A_1525 = arith.constant 80 : index
          %swap3A_1526 = tpu.vector_load %arg10[%swap3A_1523, %swap3A_1524, %swap3A_1525] {strides = array<i32>} : memref<3x80x128xf32, #tpu.memory_space<vmem>>, vector<1x1x16xf32>,
          %swap3A_1527 = vector.shape_cast %swap3A_1526 : vector<1x1x16xf32> to vector<16xf32>
          %swap3A_1528 = vector.shape_cast %mul3A_1521 : vector<16xf32> to vector<1x1x16xf32>
          tpu.vector_store %arg10[%swap3A_1523, %swap3A_1524, %swap3A_1525], %swap3A_1528 {strides = array<i32>} : memref<3x80x128xf32, #tpu.memory_space<vmem>>, vector<1x1x16xf32>,
          %get3A_1529 = arith.constant 0 : i32
          %get3A_1530 = arith.index_cast %get3A_1529 : i32 to index
          %get3A_1531 = arith.index_cast %add3A_1445 : i32 to index
          %get3A_1532 = arith.constant 96 : index
          %get3A_1533 = tpu.vector_load %arg10[%get3A_1530, %get3A_1531, %get3A_1532] {strides = array<i32>} : memref<3x80x128xf32, #tpu.memory_space<vmem>>, vector<1x1x16xf32>,
          %get3A_1534 = vector.shape_cast %get3A_1533 : vector<1x1x16xf32> to vector<16xf32>
          %mul3A_1535 = arith.mulf %get3A_1534, %gather3A_1443 : vector<16xf32>
          %swap3A_1536 = arith.constant 0 : i32
          %swap3A_1537 = arith.index_cast %swap3A_1536 : i32 to index
          %swap3A_1538 = arith.index_cast %add3A_1445 : i32 to index
          %swap3A_1539 = arith.constant 96 : index
          %swap3A_1540 = tpu.vector_load %arg10[%swap3A_1537, %swap3A_1538, %swap3A_1539] {strides = array<i32>} : memref<3x80x128xf32, #tpu.memory_space<vmem>>, vector<1x1x16xf32>,
          %swap3A_1541 = vector.shape_cast %swap3A_1540 : vector<1x1x16xf32> to vector<16xf32>
          %swap3A_1542 = vector.shape_cast %mul3A_1535 : vector<16xf32> to vector<1x1x16xf32>
          tpu.vector_store %arg10[%swap3A_1537, %swap3A_1538, %swap3A_1539], %swap3A_1542 {strides = array<i32>} : memref<3x80x128xf32, #tpu.memory_space<vmem>>, vector<1x1x16xf32>,
          %get3A_1543 = arith.constant 0 : i32
          %get3A_1544 = arith.index_cast %get3A_1543 : i32 to index
          %get3A_1545 = arith.index_cast %add3A_1445 : i32 to index
          %get3A_1546 = arith.constant 112 : index
          %get3A_1547 = tpu.vector_load %arg10[%get3A_1544, %get3A_1545, %get3A_1546] {strides = array<i32>} : memref<3x80x128xf32, #tpu.memory_space<vmem>>, vector<1x1x16xf32>,
          %get3A_1548 = vector.shape_cast %get3A_1547 : vector<1x1x16xf32> to vector<16xf32>
          %mul3A_1549 = arith.mulf %get3A_1548, %gather3A_1443 : vector<16xf32>
          %swap3A_1550 = arith.constant 0 : i32
          %swap3A_1551 = arith.index_cast %swap3A_1550 : i32 to index
          %swap3A_1552 = arith.index_cast %add3A_1445 : i32 to index
          %swap3A_1553 = arith.constant 112 : index
          %swap3A_1554 = tpu.vector_load %arg10[%swap3A_1551, %swap3A_1552, %swap3A_1553] {strides = array<i32>} : memref<3x80x128xf32, #tpu.memory_space<vmem>>, vector<1x1x16xf32>,
          %swap3A_1555 = vector.shape_cast %swap3A_1554 : vector<1x1x16xf32> to vector<16xf32>
          %swap3A_1556 = vector.shape_cast %mul3A_1549 : vector<16xf32> to vector<1x1x16xf32>
          tpu.vector_store %arg10[%swap3A_1551, %swap3A_1552, %swap3A_1553], %swap3A_1556 {strides = array<i32>} : memref<3x80x128xf32, #tpu.memory_space<vmem>>, vector<1x1x16xf32>,
        }
        %scan3A_1213 = arith.constant 16 : i32
        %get3A_1214 = arith.index_cast %mul3A_1141 : i32 to index
        %get3A_1215 = arith.constant 64 : index
        %get3A_1216 = tpu.vector_load %arg9[%get3A_1214, %get3A_1215] {strides = array<i32>} : memref<25x80xf32, #tpu.memory_space<vmem>>, vector<1x16xf32>,
        %get3A_1217 = vector.shape_cast %get3A_1216 : vector<1x16xf32> to vector<16xf32>
        %scan3A_1218 = arith.constant 0 : i32
        %scan3A_1219 = arith.constant 0 : i32
        %scan3A_1220 = arith.constant 16 : i32
        %scan3A_1221 = arith.addi %scan3A_1219, %scan3A_1220 : i32
        %scan3A_1222 = arith.constant 1 : i32
        scf.for %scan3A_1441 = %scan3A_1219 to %scan3A_1221 step %scan3A_1222  : i32 {
          %broadcast_in_dim3A_1442 = vector.broadcast %scan3A_1441 : i32 to vector<16x1xi32>
          %gather3A = vector.shape_cast %broadcast_in_dim3A_1442 : vector<16x1xi32> to vector<16xi32>
          %gather3A_1443 = tpu.dynamic_gather %get3A_1217[%gather3A] in [0] : vector<16xf32>, vector<16xi32> -> vector<16xf32>
          %add3A_1444 = arith.constant 64 : i32
          %add3A_1445 = arith.addi %add3A_1444, %scan3A_1441 : i32
          %get3A_1446 = arith.constant 0 : i32
          %get3A_1447 = arith.index_cast %get3A_1446 : i32 to index
          %get3A_1448 = arith.index_cast %add3A_1445 : i32 to index
          %get3A_1449 = arith.constant 0 : index
          %get3A_1450 = tpu.vector_load %arg10[%get3A_1447, %get3A_1448, %get3A_1449] {strides = array<i32>} : memref<3x80x128xf32, #tpu.memory_space<vmem>>, vector<1x1x16xf32>,
          %get3A_1451 = vector.shape_cast %get3A_1450 : vector<1x1x16xf32> to vector<16xf32>
          %mul3A_1452 = arith.mulf %get3A_1451, %gather3A_1443 : vector<16xf32>
          %swap3A = arith.constant 0 : i32
          %swap3A_1453 = arith.index_cast %swap3A : i32 to index
          %swap3A_1454 = arith.index_cast %add3A_1445 : i32 to index
          %swap3A_1455 = arith.constant 0 : index
          %swap3A_1456 = tpu.vector_load %arg10[%swap3A_1453, %swap3A_1454, %swap3A_1455] {strides = array<i32>} : memref<3x80x128xf32, #tpu.memory_space<vmem>>, vector<1x1x16xf32>,
          %swap3A_1457 = vector.shape_cast %swap3A_1456 : vector<1x1x16xf32> to vector<16xf32>
          %swap3A_1458 = vector.shape_cast %mul3A_1452 : vector<16xf32> to vector<1x1x16xf32>
          tpu.vector_store %arg10[%swap3A_1453, %swap3A_1454, %swap3A_1455], %swap3A_1458 {strides = array<i32>} : memref<3x80x128xf32, #tpu.memory_space<vmem>>, vector<1x1x16xf32>,
          %get3A_1459 = arith.constant 0 : i32
          %get3A_1460 = arith.index_cast %get3A_1459 : i32 to index
          %get3A_1461 = arith.index_cast %add3A_1445 : i32 to index
          %get3A_1462 = arith.constant 16 : index
          %get3A_1463 = tpu.vector_load %arg10[%get3A_1460, %get3A_1461, %get3A_1462] {strides = array<i32>} : memref<3x80x128xf32, #tpu.memory_space<vmem>>, vector<1x1x16xf32>,
          %get3A_1464 = vector.shape_cast %get3A_1463 : vector<1x1x16xf32> to vector<16xf32>
          %mul3A_1465 = arith.mulf %get3A_1464, %gather3A_1443 : vector<16xf32>
          %swap3A_1466 = arith.constant 0 : i32
          %swap3A_1467 = arith.index_cast %swap3A_1466 : i32 to index
          %swap3A_1468 = arith.index_cast %add3A_1445 : i32 to index
          %swap3A_1469 = arith.constant 16 : index
          %swap3A_1470 = tpu.vector_load %arg10[%swap3A_1467, %swap3A_1468, %swap3A_1469] {strides = array<i32>} : memref<3x80x128xf32, #tpu.memory_space<vmem>>, vector<1x1x16xf32>,
          %swap3A_1471 = vector.shape_cast %swap3A_1470 : vector<1x1x16xf32> to vector<16xf32>
          %swap3A_1472 = vector.shape_cast %mul3A_1465 : vector<16xf32> to vector<1x1x16xf32>
          tpu.vector_store %arg10[%swap3A_1467, %swap3A_1468, %swap3A_1469], %swap3A_1472 {strides = array<i32>} : memref<3x80x128xf32, #tpu.memory_space<vmem>>, vector<1x1x16xf32>,
          %get3A_1473 = arith.constant 0 : i32
          %get3A_1474 = arith.index_cast %get3A_1473 : i32 to index
          %get3A_1475 = arith.index_cast %add3A_1445 : i32 to index
          %get3A_1476 = arith.constant 32 : index
          %get3A_1477 = tpu.vector_load %arg10[%get3A_1474, %get3A_1475, %get3A_1476] {strides = array<i32>} : memref<3x80x128xf32, #tpu.memory_space<vmem>>, vector<1x1x16xf32>,
          %get3A_1478 = vector.shape_cast %get3A_1477 : vector<1x1x16xf32> to vector<16xf32>
          %mul3A_1479 = arith.mulf %get3A_1478, %gather3A_1443 : vector<16xf32>
          %swap3A_1480 = arith.constant 0 : i32
          %swap3A_1481 = arith.index_cast %swap3A_1480 : i32 to index
          %swap3A_1482 = arith.index_cast %add3A_1445 : i32 to index
          %swap3A_1483 = arith.constant 32 : index
          %swap3A_1484 = tpu.vector_load %arg10[%swap3A_1481, %swap3A_1482, %swap3A_1483] {strides = array<i32>} : memref<3x80x128xf32, #tpu.memory_space<vmem>>, vector<1x1x16xf32>,
          %swap3A_1485 = vector.shape_cast %swap3A_1484 : vector<1x1x16xf32> to vector<16xf32>
          %swap3A_1486 = vector.shape_cast %mul3A_1479 : vector<16xf32> to vector<1x1x16xf32>
          tpu.vector_store %arg10[%swap3A_1481, %swap3A_1482, %swap3A_1483], %swap3A_1486 {strides = array<i32>} : memref<3x80x128xf32, #tpu.memory_space<vmem>>, vector<1x1x16xf32>,
          %get3A_1487 = arith.constant 0 : i32
          %get3A_1488 = arith.index_cast %get3A_1487 : i32 to index
          %get3A_1489 = arith.index_cast %add3A_1445 : i32 to index
          %get3A_1490 = arith.constant 48 : index
          %get3A_1491 = tpu.vector_load %arg10[%get3A_1488, %get3A_1489, %get3A_1490] {strides = array<i32>} : memref<3x80x128xf32, #tpu.memory_space<vmem>>, vector<1x1x16xf32>,
          %get3A_1492 = vector.shape_cast %get3A_1491 : vector<1x1x16xf32> to vector<16xf32>
          %mul3A_1493 = arith.mulf %get3A_1492, %gather3A_1443 : vector<16xf32>
          %swap3A_1494 = arith.constant 0 : i32
          %swap3A_1495 = arith.index_cast %swap3A_1494 : i32 to index
          %swap3A_1496 = arith.index_cast %add3A_1445 : i32 to index
          %swap3A_1497 = arith.constant 48 : index
          %swap3A_1498 = tpu.vector_load %arg10[%swap3A_1495, %swap3A_1496, %swap3A_1497] {strides = array<i32>} : memref<3x80x128xf32, #tpu.memory_space<vmem>>, vector<1x1x16xf32>,
          %swap3A_1499 = vector.shape_cast %swap3A_1498 : vector<1x1x16xf32> to vector<16xf32>
          %swap3A_1500 = vector.shape_cast %mul3A_1493 : vector<16xf32> to vector<1x1x16xf32>
          tpu.vector_store %arg10[%swap3A_1495, %swap3A_1496, %swap3A_1497], %swap3A_1500 {strides = array<i32>} : memref<3x80x128xf32, #tpu.memory_space<vmem>>, vector<1x1x16xf32>,
          %get3A_1501 = arith.constant 0 : i32
          %get3A_1502 = arith.index_cast %get3A_1501 : i32 to index
          %get3A_1503 = arith.index_cast %add3A_1445 : i32 to index
          %get3A_1504 = arith.constant 64 : index
          %get3A_1505 = tpu.vector_load %arg10[%get3A_1502, %get3A_1503, %get3A_1504] {strides = array<i32>} : memref<3x80x128xf32, #tpu.memory_space<vmem>>, vector<1x1x16xf32>,
          %get3A_1506 = vector.shape_cast %get3A_1505 : vector<1x1x16xf32> to vector<16xf32>
          %mul3A_1507 = arith.mulf %get3A_1506, %gather3A_1443 : vector<16xf32>
          %swap3A_1508 = arith.constant 0 : i32
          %swap3A_1509 = arith.index_cast %swap3A_1508 : i32 to index
          %swap3A_1510 = arith.index_cast %add3A_1445 : i32 to index
          %swap3A_1511 = arith.constant 64 : index
          %swap3A_1512 = tpu.vector_load %arg10[%swap3A_1509, %swap3A_1510, %swap3A_1511] {strides = array<i32>} : memref<3x80x128xf32, #tpu.memory_space<vmem>>, vector<1x1x16xf32>,
          %swap3A_1513 = vector.shape_cast %swap3A_1512 : vector<1x1x16xf32> to vector<16xf32>
          %swap3A_1514 = vector.shape_cast %mul3A_1507 : vector<16xf32> to vector<1x1x16xf32>
          tpu.vector_store %arg10[%swap3A_1509, %swap3A_1510, %swap3A_1511], %swap3A_1514 {strides = array<i32>} : memref<3x80x128xf32, #tpu.memory_space<vmem>>, vector<1x1x16xf32>,
          %get3A_1515 = arith.constant 0 : i32
          %get3A_1516 = arith.index_cast %get3A_1515 : i32 to index
          %get3A_1517 = arith.index_cast %add3A_1445 : i32 to index
          %get3A_1518 = arith.constant 80 : index
          %get3A_1519 = tpu.vector_load %arg10[%get3A_1516, %get3A_1517, %get3A_1518] {strides = array<i32>} : memref<3x80x128xf32, #tpu.memory_space<vmem>>, vector<1x1x16xf32>,
          %get3A_1520 = vector.shape_cast %get3A_1519 : vector<1x1x16xf32> to vector<16xf32>
          %mul3A_1521 = arith.mulf %get3A_1520, %gather3A_1443 : vector<16xf32>
          %swap3A_1522 = arith.constant 0 : i32
          %swap3A_1523 = arith.index_cast %swap3A_1522 : i32 to index
          %swap3A_1524 = arith.index_cast %add3A_1445 : i32 to index
          %swap3A_1525 = arith.constant 80 : index
          %swap3A_1526 = tpu.vector_load %arg10[%swap3A_1523, %swap3A_1524, %swap3A_1525] {strides = array<i32>} : memref<3x80x128xf32, #tpu.memory_space<vmem>>, vector<1x1x16xf32>,
          %swap3A_1527 = vector.shape_cast %swap3A_1526 : vector<1x1x16xf32> to vector<16xf32>
          %swap3A_1528 = vector.shape_cast %mul3A_1521 : vector<16xf32> to vector<1x1x16xf32>
          tpu.vector_store %arg10[%swap3A_1523, %swap3A_1524, %swap3A_1525], %swap3A_1528 {strides = array<i32>} : memref<3x80x128xf32, #tpu.memory_space<vmem>>, vector<1x1x16xf32>,
          %get3A_1529 = arith.constant 0 : i32
          %get3A_1530 = arith.index_cast %get3A_1529 : i32 to index
          %get3A_1531 = arith.index_cast %add3A_1445 : i32 to index
          %get3A_1532 = arith.constant 96 : index
          %get3A_1533 = tpu.vector_load %arg10[%get3A_1530, %get3A_1531, %get3A_1532] {strides = array<i32>} : memref<3x80x128xf32, #tpu.memory_space<vmem>>, vector<1x1x16xf32>,
          %get3A_1534 = vector.shape_cast %get3A_1533 : vector<1x1x16xf32> to vector<16xf32>
          %mul3A_1535 = arith.mulf %get3A_1534, %gather3A_1443 : vector<16xf32>
          %swap3A_1536 = arith.constant 0 : i32
          %swap3A_1537 = arith.index_cast %swap3A_1536 : i32 to index
          %swap3A_1538 = arith.index_cast %add3A_1445 : i32 to index
          %swap3A_1539 = arith.constant 96 : index
          %swap3A_1540 = tpu.vector_load %arg10[%swap3A_1537, %swap3A_1538, %swap3A_1539] {strides = array<i32>} : memref<3x80x128xf32, #tpu.memory_space<vmem>>, vector<1x1x16xf32>,
          %swap3A_1541 = vector.shape_cast %swap3A_1540 : vector<1x1x16xf32> to vector<16xf32>
          %swap3A_1542 = vector.shape_cast %mul3A_1535 : vector<16xf32> to vector<1x1x16xf32>
          tpu.vector_store %arg10[%swap3A_1537, %swap3A_1538, %swap3A_1539], %swap3A_1542 {strides = array<i32>} : memref<3x80x128xf32, #tpu.memory_space<vmem>>, vector<1x1x16xf32>,
          %get3A_1543 = arith.constant 0 : i32
          %get3A_1544 = arith.index_cast %get3A_1543 : i32 to index
          %get3A_1545 = arith.index_cast %add3A_1445 : i32 to index
          %get3A_1546 = arith.constant 112 : index
          %get3A_1547 = tpu.vector_load %arg10[%get3A_1544, %get3A_1545, %get3A_1546] {strides = array<i32>} : memref<3x80x128xf32, #tpu.memory_space<vmem>>, vector<1x1x16xf32>,
          %get3A_1548 = vector.shape_cast %get3A_1547 : vector<1x1x16xf32> to vector<16xf32>
          %mul3A_1549 = arith.mulf %get3A_1548, %gather3A_1443 : vector<16xf32>
          %swap3A_1550 = arith.constant 0 : i32
          %swap3A_1551 = arith.index_cast %swap3A_1550 : i32 to index
          %swap3A_1552 = arith.index_cast %add3A_1445 : i32 to index
          %swap3A_1553 = arith.constant 112 : index
          %swap3A_1554 = tpu.vector_load %arg10[%swap3A_1551, %swap3A_1552, %swap3A_1553] {strides = array<i32>} : memref<3x80x128xf32, #tpu.memory_space<vmem>>, vector<1x1x16xf32>,
          %swap3A_1555 = vector.shape_cast %swap3A_1554 : vector<1x1x16xf32> to vector<16xf32>
          %swap3A_1556 = vector.shape_cast %mul3A_1549 : vector<16xf32> to vector<1x1x16xf32>
          tpu.vector_store %arg10[%swap3A_1551, %swap3A_1552, %swap3A_1553], %swap3A_1556 {strides = array<i32>} : memref<3x80x128xf32, #tpu.memory_space<vmem>>, vector<1x1x16xf32>,
        }
        %scan3A_1223 = arith.constant 16 : i32
        %dma_start3A_1224 = arith.constant 0 : i32
        %dma_start3A_1225 = arith.constant 0 : i32
        %dma_start3A_1226 = arith.constant 0 : i32
        %dma_start3A_1227 = arith.constant 0 : i32
        %dma_start3A_1228 = tpu.memref_slice %arg10[%dma_start3A_1224, %dma_start3A_1226, %dma_start3A_1227] : memref<3x80x128xf32, #tpu.memory_space<vmem>> -> memref<1x80x128xf32, #tpu.memory_space<vmem>>
        %dma_start3A_1229 = tpu.memref_squeeze %dma_start3A_1228 : memref<1x80x128xf32, #tpu.memory_space<vmem>> -> memref<80x128xf32, #tpu.memory_space<vmem>>
        %dma_start3A_1230 = arith.constant 0 : i32
        %dma_start3A_1231 = tpu.memref_slice %arg8[%mul3A_1141, %dma_start3A_1230] : memref<25x80xi32, #tpu.memory_space<vmem>> -> memref<1x80xi32, #tpu.memory_space<vmem>>
        %dma_start3A_1232 = tpu.memref_squeeze %dma_start3A_1231 : memref<1x80xi32, #tpu.memory_space<vmem>> -> memref<80xi32, #tpu.memory_space<vmem>>
        %dma_start3A_1233 = arith.constant 0 : i32
        %dma_start3A_1234 = arith.constant 0 : i32
        %dma_start3A_1235 = tpu.memref_slice %arg13[%dma_start3A_1233, %dma_start3A_1234] : memref<10240x128xf32, #tpu.memory_space<vmem_shared>> -> memref<10240x128xf32, #tpu.memory_space<vmem_shared>>
        %dma_start3A_1236 = tpu.memref_slice %arg12[%dma_start3A_1225] : memref<3x!tpu.dma_semaphore, #tpu.memory_space<semaphore_mem>> -> memref<1x!tpu.dma_semaphore, #tpu.memory_space<semaphore_mem>>
        %dma_start3A_1237 = tpu.memref_squeeze %dma_start3A_1236 : memref<1x!tpu.dma_semaphore, #tpu.memory_space<semaphore_mem>> -> memref<!tpu.dma_semaphore, #tpu.memory_space<semaphore_mem>>
        tpu.enqueue_indirect_dma source(%dma_start3A_1229 : memref<80x128xf32, #tpu.memory_space<vmem>>) target(%dma_start3A_1235 : memref<10240x128xf32, #tpu.memory_space<vmem_shared>>) offsets(%dma_start3A_1232 : memref<80xi32, #tpu.memory_space<vmem>>) semaphore(%dma_start3A_1237 : memref<!tpu.dma_semaphore, #tpu.memory_space<semaphore_mem>>) {add = true}
        %add3A_1238 = arith.constant 1 : i32
        %add3A_1239 = arith.addi %mul3A_1141, %add3A_1238 : i32
        %dma_wait3A_1240 = arith.constant 1 : i32
        %dma_wait3A_1241 = arith.constant 1 : i32
        %dma_wait3A_1242 = arith.constant 0 : i32
        %dma_wait3A_1243 = arith.constant 0 : i32
        %dma_wait3A_1244 = tpu.memref_slice %arg10[%dma_wait3A_1240, %dma_wait3A_1242, %dma_wait3A_1243] : memref<3x80x128xf32, #tpu.memory_space<vmem>> -> memref<1x80x128xf32, #tpu.memory_space<vmem>>
        %dma_wait3A_1245 = tpu.memref_squeeze %dma_wait3A_1244 : memref<1x80x128xf32, #tpu.memory_space<vmem>> -> memref<80x128xf32, #tpu.memory_space<vmem>>
        %dma_wait3A_1246 = arith.constant 0 : i32
        %dma_wait3A_1247 = tpu.memref_slice %arg7[%add3A_1239, %dma_wait3A_1246] : memref<25x80xi32, #tpu.memory_space<vmem>> -> memref<1x80xi32, #tpu.memory_space<vmem>>
        %dma_wait3A_1248 = tpu.memref_squeeze %dma_wait3A_1247 : memref<1x80xi32, #tpu.memory_space<vmem>> -> memref<80xi32, #tpu.memory_space<vmem>>
        %dma_wait3A_1249 = arith.constant 0 : i32
        %dma_wait3A_1250 = arith.constant 0 : i32
        %dma_wait3A_1251 = tpu.memref_slice %arg2[%dma_wait3A_1249, %dma_wait3A_1250] : memref<10240x128xf32, #tpu.memory_space<hbm>> -> memref<10240x128xf32, #tpu.memory_space<hbm>>
        %dma_wait3A_1252 = tpu.memref_slice %arg11[%dma_wait3A_1241] : memref<3x!tpu.dma_semaphore, #tpu.memory_space<semaphore_mem>> -> memref<1x!tpu.dma_semaphore, #tpu.memory_space<semaphore_mem>>
        %dma_wait3A_1253 = tpu.memref_squeeze %dma_wait3A_1252 : memref<1x!tpu.dma_semaphore, #tpu.memory_space<semaphore_mem>> -> memref<!tpu.dma_semaphore, #tpu.memory_space<semaphore_mem>>
        tpu.wait_indirect_dma semaphore(%dma_wait3A_1253 : memref<!tpu.dma_semaphore, #tpu.memory_space<semaphore_mem>>) src(%dma_wait3A_1251 : memref<10240x128xf32, #tpu.memory_space<hbm>>) dst(%dma_wait3A_1245 : memref<80x128xf32, #tpu.memory_space<vmem>>)
        %dma_wait3A_1254 = arith.constant 0 : i32
        %dma_wait3A_1255 = arith.constant 0 : i32
        %dma_wait3A_1256 = arith.constant 0 : i32
        %dma_wait3A_1257 = arith.constant 0 : i32
        %dma_wait3A_1258 = arith.constant 0 : i32
        %dma_wait3A_1259 = tpu.memref_slice %arg10[%dma_wait3A_1254, %dma_wait3A_1257, %dma_wait3A_1258] : memref<3x80x128xf32, #tpu.memory_space<vmem>> -> memref<1x80x128xf32, #tpu.memory_space<vmem>>
        %dma_wait3A_1260 = tpu.memref_squeeze %dma_wait3A_1259 : memref<1x80x128xf32, #tpu.memory_space<vmem>> -> memref<80x128xf32, #tpu.memory_space<vmem>>
        %dma_wait3A_1261 = arith.constant 0 : i32
        %dma_wait3A_1262 = tpu.memref_slice %arg8[%dma_wait3A_1255, %dma_wait3A_1261] : memref<25x80xi32, #tpu.memory_space<vmem>> -> memref<1x80xi32, #tpu.memory_space<vmem>>
        %dma_wait3A_1263 = tpu.memref_squeeze %dma_wait3A_1262 : memref<1x80xi32, #tpu.memory_space<vmem>> -> memref<80xi32, #tpu.memory_space<vmem>>
        %dma_wait3A_1264 = arith.constant 0 : i32
        %dma_wait3A_1265 = arith.constant 0 : i32
        %dma_wait3A_1266 = tpu.memref_slice %arg13[%dma_wait3A_1264, %dma_wait3A_1265] : memref<10240x128xf32, #tpu.memory_space<vmem_shared>> -> memref<10240x128xf32, #tpu.memory_space<vmem_shared>>
        %dma_wait3A_1267 = tpu.memref_slice %arg12[%dma_wait3A_1256] : memref<3x!tpu.dma_semaphore, #tpu.memory_space<semaphore_mem>> -> memref<1x!tpu.dma_semaphore, #tpu.memory_space<semaphore_mem>>
        %dma_wait3A_1268 = tpu.memref_squeeze %dma_wait3A_1267 : memref<1x!tpu.dma_semaphore, #tpu.memory_space<semaphore_mem>> -> memref<!tpu.dma_semaphore, #tpu.memory_space<semaphore_mem>>
        tpu.wait_indirect_dma semaphore(%dma_wait3A_1268 : memref<!tpu.dma_semaphore, #tpu.memory_space<semaphore_mem>>) src(%dma_wait3A_1260 : memref<80x128xf32, #tpu.memory_space<vmem>>) dst(%dma_wait3A_1266 : memref<10240x128xf32, #tpu.memory_space<vmem_shared>>)
        %add3A_1269 = arith.constant 3 : i32
        %add3A_1270 = arith.addi %mul3A_1141, %add3A_1269 : i32
        %dma_start3A_1271 = arith.constant 0 : i32
        %dma_start3A_1272 = arith.constant 0 : i32
        %dma_start3A_1273 = arith.constant 0 : i32
        %dma_start3A_1274 = arith.constant 0 : i32
        %dma_start3A_1275 = tpu.memref_slice %arg10[%dma_start3A_1271, %dma_start3A_1273, %dma_start3A_1274] : memref<3x80x128xf32, #tpu.memory_space<vmem>> -> memref<1x80x128xf32, #tpu.memory_space<vmem>>
        %dma_start3A_1276 = tpu.memref_squeeze %dma_start3A_1275 : memref<1x80x128xf32, #tpu.memory_space<vmem>> -> memref<80x128xf32, #tpu.memory_space<vmem>>
        %dma_start3A_1277 = arith.constant 0 : i32
        %dma_start3A_1278 = tpu.memref_slice %arg7[%add3A_1270, %dma_start3A_1277] : memref<25x80xi32, #tpu.memory_space<vmem>> -> memref<1x80xi32, #tpu.memory_space<vmem>>
        %dma_start3A_1279 = tpu.memref_squeeze %dma_start3A_1278 : memref<1x80xi32, #tpu.memory_space<vmem>> -> memref<80xi32, #tpu.memory_space<vmem>>
        %dma_start3A_1280 = arith.constant 0 : i32
        %dma_start3A_1281 = arith.constant 0 : i32
        %dma_start3A_1282 = tpu.memref_slice %arg2[%dma_start3A_1280, %dma_start3A_1281] : memref<10240x128xf32, #tpu.memory_space<hbm>> -> memref<10240x128xf32, #tpu.memory_space<hbm>>
        %dma_start3A_1283 = tpu.memref_slice %arg11[%dma_start3A_1272] : memref<3x!tpu.dma_semaphore, #tpu.memory_space<semaphore_mem>> -> memref<1x!tpu.dma_semaphore, #tpu.memory_space<semaphore_mem>>
        %dma_start3A_1284 = tpu.memref_squeeze %dma_start3A_1283 : memref<1x!tpu.dma_semaphore, #tpu.memory_space<semaphore_mem>> -> memref<!tpu.dma_semaphore, #tpu.memory_space<semaphore_mem>>
        tpu.enqueue_indirect_dma source(%dma_start3A_1282 : memref<10240x128xf32, #tpu.memory_space<hbm>>) target(%dma_start3A_1276 : memref<80x128xf32, #tpu.memory_space<vmem>>) offsets(%dma_start3A_1279 : memref<80xi32, #tpu.memory_space<vmem>>) semaphore(%dma_start3A_1284 : memref<!tpu.dma_semaphore, #tpu.memory_space<semaphore_mem>>)
        %add3A_1285 = arith.constant 1 : i32
        %add3A_1286 = arith.addi %mul3A_1141, %add3A_1285 : i32
        %get3A_1287 = arith.index_cast %add3A_1286 : i32 to index
        %get3A_1288 = arith.constant 0 : index
        %get3A_1289 = tpu.vector_load %arg9[%get3A_1287, %get3A_1288] {strides = array<i32>} : memref<25x80xf32, #tpu.memory_space<vmem>>, vector<1x16xf32>,
        %get3A_1290 = vector.shape_cast %get3A_1289 : vector<1x16xf32> to vector<16xf32>
        %scan3A_1291 = arith.constant 0 : i32
        %scan3A_1292 = arith.constant 0 : i32
        %scan3A_1293 = arith.constant 16 : i32
        %scan3A_1294 = arith.addi %scan3A_1292, %scan3A_1293 : i32
        %scan3A_1295 = arith.constant 1 : i32
        scf.for %scan3A_1441 = %scan3A_1292 to %scan3A_1294 step %scan3A_1295  : i32 {
          %broadcast_in_dim3A_1442 = vector.broadcast %scan3A_1441 : i32 to vector<16x1xi32>
          %gather3A = vector.shape_cast %broadcast_in_dim3A_1442 : vector<16x1xi32> to vector<16xi32>
          %gather3A_1443 = tpu.dynamic_gather %get3A_1290[%gather3A] in [0] : vector<16xf32>, vector<16xi32> -> vector<16xf32>
          %add3A_1444 = arith.constant 0 : i32
          %add3A_1445 = arith.addi %add3A_1444, %scan3A_1441 : i32
          %get3A_1446 = arith.constant 1 : i32
          %get3A_1447 = arith.index_cast %get3A_1446 : i32 to index
          %get3A_1448 = arith.index_cast %add3A_1445 : i32 to index
          %get3A_1449 = arith.constant 0 : index
          %get3A_1450 = tpu.vector_load %arg10[%get3A_1447, %get3A_1448, %get3A_1449] {strides = array<i32>} : memref<3x80x128xf32, #tpu.memory_space<vmem>>, vector<1x1x16xf32>,
          %get3A_1451 = vector.shape_cast %get3A_1450 : vector<1x1x16xf32> to vector<16xf32>
          %mul3A_1452 = arith.mulf %get3A_1451, %gather3A_1443 : vector<16xf32>
          %swap3A = arith.constant 1 : i32
          %swap3A_1453 = arith.index_cast %swap3A : i32 to index
          %swap3A_1454 = arith.index_cast %add3A_1445 : i32 to index
          %swap3A_1455 = arith.constant 0 : index
          %swap3A_1456 = tpu.vector_load %arg10[%swap3A_1453, %swap3A_1454, %swap3A_1455] {strides = array<i32>} : memref<3x80x128xf32, #tpu.memory_space<vmem>>, vector<1x1x16xf32>,
          %swap3A_1457 = vector.shape_cast %swap3A_1456 : vector<1x1x16xf32> to vector<16xf32>
          %swap3A_1458 = vector.shape_cast %mul3A_1452 : vector<16xf32> to vector<1x1x16xf32>
          tpu.vector_store %arg10[%swap3A_1453, %swap3A_1454, %swap3A_1455], %swap3A_1458 {strides = array<i32>} : memref<3x80x128xf32, #tpu.memory_space<vmem>>, vector<1x1x16xf32>,
          %get3A_1459 = arith.constant 1 : i32
          %get3A_1460 = arith.index_cast %get3A_1459 : i32 to index
          %get3A_1461 = arith.index_cast %add3A_1445 : i32 to index
          %get3A_1462 = arith.constant 16 : index
          %get3A_1463 = tpu.vector_load %arg10[%get3A_1460, %get3A_1461, %get3A_1462] {strides = array<i32>} : memref<3x80x128xf32, #tpu.memory_space<vmem>>, vector<1x1x16xf32>,
          %get3A_1464 = vector.shape_cast %get3A_1463 : vector<1x1x16xf32> to vector<16xf32>
          %mul3A_1465 = arith.mulf %get3A_1464, %gather3A_1443 : vector<16xf32>
          %swap3A_1466 = arith.constant 1 : i32
          %swap3A_1467 = arith.index_cast %swap3A_1466 : i32 to index
          %swap3A_1468 = arith.index_cast %add3A_1445 : i32 to index
          %swap3A_1469 = arith.constant 16 : index
          %swap3A_1470 = tpu.vector_load %arg10[%swap3A_1467, %swap3A_1468, %swap3A_1469] {strides = array<i32>} : memref<3x80x128xf32, #tpu.memory_space<vmem>>, vector<1x1x16xf32>,
          %swap3A_1471 = vector.shape_cast %swap3A_1470 : vector<1x1x16xf32> to vector<16xf32>
          %swap3A_1472 = vector.shape_cast %mul3A_1465 : vector<16xf32> to vector<1x1x16xf32>
          tpu.vector_store %arg10[%swap3A_1467, %swap3A_1468, %swap3A_1469], %swap3A_1472 {strides = array<i32>} : memref<3x80x128xf32, #tpu.memory_space<vmem>>, vector<1x1x16xf32>,
          %get3A_1473 = arith.constant 1 : i32
          %get3A_1474 = arith.index_cast %get3A_1473 : i32 to index
          %get3A_1475 = arith.index_cast %add3A_1445 : i32 to index
          %get3A_1476 = arith.constant 32 : index
          %get3A_1477 = tpu.vector_load %arg10[%get3A_1474, %get3A_1475, %get3A_1476] {strides = array<i32>} : memref<3x80x128xf32, #tpu.memory_space<vmem>>, vector<1x1x16xf32>,
          %get3A_1478 = vector.shape_cast %get3A_1477 : vector<1x1x16xf32> to vector<16xf32>
          %mul3A_1479 = arith.mulf %get3A_1478, %gather3A_1443 : vector<16xf32>
          %swap3A_1480 = arith.constant 1 : i32
          %swap3A_1481 = arith.index_cast %swap3A_1480 : i32 to index
          %swap3A_1482 = arith.index_cast %add3A_1445 : i32 to index
          %swap3A_1483 = arith.constant 32 : index
          %swap3A_1484 = tpu.vector_load %arg10[%swap3A_1481, %swap3A_1482, %swap3A_1483] {strides = array<i32>} : memref<3x80x128xf32, #tpu.memory_space<vmem>>, vector<1x1x16xf32>,
          %swap3A_1485 = vector.shape_cast %swap3A_1484 : vector<1x1x16xf32> to vector<16xf32>
          %swap3A_1486 = vector.shape_cast %mul3A_1479 : vector<16xf32> to vector<1x1x16xf32>
          tpu.vector_store %arg10[%swap3A_1481, %swap3A_1482, %swap3A_1483], %swap3A_1486 {strides = array<i32>} : memref<3x80x128xf32, #tpu.memory_space<vmem>>, vector<1x1x16xf32>,
          %get3A_1487 = arith.constant 1 : i32
          %get3A_1488 = arith.index_cast %get3A_1487 : i32 to index
          %get3A_1489 = arith.index_cast %add3A_1445 : i32 to index
          %get3A_1490 = arith.constant 48 : index
          %get3A_1491 = tpu.vector_load %arg10[%get3A_1488, %get3A_1489, %get3A_1490] {strides = array<i32>} : memref<3x80x128xf32, #tpu.memory_space<vmem>>, vector<1x1x16xf32>,
          %get3A_1492 = vector.shape_cast %get3A_1491 : vector<1x1x16xf32> to vector<16xf32>
          %mul3A_1493 = arith.mulf %get3A_1492, %gather3A_1443 : vector<16xf32>
          %swap3A_1494 = arith.constant 1 : i32
          %swap3A_1495 = arith.index_cast %swap3A_1494 : i32 to index
          %swap3A_1496 = arith.index_cast %add3A_1445 : i32 to index
          %swap3A_1497 = arith.constant 48 : index
          %swap3A_1498 = tpu.vector_load %arg10[%swap3A_1495, %swap3A_1496, %swap3A_1497] {strides = array<i32>} : memref<3x80x128xf32, #tpu.memory_space<vmem>>, vector<1x1x16xf32>,
          %swap3A_1499 = vector.shape_cast %swap3A_1498 : vector<1x1x16xf32> to vector<16xf32>
          %swap3A_1500 = vector.shape_cast %mul3A_1493 : vector<16xf32> to vector<1x1x16xf32>
          tpu.vector_store %arg10[%swap3A_1495, %swap3A_1496, %swap3A_1497], %swap3A_1500 {strides = array<i32>} : memref<3x80x128xf32, #tpu.memory_space<vmem>>, vector<1x1x16xf32>,
          %get3A_1501 = arith.constant 1 : i32
          %get3A_1502 = arith.index_cast %get3A_1501 : i32 to index
          %get3A_1503 = arith.index_cast %add3A_1445 : i32 to index
          %get3A_1504 = arith.constant 64 : index
          %get3A_1505 = tpu.vector_load %arg10[%get3A_1502, %get3A_1503, %get3A_1504] {strides = array<i32>} : memref<3x80x128xf32, #tpu.memory_space<vmem>>, vector<1x1x16xf32>,
          %get3A_1506 = vector.shape_cast %get3A_1505 : vector<1x1x16xf32> to vector<16xf32>
          %mul3A_1507 = arith.mulf %get3A_1506, %gather3A_1443 : vector<16xf32>
          %swap3A_1508 = arith.constant 1 : i32
          %swap3A_1509 = arith.index_cast %swap3A_1508 : i32 to index
          %swap3A_1510 = arith.index_cast %add3A_1445 : i32 to index
          %swap3A_1511 = arith.constant 64 : index
          %swap3A_1512 = tpu.vector_load %arg10[%swap3A_1509, %swap3A_1510, %swap3A_1511] {strides = array<i32>} : memref<3x80x128xf32, #tpu.memory_space<vmem>>, vector<1x1x16xf32>,
          %swap3A_1513 = vector.shape_cast %swap3A_1512 : vector<1x1x16xf32> to vector<16xf32>
          %swap3A_1514 = vector.shape_cast %mul3A_1507 : vector<16xf32> to vector<1x1x16xf32>
          tpu.vector_store %arg10[%swap3A_1509, %swap3A_1510, %swap3A_1511], %swap3A_1514 {strides = array<i32>} : memref<3x80x128xf32, #tpu.memory_space<vmem>>, vector<1x1x16xf32>,
          %get3A_1515 = arith.constant 1 : i32
          %get3A_1516 = arith.index_cast %get3A_1515 : i32 to index
          %get3A_1517 = arith.index_cast %add3A_1445 : i32 to index
          %get3A_1518 = arith.constant 80 : index
          %get3A_1519 = tpu.vector_load %arg10[%get3A_1516, %get3A_1517, %get3A_1518] {strides = array<i32>} : memref<3x80x128xf32, #tpu.memory_space<vmem>>, vector<1x1x16xf32>,
          %get3A_1520 = vector.shape_cast %get3A_1519 : vector<1x1x16xf32> to vector<16xf32>
          %mul3A_1521 = arith.mulf %get3A_1520, %gather3A_1443 : vector<16xf32>
          %swap3A_1522 = arith.constant 1 : i32
          %swap3A_1523 = arith.index_cast %swap3A_1522 : i32 to index
          %swap3A_1524 = arith.index_cast %add3A_1445 : i32 to index
          %swap3A_1525 = arith.constant 80 : index
          %swap3A_1526 = tpu.vector_load %arg10[%swap3A_1523, %swap3A_1524, %swap3A_1525] {strides = array<i32>} : memref<3x80x128xf32, #tpu.memory_space<vmem>>, vector<1x1x16xf32>,
          %swap3A_1527 = vector.shape_cast %swap3A_1526 : vector<1x1x16xf32> to vector<16xf32>
          %swap3A_1528 = vector.shape_cast %mul3A_1521 : vector<16xf32> to vector<1x1x16xf32>
          tpu.vector_store %arg10[%swap3A_1523, %swap3A_1524, %swap3A_1525], %swap3A_1528 {strides = array<i32>} : memref<3x80x128xf32, #tpu.memory_space<vmem>>, vector<1x1x16xf32>,
          %get3A_1529 = arith.constant 1 : i32
          %get3A_1530 = arith.index_cast %get3A_1529 : i32 to index
          %get3A_1531 = arith.index_cast %add3A_1445 : i32 to index
          %get3A_1532 = arith.constant 96 : index
          %get3A_1533 = tpu.vector_load %arg10[%get3A_1530, %get3A_1531, %get3A_1532] {strides = array<i32>} : memref<3x80x128xf32, #tpu.memory_space<vmem>>, vector<1x1x16xf32>,
          %get3A_1534 = vector.shape_cast %get3A_1533 : vector<1x1x16xf32> to vector<16xf32>
          %mul3A_1535 = arith.mulf %get3A_1534, %gather3A_1443 : vector<16xf32>
          %swap3A_1536 = arith.constant 1 : i32
          %swap3A_1537 = arith.index_cast %swap3A_1536 : i32 to index
          %swap3A_1538 = arith.index_cast %add3A_1445 : i32 to index
          %swap3A_1539 = arith.constant 96 : index
          %swap3A_1540 = tpu.vector_load %arg10[%swap3A_1537, %swap3A_1538, %swap3A_1539] {strides = array<i32>} : memref<3x80x128xf32, #tpu.memory_space<vmem>>, vector<1x1x16xf32>,
          %swap3A_1541 = vector.shape_cast %swap3A_1540 : vector<1x1x16xf32> to vector<16xf32>
          %swap3A_1542 = vector.shape_cast %mul3A_1535 : vector<16xf32> to vector<1x1x16xf32>
          tpu.vector_store %arg10[%swap3A_1537, %swap3A_1538, %swap3A_1539], %swap3A_1542 {strides = array<i32>} : memref<3x80x128xf32, #tpu.memory_space<vmem>>, vector<1x1x16xf32>,
          %get3A_1543 = arith.constant 1 : i32
          %get3A_1544 = arith.index_cast %get3A_1543 : i32 to index
          %get3A_1545 = arith.index_cast %add3A_1445 : i32 to index
          %get3A_1546 = arith.constant 112 : index
          %get3A_1547 = tpu.vector_load %arg10[%get3A_1544, %get3A_1545, %get3A_1546] {strides = array<i32>} : memref<3x80x128xf32, #tpu.memory_space<vmem>>, vector<1x1x16xf32>,
          %get3A_1548 = vector.shape_cast %get3A_1547 : vector<1x1x16xf32> to vector<16xf32>
          %mul3A_1549 = arith.mulf %get3A_1548, %gather3A_1443 : vector<16xf32>
          %swap3A_1550 = arith.constant 1 : i32
          %swap3A_1551 = arith.index_cast %swap3A_1550 : i32 to index
          %swap3A_1552 = arith.index_cast %add3A_1445 : i32 to index
          %swap3A_1553 = arith.constant 112 : index
          %swap3A_1554 = tpu.vector_load %arg10[%swap3A_1551, %swap3A_1552, %swap3A_1553] {strides = array<i32>} : memref<3x80x128xf32, #tpu.memory_space<vmem>>, vector<1x1x16xf32>,
          %swap3A_1555 = vector.shape_cast %swap3A_1554 : vector<1x1x16xf32> to vector<16xf32>
          %swap3A_1556 = vector.shape_cast %mul3A_1549 : vector<16xf32> to vector<1x1x16xf32>
          tpu.vector_store %arg10[%swap3A_1551, %swap3A_1552, %swap3A_1553], %swap3A_1556 {strides = array<i32>} : memref<3x80x128xf32, #tpu.memory_space<vmem>>, vector<1x1x16xf32>,
        }
        %scan3A_1296 = arith.constant 16 : i32
        %get3A_1297 = arith.index_cast %add3A_1286 : i32 to index
        %get3A_1298 = arith.constant 16 : index
        %get3A_1299 = tpu.vector_load %arg9[%get3A_1297, %get3A_1298] {strides = array<i32>} : memref<25x80xf32, #tpu.memory_space<vmem>>, vector<1x16xf32>,
        %get3A_1300 = vector.shape_cast %get3A_1299 : vector<1x16xf32> to vector<16xf32>
        %scan3A_1301 = arith.constant 0 : i32
        %scan3A_1302 = arith.constant 0 : i32
        %scan3A_1303 = arith.constant 16 : i32
        %scan3A_1304 = arith.addi %scan3A_1302, %scan3A_1303 : i32
        %scan3A_1305 = arith.constant 1 : i32
        scf.for %scan3A_1441 = %scan3A_1302 to %scan3A_1304 step %scan3A_1305  : i32 {
          %broadcast_in_dim3A_1442 = vector.broadcast %scan3A_1441 : i32 to vector<16x1xi32>
          %gather3A = vector.shape_cast %broadcast_in_dim3A_1442 : vector<16x1xi32> to vector<16xi32>
          %gather3A_1443 = tpu.dynamic_gather %get3A_1300[%gather3A] in [0] : vector<16xf32>, vector<16xi32> -> vector<16xf32>
          %add3A_1444 = arith.constant 16 : i32
          %add3A_1445 = arith.addi %add3A_1444, %scan3A_1441 : i32
          %get3A_1446 = arith.constant 1 : i32
          %get3A_1447 = arith.index_cast %get3A_1446 : i32 to index
          %get3A_1448 = arith.index_cast %add3A_1445 : i32 to index
          %get3A_1449 = arith.constant 0 : index
          %get3A_1450 = tpu.vector_load %arg10[%get3A_1447, %get3A_1448, %get3A_1449] {strides = array<i32>} : memref<3x80x128xf32, #tpu.memory_space<vmem>>, vector<1x1x16xf32>,
          %get3A_1451 = vector.shape_cast %get3A_1450 : vector<1x1x16xf32> to vector<16xf32>
          %mul3A_1452 = arith.mulf %get3A_1451, %gather3A_1443 : vector<16xf32>
          %swap3A = arith.constant 1 : i32
          %swap3A_1453 = arith.index_cast %swap3A : i32 to index
          %swap3A_1454 = arith.index_cast %add3A_1445 : i32 to index
          %swap3A_1455 = arith.constant 0 : index
          %swap3A_1456 = tpu.vector_load %arg10[%swap3A_1453, %swap3A_1454, %swap3A_1455] {strides = array<i32>} : memref<3x80x128xf32, #tpu.memory_space<vmem>>, vector<1x1x16xf32>,
          %swap3A_1457 = vector.shape_cast %swap3A_1456 : vector<1x1x16xf32> to vector<16xf32>
          %swap3A_1458 = vector.shape_cast %mul3A_1452 : vector<16xf32> to vector<1x1x16xf32>
          tpu.vector_store %arg10[%swap3A_1453, %swap3A_1454, %swap3A_1455], %swap3A_1458 {strides = array<i32>} : memref<3x80x128xf32, #tpu.memory_space<vmem>>, vector<1x1x16xf32>,
          %get3A_1459 = arith.constant 1 : i32
          %get3A_1460 = arith.index_cast %get3A_1459 : i32 to index
          %get3A_1461 = arith.index_cast %add3A_1445 : i32 to index
          %get3A_1462 = arith.constant 16 : index
          %get3A_1463 = tpu.vector_load %arg10[%get3A_1460, %get3A_1461, %get3A_1462] {strides = array<i32>} : memref<3x80x128xf32, #tpu.memory_space<vmem>>, vector<1x1x16xf32>,
          %get3A_1464 = vector.shape_cast %get3A_1463 : vector<1x1x16xf32> to vector<16xf32>
          %mul3A_1465 = arith.mulf %get3A_1464, %gather3A_1443 : vector<16xf32>
          %swap3A_1466 = arith.constant 1 : i32
          %swap3A_1467 = arith.index_cast %swap3A_1466 : i32 to index
          %swap3A_1468 = arith.index_cast %add3A_1445 : i32 to index
          %swap3A_1469 = arith.constant 16 : index
          %swap3A_1470 = tpu.vector_load %arg10[%swap3A_1467, %swap3A_1468, %swap3A_1469] {strides = array<i32>} : memref<3x80x128xf32, #tpu.memory_space<vmem>>, vector<1x1x16xf32>,
          %swap3A_1471 = vector.shape_cast %swap3A_1470 : vector<1x1x16xf32> to vector<16xf32>
          %swap3A_1472 = vector.shape_cast %mul3A_1465 : vector<16xf32> to vector<1x1x16xf32>
          tpu.vector_store %arg10[%swap3A_1467, %swap3A_1468, %swap3A_1469], %swap3A_1472 {strides = array<i32>} : memref<3x80x128xf32, #tpu.memory_space<vmem>>, vector<1x1x16xf32>,
          %get3A_1473 = arith.constant 1 : i32
          %get3A_1474 = arith.index_cast %get3A_1473 : i32 to index
          %get3A_1475 = arith.index_cast %add3A_1445 : i32 to index
          %get3A_1476 = arith.constant 32 : index
          %get3A_1477 = tpu.vector_load %arg10[%get3A_1474, %get3A_1475, %get3A_1476] {strides = array<i32>} : memref<3x80x128xf32, #tpu.memory_space<vmem>>, vector<1x1x16xf32>,
          %get3A_1478 = vector.shape_cast %get3A_1477 : vector<1x1x16xf32> to vector<16xf32>
          %mul3A_1479 = arith.mulf %get3A_1478, %gather3A_1443 : vector<16xf32>
          %swap3A_1480 = arith.constant 1 : i32
          %swap3A_1481 = arith.index_cast %swap3A_1480 : i32 to index
          %swap3A_1482 = arith.index_cast %add3A_1445 : i32 to index
          %swap3A_1483 = arith.constant 32 : index
          %swap3A_1484 = tpu.vector_load %arg10[%swap3A_1481, %swap3A_1482, %swap3A_1483] {strides = array<i32>} : memref<3x80x128xf32, #tpu.memory_space<vmem>>, vector<1x1x16xf32>,
          %swap3A_1485 = vector.shape_cast %swap3A_1484 : vector<1x1x16xf32> to vector<16xf32>
          %swap3A_1486 = vector.shape_cast %mul3A_1479 : vector<16xf32> to vector<1x1x16xf32>
          tpu.vector_store %arg10[%swap3A_1481, %swap3A_1482, %swap3A_1483], %swap3A_1486 {strides = array<i32>} : memref<3x80x128xf32, #tpu.memory_space<vmem>>, vector<1x1x16xf32>,
          %get3A_1487 = arith.constant 1 : i32
          %get3A_1488 = arith.index_cast %get3A_1487 : i32 to index
          %get3A_1489 = arith.index_cast %add3A_1445 : i32 to index
          %get3A_1490 = arith.constant 48 : index
          %get3A_1491 = tpu.vector_load %arg10[%get3A_1488, %get3A_1489, %get3A_1490] {strides = array<i32>} : memref<3x80x128xf32, #tpu.memory_space<vmem>>, vector<1x1x16xf32>,
          %get3A_1492 = vector.shape_cast %get3A_1491 : vector<1x1x16xf32> to vector<16xf32>
          %mul3A_1493 = arith.mulf %get3A_1492, %gather3A_1443 : vector<16xf32>
          %swap3A_1494 = arith.constant 1 : i32
          %swap3A_1495 = arith.index_cast %swap3A_1494 : i32 to index
          %swap3A_1496 = arith.index_cast %add3A_1445 : i32 to index
          %swap3A_1497 = arith.constant 48 : index
          %swap3A_1498 = tpu.vector_load %arg10[%swap3A_1495, %swap3A_1496, %swap3A_1497] {strides = array<i32>} : memref<3x80x128xf32, #tpu.memory_space<vmem>>, vector<1x1x16xf32>,
          %swap3A_1499 = vector.shape_cast %swap3A_1498 : vector<1x1x16xf32> to vector<16xf32>
          %swap3A_1500 = vector.shape_cast %mul3A_1493 : vector<16xf32> to vector<1x1x16xf32>
          tpu.vector_store %arg10[%swap3A_1495, %swap3A_1496, %swap3A_1497], %swap3A_1500 {strides = array<i32>} : memref<3x80x128xf32, #tpu.memory_space<vmem>>, vector<1x1x16xf32>,
          %get3A_1501 = arith.constant 1 : i32
          %get3A_1502 = arith.index_cast %get3A_1501 : i32 to index
          %get3A_1503 = arith.index_cast %add3A_1445 : i32 to index
          %get3A_1504 = arith.constant 64 : index
          %get3A_1505 = tpu.vector_load %arg10[%get3A_1502, %get3A_1503, %get3A_1504] {strides = array<i32>} : memref<3x80x128xf32, #tpu.memory_space<vmem>>, vector<1x1x16xf32>,
          %get3A_1506 = vector.shape_cast %get3A_1505 : vector<1x1x16xf32> to vector<16xf32>
          %mul3A_1507 = arith.mulf %get3A_1506, %gather3A_1443 : vector<16xf32>
          %swap3A_1508 = arith.constant 1 : i32
          %swap3A_1509 = arith.index_cast %swap3A_1508 : i32 to index
          %swap3A_1510 = arith.index_cast %add3A_1445 : i32 to index
          %swap3A_1511 = arith.constant 64 : index
          %swap3A_1512 = tpu.vector_load %arg10[%swap3A_1509, %swap3A_1510, %swap3A_1511] {strides = array<i32>} : memref<3x80x128xf32, #tpu.memory_space<vmem>>, vector<1x1x16xf32>,
          %swap3A_1513 = vector.shape_cast %swap3A_1512 : vector<1x1x16xf32> to vector<16xf32>
          %swap3A_1514 = vector.shape_cast %mul3A_1507 : vector<16xf32> to vector<1x1x16xf32>
          tpu.vector_store %arg10[%swap3A_1509, %swap3A_1510, %swap3A_1511], %swap3A_1514 {strides = array<i32>} : memref<3x80x128xf32, #tpu.memory_space<vmem>>, vector<1x1x16xf32>,
          %get3A_1515 = arith.constant 1 : i32
          %get3A_1516 = arith.index_cast %get3A_1515 : i32 to index
          %get3A_1517 = arith.index_cast %add3A_1445 : i32 to index
          %get3A_1518 = arith.constant 80 : index
          %get3A_1519 = tpu.vector_load %arg10[%get3A_1516, %get3A_1517, %get3A_1518] {strides = array<i32>} : memref<3x80x128xf32, #tpu.memory_space<vmem>>, vector<1x1x16xf32>,
          %get3A_1520 = vector.shape_cast %get3A_1519 : vector<1x1x16xf32> to vector<16xf32>
          %mul3A_1521 = arith.mulf %get3A_1520, %gather3A_1443 : vector<16xf32>
          %swap3A_1522 = arith.constant 1 : i32
          %swap3A_1523 = arith.index_cast %swap3A_1522 : i32 to index
          %swap3A_1524 = arith.index_cast %add3A_1445 : i32 to index
          %swap3A_1525 = arith.constant 80 : index
          %swap3A_1526 = tpu.vector_load %arg10[%swap3A_1523, %swap3A_1524, %swap3A_1525] {strides = array<i32>} : memref<3x80x128xf32, #tpu.memory_space<vmem>>, vector<1x1x16xf32>,
          %swap3A_1527 = vector.shape_cast %swap3A_1526 : vector<1x1x16xf32> to vector<16xf32>
          %swap3A_1528 = vector.shape_cast %mul3A_1521 : vector<16xf32> to vector<1x1x16xf32>
          tpu.vector_store %arg10[%swap3A_1523, %swap3A_1524, %swap3A_1525], %swap3A_1528 {strides = array<i32>} : memref<3x80x128xf32, #tpu.memory_space<vmem>>, vector<1x1x16xf32>,
          %get3A_1529 = arith.constant 1 : i32
          %get3A_1530 = arith.index_cast %get3A_1529 : i32 to index
          %get3A_1531 = arith.index_cast %add3A_1445 : i32 to index
          %get3A_1532 = arith.constant 96 : index
          %get3A_1533 = tpu.vector_load %arg10[%get3A_1530, %get3A_1531, %get3A_1532] {strides = array<i32>} : memref<3x80x128xf32, #tpu.memory_space<vmem>>, vector<1x1x16xf32>,
          %get3A_1534 = vector.shape_cast %get3A_1533 : vector<1x1x16xf32> to vector<16xf32>
          %mul3A_1535 = arith.mulf %get3A_1534, %gather3A_1443 : vector<16xf32>
          %swap3A_1536 = arith.constant 1 : i32
          %swap3A_1537 = arith.index_cast %swap3A_1536 : i32 to index
          %swap3A_1538 = arith.index_cast %add3A_1445 : i32 to index
          %swap3A_1539 = arith.constant 96 : index
          %swap3A_1540 = tpu.vector_load %arg10[%swap3A_1537, %swap3A_1538, %swap3A_1539] {strides = array<i32>} : memref<3x80x128xf32, #tpu.memory_space<vmem>>, vector<1x1x16xf32>,
          %swap3A_1541 = vector.shape_cast %swap3A_1540 : vector<1x1x16xf32> to vector<16xf32>
          %swap3A_1542 = vector.shape_cast %mul3A_1535 : vector<16xf32> to vector<1x1x16xf32>
          tpu.vector_store %arg10[%swap3A_1537, %swap3A_1538, %swap3A_1539], %swap3A_1542 {strides = array<i32>} : memref<3x80x128xf32, #tpu.memory_space<vmem>>, vector<1x1x16xf32>,
          %get3A_1543 = arith.constant 1 : i32
          %get3A_1544 = arith.index_cast %get3A_1543 : i32 to index
          %get3A_1545 = arith.index_cast %add3A_1445 : i32 to index
          %get3A_1546 = arith.constant 112 : index
          %get3A_1547 = tpu.vector_load %arg10[%get3A_1544, %get3A_1545, %get3A_1546] {strides = array<i32>} : memref<3x80x128xf32, #tpu.memory_space<vmem>>, vector<1x1x16xf32>,
          %get3A_1548 = vector.shape_cast %get3A_1547 : vector<1x1x16xf32> to vector<16xf32>
          %mul3A_1549 = arith.mulf %get3A_1548, %gather3A_1443 : vector<16xf32>
          %swap3A_1550 = arith.constant 1 : i32
          %swap3A_1551 = arith.index_cast %swap3A_1550 : i32 to index
          %swap3A_1552 = arith.index_cast %add3A_1445 : i32 to index
          %swap3A_1553 = arith.constant 112 : index
          %swap3A_1554 = tpu.vector_load %arg10[%swap3A_1551, %swap3A_1552, %swap3A_1553] {strides = array<i32>} : memref<3x80x128xf32, #tpu.memory_space<vmem>>, vector<1x1x16xf32>,
          %swap3A_1555 = vector.shape_cast %swap3A_1554 : vector<1x1x16xf32> to vector<16xf32>
          %swap3A_1556 = vector.shape_cast %mul3A_1549 : vector<16xf32> to vector<1x1x16xf32>
          tpu.vector_store %arg10[%swap3A_1551, %swap3A_1552, %swap3A_1553], %swap3A_1556 {strides = array<i32>} : memref<3x80x128xf32, #tpu.memory_space<vmem>>, vector<1x1x16xf32>,
        }
        %scan3A_1306 = arith.constant 16 : i32
        %get3A_1307 = arith.index_cast %add3A_1286 : i32 to index
        %get3A_1308 = arith.constant 32 : index
        %get3A_1309 = tpu.vector_load %arg9[%get3A_1307, %get3A_1308] {strides = array<i32>} : memref<25x80xf32, #tpu.memory_space<vmem>>, vector<1x16xf32>,
        %get3A_1310 = vector.shape_cast %get3A_1309 : vector<1x16xf32> to vector<16xf32>
        %scan3A_1311 = arith.constant 0 : i32
        %scan3A_1312 = arith.constant 0 : i32
        %scan3A_1313 = arith.constant 16 : i32
        %scan3A_1314 = arith.addi %scan3A_1312, %scan3A_1313 : i32
        %scan3A_1315 = arith.constant 1 : i32
        scf.for %scan3A_1441 = %scan3A_1312 to %scan3A_1314 step %scan3A_1315  : i32 {
          %broadcast_in_dim3A_1442 = vector.broadcast %scan3A_1441 : i32 to vector<16x1xi32>
          %gather3A = vector.shape_cast %broadcast_in_dim3A_1442 : vector<16x1xi32> to vector<16xi32>
          %gather3A_1443 = tpu.dynamic_gather %get3A_1310[%gather3A] in [0] : vector<16xf32>, vector<16xi32> -> vector<16xf32>
          %add3A_1444 = arith.constant 32 : i32
          %add3A_1445 = arith.addi %add3A_1444, %scan3A_1441 : i32
          %get3A_1446 = arith.constant 1 : i32
          %get3A_1447 = arith.index_cast %get3A_1446 : i32 to index
          %get3A_1448 = arith.index_cast %add3A_1445 : i32 to index
          %get3A_1449 = arith.constant 0 : index
          %get3A_1450 = tpu.vector_load %arg10[%get3A_1447, %get3A_1448, %get3A_1449] {strides = array<i32>} : memref<3x80x128xf32, #tpu.memory_space<vmem>>, vector<1x1x16xf32>,
          %get3A_1451 = vector.shape_cast %get3A_1450 : vector<1x1x16xf32> to vector<16xf32>
          %mul3A_1452 = arith.mulf %get3A_1451, %gather3A_1443 : vector<16xf32>
          %swap3A = arith.constant 1 : i32
          %swap3A_1453 = arith.index_cast %swap3A : i32 to index
          %swap3A_1454 = arith.index_cast %add3A_1445 : i32 to index
          %swap3A_1455 = arith.constant 0 : index
          %swap3A_1456 = tpu.vector_load %arg10[%swap3A_1453, %swap3A_1454, %swap3A_1455] {strides = array<i32>} : memref<3x80x128xf32, #tpu.memory_space<vmem>>, vector<1x1x16xf32>,
          %swap3A_1457 = vector.shape_cast %swap3A_1456 : vector<1x1x16xf32> to vector<16xf32>
          %swap3A_1458 = vector.shape_cast %mul3A_1452 : vector<16xf32> to vector<1x1x16xf32>
          tpu.vector_store %arg10[%swap3A_1453, %swap3A_1454, %swap3A_1455], %swap3A_1458 {strides = array<i32>} : memref<3x80x128xf32, #tpu.memory_space<vmem>>, vector<1x1x16xf32>,
          %get3A_1459 = arith.constant 1 : i32
          %get3A_1460 = arith.index_cast %get3A_1459 : i32 to index
          %get3A_1461 = arith.index_cast %add3A_1445 : i32 to index
          %get3A_1462 = arith.constant 16 : index
          %get3A_1463 = tpu.vector_load %arg10[%get3A_1460, %get3A_1461, %get3A_1462] {strides = array<i32>} : memref<3x80x128xf32, #tpu.memory_space<vmem>>, vector<1x1x16xf32>,
          %get3A_1464 = vector.shape_cast %get3A_1463 : vector<1x1x16xf32> to vector<16xf32>
          %mul3A_1465 = arith.mulf %get3A_1464, %gather3A_1443 : vector<16xf32>
          %swap3A_1466 = arith.constant 1 : i32
          %swap3A_1467 = arith.index_cast %swap3A_1466 : i32 to index
          %swap3A_1468 = arith.index_cast %add3A_1445 : i32 to index
          %swap3A_1469 = arith.constant 16 : index
          %swap3A_1470 = tpu.vector_load %arg10[%swap3A_1467, %swap3A_1468, %swap3A_1469] {strides = array<i32>} : memref<3x80x128xf32, #tpu.memory_space<vmem>>, vector<1x1x16xf32>,
          %swap3A_1471 = vector.shape_cast %swap3A_1470 : vector<1x1x16xf32> to vector<16xf32>
          %swap3A_1472 = vector.shape_cast %mul3A_1465 : vector<16xf32> to vector<1x1x16xf32>
          tpu.vector_store %arg10[%swap3A_1467, %swap3A_1468, %swap3A_1469], %swap3A_1472 {strides = array<i32>} : memref<3x80x128xf32, #tpu.memory_space<vmem>>, vector<1x1x16xf32>,
          %get3A_1473 = arith.constant 1 : i32
          %get3A_1474 = arith.index_cast %get3A_1473 : i32 to index
          %get3A_1475 = arith.index_cast %add3A_1445 : i32 to index
          %get3A_1476 = arith.constant 32 : index
          %get3A_1477 = tpu.vector_load %arg10[%get3A_1474, %get3A_1475, %get3A_1476] {strides = array<i32>} : memref<3x80x128xf32, #tpu.memory_space<vmem>>, vector<1x1x16xf32>,
          %get3A_1478 = vector.shape_cast %get3A_1477 : vector<1x1x16xf32> to vector<16xf32>
          %mul3A_1479 = arith.mulf %get3A_1478, %gather3A_1443 : vector<16xf32>
          %swap3A_1480 = arith.constant 1 : i32
          %swap3A_1481 = arith.index_cast %swap3A_1480 : i32 to index
          %swap3A_1482 = arith.index_cast %add3A_1445 : i32 to index
          %swap3A_1483 = arith.constant 32 : index
          %swap3A_1484 = tpu.vector_load %arg10[%swap3A_1481, %swap3A_1482, %swap3A_1483] {strides = array<i32>} : memref<3x80x128xf32, #tpu.memory_space<vmem>>, vector<1x1x16xf32>,
          %swap3A_1485 = vector.shape_cast %swap3A_1484 : vector<1x1x16xf32> to vector<16xf32>
          %swap3A_1486 = vector.shape_cast %mul3A_1479 : vector<16xf32> to vector<1x1x16xf32>
          tpu.vector_store %arg10[%swap3A_1481, %swap3A_1482, %swap3A_1483], %swap3A_1486 {strides = array<i32>} : memref<3x80x128xf32, #tpu.memory_space<vmem>>, vector<1x1x16xf32>,
          %get3A_1487 = arith.constant 1 : i32
          %get3A_1488 = arith.index_cast %get3A_1487 : i32 to index
          %get3A_1489 = arith.index_cast %add3A_1445 : i32 to index
          %get3A_1490 = arith.constant 48 : index
          %get3A_1491 = tpu.vector_load %arg10[%get3A_1488, %get3A_1489, %get3A_1490] {strides = array<i32>} : memref<3x80x128xf32, #tpu.memory_space<vmem>>, vector<1x1x16xf32>,
          %get3A_1492 = vector.shape_cast %get3A_1491 : vector<1x1x16xf32> to vector<16xf32>
          %mul3A_1493 = arith.mulf %get3A_1492, %gather3A_1443 : vector<16xf32>
          %swap3A_1494 = arith.constant 1 : i32
          %swap3A_1495 = arith.index_cast %swap3A_1494 : i32 to index
          %swap3A_1496 = arith.index_cast %add3A_1445 : i32 to index
          %swap3A_1497 = arith.constant 48 : index
          %swap3A_1498 = tpu.vector_load %arg10[%swap3A_1495, %swap3A_1496, %swap3A_1497] {strides = array<i32>} : memref<3x80x128xf32, #tpu.memory_space<vmem>>, vector<1x1x16xf32>,
          %swap3A_1499 = vector.shape_cast %swap3A_1498 : vector<1x1x16xf32> to vector<16xf32>
          %swap3A_1500 = vector.shape_cast %mul3A_1493 : vector<16xf32> to vector<1x1x16xf32>
          tpu.vector_store %arg10[%swap3A_1495, %swap3A_1496, %swap3A_1497], %swap3A_1500 {strides = array<i32>} : memref<3x80x128xf32, #tpu.memory_space<vmem>>, vector<1x1x16xf32>,
          %get3A_1501 = arith.constant 1 : i32
          %get3A_1502 = arith.index_cast %get3A_1501 : i32 to index
          %get3A_1503 = arith.index_cast %add3A_1445 : i32 to index
          %get3A_1504 = arith.constant 64 : index
          %get3A_1505 = tpu.vector_load %arg10[%get3A_1502, %get3A_1503, %get3A_1504] {strides = array<i32>} : memref<3x80x128xf32, #tpu.memory_space<vmem>>, vector<1x1x16xf32>,
          %get3A_1506 = vector.shape_cast %get3A_1505 : vector<1x1x16xf32> to vector<16xf32>
          %mul3A_1507 = arith.mulf %get3A_1506, %gather3A_1443 : vector<16xf32>
          %swap3A_1508 = arith.constant 1 : i32
          %swap3A_1509 = arith.index_cast %swap3A_1508 : i32 to index
          %swap3A_1510 = arith.index_cast %add3A_1445 : i32 to index
          %swap3A_1511 = arith.constant 64 : index
          %swap3A_1512 = tpu.vector_load %arg10[%swap3A_1509, %swap3A_1510, %swap3A_1511] {strides = array<i32>} : memref<3x80x128xf32, #tpu.memory_space<vmem>>, vector<1x1x16xf32>,
          %swap3A_1513 = vector.shape_cast %swap3A_1512 : vector<1x1x16xf32> to vector<16xf32>
          %swap3A_1514 = vector.shape_cast %mul3A_1507 : vector<16xf32> to vector<1x1x16xf32>
          tpu.vector_store %arg10[%swap3A_1509, %swap3A_1510, %swap3A_1511], %swap3A_1514 {strides = array<i32>} : memref<3x80x128xf32, #tpu.memory_space<vmem>>, vector<1x1x16xf32>,
          %get3A_1515 = arith.constant 1 : i32
          %get3A_1516 = arith.index_cast %get3A_1515 : i32 to index
          %get3A_1517 = arith.index_cast %add3A_1445 : i32 to index
          %get3A_1518 = arith.constant 80 : index
          %get3A_1519 = tpu.vector_load %arg10[%get3A_1516, %get3A_1517, %get3A_1518] {strides = array<i32>} : memref<3x80x128xf32, #tpu.memory_space<vmem>>, vector<1x1x16xf32>,
          %get3A_1520 = vector.shape_cast %get3A_1519 : vector<1x1x16xf32> to vector<16xf32>
          %mul3A_1521 = arith.mulf %get3A_1520, %gather3A_1443 : vector<16xf32>
          %swap3A_1522 = arith.constant 1 : i32
          %swap3A_1523 = arith.index_cast %swap3A_1522 : i32 to index
          %swap3A_1524 = arith.index_cast %add3A_1445 : i32 to index
          %swap3A_1525 = arith.constant 80 : index
          %swap3A_1526 = tpu.vector_load %arg10[%swap3A_1523, %swap3A_1524, %swap3A_1525] {strides = array<i32>} : memref<3x80x128xf32, #tpu.memory_space<vmem>>, vector<1x1x16xf32>,
          %swap3A_1527 = vector.shape_cast %swap3A_1526 : vector<1x1x16xf32> to vector<16xf32>
          %swap3A_1528 = vector.shape_cast %mul3A_1521 : vector<16xf32> to vector<1x1x16xf32>
          tpu.vector_store %arg10[%swap3A_1523, %swap3A_1524, %swap3A_1525], %swap3A_1528 {strides = array<i32>} : memref<3x80x128xf32, #tpu.memory_space<vmem>>, vector<1x1x16xf32>,
          %get3A_1529 = arith.constant 1 : i32
          %get3A_1530 = arith.index_cast %get3A_1529 : i32 to index
          %get3A_1531 = arith.index_cast %add3A_1445 : i32 to index
          %get3A_1532 = arith.constant 96 : index
          %get3A_1533 = tpu.vector_load %arg10[%get3A_1530, %get3A_1531, %get3A_1532] {strides = array<i32>} : memref<3x80x128xf32, #tpu.memory_space<vmem>>, vector<1x1x16xf32>,
          %get3A_1534 = vector.shape_cast %get3A_1533 : vector<1x1x16xf32> to vector<16xf32>
          %mul3A_1535 = arith.mulf %get3A_1534, %gather3A_1443 : vector<16xf32>
          %swap3A_1536 = arith.constant 1 : i32
          %swap3A_1537 = arith.index_cast %swap3A_1536 : i32 to index
          %swap3A_1538 = arith.index_cast %add3A_1445 : i32 to index
          %swap3A_1539 = arith.constant 96 : index
          %swap3A_1540 = tpu.vector_load %arg10[%swap3A_1537, %swap3A_1538, %swap3A_1539] {strides = array<i32>} : memref<3x80x128xf32, #tpu.memory_space<vmem>>, vector<1x1x16xf32>,
          %swap3A_1541 = vector.shape_cast %swap3A_1540 : vector<1x1x16xf32> to vector<16xf32>
          %swap3A_1542 = vector.shape_cast %mul3A_1535 : vector<16xf32> to vector<1x1x16xf32>
          tpu.vector_store %arg10[%swap3A_1537, %swap3A_1538, %swap3A_1539], %swap3A_1542 {strides = array<i32>} : memref<3x80x128xf32, #tpu.memory_space<vmem>>, vector<1x1x16xf32>,
          %get3A_1543 = arith.constant 1 : i32
          %get3A_1544 = arith.index_cast %get3A_1543 : i32 to index
          %get3A_1545 = arith.index_cast %add3A_1445 : i32 to index
          %get3A_1546 = arith.constant 112 : index
          %get3A_1547 = tpu.vector_load %arg10[%get3A_1544, %get3A_1545, %get3A_1546] {strides = array<i32>} : memref<3x80x128xf32, #tpu.memory_space<vmem>>, vector<1x1x16xf32>,
          %get3A_1548 = vector.shape_cast %get3A_1547 : vector<1x1x16xf32> to vector<16xf32>
          %mul3A_1549 = arith.mulf %get3A_1548, %gather3A_1443 : vector<16xf32>
          %swap3A_1550 = arith.constant 1 : i32
          %swap3A_1551 = arith.index_cast %swap3A_1550 : i32 to index
          %swap3A_1552 = arith.index_cast %add3A_1445 : i32 to index
          %swap3A_1553 = arith.constant 112 : index
          %swap3A_1554 = tpu.vector_load %arg10[%swap3A_1551, %swap3A_1552, %swap3A_1553] {strides = array<i32>} : memref<3x80x128xf32, #tpu.memory_space<vmem>>, vector<1x1x16xf32>,
          %swap3A_1555 = vector.shape_cast %swap3A_1554 : vector<1x1x16xf32> to vector<16xf32>
          %swap3A_1556 = vector.shape_cast %mul3A_1549 : vector<16xf32> to vector<1x1x16xf32>
          tpu.vector_store %arg10[%swap3A_1551, %swap3A_1552, %swap3A_1553], %swap3A_1556 {strides = array<i32>} : memref<3x80x128xf32, #tpu.memory_space<vmem>>, vector<1x1x16xf32>,
        }
        %scan3A_1316 = arith.constant 16 : i32
        %get3A_1317 = arith.index_cast %add3A_1286 : i32 to index
        %get3A_1318 = arith.constant 48 : index
        %get3A_1319 = tpu.vector_load %arg9[%get3A_1317, %get3A_1318] {strides = array<i32>} : memref<25x80xf32, #tpu.memory_space<vmem>>, vector<1x16xf32>,
        %get3A_1320 = vector.shape_cast %get3A_1319 : vector<1x16xf32> to vector<16xf32>
        %scan3A_1321 = arith.constant 0 : i32
        %scan3A_1322 = arith.constant 0 : i32
        %scan3A_1323 = arith.constant 16 : i32
        %scan3A_1324 = arith.addi %scan3A_1322, %scan3A_1323 : i32
        %scan3A_1325 = arith.constant 1 : i32
        scf.for %scan3A_1441 = %scan3A_1322 to %scan3A_1324 step %scan3A_1325  : i32 {
          %broadcast_in_dim3A_1442 = vector.broadcast %scan3A_1441 : i32 to vector<16x1xi32>
          %gather3A = vector.shape_cast %broadcast_in_dim3A_1442 : vector<16x1xi32> to vector<16xi32>
          %gather3A_1443 = tpu.dynamic_gather %get3A_1320[%gather3A] in [0] : vector<16xf32>, vector<16xi32> -> vector<16xf32>
          %add3A_1444 = arith.constant 48 : i32
          %add3A_1445 = arith.addi %add3A_1444, %scan3A_1441 : i32
          %get3A_1446 = arith.constant 1 : i32
          %get3A_1447 = arith.index_cast %get3A_1446 : i32 to index
          %get3A_1448 = arith.index_cast %add3A_1445 : i32 to index
          %get3A_1449 = arith.constant 0 : index
          %get3A_1450 = tpu.vector_load %arg10[%get3A_1447, %get3A_1448, %get3A_1449] {strides = array<i32>} : memref<3x80x128xf32, #tpu.memory_space<vmem>>, vector<1x1x16xf32>,
          %get3A_1451 = vector.shape_cast %get3A_1450 : vector<1x1x16xf32> to vector<16xf32>
          %mul3A_1452 = arith.mulf %get3A_1451, %gather3A_1443 : vector<16xf32>
          %swap3A = arith.constant 1 : i32
          %swap3A_1453 = arith.index_cast %swap3A : i32 to index
          %swap3A_1454 = arith.index_cast %add3A_1445 : i32 to index
          %swap3A_1455 = arith.constant 0 : index
          %swap3A_1456 = tpu.vector_load %arg10[%swap3A_1453, %swap3A_1454, %swap3A_1455] {strides = array<i32>} : memref<3x80x128xf32, #tpu.memory_space<vmem>>, vector<1x1x16xf32>,
          %swap3A_1457 = vector.shape_cast %swap3A_1456 : vector<1x1x16xf32> to vector<16xf32>
          %swap3A_1458 = vector.shape_cast %mul3A_1452 : vector<16xf32> to vector<1x1x16xf32>
          tpu.vector_store %arg10[%swap3A_1453, %swap3A_1454, %swap3A_1455], %swap3A_1458 {strides = array<i32>} : memref<3x80x128xf32, #tpu.memory_space<vmem>>, vector<1x1x16xf32>,
          %get3A_1459 = arith.constant 1 : i32
          %get3A_1460 = arith.index_cast %get3A_1459 : i32 to index
          %get3A_1461 = arith.index_cast %add3A_1445 : i32 to index
          %get3A_1462 = arith.constant 16 : index
          %get3A_1463 = tpu.vector_load %arg10[%get3A_1460, %get3A_1461, %get3A_1462] {strides = array<i32>} : memref<3x80x128xf32, #tpu.memory_space<vmem>>, vector<1x1x16xf32>,
          %get3A_1464 = vector.shape_cast %get3A_1463 : vector<1x1x16xf32> to vector<16xf32>
          %mul3A_1465 = arith.mulf %get3A_1464, %gather3A_1443 : vector<16xf32>
          %swap3A_1466 = arith.constant 1 : i32
          %swap3A_1467 = arith.index_cast %swap3A_1466 : i32 to index
          %swap3A_1468 = arith.index_cast %add3A_1445 : i32 to index
          %swap3A_1469 = arith.constant 16 : index
          %swap3A_1470 = tpu.vector_load %arg10[%swap3A_1467, %swap3A_1468, %swap3A_1469] {strides = array<i32>} : memref<3x80x128xf32, #tpu.memory_space<vmem>>, vector<1x1x16xf32>,
          %swap3A_1471 = vector.shape_cast %swap3A_1470 : vector<1x1x16xf32> to vector<16xf32>
          %swap3A_1472 = vector.shape_cast %mul3A_1465 : vector<16xf32> to vector<1x1x16xf32>
          tpu.vector_store %arg10[%swap3A_1467, %swap3A_1468, %swap3A_1469], %swap3A_1472 {strides = array<i32>} : memref<3x80x128xf32, #tpu.memory_space<vmem>>, vector<1x1x16xf32>,
          %get3A_1473 = arith.constant 1 : i32
          %get3A_1474 = arith.index_cast %get3A_1473 : i32 to index
          %get3A_1475 = arith.index_cast %add3A_1445 : i32 to index
          %get3A_1476 = arith.constant 32 : index
          %get3A_1477 = tpu.vector_load %arg10[%get3A_1474, %get3A_1475, %get3A_1476] {strides = array<i32>} : memref<3x80x128xf32, #tpu.memory_space<vmem>>, vector<1x1x16xf32>,
          %get3A_1478 = vector.shape_cast %get3A_1477 : vector<1x1x16xf32> to vector<16xf32>
          %mul3A_1479 = arith.mulf %get3A_1478, %gather3A_1443 : vector<16xf32>
          %swap3A_1480 = arith.constant 1 : i32
          %swap3A_1481 = arith.index_cast %swap3A_1480 : i32 to index
          %swap3A_1482 = arith.index_cast %add3A_1445 : i32 to index
          %swap3A_1483 = arith.constant 32 : index
          %swap3A_1484 = tpu.vector_load %arg10[%swap3A_1481, %swap3A_1482, %swap3A_1483] {strides = array<i32>} : memref<3x80x128xf32, #tpu.memory_space<vmem>>, vector<1x1x16xf32>,
          %swap3A_1485 = vector.shape_cast %swap3A_1484 : vector<1x1x16xf32> to vector<16xf32>
          %swap3A_1486 = vector.shape_cast %mul3A_1479 : vector<16xf32> to vector<1x1x16xf32>
          tpu.vector_store %arg10[%swap3A_1481, %swap3A_1482, %swap3A_1483], %swap3A_1486 {strides = array<i32>} : memref<3x80x128xf32, #tpu.memory_space<vmem>>, vector<1x1x16xf32>,
          %get3A_1487 = arith.constant 1 : i32
          %get3A_1488 = arith.index_cast %get3A_1487 : i32 to index
          %get3A_1489 = arith.index_cast %add3A_1445 : i32 to index
          %get3A_1490 = arith.constant 48 : index
          %get3A_1491 = tpu.vector_load %arg10[%get3A_1488, %get3A_1489, %get3A_1490] {strides = array<i32>} : memref<3x80x128xf32, #tpu.memory_space<vmem>>, vector<1x1x16xf32>,
          %get3A_1492 = vector.shape_cast %get3A_1491 : vector<1x1x16xf32> to vector<16xf32>
          %mul3A_1493 = arith.mulf %get3A_1492, %gather3A_1443 : vector<16xf32>
          %swap3A_1494 = arith.constant 1 : i32
          %swap3A_1495 = arith.index_cast %swap3A_1494 : i32 to index
          %swap3A_1496 = arith.index_cast %add3A_1445 : i32 to index
          %swap3A_1497 = arith.constant 48 : index
          %swap3A_1498 = tpu.vector_load %arg10[%swap3A_1495, %swap3A_1496, %swap3A_1497] {strides = array<i32>} : memref<3x80x128xf32, #tpu.memory_space<vmem>>, vector<1x1x16xf32>,
          %swap3A_1499 = vector.shape_cast %swap3A_1498 : vector<1x1x16xf32> to vector<16xf32>
          %swap3A_1500 = vector.shape_cast %mul3A_1493 : vector<16xf32> to vector<1x1x16xf32>
          tpu.vector_store %arg10[%swap3A_1495, %swap3A_1496, %swap3A_1497], %swap3A_1500 {strides = array<i32>} : memref<3x80x128xf32, #tpu.memory_space<vmem>>, vector<1x1x16xf32>,
          %get3A_1501 = arith.constant 1 : i32
          %get3A_1502 = arith.index_cast %get3A_1501 : i32 to index
          %get3A_1503 = arith.index_cast %add3A_1445 : i32 to index
          %get3A_1504 = arith.constant 64 : index
          %get3A_1505 = tpu.vector_load %arg10[%get3A_1502, %get3A_1503, %get3A_1504] {strides = array<i32>} : memref<3x80x128xf32, #tpu.memory_space<vmem>>, vector<1x1x16xf32>,
          %get3A_1506 = vector.shape_cast %get3A_1505 : vector<1x1x16xf32> to vector<16xf32>
          %mul3A_1507 = arith.mulf %get3A_1506, %gather3A_1443 : vector<16xf32>
          %swap3A_1508 = arith.constant 1 : i32
          %swap3A_1509 = arith.index_cast %swap3A_1508 : i32 to index
          %swap3A_1510 = arith.index_cast %add3A_1445 : i32 to index
          %swap3A_1511 = arith.constant 64 : index
          %swap3A_1512 = tpu.vector_load %arg10[%swap3A_1509, %swap3A_1510, %swap3A_1511] {strides = array<i32>} : memref<3x80x128xf32, #tpu.memory_space<vmem>>, vector<1x1x16xf32>,
          %swap3A_1513 = vector.shape_cast %swap3A_1512 : vector<1x1x16xf32> to vector<16xf32>
          %swap3A_1514 = vector.shape_cast %mul3A_1507 : vector<16xf32> to vector<1x1x16xf32>
          tpu.vector_store %arg10[%swap3A_1509, %swap3A_1510, %swap3A_1511], %swap3A_1514 {strides = array<i32>} : memref<3x80x128xf32, #tpu.memory_space<vmem>>, vector<1x1x16xf32>,
          %get3A_1515 = arith.constant 1 : i32
          %get3A_1516 = arith.index_cast %get3A_1515 : i32 to index
          %get3A_1517 = arith.index_cast %add3A_1445 : i32 to index
          %get3A_1518 = arith.constant 80 : index
          %get3A_1519 = tpu.vector_load %arg10[%get3A_1516, %get3A_1517, %get3A_1518] {strides = array<i32>} : memref<3x80x128xf32, #tpu.memory_space<vmem>>, vector<1x1x16xf32>,
          %get3A_1520 = vector.shape_cast %get3A_1519 : vector<1x1x16xf32> to vector<16xf32>
          %mul3A_1521 = arith.mulf %get3A_1520, %gather3A_1443 : vector<16xf32>
          %swap3A_1522 = arith.constant 1 : i32
          %swap3A_1523 = arith.index_cast %swap3A_1522 : i32 to index
          %swap3A_1524 = arith.index_cast %add3A_1445 : i32 to index
          %swap3A_1525 = arith.constant 80 : index
          %swap3A_1526 = tpu.vector_load %arg10[%swap3A_1523, %swap3A_1524, %swap3A_1525] {strides = array<i32>} : memref<3x80x128xf32, #tpu.memory_space<vmem>>, vector<1x1x16xf32>,
          %swap3A_1527 = vector.shape_cast %swap3A_1526 : vector<1x1x16xf32> to vector<16xf32>
          %swap3A_1528 = vector.shape_cast %mul3A_1521 : vector<16xf32> to vector<1x1x16xf32>
          tpu.vector_store %arg10[%swap3A_1523, %swap3A_1524, %swap3A_1525], %swap3A_1528 {strides = array<i32>} : memref<3x80x128xf32, #tpu.memory_space<vmem>>, vector<1x1x16xf32>,
          %get3A_1529 = arith.constant 1 : i32
          %get3A_1530 = arith.index_cast %get3A_1529 : i32 to index
          %get3A_1531 = arith.index_cast %add3A_1445 : i32 to index
          %get3A_1532 = arith.constant 96 : index
          %get3A_1533 = tpu.vector_load %arg10[%get3A_1530, %get3A_1531, %get3A_1532] {strides = array<i32>} : memref<3x80x128xf32, #tpu.memory_space<vmem>>, vector<1x1x16xf32>,
          %get3A_1534 = vector.shape_cast %get3A_1533 : vector<1x1x16xf32> to vector<16xf32>
          %mul3A_1535 = arith.mulf %get3A_1534, %gather3A_1443 : vector<16xf32>
          %swap3A_1536 = arith.constant 1 : i32
          %swap3A_1537 = arith.index_cast %swap3A_1536 : i32 to index
          %swap3A_1538 = arith.index_cast %add3A_1445 : i32 to index
          %swap3A_1539 = arith.constant 96 : index
          %swap3A_1540 = tpu.vector_load %arg10[%swap3A_1537, %swap3A_1538, %swap3A_1539] {strides = array<i32>} : memref<3x80x128xf32, #tpu.memory_space<vmem>>, vector<1x1x16xf32>,
          %swap3A_1541 = vector.shape_cast %swap3A_1540 : vector<1x1x16xf32> to vector<16xf32>
          %swap3A_1542 = vector.shape_cast %mul3A_1535 : vector<16xf32> to vector<1x1x16xf32>
          tpu.vector_store %arg10[%swap3A_1537, %swap3A_1538, %swap3A_1539], %swap3A_1542 {strides = array<i32>} : memref<3x80x128xf32, #tpu.memory_space<vmem>>, vector<1x1x16xf32>,
          %get3A_1543 = arith.constant 1 : i32
          %get3A_1544 = arith.index_cast %get3A_1543 : i32 to index
          %get3A_1545 = arith.index_cast %add3A_1445 : i32 to index
          %get3A_1546 = arith.constant 112 : index
          %get3A_1547 = tpu.vector_load %arg10[%get3A_1544, %get3A_1545, %get3A_1546] {strides = array<i32>} : memref<3x80x128xf32, #tpu.memory_space<vmem>>, vector<1x1x16xf32>,
          %get3A_1548 = vector.shape_cast %get3A_1547 : vector<1x1x16xf32> to vector<16xf32>
          %mul3A_1549 = arith.mulf %get3A_1548, %gather3A_1443 : vector<16xf32>
          %swap3A_1550 = arith.constant 1 : i32
          %swap3A_1551 = arith.index_cast %swap3A_1550 : i32 to index
          %swap3A_1552 = arith.index_cast %add3A_1445 : i32 to index
          %swap3A_1553 = arith.constant 112 : index
          %swap3A_1554 = tpu.vector_load %arg10[%swap3A_1551, %swap3A_1552, %swap3A_1553] {strides = array<i32>} : memref<3x80x128xf32, #tpu.memory_space<vmem>>, vector<1x1x16xf32>,
          %swap3A_1555 = vector.shape_cast %swap3A_1554 : vector<1x1x16xf32> to vector<16xf32>
          %swap3A_1556 = vector.shape_cast %mul3A_1549 : vector<16xf32> to vector<1x1x16xf32>
          tpu.vector_store %arg10[%swap3A_1551, %swap3A_1552, %swap3A_1553], %swap3A_1556 {strides = array<i32>} : memref<3x80x128xf32, #tpu.memory_space<vmem>>, vector<1x1x16xf32>,
        }
        %scan3A_1326 = arith.constant 16 : i32
        %get3A_1327 = arith.index_cast %add3A_1286 : i32 to index
        %get3A_1328 = arith.constant 64 : index
        %get3A_1329 = tpu.vector_load %arg9[%get3A_1327, %get3A_1328] {strides = array<i32>} : memref<25x80xf32, #tpu.memory_space<vmem>>, vector<1x16xf32>,
        %get3A_1330 = vector.shape_cast %get3A_1329 : vector<1x16xf32> to vector<16xf32>
        %scan3A_1331 = arith.constant 0 : i32
        %scan3A_1332 = arith.constant 0 : i32
        %scan3A_1333 = arith.constant 16 : i32
        %scan3A_1334 = arith.addi %scan3A_1332, %scan3A_1333 : i32
        %scan3A_1335 = arith.constant 1 : i32
        scf.for %scan3A_1441 = %scan3A_1332 to %scan3A_1334 step %scan3A_1335  : i32 {
          %broadcast_in_dim3A_1442 = vector.broadcast %scan3A_1441 : i32 to vector<16x1xi32>
          %gather3A = vector.shape_cast %broadcast_in_dim3A_1442 : vector<16x1xi32> to vector<16xi32>
          %gather3A_1443 = tpu.dynamic_gather %get3A_1330[%gather3A] in [0] : vector<16xf32>, vector<16xi32> -> vector<16xf32>
          %add3A_1444 = arith.constant 64 : i32
          %add3A_1445 = arith.addi %add3A_1444, %scan3A_1441 : i32
          %get3A_1446 = arith.constant 1 : i32
          %get3A_1447 = arith.index_cast %get3A_1446 : i32 to index
          %get3A_1448 = arith.index_cast %add3A_1445 : i32 to index
          %get3A_1449 = arith.constant 0 : index
          %get3A_1450 = tpu.vector_load %arg10[%get3A_1447, %get3A_1448, %get3A_1449] {strides = array<i32>} : memref<3x80x128xf32, #tpu.memory_space<vmem>>, vector<1x1x16xf32>,
          %get3A_1451 = vector.shape_cast %get3A_1450 : vector<1x1x16xf32> to vector<16xf32>
          %mul3A_1452 = arith.mulf %get3A_1451, %gather3A_1443 : vector<16xf32>
          %swap3A = arith.constant 1 : i32
          %swap3A_1453 = arith.index_cast %swap3A : i32 to index
          %swap3A_1454 = arith.index_cast %add3A_1445 : i32 to index
          %swap3A_1455 = arith.constant 0 : index
          %swap3A_1456 = tpu.vector_load %arg10[%swap3A_1453, %swap3A_1454, %swap3A_1455] {strides = array<i32>} : memref<3x80x128xf32, #tpu.memory_space<vmem>>, vector<1x1x16xf32>,
          %swap3A_1457 = vector.shape_cast %swap3A_1456 : vector<1x1x16xf32> to vector<16xf32>
          %swap3A_1458 = vector.shape_cast %mul3A_1452 : vector<16xf32> to vector<1x1x16xf32>
          tpu.vector_store %arg10[%swap3A_1453, %swap3A_1454, %swap3A_1455], %swap3A_1458 {strides = array<i32>} : memref<3x80x128xf32, #tpu.memory_space<vmem>>, vector<1x1x16xf32>,
          %get3A_1459 = arith.constant 1 : i32
          %get3A_1460 = arith.index_cast %get3A_1459 : i32 to index
          %get3A_1461 = arith.index_cast %add3A_1445 : i32 to index
          %get3A_1462 = arith.constant 16 : index
          %get3A_1463 = tpu.vector_load %arg10[%get3A_1460, %get3A_1461, %get3A_1462] {strides = array<i32>} : memref<3x80x128xf32, #tpu.memory_space<vmem>>, vector<1x1x16xf32>,
          %get3A_1464 = vector.shape_cast %get3A_1463 : vector<1x1x16xf32> to vector<16xf32>
          %mul3A_1465 = arith.mulf %get3A_1464, %gather3A_1443 : vector<16xf32>
          %swap3A_1466 = arith.constant 1 : i32
          %swap3A_1467 = arith.index_cast %swap3A_1466 : i32 to index
          %swap3A_1468 = arith.index_cast %add3A_1445 : i32 to index
          %swap3A_1469 = arith.constant 16 : index
          %swap3A_1470 = tpu.vector_load %arg10[%swap3A_1467, %swap3A_1468, %swap3A_1469] {strides = array<i32>} : memref<3x80x128xf32, #tpu.memory_space<vmem>>, vector<1x1x16xf32>,
          %swap3A_1471 = vector.shape_cast %swap3A_1470 : vector<1x1x16xf32> to vector<16xf32>
          %swap3A_1472 = vector.shape_cast %mul3A_1465 : vector<16xf32> to vector<1x1x16xf32>
          tpu.vector_store %arg10[%swap3A_1467, %swap3A_1468, %swap3A_1469], %swap3A_1472 {strides = array<i32>} : memref<3x80x128xf32, #tpu.memory_space<vmem>>, vector<1x1x16xf32>,
          %get3A_1473 = arith.constant 1 : i32
          %get3A_1474 = arith.index_cast %get3A_1473 : i32 to index
          %get3A_1475 = arith.index_cast %add3A_1445 : i32 to index
          %get3A_1476 = arith.constant 32 : index
          %get3A_1477 = tpu.vector_load %arg10[%get3A_1474, %get3A_1475, %get3A_1476] {strides = array<i32>} : memref<3x80x128xf32, #tpu.memory_space<vmem>>, vector<1x1x16xf32>,
          %get3A_1478 = vector.shape_cast %get3A_1477 : vector<1x1x16xf32> to vector<16xf32>
          %mul3A_1479 = arith.mulf %get3A_1478, %gather3A_1443 : vector<16xf32>
          %swap3A_1480 = arith.constant 1 : i32
          %swap3A_1481 = arith.index_cast %swap3A_1480 : i32 to index
          %swap3A_1482 = arith.index_cast %add3A_1445 : i32 to index
          %swap3A_1483 = arith.constant 32 : index
          %swap3A_1484 = tpu.vector_load %arg10[%swap3A_1481, %swap3A_1482, %swap3A_1483] {strides = array<i32>} : memref<3x80x128xf32, #tpu.memory_space<vmem>>, vector<1x1x16xf32>,
          %swap3A_1485 = vector.shape_cast %swap3A_1484 : vector<1x1x16xf32> to vector<16xf32>
          %swap3A_1486 = vector.shape_cast %mul3A_1479 : vector<16xf32> to vector<1x1x16xf32>
          tpu.vector_store %arg10[%swap3A_1481, %swap3A_1482, %swap3A_1483], %swap3A_1486 {strides = array<i32>} : memref<3x80x128xf32, #tpu.memory_space<vmem>>, vector<1x1x16xf32>,
          %get3A_1487 = arith.constant 1 : i32
          %get3A_1488 = arith.index_cast %get3A_1487 : i32 to index
          %get3A_1489 = arith.index_cast %add3A_1445 : i32 to index
          %get3A_1490 = arith.constant 48 : index
          %get3A_1491 = tpu.vector_load %arg10[%get3A_1488, %get3A_1489, %get3A_1490] {strides = array<i32>} : memref<3x80x128xf32, #tpu.memory_space<vmem>>, vector<1x1x16xf32>,
          %get3A_1492 = vector.shape_cast %get3A_1491 : vector<1x1x16xf32> to vector<16xf32>
          %mul3A_1493 = arith.mulf %get3A_1492, %gather3A_1443 : vector<16xf32>
          %swap3A_1494 = arith.constant 1 : i32
          %swap3A_1495 = arith.index_cast %swap3A_1494 : i32 to index
          %swap3A_1496 = arith.index_cast %add3A_1445 : i32 to index
          %swap3A_1497 = arith.constant 48 : index
          %swap3A_1498 = tpu.vector_load %arg10[%swap3A_1495, %swap3A_1496, %swap3A_1497] {strides = array<i32>} : memref<3x80x128xf32, #tpu.memory_space<vmem>>, vector<1x1x16xf32>,
          %swap3A_1499 = vector.shape_cast %swap3A_1498 : vector<1x1x16xf32> to vector<16xf32>
          %swap3A_1500 = vector.shape_cast %mul3A_1493 : vector<16xf32> to vector<1x1x16xf32>
          tpu.vector_store %arg10[%swap3A_1495, %swap3A_1496, %swap3A_1497], %swap3A_1500 {strides = array<i32>} : memref<3x80x128xf32, #tpu.memory_space<vmem>>, vector<1x1x16xf32>,
          %get3A_1501 = arith.constant 1 : i32
          %get3A_1502 = arith.index_cast %get3A_1501 : i32 to index
          %get3A_1503 = arith.index_cast %add3A_1445 : i32 to index
          %get3A_1504 = arith.constant 64 : index
          %get3A_1505 = tpu.vector_load %arg10[%get3A_1502, %get3A_1503, %get3A_1504] {strides = array<i32>} : memref<3x80x128xf32, #tpu.memory_space<vmem>>, vector<1x1x16xf32>,
          %get3A_1506 = vector.shape_cast %get3A_1505 : vector<1x1x16xf32> to vector<16xf32>
          %mul3A_1507 = arith.mulf %get3A_1506, %gather3A_1443 : vector<16xf32>
          %swap3A_1508 = arith.constant 1 : i32
          %swap3A_1509 = arith.index_cast %swap3A_1508 : i32 to index
          %swap3A_1510 = arith.index_cast %add3A_1445 : i32 to index
          %swap3A_1511 = arith.constant 64 : index
          %swap3A_1512 = tpu.vector_load %arg10[%swap3A_1509, %swap3A_1510, %swap3A_1511] {strides = array<i32>} : memref<3x80x128xf32, #tpu.memory_space<vmem>>, vector<1x1x16xf32>,
          %swap3A_1513 = vector.shape_cast %swap3A_1512 : vector<1x1x16xf32> to vector<16xf32>
          %swap3A_1514 = vector.shape_cast %mul3A_1507 : vector<16xf32> to vector<1x1x16xf32>
          tpu.vector_store %arg10[%swap3A_1509, %swap3A_1510, %swap3A_1511], %swap3A_1514 {strides = array<i32>} : memref<3x80x128xf32, #tpu.memory_space<vmem>>, vector<1x1x16xf32>,
          %get3A_1515 = arith.constant 1 : i32
          %get3A_1516 = arith.index_cast %get3A_1515 : i32 to index
          %get3A_1517 = arith.index_cast %add3A_1445 : i32 to index
          %get3A_1518 = arith.constant 80 : index
          %get3A_1519 = tpu.vector_load %arg10[%get3A_1516, %get3A_1517, %get3A_1518] {strides = array<i32>} : memref<3x80x128xf32, #tpu.memory_space<vmem>>, vector<1x1x16xf32>,
          %get3A_1520 = vector.shape_cast %get3A_1519 : vector<1x1x16xf32> to vector<16xf32>
          %mul3A_1521 = arith.mulf %get3A_1520, %gather3A_1443 : vector<16xf32>
          %swap3A_1522 = arith.constant 1 : i32
          %swap3A_1523 = arith.index_cast %swap3A_1522 : i32 to index
          %swap3A_1524 = arith.index_cast %add3A_1445 : i32 to index
          %swap3A_1525 = arith.constant 80 : index
          %swap3A_1526 = tpu.vector_load %arg10[%swap3A_1523, %swap3A_1524, %swap3A_1525] {strides = array<i32>} : memref<3x80x128xf32, #tpu.memory_space<vmem>>, vector<1x1x16xf32>,
          %swap3A_1527 = vector.shape_cast %swap3A_1526 : vector<1x1x16xf32> to vector<16xf32>
          %swap3A_1528 = vector.shape_cast %mul3A_1521 : vector<16xf32> to vector<1x1x16xf32>
          tpu.vector_store %arg10[%swap3A_1523, %swap3A_1524, %swap3A_1525], %swap3A_1528 {strides = array<i32>} : memref<3x80x128xf32, #tpu.memory_space<vmem>>, vector<1x1x16xf32>,
          %get3A_1529 = arith.constant 1 : i32
          %get3A_1530 = arith.index_cast %get3A_1529 : i32 to index
          %get3A_1531 = arith.index_cast %add3A_1445 : i32 to index
          %get3A_1532 = arith.constant 96 : index
          %get3A_1533 = tpu.vector_load %arg10[%get3A_1530, %get3A_1531, %get3A_1532] {strides = array<i32>} : memref<3x80x128xf32, #tpu.memory_space<vmem>>, vector<1x1x16xf32>,
          %get3A_1534 = vector.shape_cast %get3A_1533 : vector<1x1x16xf32> to vector<16xf32>
          %mul3A_1535 = arith.mulf %get3A_1534, %gather3A_1443 : vector<16xf32>
          %swap3A_1536 = arith.constant 1 : i32
          %swap3A_1537 = arith.index_cast %swap3A_1536 : i32 to index
          %swap3A_1538 = arith.index_cast %add3A_1445 : i32 to index
          %swap3A_1539 = arith.constant 96 : index
          %swap3A_1540 = tpu.vector_load %arg10[%swap3A_1537, %swap3A_1538, %swap3A_1539] {strides = array<i32>} : memref<3x80x128xf32, #tpu.memory_space<vmem>>, vector<1x1x16xf32>,
          %swap3A_1541 = vector.shape_cast %swap3A_1540 : vector<1x1x16xf32> to vector<16xf32>
          %swap3A_1542 = vector.shape_cast %mul3A_1535 : vector<16xf32> to vector<1x1x16xf32>
          tpu.vector_store %arg10[%swap3A_1537, %swap3A_1538, %swap3A_1539], %swap3A_1542 {strides = array<i32>} : memref<3x80x128xf32, #tpu.memory_space<vmem>>, vector<1x1x16xf32>,
          %get3A_1543 = arith.constant 1 : i32
          %get3A_1544 = arith.index_cast %get3A_1543 : i32 to index
          %get3A_1545 = arith.index_cast %add3A_1445 : i32 to index
          %get3A_1546 = arith.constant 112 : index
          %get3A_1547 = tpu.vector_load %arg10[%get3A_1544, %get3A_1545, %get3A_1546] {strides = array<i32>} : memref<3x80x128xf32, #tpu.memory_space<vmem>>, vector<1x1x16xf32>,
          %get3A_1548 = vector.shape_cast %get3A_1547 : vector<1x1x16xf32> to vector<16xf32>
          %mul3A_1549 = arith.mulf %get3A_1548, %gather3A_1443 : vector<16xf32>
          %swap3A_1550 = arith.constant 1 : i32
          %swap3A_1551 = arith.index_cast %swap3A_1550 : i32 to index
          %swap3A_1552 = arith.index_cast %add3A_1445 : i32 to index
          %swap3A_1553 = arith.constant 112 : index
          %swap3A_1554 = tpu.vector_load %arg10[%swap3A_1551, %swap3A_1552, %swap3A_1553] {strides = array<i32>} : memref<3x80x128xf32, #tpu.memory_space<vmem>>, vector<1x1x16xf32>,
          %swap3A_1555 = vector.shape_cast %swap3A_1554 : vector<1x1x16xf32> to vector<16xf32>
          %swap3A_1556 = vector.shape_cast %mul3A_1549 : vector<16xf32> to vector<1x1x16xf32>
          tpu.vector_store %arg10[%swap3A_1551, %swap3A_1552, %swap3A_1553], %swap3A_1556 {strides = array<i32>} : memref<3x80x128xf32, #tpu.memory_space<vmem>>, vector<1x1x16xf32>,
        }
        %scan3A_1336 = arith.constant 16 : i32
        %add3A_1337 = arith.constant 1 : i32
        %add3A_1338 = arith.addi %mul3A_1141, %add3A_1337 : i32
        %dma_start3A_1339 = arith.constant 1 : i32
        %dma_start3A_1340 = arith.constant 1 : i32
        %dma_start3A_1341 = arith.constant 0 : i32
        %dma_start3A_1342 = arith.constant 0 : i32
        %dma_start3A_1343 = tpu.memref_slice %arg10[%dma_start3A_1339, %dma_start3A_1341, %dma_start3A_1342] : memref<3x80x128xf32, #tpu.memory_space<vmem>> -> memref<1x80x128xf32, #tpu.memory_space<vmem>>
        %dma_start3A_1344 = tpu.memref_squeeze %dma_start3A_1343 : memref<1x80x128xf32, #tpu.memory_space<vmem>> -> memref<80x128xf32, #tpu.memory_space<vmem>>
        %dma_start3A_1345 = arith.constant 0 : i32
        %dma_start3A_1346 = tpu.memref_slice %arg8[%add3A_1338, %dma_start3A_1345] : memref<25x80xi32, #tpu.memory_space<vmem>> -> memref<1x80xi32, #tpu.memory_space<vmem>>
        %dma_start3A_1347 = tpu.memref_squeeze %dma_start3A_1346 : memref<1x80xi32, #tpu.memory_space<vmem>> -> memref<80xi32, #tpu.memory_space<vmem>>
        %dma_start3A_1348 = arith.constant 0 : i32
        %dma_start3A_1349 = arith.constant 0 : i32
        %dma_start3A_1350 = tpu.memref_slice %arg13[%dma_start3A_1348, %dma_start3A_1349] : memref<10240x128xf32, #tpu.memory_space<vmem_shared>> -> memref<10240x128xf32, #tpu.memory_space<vmem_shared>>
        %dma_start3A_1351 = tpu.memref_slice %arg12[%dma_start3A_1340] : memref<3x!tpu.dma_semaphore, #tpu.memory_space<semaphore_mem>> -> memref<1x!tpu.dma_semaphore, #tpu.memory_space<semaphore_mem>>
        %dma_start3A_1352 = tpu.memref_squeeze %dma_start3A_1351 : memref<1x!tpu.dma_semaphore, #tpu.memory_space<semaphore_mem>> -> memref<!tpu.dma_semaphore, #tpu.memory_space<semaphore_mem>>
        tpu.enqueue_indirect_dma source(%dma_start3A_1344 : memref<80x128xf32, #tpu.memory_space<vmem>>) target(%dma_start3A_1350 : memref<10240x128xf32, #tpu.memory_space<vmem_shared>>) offsets(%dma_start3A_1347 : memref<80xi32, #tpu.memory_space<vmem>>) semaphore(%dma_start3A_1352 : memref<!tpu.dma_semaphore, #tpu.memory_space<semaphore_mem>>) {add = true}
        %add3A_1353 = arith.constant 2 : i32
        %add3A_1354 = arith.addi %mul3A_1141, %add3A_1353 : i32
        %dma_wait3A_1355 = arith.constant 2 : i32
        %dma_wait3A_1356 = arith.constant 2 : i32
        %dma_wait3A_1357 = arith.constant 0 : i32
        %dma_wait3A_1358 = arith.constant 0 : i32
        %dma_wait3A_1359 = tpu.memref_slice %arg10[%dma_wait3A_1355, %dma_wait3A_1357, %dma_wait3A_1358] : memref<3x80x128xf32, #tpu.memory_space<vmem>> -> memref<1x80x128xf32, #tpu.memory_space<vmem>>
        %dma_wait3A_1360 = tpu.memref_squeeze %dma_wait3A_1359 : memref<1x80x128xf32, #tpu.memory_space<vmem>> -> memref<80x128xf32, #tpu.memory_space<vmem>>
        %dma_wait3A_1361 = arith.constant 0 : i32
        %dma_wait3A_1362 = tpu.memref_slice %arg7[%add3A_1354, %dma_wait3A_1361] : memref<25x80xi32, #tpu.memory_space<vmem>> -> memref<1x80xi32, #tpu.memory_space<vmem>>
        %dma_wait3A_1363 = tpu.memref_squeeze %dma_wait3A_1362 : memref<1x80xi32, #tpu.memory_space<vmem>> -> memref<80xi32, #tpu.memory_space<vmem>>
        %dma_wait3A_1364 = arith.constant 0 : i32
        %dma_wait3A_1365 = arith.constant 0 : i32
        %dma_wait3A_1366 = tpu.memref_slice %arg2[%dma_wait3A_1364, %dma_wait3A_1365] : memref<10240x128xf32, #tpu.memory_space<hbm>> -> memref<10240x128xf32, #tpu.memory_space<hbm>>
        %dma_wait3A_1367 = tpu.memref_slice %arg11[%dma_wait3A_1356] : memref<3x!tpu.dma_semaphore, #tpu.memory_space<semaphore_mem>> -> memref<1x!tpu.dma_semaphore, #tpu.memory_space<semaphore_mem>>
        %dma_wait3A_1368 = tpu.memref_squeeze %dma_wait3A_1367 : memref<1x!tpu.dma_semaphore, #tpu.memory_space<semaphore_mem>> -> memref<!tpu.dma_semaphore, #tpu.memory_space<semaphore_mem>>
        tpu.wait_indirect_dma semaphore(%dma_wait3A_1368 : memref<!tpu.dma_semaphore, #tpu.memory_space<semaphore_mem>>) src(%dma_wait3A_1366 : memref<10240x128xf32, #tpu.memory_space<hbm>>) dst(%dma_wait3A_1360 : memref<80x128xf32, #tpu.memory_space<vmem>>)
        %le3A = arith.constant 6 : i32
        %le3A_1369 = arith.cmpi sle, %scan3A_1139, %le3A : i32
        %convert_element_type3A_1370 = arith.extui %le3A_1369 : i1 to i32
        %cond3A_1371 = arith.constant 0 : i32
        %cond3A_1372 = arith.cmpi ne, %convert_element_type3A_1370, %cond3A_1371 : i32
        scf.if %cond3A_1372 {
          %dma_wait3A_1441 = arith.constant 1 : i32
          %dma_wait3A_1442 = arith.constant 0 : i32
          %dma_wait3A_1443 = arith.constant 1 : i32
          %dma_wait3A_1444 = arith.constant 0 : i32
          %dma_wait3A_1445 = arith.constant 0 : i32
          %dma_wait3A_1446 = tpu.memref_slice %arg10[%dma_wait3A_1441, %dma_wait3A_1444, %dma_wait3A_1445] : memref<3x80x128xf32, #tpu.memory_space<vmem>> -> memref<1x80x128xf32, #tpu.memory_space<vmem>>
          %dma_wait3A_1447 = tpu.memref_squeeze %dma_wait3A_1446 : memref<1x80x128xf32, #tpu.memory_space<vmem>> -> memref<80x128xf32, #tpu.memory_space<vmem>>
          %dma_wait3A_1448 = arith.constant 0 : i32
          %dma_wait3A_1449 = tpu.memref_slice %arg8[%dma_wait3A_1442, %dma_wait3A_1448] : memref<25x80xi32, #tpu.memory_space<vmem>> -> memref<1x80xi32, #tpu.memory_space<vmem>>
          %dma_wait3A_1450 = tpu.memref_squeeze %dma_wait3A_1449 : memref<1x80xi32, #tpu.memory_space<vmem>> -> memref<80xi32, #tpu.memory_space<vmem>>
          %dma_wait3A_1451 = arith.constant 0 : i32
          %dma_wait3A_1452 = arith.constant 0 : i32
          %dma_wait3A_1453 = tpu.memref_slice %arg13[%dma_wait3A_1451, %dma_wait3A_1452] : memref<10240x128xf32, #tpu.memory_space<vmem_shared>> -> memref<10240x128xf32, #tpu.memory_space<vmem_shared>>
          %dma_wait3A_1454 = tpu.memref_slice %arg12[%dma_wait3A_1443] : memref<3x!tpu.dma_semaphore, #tpu.memory_space<semaphore_mem>> -> memref<1x!tpu.dma_semaphore, #tpu.memory_space<semaphore_mem>>
          %dma_wait3A_1455 = tpu.memref_squeeze %dma_wait3A_1454 : memref<1x!tpu.dma_semaphore, #tpu.memory_space<semaphore_mem>> -> memref<!tpu.dma_semaphore, #tpu.memory_space<semaphore_mem>>
          tpu.wait_indirect_dma semaphore(%dma_wait3A_1455 : memref<!tpu.dma_semaphore, #tpu.memory_space<semaphore_mem>>) src(%dma_wait3A_1447 : memref<80x128xf32, #tpu.memory_space<vmem>>) dst(%dma_wait3A_1453 : memref<10240x128xf32, #tpu.memory_space<vmem_shared>>)
          %add3A_1456 = arith.constant 4 : i32
          %add3A_1457 = arith.addi %mul3A_1141, %add3A_1456 : i32
          %dma_start3A_1458 = arith.constant 1 : i32
          %dma_start3A_1459 = arith.constant 1 : i32
          %dma_start3A_1460 = arith.constant 0 : i32
          %dma_start3A_1461 = arith.constant 0 : i32
          %dma_start3A_1462 = tpu.memref_slice %arg10[%dma_start3A_1458, %dma_start3A_1460, %dma_start3A_1461] : memref<3x80x128xf32, #tpu.memory_space<vmem>> -> memref<1x80x128xf32, #tpu.memory_space<vmem>>
          %dma_start3A_1463 = tpu.memref_squeeze %dma_start3A_1462 : memref<1x80x128xf32, #tpu.memory_space<vmem>> -> memref<80x128xf32, #tpu.memory_space<vmem>>
          %dma_start3A_1464 = arith.constant 0 : i32
          %dma_start3A_1465 = tpu.memref_slice %arg7[%add3A_1457, %dma_start3A_1464] : memref<25x80xi32, #tpu.memory_space<vmem>> -> memref<1x80xi32, #tpu.memory_space<vmem>>
          %dma_start3A_1466 = tpu.memref_squeeze %dma_start3A_1465 : memref<1x80xi32, #tpu.memory_space<vmem>> -> memref<80xi32, #tpu.memory_space<vmem>>
          %dma_start3A_1467 = arith.constant 0 : i32
          %dma_start3A_1468 = arith.constant 0 : i32
          %dma_start3A_1469 = tpu.memref_slice %arg2[%dma_start3A_1467, %dma_start3A_1468] : memref<10240x128xf32, #tpu.memory_space<hbm>> -> memref<10240x128xf32, #tpu.memory_space<hbm>>
          %dma_start3A_1470 = tpu.memref_slice %arg11[%dma_start3A_1459] : memref<3x!tpu.dma_semaphore, #tpu.memory_space<semaphore_mem>> -> memref<1x!tpu.dma_semaphore, #tpu.memory_space<semaphore_mem>>
          %dma_start3A_1471 = tpu.memref_squeeze %dma_start3A_1470 : memref<1x!tpu.dma_semaphore, #tpu.memory_space<semaphore_mem>> -> memref<!tpu.dma_semaphore, #tpu.memory_space<semaphore_mem>>
          tpu.enqueue_indirect_dma source(%dma_start3A_1469 : memref<10240x128xf32, #tpu.memory_space<hbm>>) target(%dma_start3A_1463 : memref<80x128xf32, #tpu.memory_space<vmem>>) offsets(%dma_start3A_1466 : memref<80xi32, #tpu.memory_space<vmem>>) semaphore(%dma_start3A_1471 : memref<!tpu.dma_semaphore, #tpu.memory_space<semaphore_mem>>)
        } else {
        }
        %add3A_1373 = arith.constant 2 : i32
        %add3A_1374 = arith.addi %mul3A_1141, %add3A_1373 : i32
        %get3A_1375 = arith.index_cast %add3A_1374 : i32 to index
        %get3A_1376 = arith.constant 0 : index
        %get3A_1377 = tpu.vector_load %arg9[%get3A_1375, %get3A_1376] {strides = array<i32>} : memref<25x80xf32, #tpu.memory_space<vmem>>, vector<1x16xf32>,
        %get3A_1378 = vector.shape_cast %get3A_1377 : vector<1x16xf32> to vector<16xf32>
        %scan3A_1379 = arith.constant 0 : i32
        %scan3A_1380 = arith.constant 0 : i32
        %scan3A_1381 = arith.constant 16 : i32
        %scan3A_1382 = arith.addi %scan3A_1380, %scan3A_1381 : i32
        %scan3A_1383 = arith.constant 1 : i32
        scf.for %scan3A_1441 = %scan3A_1380 to %scan3A_1382 step %scan3A_1383  : i32 {
          %broadcast_in_dim3A_1442 = vector.broadcast %scan3A_1441 : i32 to vector<16x1xi32>
          %gather3A = vector.shape_cast %broadcast_in_dim3A_1442 : vector<16x1xi32> to vector<16xi32>
          %gather3A_1443 = tpu.dynamic_gather %get3A_1378[%gather3A] in [0] : vector<16xf32>, vector<16xi32> -> vector<16xf32>
          %add3A_1444 = arith.constant 0 : i32
          %add3A_1445 = arith.addi %add3A_1444, %scan3A_1441 : i32
          %get3A_1446 = arith.constant 2 : i32
          %get3A_1447 = arith.index_cast %get3A_1446 : i32 to index
          %get3A_1448 = arith.index_cast %add3A_1445 : i32 to index
          %get3A_1449 = arith.constant 0 : index
          %get3A_1450 = tpu.vector_load %arg10[%get3A_1447, %get3A_1448, %get3A_1449] {strides = array<i32>} : memref<3x80x128xf32, #tpu.memory_space<vmem>>, vector<1x1x16xf32>,
          %get3A_1451 = vector.shape_cast %get3A_1450 : vector<1x1x16xf32> to vector<16xf32>
          %mul3A_1452 = arith.mulf %get3A_1451, %gather3A_1443 : vector<16xf32>
          %swap3A = arith.constant 2 : i32
          %swap3A_1453 = arith.index_cast %swap3A : i32 to index
          %swap3A_1454 = arith.index_cast %add3A_1445 : i32 to index
          %swap3A_1455 = arith.constant 0 : index
          %swap3A_1456 = tpu.vector_load %arg10[%swap3A_1453, %swap3A_1454, %swap3A_1455] {strides = array<i32>} : memref<3x80x128xf32, #tpu.memory_space<vmem>>, vector<1x1x16xf32>,
          %swap3A_1457 = vector.shape_cast %swap3A_1456 : vector<1x1x16xf32> to vector<16xf32>
          %swap3A_1458 = vector.shape_cast %mul3A_1452 : vector<16xf32> to vector<1x1x16xf32>
          tpu.vector_store %arg10[%swap3A_1453, %swap3A_1454, %swap3A_1455], %swap3A_1458 {strides = array<i32>} : memref<3x80x128xf32, #tpu.memory_space<vmem>>, vector<1x1x16xf32>,
          %get3A_1459 = arith.constant 2 : i32
          %get3A_1460 = arith.index_cast %get3A_1459 : i32 to index
          %get3A_1461 = arith.index_cast %add3A_1445 : i32 to index
          %get3A_1462 = arith.constant 16 : index
          %get3A_1463 = tpu.vector_load %arg10[%get3A_1460, %get3A_1461, %get3A_1462] {strides = array<i32>} : memref<3x80x128xf32, #tpu.memory_space<vmem>>, vector<1x1x16xf32>,
          %get3A_1464 = vector.shape_cast %get3A_1463 : vector<1x1x16xf32> to vector<16xf32>
          %mul3A_1465 = arith.mulf %get3A_1464, %gather3A_1443 : vector<16xf32>
          %swap3A_1466 = arith.constant 2 : i32
          %swap3A_1467 = arith.index_cast %swap3A_1466 : i32 to index
          %swap3A_1468 = arith.index_cast %add3A_1445 : i32 to index
          %swap3A_1469 = arith.constant 16 : index
          %swap3A_1470 = tpu.vector_load %arg10[%swap3A_1467, %swap3A_1468, %swap3A_1469] {strides = array<i32>} : memref<3x80x128xf32, #tpu.memory_space<vmem>>, vector<1x1x16xf32>,
          %swap3A_1471 = vector.shape_cast %swap3A_1470 : vector<1x1x16xf32> to vector<16xf32>
          %swap3A_1472 = vector.shape_cast %mul3A_1465 : vector<16xf32> to vector<1x1x16xf32>
          tpu.vector_store %arg10[%swap3A_1467, %swap3A_1468, %swap3A_1469], %swap3A_1472 {strides = array<i32>} : memref<3x80x128xf32, #tpu.memory_space<vmem>>, vector<1x1x16xf32>,
          %get3A_1473 = arith.constant 2 : i32
          %get3A_1474 = arith.index_cast %get3A_1473 : i32 to index
          %get3A_1475 = arith.index_cast %add3A_1445 : i32 to index
          %get3A_1476 = arith.constant 32 : index
          %get3A_1477 = tpu.vector_load %arg10[%get3A_1474, %get3A_1475, %get3A_1476] {strides = array<i32>} : memref<3x80x128xf32, #tpu.memory_space<vmem>>, vector<1x1x16xf32>,
          %get3A_1478 = vector.shape_cast %get3A_1477 : vector<1x1x16xf32> to vector<16xf32>
          %mul3A_1479 = arith.mulf %get3A_1478, %gather3A_1443 : vector<16xf32>
          %swap3A_1480 = arith.constant 2 : i32
          %swap3A_1481 = arith.index_cast %swap3A_1480 : i32 to index
          %swap3A_1482 = arith.index_cast %add3A_1445 : i32 to index
          %swap3A_1483 = arith.constant 32 : index
          %swap3A_1484 = tpu.vector_load %arg10[%swap3A_1481, %swap3A_1482, %swap3A_1483] {strides = array<i32>} : memref<3x80x128xf32, #tpu.memory_space<vmem>>, vector<1x1x16xf32>,
          %swap3A_1485 = vector.shape_cast %swap3A_1484 : vector<1x1x16xf32> to vector<16xf32>
          %swap3A_1486 = vector.shape_cast %mul3A_1479 : vector<16xf32> to vector<1x1x16xf32>
          tpu.vector_store %arg10[%swap3A_1481, %swap3A_1482, %swap3A_1483], %swap3A_1486 {strides = array<i32>} : memref<3x80x128xf32, #tpu.memory_space<vmem>>, vector<1x1x16xf32>,
          %get3A_1487 = arith.constant 2 : i32
          %get3A_1488 = arith.index_cast %get3A_1487 : i32 to index
          %get3A_1489 = arith.index_cast %add3A_1445 : i32 to index
          %get3A_1490 = arith.constant 48 : index
          %get3A_1491 = tpu.vector_load %arg10[%get3A_1488, %get3A_1489, %get3A_1490] {strides = array<i32>} : memref<3x80x128xf32, #tpu.memory_space<vmem>>, vector<1x1x16xf32>,
          %get3A_1492 = vector.shape_cast %get3A_1491 : vector<1x1x16xf32> to vector<16xf32>
          %mul3A_1493 = arith.mulf %get3A_1492, %gather3A_1443 : vector<16xf32>
          %swap3A_1494 = arith.constant 2 : i32
          %swap3A_1495 = arith.index_cast %swap3A_1494 : i32 to index
          %swap3A_1496 = arith.index_cast %add3A_1445 : i32 to index
          %swap3A_1497 = arith.constant 48 : index
          %swap3A_1498 = tpu.vector_load %arg10[%swap3A_1495, %swap3A_1496, %swap3A_1497] {strides = array<i32>} : memref<3x80x128xf32, #tpu.memory_space<vmem>>, vector<1x1x16xf32>,
          %swap3A_1499 = vector.shape_cast %swap3A_1498 : vector<1x1x16xf32> to vector<16xf32>
          %swap3A_1500 = vector.shape_cast %mul3A_1493 : vector<16xf32> to vector<1x1x16xf32>
          tpu.vector_store %arg10[%swap3A_1495, %swap3A_1496, %swap3A_1497], %swap3A_1500 {strides = array<i32>} : memref<3x80x128xf32, #tpu.memory_space<vmem>>, vector<1x1x16xf32>,
          %get3A_1501 = arith.constant 2 : i32
          %get3A_1502 = arith.index_cast %get3A_1501 : i32 to index
          %get3A_1503 = arith.index_cast %add3A_1445 : i32 to index
          %get3A_1504 = arith.constant 64 : index
          %get3A_1505 = tpu.vector_load %arg10[%get3A_1502, %get3A_1503, %get3A_1504] {strides = array<i32>} : memref<3x80x128xf32, #tpu.memory_space<vmem>>, vector<1x1x16xf32>,
          %get3A_1506 = vector.shape_cast %get3A_1505 : vector<1x1x16xf32> to vector<16xf32>
          %mul3A_1507 = arith.mulf %get3A_1506, %gather3A_1443 : vector<16xf32>
          %swap3A_1508 = arith.constant 2 : i32
          %swap3A_1509 = arith.index_cast %swap3A_1508 : i32 to index
          %swap3A_1510 = arith.index_cast %add3A_1445 : i32 to index
          %swap3A_1511 = arith.constant 64 : index
          %swap3A_1512 = tpu.vector_load %arg10[%swap3A_1509, %swap3A_1510, %swap3A_1511] {strides = array<i32>} : memref<3x80x128xf32, #tpu.memory_space<vmem>>, vector<1x1x16xf32>,
          %swap3A_1513 = vector.shape_cast %swap3A_1512 : vector<1x1x16xf32> to vector<16xf32>
          %swap3A_1514 = vector.shape_cast %mul3A_1507 : vector<16xf32> to vector<1x1x16xf32>
          tpu.vector_store %arg10[%swap3A_1509, %swap3A_1510, %swap3A_1511], %swap3A_1514 {strides = array<i32>} : memref<3x80x128xf32, #tpu.memory_space<vmem>>, vector<1x1x16xf32>,
          %get3A_1515 = arith.constant 2 : i32
          %get3A_1516 = arith.index_cast %get3A_1515 : i32 to index
          %get3A_1517 = arith.index_cast %add3A_1445 : i32 to index
          %get3A_1518 = arith.constant 80 : index
          %get3A_1519 = tpu.vector_load %arg10[%get3A_1516, %get3A_1517, %get3A_1518] {strides = array<i32>} : memref<3x80x128xf32, #tpu.memory_space<vmem>>, vector<1x1x16xf32>,
          %get3A_1520 = vector.shape_cast %get3A_1519 : vector<1x1x16xf32> to vector<16xf32>
          %mul3A_1521 = arith.mulf %get3A_1520, %gather3A_1443 : vector<16xf32>
          %swap3A_1522 = arith.constant 2 : i32
          %swap3A_1523 = arith.index_cast %swap3A_1522 : i32 to index
          %swap3A_1524 = arith.index_cast %add3A_1445 : i32 to index
          %swap3A_1525 = arith.constant 80 : index
          %swap3A_1526 = tpu.vector_load %arg10[%swap3A_1523, %swap3A_1524, %swap3A_1525] {strides = array<i32>} : memref<3x80x128xf32, #tpu.memory_space<vmem>>, vector<1x1x16xf32>,
          %swap3A_1527 = vector.shape_cast %swap3A_1526 : vector<1x1x16xf32> to vector<16xf32>
          %swap3A_1528 = vector.shape_cast %mul3A_1521 : vector<16xf32> to vector<1x1x16xf32>
          tpu.vector_store %arg10[%swap3A_1523, %swap3A_1524, %swap3A_1525], %swap3A_1528 {strides = array<i32>} : memref<3x80x128xf32, #tpu.memory_space<vmem>>, vector<1x1x16xf32>,
          %get3A_1529 = arith.constant 2 : i32
          %get3A_1530 = arith.index_cast %get3A_1529 : i32 to index
          %get3A_1531 = arith.index_cast %add3A_1445 : i32 to index
          %get3A_1532 = arith.constant 96 : index
          %get3A_1533 = tpu.vector_load %arg10[%get3A_1530, %get3A_1531, %get3A_1532] {strides = array<i32>} : memref<3x80x128xf32, #tpu.memory_space<vmem>>, vector<1x1x16xf32>,
          %get3A_1534 = vector.shape_cast %get3A_1533 : vector<1x1x16xf32> to vector<16xf32>
          %mul3A_1535 = arith.mulf %get3A_1534, %gather3A_1443 : vector<16xf32>
          %swap3A_1536 = arith.constant 2 : i32
          %swap3A_1537 = arith.index_cast %swap3A_1536 : i32 to index
          %swap3A_1538 = arith.index_cast %add3A_1445 : i32 to index
          %swap3A_1539 = arith.constant 96 : index
          %swap3A_1540 = tpu.vector_load %arg10[%swap3A_1537, %swap3A_1538, %swap3A_1539] {strides = array<i32>} : memref<3x80x128xf32, #tpu.memory_space<vmem>>, vector<1x1x16xf32>,
          %swap3A_1541 = vector.shape_cast %swap3A_1540 : vector<1x1x16xf32> to vector<16xf32>
          %swap3A_1542 = vector.shape_cast %mul3A_1535 : vector<16xf32> to vector<1x1x16xf32>
          tpu.vector_store %arg10[%swap3A_1537, %swap3A_1538, %swap3A_1539], %swap3A_1542 {strides = array<i32>} : memref<3x80x128xf32, #tpu.memory_space<vmem>>, vector<1x1x16xf32>,
          %get3A_1543 = arith.constant 2 : i32
          %get3A_1544 = arith.index_cast %get3A_1543 : i32 to index
          %get3A_1545 = arith.index_cast %add3A_1445 : i32 to index
          %get3A_1546 = arith.constant 112 : index
          %get3A_1547 = tpu.vector_load %arg10[%get3A_1544, %get3A_1545, %get3A_1546] {strides = array<i32>} : memref<3x80x128xf32, #tpu.memory_space<vmem>>, vector<1x1x16xf32>,
          %get3A_1548 = vector.shape_cast %get3A_1547 : vector<1x1x16xf32> to vector<16xf32>
          %mul3A_1549 = arith.mulf %get3A_1548, %gather3A_1443 : vector<16xf32>
          %swap3A_1550 = arith.constant 2 : i32
          %swap3A_1551 = arith.index_cast %swap3A_1550 : i32 to index
          %swap3A_1552 = arith.index_cast %add3A_1445 : i32 to index
          %swap3A_1553 = arith.constant 112 : index
          %swap3A_1554 = tpu.vector_load %arg10[%swap3A_1551, %swap3A_1552, %swap3A_1553] {strides = array<i32>} : memref<3x80x128xf32, #tpu.memory_space<vmem>>, vector<1x1x16xf32>,
          %swap3A_1555 = vector.shape_cast %swap3A_1554 : vector<1x1x16xf32> to vector<16xf32>
          %swap3A_1556 = vector.shape_cast %mul3A_1549 : vector<16xf32> to vector<1x1x16xf32>
          tpu.vector_store %arg10[%swap3A_1551, %swap3A_1552, %swap3A_1553], %swap3A_1556 {strides = array<i32>} : memref<3x80x128xf32, #tpu.memory_space<vmem>>, vector<1x1x16xf32>,
        }
        %scan3A_1384 = arith.constant 16 : i32
        %get3A_1385 = arith.index_cast %add3A_1374 : i32 to index
        %get3A_1386 = arith.constant 16 : index
        %get3A_1387 = tpu.vector_load %arg9[%get3A_1385, %get3A_1386] {strides = array<i32>} : memref<25x80xf32, #tpu.memory_space<vmem>>, vector<1x16xf32>,
        %get3A_1388 = vector.shape_cast %get3A_1387 : vector<1x16xf32> to vector<16xf32>
        %scan3A_1389 = arith.constant 0 : i32
        %scan3A_1390 = arith.constant 0 : i32
        %scan3A_1391 = arith.constant 16 : i32
        %scan3A_1392 = arith.addi %scan3A_1390, %scan3A_1391 : i32
        %scan3A_1393 = arith.constant 1 : i32
        scf.for %scan3A_1441 = %scan3A_1390 to %scan3A_1392 step %scan3A_1393  : i32 {
          %broadcast_in_dim3A_1442 = vector.broadcast %scan3A_1441 : i32 to vector<16x1xi32>
          %gather3A = vector.shape_cast %broadcast_in_dim3A_1442 : vector<16x1xi32> to vector<16xi32>
          %gather3A_1443 = tpu.dynamic_gather %get3A_1388[%gather3A] in [0] : vector<16xf32>, vector<16xi32> -> vector<16xf32>
          %add3A_1444 = arith.constant 16 : i32
          %add3A_1445 = arith.addi %add3A_1444, %scan3A_1441 : i32
          %get3A_1446 = arith.constant 2 : i32
          %get3A_1447 = arith.index_cast %get3A_1446 : i32 to index
          %get3A_1448 = arith.index_cast %add3A_1445 : i32 to index
          %get3A_1449 = arith.constant 0 : index
          %get3A_1450 = tpu.vector_load %arg10[%get3A_1447, %get3A_1448, %get3A_1449] {strides = array<i32>} : memref<3x80x128xf32, #tpu.memory_space<vmem>>, vector<1x1x16xf32>,
          %get3A_1451 = vector.shape_cast %get3A_1450 : vector<1x1x16xf32> to vector<16xf32>
          %mul3A_1452 = arith.mulf %get3A_1451, %gather3A_1443 : vector<16xf32>
          %swap3A = arith.constant 2 : i32
          %swap3A_1453 = arith.index_cast %swap3A : i32 to index
          %swap3A_1454 = arith.index_cast %add3A_1445 : i32 to index
          %swap3A_1455 = arith.constant 0 : index
          %swap3A_1456 = tpu.vector_load %arg10[%swap3A_1453, %swap3A_1454, %swap3A_1455] {strides = array<i32>} : memref<3x80x128xf32, #tpu.memory_space<vmem>>, vector<1x1x16xf32>,
          %swap3A_1457 = vector.shape_cast %swap3A_1456 : vector<1x1x16xf32> to vector<16xf32>
          %swap3A_1458 = vector.shape_cast %mul3A_1452 : vector<16xf32> to vector<1x1x16xf32>
          tpu.vector_store %arg10[%swap3A_1453, %swap3A_1454, %swap3A_1455], %swap3A_1458 {strides = array<i32>} : memref<3x80x128xf32, #tpu.memory_space<vmem>>, vector<1x1x16xf32>,
          %get3A_1459 = arith.constant 2 : i32
          %get3A_1460 = arith.index_cast %get3A_1459 : i32 to index
          %get3A_1461 = arith.index_cast %add3A_1445 : i32 to index
          %get3A_1462 = arith.constant 16 : index
          %get3A_1463 = tpu.vector_load %arg10[%get3A_1460, %get3A_1461, %get3A_1462] {strides = array<i32>} : memref<3x80x128xf32, #tpu.memory_space<vmem>>, vector<1x1x16xf32>,
          %get3A_1464 = vector.shape_cast %get3A_1463 : vector<1x1x16xf32> to vector<16xf32>
          %mul3A_1465 = arith.mulf %get3A_1464, %gather3A_1443 : vector<16xf32>
          %swap3A_1466 = arith.constant 2 : i32
          %swap3A_1467 = arith.index_cast %swap3A_1466 : i32 to index
          %swap3A_1468 = arith.index_cast %add3A_1445 : i32 to index
          %swap3A_1469 = arith.constant 16 : index
          %swap3A_1470 = tpu.vector_load %arg10[%swap3A_1467, %swap3A_1468, %swap3A_1469] {strides = array<i32>} : memref<3x80x128xf32, #tpu.memory_space<vmem>>, vector<1x1x16xf32>,
          %swap3A_1471 = vector.shape_cast %swap3A_1470 : vector<1x1x16xf32> to vector<16xf32>
          %swap3A_1472 = vector.shape_cast %mul3A_1465 : vector<16xf32> to vector<1x1x16xf32>
          tpu.vector_store %arg10[%swap3A_1467, %swap3A_1468, %swap3A_1469], %swap3A_1472 {strides = array<i32>} : memref<3x80x128xf32, #tpu.memory_space<vmem>>, vector<1x1x16xf32>,
          %get3A_1473 = arith.constant 2 : i32
          %get3A_1474 = arith.index_cast %get3A_1473 : i32 to index
          %get3A_1475 = arith.index_cast %add3A_1445 : i32 to index
          %get3A_1476 = arith.constant 32 : index
          %get3A_1477 = tpu.vector_load %arg10[%get3A_1474, %get3A_1475, %get3A_1476] {strides = array<i32>} : memref<3x80x128xf32, #tpu.memory_space<vmem>>, vector<1x1x16xf32>,
          %get3A_1478 = vector.shape_cast %get3A_1477 : vector<1x1x16xf32> to vector<16xf32>
          %mul3A_1479 = arith.mulf %get3A_1478, %gather3A_1443 : vector<16xf32>
          %swap3A_1480 = arith.constant 2 : i32
          %swap3A_1481 = arith.index_cast %swap3A_1480 : i32 to index
          %swap3A_1482 = arith.index_cast %add3A_1445 : i32 to index
          %swap3A_1483 = arith.constant 32 : index
          %swap3A_1484 = tpu.vector_load %arg10[%swap3A_1481, %swap3A_1482, %swap3A_1483] {strides = array<i32>} : memref<3x80x128xf32, #tpu.memory_space<vmem>>, vector<1x1x16xf32>,
          %swap3A_1485 = vector.shape_cast %swap3A_1484 : vector<1x1x16xf32> to vector<16xf32>
          %swap3A_1486 = vector.shape_cast %mul3A_1479 : vector<16xf32> to vector<1x1x16xf32>
          tpu.vector_store %arg10[%swap3A_1481, %swap3A_1482, %swap3A_1483], %swap3A_1486 {strides = array<i32>} : memref<3x80x128xf32, #tpu.memory_space<vmem>>, vector<1x1x16xf32>,
          %get3A_1487 = arith.constant 2 : i32
          %get3A_1488 = arith.index_cast %get3A_1487 : i32 to index
          %get3A_1489 = arith.index_cast %add3A_1445 : i32 to index
          %get3A_1490 = arith.constant 48 : index
          %get3A_1491 = tpu.vector_load %arg10[%get3A_1488, %get3A_1489, %get3A_1490] {strides = array<i32>} : memref<3x80x128xf32, #tpu.memory_space<vmem>>, vector<1x1x16xf32>,
          %get3A_1492 = vector.shape_cast %get3A_1491 : vector<1x1x16xf32> to vector<16xf32>
          %mul3A_1493 = arith.mulf %get3A_1492, %gather3A_1443 : vector<16xf32>
          %swap3A_1494 = arith.constant 2 : i32
          %swap3A_1495 = arith.index_cast %swap3A_1494 : i32 to index
          %swap3A_1496 = arith.index_cast %add3A_1445 : i32 to index
          %swap3A_1497 = arith.constant 48 : index
          %swap3A_1498 = tpu.vector_load %arg10[%swap3A_1495, %swap3A_1496, %swap3A_1497] {strides = array<i32>} : memref<3x80x128xf32, #tpu.memory_space<vmem>>, vector<1x1x16xf32>,
          %swap3A_1499 = vector.shape_cast %swap3A_1498 : vector<1x1x16xf32> to vector<16xf32>
          %swap3A_1500 = vector.shape_cast %mul3A_1493 : vector<16xf32> to vector<1x1x16xf32>
          tpu.vector_store %arg10[%swap3A_1495, %swap3A_1496, %swap3A_1497], %swap3A_1500 {strides = array<i32>} : memref<3x80x128xf32, #tpu.memory_space<vmem>>, vector<1x1x16xf32>,
          %get3A_1501 = arith.constant 2 : i32
          %get3A_1502 = arith.index_cast %get3A_1501 : i32 to index
          %get3A_1503 = arith.index_cast %add3A_1445 : i32 to index
          %get3A_1504 = arith.constant 64 : index
          %get3A_1505 = tpu.vector_load %arg10[%get3A_1502, %get3A_1503, %get3A_1504] {strides = array<i32>} : memref<3x80x128xf32, #tpu.memory_space<vmem>>, vector<1x1x16xf32>,
          %get3A_1506 = vector.shape_cast %get3A_1505 : vector<1x1x16xf32> to vector<16xf32>
          %mul3A_1507 = arith.mulf %get3A_1506, %gather3A_1443 : vector<16xf32>
          %swap3A_1508 = arith.constant 2 : i32
          %swap3A_1509 = arith.index_cast %swap3A_1508 : i32 to index
          %swap3A_1510 = arith.index_cast %add3A_1445 : i32 to index
          %swap3A_1511 = arith.constant 64 : index
          %swap3A_1512 = tpu.vector_load %arg10[%swap3A_1509, %swap3A_1510, %swap3A_1511] {strides = array<i32>} : memref<3x80x128xf32, #tpu.memory_space<vmem>>, vector<1x1x16xf32>,
          %swap3A_1513 = vector.shape_cast %swap3A_1512 : vector<1x1x16xf32> to vector<16xf32>
          %swap3A_1514 = vector.shape_cast %mul3A_1507 : vector<16xf32> to vector<1x1x16xf32>
          tpu.vector_store %arg10[%swap3A_1509, %swap3A_1510, %swap3A_1511], %swap3A_1514 {strides = array<i32>} : memref<3x80x128xf32, #tpu.memory_space<vmem>>, vector<1x1x16xf32>,
          %get3A_1515 = arith.constant 2 : i32
          %get3A_1516 = arith.index_cast %get3A_1515 : i32 to index
          %get3A_1517 = arith.index_cast %add3A_1445 : i32 to index
          %get3A_1518 = arith.constant 80 : index
          %get3A_1519 = tpu.vector_load %arg10[%get3A_1516, %get3A_1517, %get3A_1518] {strides = array<i32>} : memref<3x80x128xf32, #tpu.memory_space<vmem>>, vector<1x1x16xf32>,
          %get3A_1520 = vector.shape_cast %get3A_1519 : vector<1x1x16xf32> to vector<16xf32>
          %mul3A_1521 = arith.mulf %get3A_1520, %gather3A_1443 : vector<16xf32>
          %swap3A_1522 = arith.constant 2 : i32
          %swap3A_1523 = arith.index_cast %swap3A_1522 : i32 to index
          %swap3A_1524 = arith.index_cast %add3A_1445 : i32 to index
          %swap3A_1525 = arith.constant 80 : index
          %swap3A_1526 = tpu.vector_load %arg10[%swap3A_1523, %swap3A_1524, %swap3A_1525] {strides = array<i32>} : memref<3x80x128xf32, #tpu.memory_space<vmem>>, vector<1x1x16xf32>,
          %swap3A_1527 = vector.shape_cast %swap3A_1526 : vector<1x1x16xf32> to vector<16xf32>
          %swap3A_1528 = vector.shape_cast %mul3A_1521 : vector<16xf32> to vector<1x1x16xf32>
          tpu.vector_store %arg10[%swap3A_1523, %swap3A_1524, %swap3A_1525], %swap3A_1528 {strides = array<i32>} : memref<3x80x128xf32, #tpu.memory_space<vmem>>, vector<1x1x16xf32>,
          %get3A_1529 = arith.constant 2 : i32
          %get3A_1530 = arith.index_cast %get3A_1529 : i32 to index
          %get3A_1531 = arith.index_cast %add3A_1445 : i32 to index
          %get3A_1532 = arith.constant 96 : index
          %get3A_1533 = tpu.vector_load %arg10[%get3A_1530, %get3A_1531, %get3A_1532] {strides = array<i32>} : memref<3x80x128xf32, #tpu.memory_space<vmem>>, vector<1x1x16xf32>,
          %get3A_1534 = vector.shape_cast %get3A_1533 : vector<1x1x16xf32> to vector<16xf32>
          %mul3A_1535 = arith.mulf %get3A_1534, %gather3A_1443 : vector<16xf32>
          %swap3A_1536 = arith.constant 2 : i32
          %swap3A_1537 = arith.index_cast %swap3A_1536 : i32 to index
          %swap3A_1538 = arith.index_cast %add3A_1445 : i32 to index
          %swap3A_1539 = arith.constant 96 : index
          %swap3A_1540 = tpu.vector_load %arg10[%swap3A_1537, %swap3A_1538, %swap3A_1539] {strides = array<i32>} : memref<3x80x128xf32, #tpu.memory_space<vmem>>, vector<1x1x16xf32>,
          %swap3A_1541 = vector.shape_cast %swap3A_1540 : vector<1x1x16xf32> to vector<16xf32>
          %swap3A_1542 = vector.shape_cast %mul3A_1535 : vector<16xf32> to vector<1x1x16xf32>
          tpu.vector_store %arg10[%swap3A_1537, %swap3A_1538, %swap3A_1539], %swap3A_1542 {strides = array<i32>} : memref<3x80x128xf32, #tpu.memory_space<vmem>>, vector<1x1x16xf32>,
          %get3A_1543 = arith.constant 2 : i32
          %get3A_1544 = arith.index_cast %get3A_1543 : i32 to index
          %get3A_1545 = arith.index_cast %add3A_1445 : i32 to index
          %get3A_1546 = arith.constant 112 : index
          %get3A_1547 = tpu.vector_load %arg10[%get3A_1544, %get3A_1545, %get3A_1546] {strides = array<i32>} : memref<3x80x128xf32, #tpu.memory_space<vmem>>, vector<1x1x16xf32>,
          %get3A_1548 = vector.shape_cast %get3A_1547 : vector<1x1x16xf32> to vector<16xf32>
          %mul3A_1549 = arith.mulf %get3A_1548, %gather3A_1443 : vector<16xf32>
          %swap3A_1550 = arith.constant 2 : i32
          %swap3A_1551 = arith.index_cast %swap3A_1550 : i32 to index
          %swap3A_1552 = arith.index_cast %add3A_1445 : i32 to index
          %swap3A_1553 = arith.constant 112 : index
          %swap3A_1554 = tpu.vector_load %arg10[%swap3A_1551, %swap3A_1552, %swap3A_1553] {strides = array<i32>} : memref<3x80x128xf32, #tpu.memory_space<vmem>>, vector<1x1x16xf32>,
          %swap3A_1555 = vector.shape_cast %swap3A_1554 : vector<1x1x16xf32> to vector<16xf32>
          %swap3A_1556 = vector.shape_cast %mul3A_1549 : vector<16xf32> to vector<1x1x16xf32>
          tpu.vector_store %arg10[%swap3A_1551, %swap3A_1552, %swap3A_1553], %swap3A_1556 {strides = array<i32>} : memref<3x80x128xf32, #tpu.memory_space<vmem>>, vector<1x1x16xf32>,
        }
        %scan3A_1394 = arith.constant 16 : i32
        %get3A_1395 = arith.index_cast %add3A_1374 : i32 to index
        %get3A_1396 = arith.constant 32 : index
        %get3A_1397 = tpu.vector_load %arg9[%get3A_1395, %get3A_1396] {strides = array<i32>} : memref<25x80xf32, #tpu.memory_space<vmem>>, vector<1x16xf32>,
        %get3A_1398 = vector.shape_cast %get3A_1397 : vector<1x16xf32> to vector<16xf32>
        %scan3A_1399 = arith.constant 0 : i32
        %scan3A_1400 = arith.constant 0 : i32
        %scan3A_1401 = arith.constant 16 : i32
        %scan3A_1402 = arith.addi %scan3A_1400, %scan3A_1401 : i32
        %scan3A_1403 = arith.constant 1 : i32
        scf.for %scan3A_1441 = %scan3A_1400 to %scan3A_1402 step %scan3A_1403  : i32 {
          %broadcast_in_dim3A_1442 = vector.broadcast %scan3A_1441 : i32 to vector<16x1xi32>
          %gather3A = vector.shape_cast %broadcast_in_dim3A_1442 : vector<16x1xi32> to vector<16xi32>
          %gather3A_1443 = tpu.dynamic_gather %get3A_1398[%gather3A] in [0] : vector<16xf32>, vector<16xi32> -> vector<16xf32>
          %add3A_1444 = arith.constant 32 : i32
          %add3A_1445 = arith.addi %add3A_1444, %scan3A_1441 : i32
          %get3A_1446 = arith.constant 2 : i32
          %get3A_1447 = arith.index_cast %get3A_1446 : i32 to index
          %get3A_1448 = arith.index_cast %add3A_1445 : i32 to index
          %get3A_1449 = arith.constant 0 : index
          %get3A_1450 = tpu.vector_load %arg10[%get3A_1447, %get3A_1448, %get3A_1449] {strides = array<i32>} : memref<3x80x128xf32, #tpu.memory_space<vmem>>, vector<1x1x16xf32>,
          %get3A_1451 = vector.shape_cast %get3A_1450 : vector<1x1x16xf32> to vector<16xf32>
          %mul3A_1452 = arith.mulf %get3A_1451, %gather3A_1443 : vector<16xf32>
          %swap3A = arith.constant 2 : i32
          %swap3A_1453 = arith.index_cast %swap3A : i32 to index
          %swap3A_1454 = arith.index_cast %add3A_1445 : i32 to index
          %swap3A_1455 = arith.constant 0 : index
          %swap3A_1456 = tpu.vector_load %arg10[%swap3A_1453, %swap3A_1454, %swap3A_1455] {strides = array<i32>} : memref<3x80x128xf32, #tpu.memory_space<vmem>>, vector<1x1x16xf32>,
          %swap3A_1457 = vector.shape_cast %swap3A_1456 : vector<1x1x16xf32> to vector<16xf32>
          %swap3A_1458 = vector.shape_cast %mul3A_1452 : vector<16xf32> to vector<1x1x16xf32>
          tpu.vector_store %arg10[%swap3A_1453, %swap3A_1454, %swap3A_1455], %swap3A_1458 {strides = array<i32>} : memref<3x80x128xf32, #tpu.memory_space<vmem>>, vector<1x1x16xf32>,
          %get3A_1459 = arith.constant 2 : i32
          %get3A_1460 = arith.index_cast %get3A_1459 : i32 to index
          %get3A_1461 = arith.index_cast %add3A_1445 : i32 to index
          %get3A_1462 = arith.constant 16 : index
          %get3A_1463 = tpu.vector_load %arg10[%get3A_1460, %get3A_1461, %get3A_1462] {strides = array<i32>} : memref<3x80x128xf32, #tpu.memory_space<vmem>>, vector<1x1x16xf32>,
          %get3A_1464 = vector.shape_cast %get3A_1463 : vector<1x1x16xf32> to vector<16xf32>
          %mul3A_1465 = arith.mulf %get3A_1464, %gather3A_1443 : vector<16xf32>
          %swap3A_1466 = arith.constant 2 : i32
          %swap3A_1467 = arith.index_cast %swap3A_1466 : i32 to index
          %swap3A_1468 = arith.index_cast %add3A_1445 : i32 to index
          %swap3A_1469 = arith.constant 16 : index
          %swap3A_1470 = tpu.vector_load %arg10[%swap3A_1467, %swap3A_1468, %swap3A_1469] {strides = array<i32>} : memref<3x80x128xf32, #tpu.memory_space<vmem>>, vector<1x1x16xf32>,
          %swap3A_1471 = vector.shape_cast %swap3A_1470 : vector<1x1x16xf32> to vector<16xf32>
          %swap3A_1472 = vector.shape_cast %mul3A_1465 : vector<16xf32> to vector<1x1x16xf32>
          tpu.vector_store %arg10[%swap3A_1467, %swap3A_1468, %swap3A_1469], %swap3A_1472 {strides = array<i32>} : memref<3x80x128xf32, #tpu.memory_space<vmem>>, vector<1x1x16xf32>,
          %get3A_1473 = arith.constant 2 : i32
          %get3A_1474 = arith.index_cast %get3A_1473 : i32 to index
          %get3A_1475 = arith.index_cast %add3A_1445 : i32 to index
          %get3A_1476 = arith.constant 32 : index
          %get3A_1477 = tpu.vector_load %arg10[%get3A_1474, %get3A_1475, %get3A_1476] {strides = array<i32>} : memref<3x80x128xf32, #tpu.memory_space<vmem>>, vector<1x1x16xf32>,
          %get3A_1478 = vector.shape_cast %get3A_1477 : vector<1x1x16xf32> to vector<16xf32>
          %mul3A_1479 = arith.mulf %get3A_1478, %gather3A_1443 : vector<16xf32>
          %swap3A_1480 = arith.constant 2 : i32
          %swap3A_1481 = arith.index_cast %swap3A_1480 : i32 to index
          %swap3A_1482 = arith.index_cast %add3A_1445 : i32 to index
          %swap3A_1483 = arith.constant 32 : index
          %swap3A_1484 = tpu.vector_load %arg10[%swap3A_1481, %swap3A_1482, %swap3A_1483] {strides = array<i32>} : memref<3x80x128xf32, #tpu.memory_space<vmem>>, vector<1x1x16xf32>,
          %swap3A_1485 = vector.shape_cast %swap3A_1484 : vector<1x1x16xf32> to vector<16xf32>
          %swap3A_1486 = vector.shape_cast %mul3A_1479 : vector<16xf32> to vector<1x1x16xf32>
          tpu.vector_store %arg10[%swap3A_1481, %swap3A_1482, %swap3A_1483], %swap3A_1486 {strides = array<i32>} : memref<3x80x128xf32, #tpu.memory_space<vmem>>, vector<1x1x16xf32>,
          %get3A_1487 = arith.constant 2 : i32
          %get3A_1488 = arith.index_cast %get3A_1487 : i32 to index
          %get3A_1489 = arith.index_cast %add3A_1445 : i32 to index
          %get3A_1490 = arith.constant 48 : index
          %get3A_1491 = tpu.vector_load %arg10[%get3A_1488, %get3A_1489, %get3A_1490] {strides = array<i32>} : memref<3x80x128xf32, #tpu.memory_space<vmem>>, vector<1x1x16xf32>,
          %get3A_1492 = vector.shape_cast %get3A_1491 : vector<1x1x16xf32> to vector<16xf32>
          %mul3A_1493 = arith.mulf %get3A_1492, %gather3A_1443 : vector<16xf32>
          %swap3A_1494 = arith.constant 2 : i32
          %swap3A_1495 = arith.index_cast %swap3A_1494 : i32 to index
          %swap3A_1496 = arith.index_cast %add3A_1445 : i32 to index
          %swap3A_1497 = arith.constant 48 : index
          %swap3A_1498 = tpu.vector_load %arg10[%swap3A_1495, %swap3A_1496, %swap3A_1497] {strides = array<i32>} : memref<3x80x128xf32, #tpu.memory_space<vmem>>, vector<1x1x16xf32>,
          %swap3A_1499 = vector.shape_cast %swap3A_1498 : vector<1x1x16xf32> to vector<16xf32>
          %swap3A_1500 = vector.shape_cast %mul3A_1493 : vector<16xf32> to vector<1x1x16xf32>
          tpu.vector_store %arg10[%swap3A_1495, %swap3A_1496, %swap3A_1497], %swap3A_1500 {strides = array<i32>} : memref<3x80x128xf32, #tpu.memory_space<vmem>>, vector<1x1x16xf32>,
          %get3A_1501 = arith.constant 2 : i32
          %get3A_1502 = arith.index_cast %get3A_1501 : i32 to index
          %get3A_1503 = arith.index_cast %add3A_1445 : i32 to index
          %get3A_1504 = arith.constant 64 : index
          %get3A_1505 = tpu.vector_load %arg10[%get3A_1502, %get3A_1503, %get3A_1504] {strides = array<i32>} : memref<3x80x128xf32, #tpu.memory_space<vmem>>, vector<1x1x16xf32>,
          %get3A_1506 = vector.shape_cast %get3A_1505 : vector<1x1x16xf32> to vector<16xf32>
          %mul3A_1507 = arith.mulf %get3A_1506, %gather3A_1443 : vector<16xf32>
          %swap3A_1508 = arith.constant 2 : i32
          %swap3A_1509 = arith.index_cast %swap3A_1508 : i32 to index
          %swap3A_1510 = arith.index_cast %add3A_1445 : i32 to index
          %swap3A_1511 = arith.constant 64 : index
          %swap3A_1512 = tpu.vector_load %arg10[%swap3A_1509, %swap3A_1510, %swap3A_1511] {strides = array<i32>} : memref<3x80x128xf32, #tpu.memory_space<vmem>>, vector<1x1x16xf32>,
          %swap3A_1513 = vector.shape_cast %swap3A_1512 : vector<1x1x16xf32> to vector<16xf32>
          %swap3A_1514 = vector.shape_cast %mul3A_1507 : vector<16xf32> to vector<1x1x16xf32>
          tpu.vector_store %arg10[%swap3A_1509, %swap3A_1510, %swap3A_1511], %swap3A_1514 {strides = array<i32>} : memref<3x80x128xf32, #tpu.memory_space<vmem>>, vector<1x1x16xf32>,
          %get3A_1515 = arith.constant 2 : i32
          %get3A_1516 = arith.index_cast %get3A_1515 : i32 to index
          %get3A_1517 = arith.index_cast %add3A_1445 : i32 to index
          %get3A_1518 = arith.constant 80 : index
          %get3A_1519 = tpu.vector_load %arg10[%get3A_1516, %get3A_1517, %get3A_1518] {strides = array<i32>} : memref<3x80x128xf32, #tpu.memory_space<vmem>>, vector<1x1x16xf32>,
          %get3A_1520 = vector.shape_cast %get3A_1519 : vector<1x1x16xf32> to vector<16xf32>
          %mul3A_1521 = arith.mulf %get3A_1520, %gather3A_1443 : vector<16xf32>
          %swap3A_1522 = arith.constant 2 : i32
          %swap3A_1523 = arith.index_cast %swap3A_1522 : i32 to index
          %swap3A_1524 = arith.index_cast %add3A_1445 : i32 to index
          %swap3A_1525 = arith.constant 80 : index
          %swap3A_1526 = tpu.vector_load %arg10[%swap3A_1523, %swap3A_1524, %swap3A_1525] {strides = array<i32>} : memref<3x80x128xf32, #tpu.memory_space<vmem>>, vector<1x1x16xf32>,
          %swap3A_1527 = vector.shape_cast %swap3A_1526 : vector<1x1x16xf32> to vector<16xf32>
          %swap3A_1528 = vector.shape_cast %mul3A_1521 : vector<16xf32> to vector<1x1x16xf32>
          tpu.vector_store %arg10[%swap3A_1523, %swap3A_1524, %swap3A_1525], %swap3A_1528 {strides = array<i32>} : memref<3x80x128xf32, #tpu.memory_space<vmem>>, vector<1x1x16xf32>,
          %get3A_1529 = arith.constant 2 : i32
          %get3A_1530 = arith.index_cast %get3A_1529 : i32 to index
          %get3A_1531 = arith.index_cast %add3A_1445 : i32 to index
          %get3A_1532 = arith.constant 96 : index
          %get3A_1533 = tpu.vector_load %arg10[%get3A_1530, %get3A_1531, %get3A_1532] {strides = array<i32>} : memref<3x80x128xf32, #tpu.memory_space<vmem>>, vector<1x1x16xf32>,
          %get3A_1534 = vector.shape_cast %get3A_1533 : vector<1x1x16xf32> to vector<16xf32>
          %mul3A_1535 = arith.mulf %get3A_1534, %gather3A_1443 : vector<16xf32>
          %swap3A_1536 = arith.constant 2 : i32
          %swap3A_1537 = arith.index_cast %swap3A_1536 : i32 to index
          %swap3A_1538 = arith.index_cast %add3A_1445 : i32 to index
          %swap3A_1539 = arith.constant 96 : index
          %swap3A_1540 = tpu.vector_load %arg10[%swap3A_1537, %swap3A_1538, %swap3A_1539] {strides = array<i32>} : memref<3x80x128xf32, #tpu.memory_space<vmem>>, vector<1x1x16xf32>,
          %swap3A_1541 = vector.shape_cast %swap3A_1540 : vector<1x1x16xf32> to vector<16xf32>
          %swap3A_1542 = vector.shape_cast %mul3A_1535 : vector<16xf32> to vector<1x1x16xf32>
          tpu.vector_store %arg10[%swap3A_1537, %swap3A_1538, %swap3A_1539], %swap3A_1542 {strides = array<i32>} : memref<3x80x128xf32, #tpu.memory_space<vmem>>, vector<1x1x16xf32>,
          %get3A_1543 = arith.constant 2 : i32
          %get3A_1544 = arith.index_cast %get3A_1543 : i32 to index
          %get3A_1545 = arith.index_cast %add3A_1445 : i32 to index
          %get3A_1546 = arith.constant 112 : index
          %get3A_1547 = tpu.vector_load %arg10[%get3A_1544, %get3A_1545, %get3A_1546] {strides = array<i32>} : memref<3x80x128xf32, #tpu.memory_space<vmem>>, vector<1x1x16xf32>,
          %get3A_1548 = vector.shape_cast %get3A_1547 : vector<1x1x16xf32> to vector<16xf32>
          %mul3A_1549 = arith.mulf %get3A_1548, %gather3A_1443 : vector<16xf32>
          %swap3A_1550 = arith.constant 2 : i32
          %swap3A_1551 = arith.index_cast %swap3A_1550 : i32 to index
          %swap3A_1552 = arith.index_cast %add3A_1445 : i32 to index
          %swap3A_1553 = arith.constant 112 : index
          %swap3A_1554 = tpu.vector_load %arg10[%swap3A_1551, %swap3A_1552, %swap3A_1553] {strides = array<i32>} : memref<3x80x128xf32, #tpu.memory_space<vmem>>, vector<1x1x16xf32>,
          %swap3A_1555 = vector.shape_cast %swap3A_1554 : vector<1x1x16xf32> to vector<16xf32>
          %swap3A_1556 = vector.shape_cast %mul3A_1549 : vector<16xf32> to vector<1x1x16xf32>
          tpu.vector_store %arg10[%swap3A_1551, %swap3A_1552, %swap3A_1553], %swap3A_1556 {strides = array<i32>} : memref<3x80x128xf32, #tpu.memory_space<vmem>>, vector<1x1x16xf32>,
        }
        %scan3A_1404 = arith.constant 16 : i32
        %get3A_1405 = arith.index_cast %add3A_1374 : i32 to index
        %get3A_1406 = arith.constant 48 : index
        %get3A_1407 = tpu.vector_load %arg9[%get3A_1405, %get3A_1406] {strides = array<i32>} : memref<25x80xf32, #tpu.memory_space<vmem>>, vector<1x16xf32>,
        %get3A_1408 = vector.shape_cast %get3A_1407 : vector<1x16xf32> to vector<16xf32>
        %scan3A_1409 = arith.constant 0 : i32
        %scan3A_1410 = arith.constant 0 : i32
        %scan3A_1411 = arith.constant 16 : i32
        %scan3A_1412 = arith.addi %scan3A_1410, %scan3A_1411 : i32
        %scan3A_1413 = arith.constant 1 : i32
        scf.for %scan3A_1441 = %scan3A_1410 to %scan3A_1412 step %scan3A_1413  : i32 {
          %broadcast_in_dim3A_1442 = vector.broadcast %scan3A_1441 : i32 to vector<16x1xi32>
          %gather3A = vector.shape_cast %broadcast_in_dim3A_1442 : vector<16x1xi32> to vector<16xi32>
          %gather3A_1443 = tpu.dynamic_gather %get3A_1408[%gather3A] in [0] : vector<16xf32>, vector<16xi32> -> vector<16xf32>
          %add3A_1444 = arith.constant 48 : i32
          %add3A_1445 = arith.addi %add3A_1444, %scan3A_1441 : i32
          %get3A_1446 = arith.constant 2 : i32
          %get3A_1447 = arith.index_cast %get3A_1446 : i32 to index
          %get3A_1448 = arith.index_cast %add3A_1445 : i32 to index
          %get3A_1449 = arith.constant 0 : index
          %get3A_1450 = tpu.vector_load %arg10[%get3A_1447, %get3A_1448, %get3A_1449] {strides = array<i32>} : memref<3x80x128xf32, #tpu.memory_space<vmem>>, vector<1x1x16xf32>,
          %get3A_1451 = vector.shape_cast %get3A_1450 : vector<1x1x16xf32> to vector<16xf32>
          %mul3A_1452 = arith.mulf %get3A_1451, %gather3A_1443 : vector<16xf32>
          %swap3A = arith.constant 2 : i32
          %swap3A_1453 = arith.index_cast %swap3A : i32 to index
          %swap3A_1454 = arith.index_cast %add3A_1445 : i32 to index
          %swap3A_1455 = arith.constant 0 : index
          %swap3A_1456 = tpu.vector_load %arg10[%swap3A_1453, %swap3A_1454, %swap3A_1455] {strides = array<i32>} : memref<3x80x128xf32, #tpu.memory_space<vmem>>, vector<1x1x16xf32>,
          %swap3A_1457 = vector.shape_cast %swap3A_1456 : vector<1x1x16xf32> to vector<16xf32>
          %swap3A_1458 = vector.shape_cast %mul3A_1452 : vector<16xf32> to vector<1x1x16xf32>
          tpu.vector_store %arg10[%swap3A_1453, %swap3A_1454, %swap3A_1455], %swap3A_1458 {strides = array<i32>} : memref<3x80x128xf32, #tpu.memory_space<vmem>>, vector<1x1x16xf32>,
          %get3A_1459 = arith.constant 2 : i32
          %get3A_1460 = arith.index_cast %get3A_1459 : i32 to index
          %get3A_1461 = arith.index_cast %add3A_1445 : i32 to index
          %get3A_1462 = arith.constant 16 : index
          %get3A_1463 = tpu.vector_load %arg10[%get3A_1460, %get3A_1461, %get3A_1462] {strides = array<i32>} : memref<3x80x128xf32, #tpu.memory_space<vmem>>, vector<1x1x16xf32>,
          %get3A_1464 = vector.shape_cast %get3A_1463 : vector<1x1x16xf32> to vector<16xf32>
          %mul3A_1465 = arith.mulf %get3A_1464, %gather3A_1443 : vector<16xf32>
          %swap3A_1466 = arith.constant 2 : i32
          %swap3A_1467 = arith.index_cast %swap3A_1466 : i32 to index
          %swap3A_1468 = arith.index_cast %add3A_1445 : i32 to index
          %swap3A_1469 = arith.constant 16 : index
          %swap3A_1470 = tpu.vector_load %arg10[%swap3A_1467, %swap3A_1468, %swap3A_1469] {strides = array<i32>} : memref<3x80x128xf32, #tpu.memory_space<vmem>>, vector<1x1x16xf32>,
          %swap3A_1471 = vector.shape_cast %swap3A_1470 : vector<1x1x16xf32> to vector<16xf32>
          %swap3A_1472 = vector.shape_cast %mul3A_1465 : vector<16xf32> to vector<1x1x16xf32>
          tpu.vector_store %arg10[%swap3A_1467, %swap3A_1468, %swap3A_1469], %swap3A_1472 {strides = array<i32>} : memref<3x80x128xf32, #tpu.memory_space<vmem>>, vector<1x1x16xf32>,
          %get3A_1473 = arith.constant 2 : i32
          %get3A_1474 = arith.index_cast %get3A_1473 : i32 to index
          %get3A_1475 = arith.index_cast %add3A_1445 : i32 to index
          %get3A_1476 = arith.constant 32 : index
          %get3A_1477 = tpu.vector_load %arg10[%get3A_1474, %get3A_1475, %get3A_1476] {strides = array<i32>} : memref<3x80x128xf32, #tpu.memory_space<vmem>>, vector<1x1x16xf32>,
          %get3A_1478 = vector.shape_cast %get3A_1477 : vector<1x1x16xf32> to vector<16xf32>
          %mul3A_1479 = arith.mulf %get3A_1478, %gather3A_1443 : vector<16xf32>
          %swap3A_1480 = arith.constant 2 : i32
          %swap3A_1481 = arith.index_cast %swap3A_1480 : i32 to index
          %swap3A_1482 = arith.index_cast %add3A_1445 : i32 to index
          %swap3A_1483 = arith.constant 32 : index
          %swap3A_1484 = tpu.vector_load %arg10[%swap3A_1481, %swap3A_1482, %swap3A_1483] {strides = array<i32>} : memref<3x80x128xf32, #tpu.memory_space<vmem>>, vector<1x1x16xf32>,
          %swap3A_1485 = vector.shape_cast %swap3A_1484 : vector<1x1x16xf32> to vector<16xf32>
          %swap3A_1486 = vector.shape_cast %mul3A_1479 : vector<16xf32> to vector<1x1x16xf32>
          tpu.vector_store %arg10[%swap3A_1481, %swap3A_1482, %swap3A_1483], %swap3A_1486 {strides = array<i32>} : memref<3x80x128xf32, #tpu.memory_space<vmem>>, vector<1x1x16xf32>,
          %get3A_1487 = arith.constant 2 : i32
          %get3A_1488 = arith.index_cast %get3A_1487 : i32 to index
          %get3A_1489 = arith.index_cast %add3A_1445 : i32 to index
          %get3A_1490 = arith.constant 48 : index
          %get3A_1491 = tpu.vector_load %arg10[%get3A_1488, %get3A_1489, %get3A_1490] {strides = array<i32>} : memref<3x80x128xf32, #tpu.memory_space<vmem>>, vector<1x1x16xf32>,
          %get3A_1492 = vector.shape_cast %get3A_1491 : vector<1x1x16xf32> to vector<16xf32>
          %mul3A_1493 = arith.mulf %get3A_1492, %gather3A_1443 : vector<16xf32>
          %swap3A_1494 = arith.constant 2 : i32
          %swap3A_1495 = arith.index_cast %swap3A_1494 : i32 to index
          %swap3A_1496 = arith.index_cast %add3A_1445 : i32 to index
          %swap3A_1497 = arith.constant 48 : index
          %swap3A_1498 = tpu.vector_load %arg10[%swap3A_1495, %swap3A_1496, %swap3A_1497] {strides = array<i32>} : memref<3x80x128xf32, #tpu.memory_space<vmem>>, vector<1x1x16xf32>,
          %swap3A_1499 = vector.shape_cast %swap3A_1498 : vector<1x1x16xf32> to vector<16xf32>
          %swap3A_1500 = vector.shape_cast %mul3A_1493 : vector<16xf32> to vector<1x1x16xf32>
          tpu.vector_store %arg10[%swap3A_1495, %swap3A_1496, %swap3A_1497], %swap3A_1500 {strides = array<i32>} : memref<3x80x128xf32, #tpu.memory_space<vmem>>, vector<1x1x16xf32>,
          %get3A_1501 = arith.constant 2 : i32
          %get3A_1502 = arith.index_cast %get3A_1501 : i32 to index
          %get3A_1503 = arith.index_cast %add3A_1445 : i32 to index
          %get3A_1504 = arith.constant 64 : index
          %get3A_1505 = tpu.vector_load %arg10[%get3A_1502, %get3A_1503, %get3A_1504] {strides = array<i32>} : memref<3x80x128xf32, #tpu.memory_space<vmem>>, vector<1x1x16xf32>,
          %get3A_1506 = vector.shape_cast %get3A_1505 : vector<1x1x16xf32> to vector<16xf32>
          %mul3A_1507 = arith.mulf %get3A_1506, %gather3A_1443 : vector<16xf32>
          %swap3A_1508 = arith.constant 2 : i32
          %swap3A_1509 = arith.index_cast %swap3A_1508 : i32 to index
          %swap3A_1510 = arith.index_cast %add3A_1445 : i32 to index
          %swap3A_1511 = arith.constant 64 : index
          %swap3A_1512 = tpu.vector_load %arg10[%swap3A_1509, %swap3A_1510, %swap3A_1511] {strides = array<i32>} : memref<3x80x128xf32, #tpu.memory_space<vmem>>, vector<1x1x16xf32>,
          %swap3A_1513 = vector.shape_cast %swap3A_1512 : vector<1x1x16xf32> to vector<16xf32>
          %swap3A_1514 = vector.shape_cast %mul3A_1507 : vector<16xf32> to vector<1x1x16xf32>
          tpu.vector_store %arg10[%swap3A_1509, %swap3A_1510, %swap3A_1511], %swap3A_1514 {strides = array<i32>} : memref<3x80x128xf32, #tpu.memory_space<vmem>>, vector<1x1x16xf32>,
          %get3A_1515 = arith.constant 2 : i32
          %get3A_1516 = arith.index_cast %get3A_1515 : i32 to index
          %get3A_1517 = arith.index_cast %add3A_1445 : i32 to index
          %get3A_1518 = arith.constant 80 : index
          %get3A_1519 = tpu.vector_load %arg10[%get3A_1516, %get3A_1517, %get3A_1518] {strides = array<i32>} : memref<3x80x128xf32, #tpu.memory_space<vmem>>, vector<1x1x16xf32>,
          %get3A_1520 = vector.shape_cast %get3A_1519 : vector<1x1x16xf32> to vector<16xf32>
          %mul3A_1521 = arith.mulf %get3A_1520, %gather3A_1443 : vector<16xf32>
          %swap3A_1522 = arith.constant 2 : i32
          %swap3A_1523 = arith.index_cast %swap3A_1522 : i32 to index
          %swap3A_1524 = arith.index_cast %add3A_1445 : i32 to index
          %swap3A_1525 = arith.constant 80 : index
          %swap3A_1526 = tpu.vector_load %arg10[%swap3A_1523, %swap3A_1524, %swap3A_1525] {strides = array<i32>} : memref<3x80x128xf32, #tpu.memory_space<vmem>>, vector<1x1x16xf32>,
          %swap3A_1527 = vector.shape_cast %swap3A_1526 : vector<1x1x16xf32> to vector<16xf32>
          %swap3A_1528 = vector.shape_cast %mul3A_1521 : vector<16xf32> to vector<1x1x16xf32>
          tpu.vector_store %arg10[%swap3A_1523, %swap3A_1524, %swap3A_1525], %swap3A_1528 {strides = array<i32>} : memref<3x80x128xf32, #tpu.memory_space<vmem>>, vector<1x1x16xf32>,
          %get3A_1529 = arith.constant 2 : i32
          %get3A_1530 = arith.index_cast %get3A_1529 : i32 to index
          %get3A_1531 = arith.index_cast %add3A_1445 : i32 to index
          %get3A_1532 = arith.constant 96 : index
          %get3A_1533 = tpu.vector_load %arg10[%get3A_1530, %get3A_1531, %get3A_1532] {strides = array<i32>} : memref<3x80x128xf32, #tpu.memory_space<vmem>>, vector<1x1x16xf32>,
          %get3A_1534 = vector.shape_cast %get3A_1533 : vector<1x1x16xf32> to vector<16xf32>
          %mul3A_1535 = arith.mulf %get3A_1534, %gather3A_1443 : vector<16xf32>
          %swap3A_1536 = arith.constant 2 : i32
          %swap3A_1537 = arith.index_cast %swap3A_1536 : i32 to index
          %swap3A_1538 = arith.index_cast %add3A_1445 : i32 to index
          %swap3A_1539 = arith.constant 96 : index
          %swap3A_1540 = tpu.vector_load %arg10[%swap3A_1537, %swap3A_1538, %swap3A_1539] {strides = array<i32>} : memref<3x80x128xf32, #tpu.memory_space<vmem>>, vector<1x1x16xf32>,
          %swap3A_1541 = vector.shape_cast %swap3A_1540 : vector<1x1x16xf32> to vector<16xf32>
          %swap3A_1542 = vector.shape_cast %mul3A_1535 : vector<16xf32> to vector<1x1x16xf32>
          tpu.vector_store %arg10[%swap3A_1537, %swap3A_1538, %swap3A_1539], %swap3A_1542 {strides = array<i32>} : memref<3x80x128xf32, #tpu.memory_space<vmem>>, vector<1x1x16xf32>,
          %get3A_1543 = arith.constant 2 : i32
          %get3A_1544 = arith.index_cast %get3A_1543 : i32 to index
          %get3A_1545 = arith.index_cast %add3A_1445 : i32 to index
          %get3A_1546 = arith.constant 112 : index
          %get3A_1547 = tpu.vector_load %arg10[%get3A_1544, %get3A_1545, %get3A_1546] {strides = array<i32>} : memref<3x80x128xf32, #tpu.memory_space<vmem>>, vector<1x1x16xf32>,
          %get3A_1548 = vector.shape_cast %get3A_1547 : vector<1x1x16xf32> to vector<16xf32>
          %mul3A_1549 = arith.mulf %get3A_1548, %gather3A_1443 : vector<16xf32>
          %swap3A_1550 = arith.constant 2 : i32
          %swap3A_1551 = arith.index_cast %swap3A_1550 : i32 to index
          %swap3A_1552 = arith.index_cast %add3A_1445 : i32 to index
          %swap3A_1553 = arith.constant 112 : index
          %swap3A_1554 = tpu.vector_load %arg10[%swap3A_1551, %swap3A_1552, %swap3A_1553] {strides = array<i32>} : memref<3x80x128xf32, #tpu.memory_space<vmem>>, vector<1x1x16xf32>,
          %swap3A_1555 = vector.shape_cast %swap3A_1554 : vector<1x1x16xf32> to vector<16xf32>
          %swap3A_1556 = vector.shape_cast %mul3A_1549 : vector<16xf32> to vector<1x1x16xf32>
          tpu.vector_store %arg10[%swap3A_1551, %swap3A_1552, %swap3A_1553], %swap3A_1556 {strides = array<i32>} : memref<3x80x128xf32, #tpu.memory_space<vmem>>, vector<1x1x16xf32>,
        }
        %scan3A_1414 = arith.constant 16 : i32
        %get3A_1415 = arith.index_cast %add3A_1374 : i32 to index
        %get3A_1416 = arith.constant 64 : index
        %get3A_1417 = tpu.vector_load %arg9[%get3A_1415, %get3A_1416] {strides = array<i32>} : memref<25x80xf32, #tpu.memory_space<vmem>>, vector<1x16xf32>,
        %get3A_1418 = vector.shape_cast %get3A_1417 : vector<1x16xf32> to vector<16xf32>
        %scan3A_1419 = arith.constant 0 : i32
        %scan3A_1420 = arith.constant 0 : i32
        %scan3A_1421 = arith.constant 16 : i32
        %scan3A_1422 = arith.addi %scan3A_1420, %scan3A_1421 : i32
        %scan3A_1423 = arith.constant 1 : i32
        scf.for %scan3A_1441 = %scan3A_1420 to %scan3A_1422 step %scan3A_1423  : i32 {
          %broadcast_in_dim3A_1442 = vector.broadcast %scan3A_1441 : i32 to vector<16x1xi32>
          %gather3A = vector.shape_cast %broadcast_in_dim3A_1442 : vector<16x1xi32> to vector<16xi32>
          %gather3A_1443 = tpu.dynamic_gather %get3A_1418[%gather3A] in [0] : vector<16xf32>, vector<16xi32> -> vector<16xf32>
          %add3A_1444 = arith.constant 64 : i32
          %add3A_1445 = arith.addi %add3A_1444, %scan3A_1441 : i32
          %get3A_1446 = arith.constant 2 : i32
          %get3A_1447 = arith.index_cast %get3A_1446 : i32 to index
          %get3A_1448 = arith.index_cast %add3A_1445 : i32 to index
          %get3A_1449 = arith.constant 0 : index
          %get3A_1450 = tpu.vector_load %arg10[%get3A_1447, %get3A_1448, %get3A_1449] {strides = array<i32>} : memref<3x80x128xf32, #tpu.memory_space<vmem>>, vector<1x1x16xf32>,
          %get3A_1451 = vector.shape_cast %get3A_1450 : vector<1x1x16xf32> to vector<16xf32>
          %mul3A_1452 = arith.mulf %get3A_1451, %gather3A_1443 : vector<16xf32>
          %swap3A = arith.constant 2 : i32
          %swap3A_1453 = arith.index_cast %swap3A : i32 to index
          %swap3A_1454 = arith.index_cast %add3A_1445 : i32 to index
          %swap3A_1455 = arith.constant 0 : index
          %swap3A_1456 = tpu.vector_load %arg10[%swap3A_1453, %swap3A_1454, %swap3A_1455] {strides = array<i32>} : memref<3x80x128xf32, #tpu.memory_space<vmem>>, vector<1x1x16xf32>,
          %swap3A_1457 = vector.shape_cast %swap3A_1456 : vector<1x1x16xf32> to vector<16xf32>
          %swap3A_1458 = vector.shape_cast %mul3A_1452 : vector<16xf32> to vector<1x1x16xf32>
          tpu.vector_store %arg10[%swap3A_1453, %swap3A_1454, %swap3A_1455], %swap3A_1458 {strides = array<i32>} : memref<3x80x128xf32, #tpu.memory_space<vmem>>, vector<1x1x16xf32>,
          %get3A_1459 = arith.constant 2 : i32
          %get3A_1460 = arith.index_cast %get3A_1459 : i32 to index
          %get3A_1461 = arith.index_cast %add3A_1445 : i32 to index
          %get3A_1462 = arith.constant 16 : index
          %get3A_1463 = tpu.vector_load %arg10[%get3A_1460, %get3A_1461, %get3A_1462] {strides = array<i32>} : memref<3x80x128xf32, #tpu.memory_space<vmem>>, vector<1x1x16xf32>,
          %get3A_1464 = vector.shape_cast %get3A_1463 : vector<1x1x16xf32> to vector<16xf32>
          %mul3A_1465 = arith.mulf %get3A_1464, %gather3A_1443 : vector<16xf32>
          %swap3A_1466 = arith.constant 2 : i32
          %swap3A_1467 = arith.index_cast %swap3A_1466 : i32 to index
          %swap3A_1468 = arith.index_cast %add3A_1445 : i32 to index
          %swap3A_1469 = arith.constant 16 : index
          %swap3A_1470 = tpu.vector_load %arg10[%swap3A_1467, %swap3A_1468, %swap3A_1469] {strides = array<i32>} : memref<3x80x128xf32, #tpu.memory_space<vmem>>, vector<1x1x16xf32>,
          %swap3A_1471 = vector.shape_cast %swap3A_1470 : vector<1x1x16xf32> to vector<16xf32>
          %swap3A_1472 = vector.shape_cast %mul3A_1465 : vector<16xf32> to vector<1x1x16xf32>
          tpu.vector_store %arg10[%swap3A_1467, %swap3A_1468, %swap3A_1469], %swap3A_1472 {strides = array<i32>} : memref<3x80x128xf32, #tpu.memory_space<vmem>>, vector<1x1x16xf32>,
          %get3A_1473 = arith.constant 2 : i32
          %get3A_1474 = arith.index_cast %get3A_1473 : i32 to index
          %get3A_1475 = arith.index_cast %add3A_1445 : i32 to index
          %get3A_1476 = arith.constant 32 : index
          %get3A_1477 = tpu.vector_load %arg10[%get3A_1474, %get3A_1475, %get3A_1476] {strides = array<i32>} : memref<3x80x128xf32, #tpu.memory_space<vmem>>, vector<1x1x16xf32>,
          %get3A_1478 = vector.shape_cast %get3A_1477 : vector<1x1x16xf32> to vector<16xf32>
          %mul3A_1479 = arith.mulf %get3A_1478, %gather3A_1443 : vector<16xf32>
          %swap3A_1480 = arith.constant 2 : i32
          %swap3A_1481 = arith.index_cast %swap3A_1480 : i32 to index
          %swap3A_1482 = arith.index_cast %add3A_1445 : i32 to index
          %swap3A_1483 = arith.constant 32 : index
          %swap3A_1484 = tpu.vector_load %arg10[%swap3A_1481, %swap3A_1482, %swap3A_1483] {strides = array<i32>} : memref<3x80x128xf32, #tpu.memory_space<vmem>>, vector<1x1x16xf32>,
          %swap3A_1485 = vector.shape_cast %swap3A_1484 : vector<1x1x16xf32> to vector<16xf32>
          %swap3A_1486 = vector.shape_cast %mul3A_1479 : vector<16xf32> to vector<1x1x16xf32>
          tpu.vector_store %arg10[%swap3A_1481, %swap3A_1482, %swap3A_1483], %swap3A_1486 {strides = array<i32>} : memref<3x80x128xf32, #tpu.memory_space<vmem>>, vector<1x1x16xf32>,
          %get3A_1487 = arith.constant 2 : i32
          %get3A_1488 = arith.index_cast %get3A_1487 : i32 to index
          %get3A_1489 = arith.index_cast %add3A_1445 : i32 to index
          %get3A_1490 = arith.constant 48 : index
          %get3A_1491 = tpu.vector_load %arg10[%get3A_1488, %get3A_1489, %get3A_1490] {strides = array<i32>} : memref<3x80x128xf32, #tpu.memory_space<vmem>>, vector<1x1x16xf32>,
          %get3A_1492 = vector.shape_cast %get3A_1491 : vector<1x1x16xf32> to vector<16xf32>
          %mul3A_1493 = arith.mulf %get3A_1492, %gather3A_1443 : vector<16xf32>
          %swap3A_1494 = arith.constant 2 : i32
          %swap3A_1495 = arith.index_cast %swap3A_1494 : i32 to index
          %swap3A_1496 = arith.index_cast %add3A_1445 : i32 to index
          %swap3A_1497 = arith.constant 48 : index
          %swap3A_1498 = tpu.vector_load %arg10[%swap3A_1495, %swap3A_1496, %swap3A_1497] {strides = array<i32>} : memref<3x80x128xf32, #tpu.memory_space<vmem>>, vector<1x1x16xf32>,
          %swap3A_1499 = vector.shape_cast %swap3A_1498 : vector<1x1x16xf32> to vector<16xf32>
          %swap3A_1500 = vector.shape_cast %mul3A_1493 : vector<16xf32> to vector<1x1x16xf32>
          tpu.vector_store %arg10[%swap3A_1495, %swap3A_1496, %swap3A_1497], %swap3A_1500 {strides = array<i32>} : memref<3x80x128xf32, #tpu.memory_space<vmem>>, vector<1x1x16xf32>,
          %get3A_1501 = arith.constant 2 : i32
          %get3A_1502 = arith.index_cast %get3A_1501 : i32 to index
          %get3A_1503 = arith.index_cast %add3A_1445 : i32 to index
          %get3A_1504 = arith.constant 64 : index
          %get3A_1505 = tpu.vector_load %arg10[%get3A_1502, %get3A_1503, %get3A_1504] {strides = array<i32>} : memref<3x80x128xf32, #tpu.memory_space<vmem>>, vector<1x1x16xf32>,
          %get3A_1506 = vector.shape_cast %get3A_1505 : vector<1x1x16xf32> to vector<16xf32>
          %mul3A_1507 = arith.mulf %get3A_1506, %gather3A_1443 : vector<16xf32>
          %swap3A_1508 = arith.constant 2 : i32
          %swap3A_1509 = arith.index_cast %swap3A_1508 : i32 to index
          %swap3A_1510 = arith.index_cast %add3A_1445 : i32 to index
          %swap3A_1511 = arith.constant 64 : index
          %swap3A_1512 = tpu.vector_load %arg10[%swap3A_1509, %swap3A_1510, %swap3A_1511] {strides = array<i32>} : memref<3x80x128xf32, #tpu.memory_space<vmem>>, vector<1x1x16xf32>,
          %swap3A_1513 = vector.shape_cast %swap3A_1512 : vector<1x1x16xf32> to vector<16xf32>
          %swap3A_1514 = vector.shape_cast %mul3A_1507 : vector<16xf32> to vector<1x1x16xf32>
          tpu.vector_store %arg10[%swap3A_1509, %swap3A_1510, %swap3A_1511], %swap3A_1514 {strides = array<i32>} : memref<3x80x128xf32, #tpu.memory_space<vmem>>, vector<1x1x16xf32>,
          %get3A_1515 = arith.constant 2 : i32
          %get3A_1516 = arith.index_cast %get3A_1515 : i32 to index
          %get3A_1517 = arith.index_cast %add3A_1445 : i32 to index
          %get3A_1518 = arith.constant 80 : index
          %get3A_1519 = tpu.vector_load %arg10[%get3A_1516, %get3A_1517, %get3A_1518] {strides = array<i32>} : memref<3x80x128xf32, #tpu.memory_space<vmem>>, vector<1x1x16xf32>,
          %get3A_1520 = vector.shape_cast %get3A_1519 : vector<1x1x16xf32> to vector<16xf32>
          %mul3A_1521 = arith.mulf %get3A_1520, %gather3A_1443 : vector<16xf32>
          %swap3A_1522 = arith.constant 2 : i32
          %swap3A_1523 = arith.index_cast %swap3A_1522 : i32 to index
          %swap3A_1524 = arith.index_cast %add3A_1445 : i32 to index
          %swap3A_1525 = arith.constant 80 : index
          %swap3A_1526 = tpu.vector_load %arg10[%swap3A_1523, %swap3A_1524, %swap3A_1525] {strides = array<i32>} : memref<3x80x128xf32, #tpu.memory_space<vmem>>, vector<1x1x16xf32>,
          %swap3A_1527 = vector.shape_cast %swap3A_1526 : vector<1x1x16xf32> to vector<16xf32>
          %swap3A_1528 = vector.shape_cast %mul3A_1521 : vector<16xf32> to vector<1x1x16xf32>
          tpu.vector_store %arg10[%swap3A_1523, %swap3A_1524, %swap3A_1525], %swap3A_1528 {strides = array<i32>} : memref<3x80x128xf32, #tpu.memory_space<vmem>>, vector<1x1x16xf32>,
          %get3A_1529 = arith.constant 2 : i32
          %get3A_1530 = arith.index_cast %get3A_1529 : i32 to index
          %get3A_1531 = arith.index_cast %add3A_1445 : i32 to index
          %get3A_1532 = arith.constant 96 : index
          %get3A_1533 = tpu.vector_load %arg10[%get3A_1530, %get3A_1531, %get3A_1532] {strides = array<i32>} : memref<3x80x128xf32, #tpu.memory_space<vmem>>, vector<1x1x16xf32>,
          %get3A_1534 = vector.shape_cast %get3A_1533 : vector<1x1x16xf32> to vector<16xf32>
          %mul3A_1535 = arith.mulf %get3A_1534, %gather3A_1443 : vector<16xf32>
          %swap3A_1536 = arith.constant 2 : i32
          %swap3A_1537 = arith.index_cast %swap3A_1536 : i32 to index
          %swap3A_1538 = arith.index_cast %add3A_1445 : i32 to index
          %swap3A_1539 = arith.constant 96 : index
          %swap3A_1540 = tpu.vector_load %arg10[%swap3A_1537, %swap3A_1538, %swap3A_1539] {strides = array<i32>} : memref<3x80x128xf32, #tpu.memory_space<vmem>>, vector<1x1x16xf32>,
          %swap3A_1541 = vector.shape_cast %swap3A_1540 : vector<1x1x16xf32> to vector<16xf32>
          %swap3A_1542 = vector.shape_cast %mul3A_1535 : vector<16xf32> to vector<1x1x16xf32>
          tpu.vector_store %arg10[%swap3A_1537, %swap3A_1538, %swap3A_1539], %swap3A_1542 {strides = array<i32>} : memref<3x80x128xf32, #tpu.memory_space<vmem>>, vector<1x1x16xf32>,
          %get3A_1543 = arith.constant 2 : i32
          %get3A_1544 = arith.index_cast %get3A_1543 : i32 to index
          %get3A_1545 = arith.index_cast %add3A_1445 : i32 to index
          %get3A_1546 = arith.constant 112 : index
          %get3A_1547 = tpu.vector_load %arg10[%get3A_1544, %get3A_1545, %get3A_1546] {strides = array<i32>} : memref<3x80x128xf32, #tpu.memory_space<vmem>>, vector<1x1x16xf32>,
          %get3A_1548 = vector.shape_cast %get3A_1547 : vector<1x1x16xf32> to vector<16xf32>
          %mul3A_1549 = arith.mulf %get3A_1548, %gather3A_1443 : vector<16xf32>
          %swap3A_1550 = arith.constant 2 : i32
          %swap3A_1551 = arith.index_cast %swap3A_1550 : i32 to index
          %swap3A_1552 = arith.index_cast %add3A_1445 : i32 to index
          %swap3A_1553 = arith.constant 112 : index
          %swap3A_1554 = tpu.vector_load %arg10[%swap3A_1551, %swap3A_1552, %swap3A_1553] {strides = array<i32>} : memref<3x80x128xf32, #tpu.memory_space<vmem>>, vector<1x1x16xf32>,
          %swap3A_1555 = vector.shape_cast %swap3A_1554 : vector<1x1x16xf32> to vector<16xf32>
          %swap3A_1556 = vector.shape_cast %mul3A_1549 : vector<16xf32> to vector<1x1x16xf32>
          tpu.vector_store %arg10[%swap3A_1551, %swap3A_1552, %swap3A_1553], %swap3A_1556 {strides = array<i32>} : memref<3x80x128xf32, #tpu.memory_space<vmem>>, vector<1x1x16xf32>,
        }
        %scan3A_1424 = arith.constant 16 : i32
        %add3A_1425 = arith.constant 2 : i32
        %add3A_1426 = arith.addi %mul3A_1141, %add3A_1425 : i32
        %dma_start3A_1427 = arith.constant 2 : i32
        %dma_start3A_1428 = arith.constant 2 : i32
        %dma_start3A_1429 = arith.constant 0 : i32
        %dma_start3A_1430 = arith.constant 0 : i32
        %dma_start3A_1431 = tpu.memref_slice %arg10[%dma_start3A_1427, %dma_start3A_1429, %dma_start3A_1430] : memref<3x80x128xf32, #tpu.memory_space<vmem>> -> memref<1x80x128xf32, #tpu.memory_space<vmem>>
        %dma_start3A_1432 = tpu.memref_squeeze %dma_start3A_1431 : memref<1x80x128xf32, #tpu.memory_space<vmem>> -> memref<80x128xf32, #tpu.memory_space<vmem>>
        %dma_start3A_1433 = arith.constant 0 : i32
        %dma_start3A_1434 = tpu.memref_slice %arg8[%add3A_1426, %dma_start3A_1433] : memref<25x80xi32, #tpu.memory_space<vmem>> -> memref<1x80xi32, #tpu.memory_space<vmem>>
        %dma_start3A_1435 = tpu.memref_squeeze %dma_start3A_1434 : memref<1x80xi32, #tpu.memory_space<vmem>> -> memref<80xi32, #tpu.memory_space<vmem>>
        %dma_start3A_1436 = arith.constant 0 : i32
        %dma_start3A_1437 = arith.constant 0 : i32
        %dma_start3A_1438 = tpu.memref_slice %arg13[%dma_start3A_1436, %dma_start3A_1437] : memref<10240x128xf32, #tpu.memory_space<vmem_shared>> -> memref<10240x128xf32, #tpu.memory_space<vmem_shared>>
        %dma_start3A_1439 = tpu.memref_slice %arg12[%dma_start3A_1428] : memref<3x!tpu.dma_semaphore, #tpu.memory_space<semaphore_mem>> -> memref<1x!tpu.dma_semaphore, #tpu.memory_space<semaphore_mem>>
        %dma_start3A_1440 = tpu.memref_squeeze %dma_start3A_1439 : memref<1x!tpu.dma_semaphore, #tpu.memory_space<semaphore_mem>> -> memref<!tpu.dma_semaphore, #tpu.memory_space<semaphore_mem>>
        tpu.enqueue_indirect_dma source(%dma_start3A_1432 : memref<80x128xf32, #tpu.memory_space<vmem>>) target(%dma_start3A_1438 : memref<10240x128xf32, #tpu.memory_space<vmem_shared>>) offsets(%dma_start3A_1435 : memref<80xi32, #tpu.memory_space<vmem>>) semaphore(%dma_start3A_1440 : memref<!tpu.dma_semaphore, #tpu.memory_space<semaphore_mem>>) {add = true}
      }
      %scan3A_1009 = arith.constant 8 : i32
      %dma_wait3A_1010 = arith.constant 24 : i32
      %dma_wait3A_1011 = arith.constant 0 : i32
      %dma_wait3A_1012 = arith.constant 0 : i32
      %dma_wait3A_1013 = arith.constant 0 : i32
      %dma_wait3A_1014 = arith.constant 0 : i32
      %dma_wait3A_1015 = tpu.memref_slice %arg10[%dma_wait3A_1011, %dma_wait3A_1013, %dma_wait3A_1014] : memref<3x80x128xf32, #tpu.memory_space<vmem>> -> memref<1x80x128xf32, #tpu.memory_space<vmem>>
      %dma_wait3A_1016 = tpu.memref_squeeze %dma_wait3A_1015 : memref<1x80x128xf32, #tpu.memory_space<vmem>> -> memref<80x128xf32, #tpu.memory_space<vmem>>
      %dma_wait3A_1017 = arith.constant 0 : i32
      %dma_wait3A_1018 = tpu.memref_slice %arg7[%dma_wait3A_1010, %dma_wait3A_1017] : memref<25x80xi32, #tpu.memory_space<vmem>> -> memref<1x80xi32, #tpu.memory_space<vmem>>
      %dma_wait3A_1019 = tpu.memref_squeeze %dma_wait3A_1018 : memref<1x80xi32, #tpu.memory_space<vmem>> -> memref<80xi32, #tpu.memory_space<vmem>>
      %dma_wait3A_1020 = arith.constant 0 : i32
      %dma_wait3A_1021 = arith.constant 0 : i32
      %dma_wait3A_1022 = tpu.memref_slice %arg2[%dma_wait3A_1020, %dma_wait3A_1021] : memref<10240x128xf32, #tpu.memory_space<hbm>> -> memref<10240x128xf32, #tpu.memory_space<hbm>>
      %dma_wait3A_1023 = tpu.memref_slice %arg11[%dma_wait3A_1012] : memref<3x!tpu.dma_semaphore, #tpu.memory_space<semaphore_mem>> -> memref<1x!tpu.dma_semaphore, #tpu.memory_space<semaphore_mem>>
      %dma_wait3A_1024 = tpu.memref_squeeze %dma_wait3A_1023 : memref<1x!tpu.dma_semaphore, #tpu.memory_space<semaphore_mem>> -> memref<!tpu.dma_semaphore, #tpu.memory_space<semaphore_mem>>
      tpu.wait_indirect_dma semaphore(%dma_wait3A_1024 : memref<!tpu.dma_semaphore, #tpu.memory_space<semaphore_mem>>) src(%dma_wait3A_1022 : memref<10240x128xf32, #tpu.memory_space<hbm>>) dst(%dma_wait3A_1016 : memref<80x128xf32, #tpu.memory_space<vmem>>)
      %get3A = arith.constant 24 : i32
      %get3A_1025 = arith.index_cast %get3A : i32 to index
      %get3A_1026 = arith.constant 0 : index
      %get3A_1027 = tpu.vector_load %arg9[%get3A_1025, %get3A_1026] {strides = array<i32>} : memref<25x80xf32, #tpu.memory_space<vmem>>, vector<1x16xf32>,
      %get3A_1028 = vector.shape_cast %get3A_1027 : vector<1x16xf32> to vector<16xf32>
      %scan3A_1029 = arith.constant 0 : i32
      %scan3A_1030 = arith.constant 0 : i32
      %scan3A_1031 = arith.constant 16 : i32
      %scan3A_1032 = arith.addi %scan3A_1030, %scan3A_1031 : i32
      %scan3A_1033 = arith.constant 1 : i32
      scf.for %scan3A_1139 = %scan3A_1030 to %scan3A_1032 step %scan3A_1033  : i32 {
        %broadcast_in_dim3A_1140 = vector.broadcast %scan3A_1139 : i32 to vector<16x1xi32>
        %gather3A = vector.shape_cast %broadcast_in_dim3A_1140 : vector<16x1xi32> to vector<16xi32>
        %gather3A_1141 = tpu.dynamic_gather %get3A_1028[%gather3A] in [0] : vector<16xf32>, vector<16xi32> -> vector<16xf32>
        %add3A_1142 = arith.constant 0 : i32
        %add3A_1143 = arith.addi %add3A_1142, %scan3A_1139 : i32
        %get3A_1144 = arith.constant 0 : i32
        %get3A_1145 = arith.index_cast %get3A_1144 : i32 to index
        %get3A_1146 = arith.index_cast %add3A_1143 : i32 to index
        %get3A_1147 = arith.constant 0 : index
        %get3A_1148 = tpu.vector_load %arg10[%get3A_1145, %get3A_1146, %get3A_1147] {strides = array<i32>} : memref<3x80x128xf32, #tpu.memory_space<vmem>>, vector<1x1x16xf32>,
        %get3A_1149 = vector.shape_cast %get3A_1148 : vector<1x1x16xf32> to vector<16xf32>
        %mul3A_1150 = arith.mulf %get3A_1149, %gather3A_1141 : vector<16xf32>
        %swap3A = arith.constant 0 : i32
        %swap3A_1151 = arith.index_cast %swap3A : i32 to index
        %swap3A_1152 = arith.index_cast %add3A_1143 : i32 to index
        %swap3A_1153 = arith.constant 0 : index
        %swap3A_1154 = tpu.vector_load %arg10[%swap3A_1151, %swap3A_1152, %swap3A_1153] {strides = array<i32>} : memref<3x80x128xf32, #tpu.memory_space<vmem>>, vector<1x1x16xf32>,
        %swap3A_1155 = vector.shape_cast %swap3A_1154 : vector<1x1x16xf32> to vector<16xf32>
        %swap3A_1156 = vector.shape_cast %mul3A_1150 : vector<16xf32> to vector<1x1x16xf32>
        tpu.vector_store %arg10[%swap3A_1151, %swap3A_1152, %swap3A_1153], %swap3A_1156 {strides = array<i32>} : memref<3x80x128xf32, #tpu.memory_space<vmem>>, vector<1x1x16xf32>,
        %get3A_1157 = arith.constant 0 : i32
        %get3A_1158 = arith.index_cast %get3A_1157 : i32 to index
        %get3A_1159 = arith.index_cast %add3A_1143 : i32 to index
        %get3A_1160 = arith.constant 16 : index
        %get3A_1161 = tpu.vector_load %arg10[%get3A_1158, %get3A_1159, %get3A_1160] {strides = array<i32>} : memref<3x80x128xf32, #tpu.memory_space<vmem>>, vector<1x1x16xf32>,
        %get3A_1162 = vector.shape_cast %get3A_1161 : vector<1x1x16xf32> to vector<16xf32>
        %mul3A_1163 = arith.mulf %get3A_1162, %gather3A_1141 : vector<16xf32>
        %swap3A_1164 = arith.constant 0 : i32
        %swap3A_1165 = arith.index_cast %swap3A_1164 : i32 to index
        %swap3A_1166 = arith.index_cast %add3A_1143 : i32 to index
        %swap3A_1167 = arith.constant 16 : index
        %swap3A_1168 = tpu.vector_load %arg10[%swap3A_1165, %swap3A_1166, %swap3A_1167] {strides = array<i32>} : memref<3x80x128xf32, #tpu.memory_space<vmem>>, vector<1x1x16xf32>,
        %swap3A_1169 = vector.shape_cast %swap3A_1168 : vector<1x1x16xf32> to vector<16xf32>
        %swap3A_1170 = vector.shape_cast %mul3A_1163 : vector<16xf32> to vector<1x1x16xf32>
        tpu.vector_store %arg10[%swap3A_1165, %swap3A_1166, %swap3A_1167], %swap3A_1170 {strides = array<i32>} : memref<3x80x128xf32, #tpu.memory_space<vmem>>, vector<1x1x16xf32>,
        %get3A_1171 = arith.constant 0 : i32
        %get3A_1172 = arith.index_cast %get3A_1171 : i32 to index
        %get3A_1173 = arith.index_cast %add3A_1143 : i32 to index
        %get3A_1174 = arith.constant 32 : index
        %get3A_1175 = tpu.vector_load %arg10[%get3A_1172, %get3A_1173, %get3A_1174] {strides = array<i32>} : memref<3x80x128xf32, #tpu.memory_space<vmem>>, vector<1x1x16xf32>,
        %get3A_1176 = vector.shape_cast %get3A_1175 : vector<1x1x16xf32> to vector<16xf32>
        %mul3A_1177 = arith.mulf %get3A_1176, %gather3A_1141 : vector<16xf32>
        %swap3A_1178 = arith.constant 0 : i32
        %swap3A_1179 = arith.index_cast %swap3A_1178 : i32 to index
        %swap3A_1180 = arith.index_cast %add3A_1143 : i32 to index
        %swap3A_1181 = arith.constant 32 : index
        %swap3A_1182 = tpu.vector_load %arg10[%swap3A_1179, %swap3A_1180, %swap3A_1181] {strides = array<i32>} : memref<3x80x128xf32, #tpu.memory_space<vmem>>, vector<1x1x16xf32>,
        %swap3A_1183 = vector.shape_cast %swap3A_1182 : vector<1x1x16xf32> to vector<16xf32>
        %swap3A_1184 = vector.shape_cast %mul3A_1177 : vector<16xf32> to vector<1x1x16xf32>
        tpu.vector_store %arg10[%swap3A_1179, %swap3A_1180, %swap3A_1181], %swap3A_1184 {strides = array<i32>} : memref<3x80x128xf32, #tpu.memory_space<vmem>>, vector<1x1x16xf32>,
        %get3A_1185 = arith.constant 0 : i32
        %get3A_1186 = arith.index_cast %get3A_1185 : i32 to index
        %get3A_1187 = arith.index_cast %add3A_1143 : i32 to index
        %get3A_1188 = arith.constant 48 : index
        %get3A_1189 = tpu.vector_load %arg10[%get3A_1186, %get3A_1187, %get3A_1188] {strides = array<i32>} : memref<3x80x128xf32, #tpu.memory_space<vmem>>, vector<1x1x16xf32>,
        %get3A_1190 = vector.shape_cast %get3A_1189 : vector<1x1x16xf32> to vector<16xf32>
        %mul3A_1191 = arith.mulf %get3A_1190, %gather3A_1141 : vector<16xf32>
        %swap3A_1192 = arith.constant 0 : i32
        %swap3A_1193 = arith.index_cast %swap3A_1192 : i32 to index
        %swap3A_1194 = arith.index_cast %add3A_1143 : i32 to index
        %swap3A_1195 = arith.constant 48 : index
        %swap3A_1196 = tpu.vector_load %arg10[%swap3A_1193, %swap3A_1194, %swap3A_1195] {strides = array<i32>} : memref<3x80x128xf32, #tpu.memory_space<vmem>>, vector<1x1x16xf32>,
        %swap3A_1197 = vector.shape_cast %swap3A_1196 : vector<1x1x16xf32> to vector<16xf32>
        %swap3A_1198 = vector.shape_cast %mul3A_1191 : vector<16xf32> to vector<1x1x16xf32>
        tpu.vector_store %arg10[%swap3A_1193, %swap3A_1194, %swap3A_1195], %swap3A_1198 {strides = array<i32>} : memref<3x80x128xf32, #tpu.memory_space<vmem>>, vector<1x1x16xf32>,
        %get3A_1199 = arith.constant 0 : i32
        %get3A_1200 = arith.index_cast %get3A_1199 : i32 to index
        %get3A_1201 = arith.index_cast %add3A_1143 : i32 to index
        %get3A_1202 = arith.constant 64 : index
        %get3A_1203 = tpu.vector_load %arg10[%get3A_1200, %get3A_1201, %get3A_1202] {strides = array<i32>} : memref<3x80x128xf32, #tpu.memory_space<vmem>>, vector<1x1x16xf32>,
        %get3A_1204 = vector.shape_cast %get3A_1203 : vector<1x1x16xf32> to vector<16xf32>
        %mul3A_1205 = arith.mulf %get3A_1204, %gather3A_1141 : vector<16xf32>
        %swap3A_1206 = arith.constant 0 : i32
        %swap3A_1207 = arith.index_cast %swap3A_1206 : i32 to index
        %swap3A_1208 = arith.index_cast %add3A_1143 : i32 to index
        %swap3A_1209 = arith.constant 64 : index
        %swap3A_1210 = tpu.vector_load %arg10[%swap3A_1207, %swap3A_1208, %swap3A_1209] {strides = array<i32>} : memref<3x80x128xf32, #tpu.memory_space<vmem>>, vector<1x1x16xf32>,
        %swap3A_1211 = vector.shape_cast %swap3A_1210 : vector<1x1x16xf32> to vector<16xf32>
        %swap3A_1212 = vector.shape_cast %mul3A_1205 : vector<16xf32> to vector<1x1x16xf32>
        tpu.vector_store %arg10[%swap3A_1207, %swap3A_1208, %swap3A_1209], %swap3A_1212 {strides = array<i32>} : memref<3x80x128xf32, #tpu.memory_space<vmem>>, vector<1x1x16xf32>,
        %get3A_1213 = arith.constant 0 : i32
        %get3A_1214 = arith.index_cast %get3A_1213 : i32 to index
        %get3A_1215 = arith.index_cast %add3A_1143 : i32 to index
        %get3A_1216 = arith.constant 80 : index
        %get3A_1217 = tpu.vector_load %arg10[%get3A_1214, %get3A_1215, %get3A_1216] {strides = array<i32>} : memref<3x80x128xf32, #tpu.memory_space<vmem>>, vector<1x1x16xf32>,
        %get3A_1218 = vector.shape_cast %get3A_1217 : vector<1x1x16xf32> to vector<16xf32>
        %mul3A_1219 = arith.mulf %get3A_1218, %gather3A_1141 : vector<16xf32>
        %swap3A_1220 = arith.constant 0 : i32
        %swap3A_1221 = arith.index_cast %swap3A_1220 : i32 to index
        %swap3A_1222 = arith.index_cast %add3A_1143 : i32 to index
        %swap3A_1223 = arith.constant 80 : index
        %swap3A_1224 = tpu.vector_load %arg10[%swap3A_1221, %swap3A_1222, %swap3A_1223] {strides = array<i32>} : memref<3x80x128xf32, #tpu.memory_space<vmem>>, vector<1x1x16xf32>,
        %swap3A_1225 = vector.shape_cast %swap3A_1224 : vector<1x1x16xf32> to vector<16xf32>
        %swap3A_1226 = vector.shape_cast %mul3A_1219 : vector<16xf32> to vector<1x1x16xf32>
        tpu.vector_store %arg10[%swap3A_1221, %swap3A_1222, %swap3A_1223], %swap3A_1226 {strides = array<i32>} : memref<3x80x128xf32, #tpu.memory_space<vmem>>, vector<1x1x16xf32>,
        %get3A_1227 = arith.constant 0 : i32
        %get3A_1228 = arith.index_cast %get3A_1227 : i32 to index
        %get3A_1229 = arith.index_cast %add3A_1143 : i32 to index
        %get3A_1230 = arith.constant 96 : index
        %get3A_1231 = tpu.vector_load %arg10[%get3A_1228, %get3A_1229, %get3A_1230] {strides = array<i32>} : memref<3x80x128xf32, #tpu.memory_space<vmem>>, vector<1x1x16xf32>,
        %get3A_1232 = vector.shape_cast %get3A_1231 : vector<1x1x16xf32> to vector<16xf32>
        %mul3A_1233 = arith.mulf %get3A_1232, %gather3A_1141 : vector<16xf32>
        %swap3A_1234 = arith.constant 0 : i32
        %swap3A_1235 = arith.index_cast %swap3A_1234 : i32 to index
        %swap3A_1236 = arith.index_cast %add3A_1143 : i32 to index
        %swap3A_1237 = arith.constant 96 : index
        %swap3A_1238 = tpu.vector_load %arg10[%swap3A_1235, %swap3A_1236, %swap3A_1237] {strides = array<i32>} : memref<3x80x128xf32, #tpu.memory_space<vmem>>, vector<1x1x16xf32>,
        %swap3A_1239 = vector.shape_cast %swap3A_1238 : vector<1x1x16xf32> to vector<16xf32>
        %swap3A_1240 = vector.shape_cast %mul3A_1233 : vector<16xf32> to vector<1x1x16xf32>
        tpu.vector_store %arg10[%swap3A_1235, %swap3A_1236, %swap3A_1237], %swap3A_1240 {strides = array<i32>} : memref<3x80x128xf32, #tpu.memory_space<vmem>>, vector<1x1x16xf32>,
        %get3A_1241 = arith.constant 0 : i32
        %get3A_1242 = arith.index_cast %get3A_1241 : i32 to index
        %get3A_1243 = arith.index_cast %add3A_1143 : i32 to index
        %get3A_1244 = arith.constant 112 : index
        %get3A_1245 = tpu.vector_load %arg10[%get3A_1242, %get3A_1243, %get3A_1244] {strides = array<i32>} : memref<3x80x128xf32, #tpu.memory_space<vmem>>, vector<1x1x16xf32>,
        %get3A_1246 = vector.shape_cast %get3A_1245 : vector<1x1x16xf32> to vector<16xf32>
        %mul3A_1247 = arith.mulf %get3A_1246, %gather3A_1141 : vector<16xf32>
        %swap3A_1248 = arith.constant 0 : i32
        %swap3A_1249 = arith.index_cast %swap3A_1248 : i32 to index
        %swap3A_1250 = arith.index_cast %add3A_1143 : i32 to index
        %swap3A_1251 = arith.constant 112 : index
        %swap3A_1252 = tpu.vector_load %arg10[%swap3A_1249, %swap3A_1250, %swap3A_1251] {strides = array<i32>} : memref<3x80x128xf32, #tpu.memory_space<vmem>>, vector<1x1x16xf32>,
        %swap3A_1253 = vector.shape_cast %swap3A_1252 : vector<1x1x16xf32> to vector<16xf32>
        %swap3A_1254 = vector.shape_cast %mul3A_1247 : vector<16xf32> to vector<1x1x16xf32>
        tpu.vector_store %arg10[%swap3A_1249, %swap3A_1250, %swap3A_1251], %swap3A_1254 {strides = array<i32>} : memref<3x80x128xf32, #tpu.memory_space<vmem>>, vector<1x1x16xf32>,
      }
      %scan3A_1034 = arith.constant 16 : i32
      %get3A_1035 = arith.constant 24 : i32
      %get3A_1036 = arith.index_cast %get3A_1035 : i32 to index
      %get3A_1037 = arith.constant 16 : index
      %get3A_1038 = tpu.vector_load %arg9[%get3A_1036, %get3A_1037] {strides = array<i32>} : memref<25x80xf32, #tpu.memory_space<vmem>>, vector<1x16xf32>,
      %get3A_1039 = vector.shape_cast %get3A_1038 : vector<1x16xf32> to vector<16xf32>
      %scan3A_1040 = arith.constant 0 : i32
      %scan3A_1041 = arith.constant 0 : i32
      %scan3A_1042 = arith.constant 16 : i32
      %scan3A_1043 = arith.addi %scan3A_1041, %scan3A_1042 : i32
      %scan3A_1044 = arith.constant 1 : i32
      scf.for %scan3A_1139 = %scan3A_1041 to %scan3A_1043 step %scan3A_1044  : i32 {
        %broadcast_in_dim3A_1140 = vector.broadcast %scan3A_1139 : i32 to vector<16x1xi32>
        %gather3A = vector.shape_cast %broadcast_in_dim3A_1140 : vector<16x1xi32> to vector<16xi32>
        %gather3A_1141 = tpu.dynamic_gather %get3A_1039[%gather3A] in [0] : vector<16xf32>, vector<16xi32> -> vector<16xf32>
        %add3A_1142 = arith.constant 16 : i32
        %add3A_1143 = arith.addi %add3A_1142, %scan3A_1139 : i32
        %get3A_1144 = arith.constant 0 : i32
        %get3A_1145 = arith.index_cast %get3A_1144 : i32 to index
        %get3A_1146 = arith.index_cast %add3A_1143 : i32 to index
        %get3A_1147 = arith.constant 0 : index
        %get3A_1148 = tpu.vector_load %arg10[%get3A_1145, %get3A_1146, %get3A_1147] {strides = array<i32>} : memref<3x80x128xf32, #tpu.memory_space<vmem>>, vector<1x1x16xf32>,
        %get3A_1149 = vector.shape_cast %get3A_1148 : vector<1x1x16xf32> to vector<16xf32>
        %mul3A_1150 = arith.mulf %get3A_1149, %gather3A_1141 : vector<16xf32>
        %swap3A = arith.constant 0 : i32
        %swap3A_1151 = arith.index_cast %swap3A : i32 to index
        %swap3A_1152 = arith.index_cast %add3A_1143 : i32 to index
        %swap3A_1153 = arith.constant 0 : index
        %swap3A_1154 = tpu.vector_load %arg10[%swap3A_1151, %swap3A_1152, %swap3A_1153] {strides = array<i32>} : memref<3x80x128xf32, #tpu.memory_space<vmem>>, vector<1x1x16xf32>,
        %swap3A_1155 = vector.shape_cast %swap3A_1154 : vector<1x1x16xf32> to vector<16xf32>
        %swap3A_1156 = vector.shape_cast %mul3A_1150 : vector<16xf32> to vector<1x1x16xf32>
        tpu.vector_store %arg10[%swap3A_1151, %swap3A_1152, %swap3A_1153], %swap3A_1156 {strides = array<i32>} : memref<3x80x128xf32, #tpu.memory_space<vmem>>, vector<1x1x16xf32>,
        %get3A_1157 = arith.constant 0 : i32
        %get3A_1158 = arith.index_cast %get3A_1157 : i32 to index
        %get3A_1159 = arith.index_cast %add3A_1143 : i32 to index
        %get3A_1160 = arith.constant 16 : index
        %get3A_1161 = tpu.vector_load %arg10[%get3A_1158, %get3A_1159, %get3A_1160] {strides = array<i32>} : memref<3x80x128xf32, #tpu.memory_space<vmem>>, vector<1x1x16xf32>,
        %get3A_1162 = vector.shape_cast %get3A_1161 : vector<1x1x16xf32> to vector<16xf32>
        %mul3A_1163 = arith.mulf %get3A_1162, %gather3A_1141 : vector<16xf32>
        %swap3A_1164 = arith.constant 0 : i32
        %swap3A_1165 = arith.index_cast %swap3A_1164 : i32 to index
        %swap3A_1166 = arith.index_cast %add3A_1143 : i32 to index
        %swap3A_1167 = arith.constant 16 : index
        %swap3A_1168 = tpu.vector_load %arg10[%swap3A_1165, %swap3A_1166, %swap3A_1167] {strides = array<i32>} : memref<3x80x128xf32, #tpu.memory_space<vmem>>, vector<1x1x16xf32>,
        %swap3A_1169 = vector.shape_cast %swap3A_1168 : vector<1x1x16xf32> to vector<16xf32>
        %swap3A_1170 = vector.shape_cast %mul3A_1163 : vector<16xf32> to vector<1x1x16xf32>
        tpu.vector_store %arg10[%swap3A_1165, %swap3A_1166, %swap3A_1167], %swap3A_1170 {strides = array<i32>} : memref<3x80x128xf32, #tpu.memory_space<vmem>>, vector<1x1x16xf32>,
        %get3A_1171 = arith.constant 0 : i32
        %get3A_1172 = arith.index_cast %get3A_1171 : i32 to index
        %get3A_1173 = arith.index_cast %add3A_1143 : i32 to index
        %get3A_1174 = arith.constant 32 : index
        %get3A_1175 = tpu.vector_load %arg10[%get3A_1172, %get3A_1173, %get3A_1174] {strides = array<i32>} : memref<3x80x128xf32, #tpu.memory_space<vmem>>, vector<1x1x16xf32>,
        %get3A_1176 = vector.shape_cast %get3A_1175 : vector<1x1x16xf32> to vector<16xf32>
        %mul3A_1177 = arith.mulf %get3A_1176, %gather3A_1141 : vector<16xf32>
        %swap3A_1178 = arith.constant 0 : i32
        %swap3A_1179 = arith.index_cast %swap3A_1178 : i32 to index
        %swap3A_1180 = arith.index_cast %add3A_1143 : i32 to index
        %swap3A_1181 = arith.constant 32 : index
        %swap3A_1182 = tpu.vector_load %arg10[%swap3A_1179, %swap3A_1180, %swap3A_1181] {strides = array<i32>} : memref<3x80x128xf32, #tpu.memory_space<vmem>>, vector<1x1x16xf32>,
        %swap3A_1183 = vector.shape_cast %swap3A_1182 : vector<1x1x16xf32> to vector<16xf32>
        %swap3A_1184 = vector.shape_cast %mul3A_1177 : vector<16xf32> to vector<1x1x16xf32>
        tpu.vector_store %arg10[%swap3A_1179, %swap3A_1180, %swap3A_1181], %swap3A_1184 {strides = array<i32>} : memref<3x80x128xf32, #tpu.memory_space<vmem>>, vector<1x1x16xf32>,
        %get3A_1185 = arith.constant 0 : i32
        %get3A_1186 = arith.index_cast %get3A_1185 : i32 to index
        %get3A_1187 = arith.index_cast %add3A_1143 : i32 to index
        %get3A_1188 = arith.constant 48 : index
        %get3A_1189 = tpu.vector_load %arg10[%get3A_1186, %get3A_1187, %get3A_1188] {strides = array<i32>} : memref<3x80x128xf32, #tpu.memory_space<vmem>>, vector<1x1x16xf32>,
        %get3A_1190 = vector.shape_cast %get3A_1189 : vector<1x1x16xf32> to vector<16xf32>
        %mul3A_1191 = arith.mulf %get3A_1190, %gather3A_1141 : vector<16xf32>
        %swap3A_1192 = arith.constant 0 : i32
        %swap3A_1193 = arith.index_cast %swap3A_1192 : i32 to index
        %swap3A_1194 = arith.index_cast %add3A_1143 : i32 to index
        %swap3A_1195 = arith.constant 48 : index
        %swap3A_1196 = tpu.vector_load %arg10[%swap3A_1193, %swap3A_1194, %swap3A_1195] {strides = array<i32>} : memref<3x80x128xf32, #tpu.memory_space<vmem>>, vector<1x1x16xf32>,
        %swap3A_1197 = vector.shape_cast %swap3A_1196 : vector<1x1x16xf32> to vector<16xf32>
        %swap3A_1198 = vector.shape_cast %mul3A_1191 : vector<16xf32> to vector<1x1x16xf32>
        tpu.vector_store %arg10[%swap3A_1193, %swap3A_1194, %swap3A_1195], %swap3A_1198 {strides = array<i32>} : memref<3x80x128xf32, #tpu.memory_space<vmem>>, vector<1x1x16xf32>,
        %get3A_1199 = arith.constant 0 : i32
        %get3A_1200 = arith.index_cast %get3A_1199 : i32 to index
        %get3A_1201 = arith.index_cast %add3A_1143 : i32 to index
        %get3A_1202 = arith.constant 64 : index
        %get3A_1203 = tpu.vector_load %arg10[%get3A_1200, %get3A_1201, %get3A_1202] {strides = array<i32>} : memref<3x80x128xf32, #tpu.memory_space<vmem>>, vector<1x1x16xf32>,
        %get3A_1204 = vector.shape_cast %get3A_1203 : vector<1x1x16xf32> to vector<16xf32>
        %mul3A_1205 = arith.mulf %get3A_1204, %gather3A_1141 : vector<16xf32>
        %swap3A_1206 = arith.constant 0 : i32
        %swap3A_1207 = arith.index_cast %swap3A_1206 : i32 to index
        %swap3A_1208 = arith.index_cast %add3A_1143 : i32 to index
        %swap3A_1209 = arith.constant 64 : index
        %swap3A_1210 = tpu.vector_load %arg10[%swap3A_1207, %swap3A_1208, %swap3A_1209] {strides = array<i32>} : memref<3x80x128xf32, #tpu.memory_space<vmem>>, vector<1x1x16xf32>,
        %swap3A_1211 = vector.shape_cast %swap3A_1210 : vector<1x1x16xf32> to vector<16xf32>
        %swap3A_1212 = vector.shape_cast %mul3A_1205 : vector<16xf32> to vector<1x1x16xf32>
        tpu.vector_store %arg10[%swap3A_1207, %swap3A_1208, %swap3A_1209], %swap3A_1212 {strides = array<i32>} : memref<3x80x128xf32, #tpu.memory_space<vmem>>, vector<1x1x16xf32>,
        %get3A_1213 = arith.constant 0 : i32
        %get3A_1214 = arith.index_cast %get3A_1213 : i32 to index
        %get3A_1215 = arith.index_cast %add3A_1143 : i32 to index
        %get3A_1216 = arith.constant 80 : index
        %get3A_1217 = tpu.vector_load %arg10[%get3A_1214, %get3A_1215, %get3A_1216] {strides = array<i32>} : memref<3x80x128xf32, #tpu.memory_space<vmem>>, vector<1x1x16xf32>,
        %get3A_1218 = vector.shape_cast %get3A_1217 : vector<1x1x16xf32> to vector<16xf32>
        %mul3A_1219 = arith.mulf %get3A_1218, %gather3A_1141 : vector<16xf32>
        %swap3A_1220 = arith.constant 0 : i32
        %swap3A_1221 = arith.index_cast %swap3A_1220 : i32 to index
        %swap3A_1222 = arith.index_cast %add3A_1143 : i32 to index
        %swap3A_1223 = arith.constant 80 : index
        %swap3A_1224 = tpu.vector_load %arg10[%swap3A_1221, %swap3A_1222, %swap3A_1223] {strides = array<i32>} : memref<3x80x128xf32, #tpu.memory_space<vmem>>, vector<1x1x16xf32>,
        %swap3A_1225 = vector.shape_cast %swap3A_1224 : vector<1x1x16xf32> to vector<16xf32>
        %swap3A_1226 = vector.shape_cast %mul3A_1219 : vector<16xf32> to vector<1x1x16xf32>
        tpu.vector_store %arg10[%swap3A_1221, %swap3A_1222, %swap3A_1223], %swap3A_1226 {strides = array<i32>} : memref<3x80x128xf32, #tpu.memory_space<vmem>>, vector<1x1x16xf32>,
        %get3A_1227 = arith.constant 0 : i32
        %get3A_1228 = arith.index_cast %get3A_1227 : i32 to index
        %get3A_1229 = arith.index_cast %add3A_1143 : i32 to index
        %get3A_1230 = arith.constant 96 : index
        %get3A_1231 = tpu.vector_load %arg10[%get3A_1228, %get3A_1229, %get3A_1230] {strides = array<i32>} : memref<3x80x128xf32, #tpu.memory_space<vmem>>, vector<1x1x16xf32>,
        %get3A_1232 = vector.shape_cast %get3A_1231 : vector<1x1x16xf32> to vector<16xf32>
        %mul3A_1233 = arith.mulf %get3A_1232, %gather3A_1141 : vector<16xf32>
        %swap3A_1234 = arith.constant 0 : i32
        %swap3A_1235 = arith.index_cast %swap3A_1234 : i32 to index
        %swap3A_1236 = arith.index_cast %add3A_1143 : i32 to index
        %swap3A_1237 = arith.constant 96 : index
        %swap3A_1238 = tpu.vector_load %arg10[%swap3A_1235, %swap3A_1236, %swap3A_1237] {strides = array<i32>} : memref<3x80x128xf32, #tpu.memory_space<vmem>>, vector<1x1x16xf32>,
        %swap3A_1239 = vector.shape_cast %swap3A_1238 : vector<1x1x16xf32> to vector<16xf32>
        %swap3A_1240 = vector.shape_cast %mul3A_1233 : vector<16xf32> to vector<1x1x16xf32>
        tpu.vector_store %arg10[%swap3A_1235, %swap3A_1236, %swap3A_1237], %swap3A_1240 {strides = array<i32>} : memref<3x80x128xf32, #tpu.memory_space<vmem>>, vector<1x1x16xf32>,
        %get3A_1241 = arith.constant 0 : i32
        %get3A_1242 = arith.index_cast %get3A_1241 : i32 to index
        %get3A_1243 = arith.index_cast %add3A_1143 : i32 to index
        %get3A_1244 = arith.constant 112 : index
        %get3A_1245 = tpu.vector_load %arg10[%get3A_1242, %get3A_1243, %get3A_1244] {strides = array<i32>} : memref<3x80x128xf32, #tpu.memory_space<vmem>>, vector<1x1x16xf32>,
        %get3A_1246 = vector.shape_cast %get3A_1245 : vector<1x1x16xf32> to vector<16xf32>
        %mul3A_1247 = arith.mulf %get3A_1246, %gather3A_1141 : vector<16xf32>
        %swap3A_1248 = arith.constant 0 : i32
        %swap3A_1249 = arith.index_cast %swap3A_1248 : i32 to index
        %swap3A_1250 = arith.index_cast %add3A_1143 : i32 to index
        %swap3A_1251 = arith.constant 112 : index
        %swap3A_1252 = tpu.vector_load %arg10[%swap3A_1249, %swap3A_1250, %swap3A_1251] {strides = array<i32>} : memref<3x80x128xf32, #tpu.memory_space<vmem>>, vector<1x1x16xf32>,
        %swap3A_1253 = vector.shape_cast %swap3A_1252 : vector<1x1x16xf32> to vector<16xf32>
        %swap3A_1254 = vector.shape_cast %mul3A_1247 : vector<16xf32> to vector<1x1x16xf32>
        tpu.vector_store %arg10[%swap3A_1249, %swap3A_1250, %swap3A_1251], %swap3A_1254 {strides = array<i32>} : memref<3x80x128xf32, #tpu.memory_space<vmem>>, vector<1x1x16xf32>,
      }
      %scan3A_1045 = arith.constant 16 : i32
      %get3A_1046 = arith.constant 24 : i32
      %get3A_1047 = arith.index_cast %get3A_1046 : i32 to index
      %get3A_1048 = arith.constant 32 : index
      %get3A_1049 = tpu.vector_load %arg9[%get3A_1047, %get3A_1048] {strides = array<i32>} : memref<25x80xf32, #tpu.memory_space<vmem>>, vector<1x16xf32>,
      %get3A_1050 = vector.shape_cast %get3A_1049 : vector<1x16xf32> to vector<16xf32>
      %scan3A_1051 = arith.constant 0 : i32
      %scan3A_1052 = arith.constant 0 : i32
      %scan3A_1053 = arith.constant 16 : i32
      %scan3A_1054 = arith.addi %scan3A_1052, %scan3A_1053 : i32
      %scan3A_1055 = arith.constant 1 : i32
      scf.for %scan3A_1139 = %scan3A_1052 to %scan3A_1054 step %scan3A_1055  : i32 {
        %broadcast_in_dim3A_1140 = vector.broadcast %scan3A_1139 : i32 to vector<16x1xi32>
        %gather3A = vector.shape_cast %broadcast_in_dim3A_1140 : vector<16x1xi32> to vector<16xi32>
        %gather3A_1141 = tpu.dynamic_gather %get3A_1050[%gather3A] in [0] : vector<16xf32>, vector<16xi32> -> vector<16xf32>
        %add3A_1142 = arith.constant 32 : i32
        %add3A_1143 = arith.addi %add3A_1142, %scan3A_1139 : i32
        %get3A_1144 = arith.constant 0 : i32
        %get3A_1145 = arith.index_cast %get3A_1144 : i32 to index
        %get3A_1146 = arith.index_cast %add3A_1143 : i32 to index
        %get3A_1147 = arith.constant 0 : index
        %get3A_1148 = tpu.vector_load %arg10[%get3A_1145, %get3A_1146, %get3A_1147] {strides = array<i32>} : memref<3x80x128xf32, #tpu.memory_space<vmem>>, vector<1x1x16xf32>,
        %get3A_1149 = vector.shape_cast %get3A_1148 : vector<1x1x16xf32> to vector<16xf32>
        %mul3A_1150 = arith.mulf %get3A_1149, %gather3A_1141 : vector<16xf32>
        %swap3A = arith.constant 0 : i32
        %swap3A_1151 = arith.index_cast %swap3A : i32 to index
        %swap3A_1152 = arith.index_cast %add3A_1143 : i32 to index
        %swap3A_1153 = arith.constant 0 : index
        %swap3A_1154 = tpu.vector_load %arg10[%swap3A_1151, %swap3A_1152, %swap3A_1153] {strides = array<i32>} : memref<3x80x128xf32, #tpu.memory_space<vmem>>, vector<1x1x16xf32>,
        %swap3A_1155 = vector.shape_cast %swap3A_1154 : vector<1x1x16xf32> to vector<16xf32>
        %swap3A_1156 = vector.shape_cast %mul3A_1150 : vector<16xf32> to vector<1x1x16xf32>
        tpu.vector_store %arg10[%swap3A_1151, %swap3A_1152, %swap3A_1153], %swap3A_1156 {strides = array<i32>} : memref<3x80x128xf32, #tpu.memory_space<vmem>>, vector<1x1x16xf32>,
        %get3A_1157 = arith.constant 0 : i32
        %get3A_1158 = arith.index_cast %get3A_1157 : i32 to index
        %get3A_1159 = arith.index_cast %add3A_1143 : i32 to index
        %get3A_1160 = arith.constant 16 : index
        %get3A_1161 = tpu.vector_load %arg10[%get3A_1158, %get3A_1159, %get3A_1160] {strides = array<i32>} : memref<3x80x128xf32, #tpu.memory_space<vmem>>, vector<1x1x16xf32>,
        %get3A_1162 = vector.shape_cast %get3A_1161 : vector<1x1x16xf32> to vector<16xf32>
        %mul3A_1163 = arith.mulf %get3A_1162, %gather3A_1141 : vector<16xf32>
        %swap3A_1164 = arith.constant 0 : i32
        %swap3A_1165 = arith.index_cast %swap3A_1164 : i32 to index
        %swap3A_1166 = arith.index_cast %add3A_1143 : i32 to index
        %swap3A_1167 = arith.constant 16 : index
        %swap3A_1168 = tpu.vector_load %arg10[%swap3A_1165, %swap3A_1166, %swap3A_1167] {strides = array<i32>} : memref<3x80x128xf32, #tpu.memory_space<vmem>>, vector<1x1x16xf32>,
        %swap3A_1169 = vector.shape_cast %swap3A_1168 : vector<1x1x16xf32> to vector<16xf32>
        %swap3A_1170 = vector.shape_cast %mul3A_1163 : vector<16xf32> to vector<1x1x16xf32>
        tpu.vector_store %arg10[%swap3A_1165, %swap3A_1166, %swap3A_1167], %swap3A_1170 {strides = array<i32>} : memref<3x80x128xf32, #tpu.memory_space<vmem>>, vector<1x1x16xf32>,
        %get3A_1171 = arith.constant 0 : i32
        %get3A_1172 = arith.index_cast %get3A_1171 : i32 to index
        %get3A_1173 = arith.index_cast %add3A_1143 : i32 to index
        %get3A_1174 = arith.constant 32 : index
        %get3A_1175 = tpu.vector_load %arg10[%get3A_1172, %get3A_1173, %get3A_1174] {strides = array<i32>} : memref<3x80x128xf32, #tpu.memory_space<vmem>>, vector<1x1x16xf32>,
        %get3A_1176 = vector.shape_cast %get3A_1175 : vector<1x1x16xf32> to vector<16xf32>
        %mul3A_1177 = arith.mulf %get3A_1176, %gather3A_1141 : vector<16xf32>
        %swap3A_1178 = arith.constant 0 : i32
        %swap3A_1179 = arith.index_cast %swap3A_1178 : i32 to index
        %swap3A_1180 = arith.index_cast %add3A_1143 : i32 to index
        %swap3A_1181 = arith.constant 32 : index
        %swap3A_1182 = tpu.vector_load %arg10[%swap3A_1179, %swap3A_1180, %swap3A_1181] {strides = array<i32>} : memref<3x80x128xf32, #tpu.memory_space<vmem>>, vector<1x1x16xf32>,
        %swap3A_1183 = vector.shape_cast %swap3A_1182 : vector<1x1x16xf32> to vector<16xf32>
        %swap3A_1184 = vector.shape_cast %mul3A_1177 : vector<16xf32> to vector<1x1x16xf32>
        tpu.vector_store %arg10[%swap3A_1179, %swap3A_1180, %swap3A_1181], %swap3A_1184 {strides = array<i32>} : memref<3x80x128xf32, #tpu.memory_space<vmem>>, vector<1x1x16xf32>,
        %get3A_1185 = arith.constant 0 : i32
        %get3A_1186 = arith.index_cast %get3A_1185 : i32 to index
        %get3A_1187 = arith.index_cast %add3A_1143 : i32 to index
        %get3A_1188 = arith.constant 48 : index
        %get3A_1189 = tpu.vector_load %arg10[%get3A_1186, %get3A_1187, %get3A_1188] {strides = array<i32>} : memref<3x80x128xf32, #tpu.memory_space<vmem>>, vector<1x1x16xf32>,
        %get3A_1190 = vector.shape_cast %get3A_1189 : vector<1x1x16xf32> to vector<16xf32>
        %mul3A_1191 = arith.mulf %get3A_1190, %gather3A_1141 : vector<16xf32>
        %swap3A_1192 = arith.constant 0 : i32
        %swap3A_1193 = arith.index_cast %swap3A_1192 : i32 to index
        %swap3A_1194 = arith.index_cast %add3A_1143 : i32 to index
        %swap3A_1195 = arith.constant 48 : index
        %swap3A_1196 = tpu.vector_load %arg10[%swap3A_1193, %swap3A_1194, %swap3A_1195] {strides = array<i32>} : memref<3x80x128xf32, #tpu.memory_space<vmem>>, vector<1x1x16xf32>,
        %swap3A_1197 = vector.shape_cast %swap3A_1196 : vector<1x1x16xf32> to vector<16xf32>
        %swap3A_1198 = vector.shape_cast %mul3A_1191 : vector<16xf32> to vector<1x1x16xf32>
        tpu.vector_store %arg10[%swap3A_1193, %swap3A_1194, %swap3A_1195], %swap3A_1198 {strides = array<i32>} : memref<3x80x128xf32, #tpu.memory_space<vmem>>, vector<1x1x16xf32>,
        %get3A_1199 = arith.constant 0 : i32
        %get3A_1200 = arith.index_cast %get3A_1199 : i32 to index
        %get3A_1201 = arith.index_cast %add3A_1143 : i32 to index
        %get3A_1202 = arith.constant 64 : index
        %get3A_1203 = tpu.vector_load %arg10[%get3A_1200, %get3A_1201, %get3A_1202] {strides = array<i32>} : memref<3x80x128xf32, #tpu.memory_space<vmem>>, vector<1x1x16xf32>,
        %get3A_1204 = vector.shape_cast %get3A_1203 : vector<1x1x16xf32> to vector<16xf32>
        %mul3A_1205 = arith.mulf %get3A_1204, %gather3A_1141 : vector<16xf32>
        %swap3A_1206 = arith.constant 0 : i32
        %swap3A_1207 = arith.index_cast %swap3A_1206 : i32 to index
        %swap3A_1208 = arith.index_cast %add3A_1143 : i32 to index
        %swap3A_1209 = arith.constant 64 : index
        %swap3A_1210 = tpu.vector_load %arg10[%swap3A_1207, %swap3A_1208, %swap3A_1209] {strides = array<i32>} : memref<3x80x128xf32, #tpu.memory_space<vmem>>, vector<1x1x16xf32>,
        %swap3A_1211 = vector.shape_cast %swap3A_1210 : vector<1x1x16xf32> to vector<16xf32>
        %swap3A_1212 = vector.shape_cast %mul3A_1205 : vector<16xf32> to vector<1x1x16xf32>
        tpu.vector_store %arg10[%swap3A_1207, %swap3A_1208, %swap3A_1209], %swap3A_1212 {strides = array<i32>} : memref<3x80x128xf32, #tpu.memory_space<vmem>>, vector<1x1x16xf32>,
        %get3A_1213 = arith.constant 0 : i32
        %get3A_1214 = arith.index_cast %get3A_1213 : i32 to index
        %get3A_1215 = arith.index_cast %add3A_1143 : i32 to index
        %get3A_1216 = arith.constant 80 : index
        %get3A_1217 = tpu.vector_load %arg10[%get3A_1214, %get3A_1215, %get3A_1216] {strides = array<i32>} : memref<3x80x128xf32, #tpu.memory_space<vmem>>, vector<1x1x16xf32>,
        %get3A_1218 = vector.shape_cast %get3A_1217 : vector<1x1x16xf32> to vector<16xf32>
        %mul3A_1219 = arith.mulf %get3A_1218, %gather3A_1141 : vector<16xf32>
        %swap3A_1220 = arith.constant 0 : i32
        %swap3A_1221 = arith.index_cast %swap3A_1220 : i32 to index
        %swap3A_1222 = arith.index_cast %add3A_1143 : i32 to index
        %swap3A_1223 = arith.constant 80 : index
        %swap3A_1224 = tpu.vector_load %arg10[%swap3A_1221, %swap3A_1222, %swap3A_1223] {strides = array<i32>} : memref<3x80x128xf32, #tpu.memory_space<vmem>>, vector<1x1x16xf32>,
        %swap3A_1225 = vector.shape_cast %swap3A_1224 : vector<1x1x16xf32> to vector<16xf32>
        %swap3A_1226 = vector.shape_cast %mul3A_1219 : vector<16xf32> to vector<1x1x16xf32>
        tpu.vector_store %arg10[%swap3A_1221, %swap3A_1222, %swap3A_1223], %swap3A_1226 {strides = array<i32>} : memref<3x80x128xf32, #tpu.memory_space<vmem>>, vector<1x1x16xf32>,
        %get3A_1227 = arith.constant 0 : i32
        %get3A_1228 = arith.index_cast %get3A_1227 : i32 to index
        %get3A_1229 = arith.index_cast %add3A_1143 : i32 to index
        %get3A_1230 = arith.constant 96 : index
        %get3A_1231 = tpu.vector_load %arg10[%get3A_1228, %get3A_1229, %get3A_1230] {strides = array<i32>} : memref<3x80x128xf32, #tpu.memory_space<vmem>>, vector<1x1x16xf32>,
        %get3A_1232 = vector.shape_cast %get3A_1231 : vector<1x1x16xf32> to vector<16xf32>
        %mul3A_1233 = arith.mulf %get3A_1232, %gather3A_1141 : vector<16xf32>
        %swap3A_1234 = arith.constant 0 : i32
        %swap3A_1235 = arith.index_cast %swap3A_1234 : i32 to index
        %swap3A_1236 = arith.index_cast %add3A_1143 : i32 to index
        %swap3A_1237 = arith.constant 96 : index
        %swap3A_1238 = tpu.vector_load %arg10[%swap3A_1235, %swap3A_1236, %swap3A_1237] {strides = array<i32>} : memref<3x80x128xf32, #tpu.memory_space<vmem>>, vector<1x1x16xf32>,
        %swap3A_1239 = vector.shape_cast %swap3A_1238 : vector<1x1x16xf32> to vector<16xf32>
        %swap3A_1240 = vector.shape_cast %mul3A_1233 : vector<16xf32> to vector<1x1x16xf32>
        tpu.vector_store %arg10[%swap3A_1235, %swap3A_1236, %swap3A_1237], %swap3A_1240 {strides = array<i32>} : memref<3x80x128xf32, #tpu.memory_space<vmem>>, vector<1x1x16xf32>,
        %get3A_1241 = arith.constant 0 : i32
        %get3A_1242 = arith.index_cast %get3A_1241 : i32 to index
        %get3A_1243 = arith.index_cast %add3A_1143 : i32 to index
        %get3A_1244 = arith.constant 112 : index
        %get3A_1245 = tpu.vector_load %arg10[%get3A_1242, %get3A_1243, %get3A_1244] {strides = array<i32>} : memref<3x80x128xf32, #tpu.memory_space<vmem>>, vector<1x1x16xf32>,
        %get3A_1246 = vector.shape_cast %get3A_1245 : vector<1x1x16xf32> to vector<16xf32>
        %mul3A_1247 = arith.mulf %get3A_1246, %gather3A_1141 : vector<16xf32>
        %swap3A_1248 = arith.constant 0 : i32
        %swap3A_1249 = arith.index_cast %swap3A_1248 : i32 to index
        %swap3A_1250 = arith.index_cast %add3A_1143 : i32 to index
        %swap3A_1251 = arith.constant 112 : index
        %swap3A_1252 = tpu.vector_load %arg10[%swap3A_1249, %swap3A_1250, %swap3A_1251] {strides = array<i32>} : memref<3x80x128xf32, #tpu.memory_space<vmem>>, vector<1x1x16xf32>,
        %swap3A_1253 = vector.shape_cast %swap3A_1252 : vector<1x1x16xf32> to vector<16xf32>
        %swap3A_1254 = vector.shape_cast %mul3A_1247 : vector<16xf32> to vector<1x1x16xf32>
        tpu.vector_store %arg10[%swap3A_1249, %swap3A_1250, %swap3A_1251], %swap3A_1254 {strides = array<i32>} : memref<3x80x128xf32, #tpu.memory_space<vmem>>, vector<1x1x16xf32>,
      }
      %scan3A_1056 = arith.constant 16 : i32
      %get3A_1057 = arith.constant 24 : i32
      %get3A_1058 = arith.index_cast %get3A_1057 : i32 to index
      %get3A_1059 = arith.constant 48 : index
      %get3A_1060 = tpu.vector_load %arg9[%get3A_1058, %get3A_1059] {strides = array<i32>} : memref<25x80xf32, #tpu.memory_space<vmem>>, vector<1x16xf32>,
      %get3A_1061 = vector.shape_cast %get3A_1060 : vector<1x16xf32> to vector<16xf32>
      %scan3A_1062 = arith.constant 0 : i32
      %scan3A_1063 = arith.constant 0 : i32
      %scan3A_1064 = arith.constant 16 : i32
      %scan3A_1065 = arith.addi %scan3A_1063, %scan3A_1064 : i32
      %scan3A_1066 = arith.constant 1 : i32
      scf.for %scan3A_1139 = %scan3A_1063 to %scan3A_1065 step %scan3A_1066  : i32 {
        %broadcast_in_dim3A_1140 = vector.broadcast %scan3A_1139 : i32 to vector<16x1xi32>
        %gather3A = vector.shape_cast %broadcast_in_dim3A_1140 : vector<16x1xi32> to vector<16xi32>
        %gather3A_1141 = tpu.dynamic_gather %get3A_1061[%gather3A] in [0] : vector<16xf32>, vector<16xi32> -> vector<16xf32>
        %add3A_1142 = arith.constant 48 : i32
        %add3A_1143 = arith.addi %add3A_1142, %scan3A_1139 : i32
        %get3A_1144 = arith.constant 0 : i32
        %get3A_1145 = arith.index_cast %get3A_1144 : i32 to index
        %get3A_1146 = arith.index_cast %add3A_1143 : i32 to index
        %get3A_1147 = arith.constant 0 : index
        %get3A_1148 = tpu.vector_load %arg10[%get3A_1145, %get3A_1146, %get3A_1147] {strides = array<i32>} : memref<3x80x128xf32, #tpu.memory_space<vmem>>, vector<1x1x16xf32>,
        %get3A_1149 = vector.shape_cast %get3A_1148 : vector<1x1x16xf32> to vector<16xf32>
        %mul3A_1150 = arith.mulf %get3A_1149, %gather3A_1141 : vector<16xf32>
        %swap3A = arith.constant 0 : i32
        %swap3A_1151 = arith.index_cast %swap3A : i32 to index
        %swap3A_1152 = arith.index_cast %add3A_1143 : i32 to index
        %swap3A_1153 = arith.constant 0 : index
        %swap3A_1154 = tpu.vector_load %arg10[%swap3A_1151, %swap3A_1152, %swap3A_1153] {strides = array<i32>} : memref<3x80x128xf32, #tpu.memory_space<vmem>>, vector<1x1x16xf32>,
        %swap3A_1155 = vector.shape_cast %swap3A_1154 : vector<1x1x16xf32> to vector<16xf32>
        %swap3A_1156 = vector.shape_cast %mul3A_1150 : vector<16xf32> to vector<1x1x16xf32>
        tpu.vector_store %arg10[%swap3A_1151, %swap3A_1152, %swap3A_1153], %swap3A_1156 {strides = array<i32>} : memref<3x80x128xf32, #tpu.memory_space<vmem>>, vector<1x1x16xf32>,
        %get3A_1157 = arith.constant 0 : i32
        %get3A_1158 = arith.index_cast %get3A_1157 : i32 to index
        %get3A_1159 = arith.index_cast %add3A_1143 : i32 to index
        %get3A_1160 = arith.constant 16 : index
        %get3A_1161 = tpu.vector_load %arg10[%get3A_1158, %get3A_1159, %get3A_1160] {strides = array<i32>} : memref<3x80x128xf32, #tpu.memory_space<vmem>>, vector<1x1x16xf32>,
        %get3A_1162 = vector.shape_cast %get3A_1161 : vector<1x1x16xf32> to vector<16xf32>
        %mul3A_1163 = arith.mulf %get3A_1162, %gather3A_1141 : vector<16xf32>
        %swap3A_1164 = arith.constant 0 : i32
        %swap3A_1165 = arith.index_cast %swap3A_1164 : i32 to index
        %swap3A_1166 = arith.index_cast %add3A_1143 : i32 to index
        %swap3A_1167 = arith.constant 16 : index
        %swap3A_1168 = tpu.vector_load %arg10[%swap3A_1165, %swap3A_1166, %swap3A_1167] {strides = array<i32>} : memref<3x80x128xf32, #tpu.memory_space<vmem>>, vector<1x1x16xf32>,
        %swap3A_1169 = vector.shape_cast %swap3A_1168 : vector<1x1x16xf32> to vector<16xf32>
        %swap3A_1170 = vector.shape_cast %mul3A_1163 : vector<16xf32> to vector<1x1x16xf32>
        tpu.vector_store %arg10[%swap3A_1165, %swap3A_1166, %swap3A_1167], %swap3A_1170 {strides = array<i32>} : memref<3x80x128xf32, #tpu.memory_space<vmem>>, vector<1x1x16xf32>,
        %get3A_1171 = arith.constant 0 : i32
        %get3A_1172 = arith.index_cast %get3A_1171 : i32 to index
        %get3A_1173 = arith.index_cast %add3A_1143 : i32 to index
        %get3A_1174 = arith.constant 32 : index
        %get3A_1175 = tpu.vector_load %arg10[%get3A_1172, %get3A_1173, %get3A_1174] {strides = array<i32>} : memref<3x80x128xf32, #tpu.memory_space<vmem>>, vector<1x1x16xf32>,
        %get3A_1176 = vector.shape_cast %get3A_1175 : vector<1x1x16xf32> to vector<16xf32>
        %mul3A_1177 = arith.mulf %get3A_1176, %gather3A_1141 : vector<16xf32>
        %swap3A_1178 = arith.constant 0 : i32
        %swap3A_1179 = arith.index_cast %swap3A_1178 : i32 to index
        %swap3A_1180 = arith.index_cast %add3A_1143 : i32 to index
        %swap3A_1181 = arith.constant 32 : index
        %swap3A_1182 = tpu.vector_load %arg10[%swap3A_1179, %swap3A_1180, %swap3A_1181] {strides = array<i32>} : memref<3x80x128xf32, #tpu.memory_space<vmem>>, vector<1x1x16xf32>,
        %swap3A_1183 = vector.shape_cast %swap3A_1182 : vector<1x1x16xf32> to vector<16xf32>
        %swap3A_1184 = vector.shape_cast %mul3A_1177 : vector<16xf32> to vector<1x1x16xf32>
        tpu.vector_store %arg10[%swap3A_1179, %swap3A_1180, %swap3A_1181], %swap3A_1184 {strides = array<i32>} : memref<3x80x128xf32, #tpu.memory_space<vmem>>, vector<1x1x16xf32>,
        %get3A_1185 = arith.constant 0 : i32
        %get3A_1186 = arith.index_cast %get3A_1185 : i32 to index
        %get3A_1187 = arith.index_cast %add3A_1143 : i32 to index
        %get3A_1188 = arith.constant 48 : index
        %get3A_1189 = tpu.vector_load %arg10[%get3A_1186, %get3A_1187, %get3A_1188] {strides = array<i32>} : memref<3x80x128xf32, #tpu.memory_space<vmem>>, vector<1x1x16xf32>,
        %get3A_1190 = vector.shape_cast %get3A_1189 : vector<1x1x16xf32> to vector<16xf32>
        %mul3A_1191 = arith.mulf %get3A_1190, %gather3A_1141 : vector<16xf32>
        %swap3A_1192 = arith.constant 0 : i32
        %swap3A_1193 = arith.index_cast %swap3A_1192 : i32 to index
        %swap3A_1194 = arith.index_cast %add3A_1143 : i32 to index
        %swap3A_1195 = arith.constant 48 : index
        %swap3A_1196 = tpu.vector_load %arg10[%swap3A_1193, %swap3A_1194, %swap3A_1195] {strides = array<i32>} : memref<3x80x128xf32, #tpu.memory_space<vmem>>, vector<1x1x16xf32>,
        %swap3A_1197 = vector.shape_cast %swap3A_1196 : vector<1x1x16xf32> to vector<16xf32>
        %swap3A_1198 = vector.shape_cast %mul3A_1191 : vector<16xf32> to vector<1x1x16xf32>
        tpu.vector_store %arg10[%swap3A_1193, %swap3A_1194, %swap3A_1195], %swap3A_1198 {strides = array<i32>} : memref<3x80x128xf32, #tpu.memory_space<vmem>>, vector<1x1x16xf32>,
        %get3A_1199 = arith.constant 0 : i32
        %get3A_1200 = arith.index_cast %get3A_1199 : i32 to index
        %get3A_1201 = arith.index_cast %add3A_1143 : i32 to index
        %get3A_1202 = arith.constant 64 : index
        %get3A_1203 = tpu.vector_load %arg10[%get3A_1200, %get3A_1201, %get3A_1202] {strides = array<i32>} : memref<3x80x128xf32, #tpu.memory_space<vmem>>, vector<1x1x16xf32>,
        %get3A_1204 = vector.shape_cast %get3A_1203 : vector<1x1x16xf32> to vector<16xf32>
        %mul3A_1205 = arith.mulf %get3A_1204, %gather3A_1141 : vector<16xf32>
        %swap3A_1206 = arith.constant 0 : i32
        %swap3A_1207 = arith.index_cast %swap3A_1206 : i32 to index
        %swap3A_1208 = arith.index_cast %add3A_1143 : i32 to index
        %swap3A_1209 = arith.constant 64 : index
        %swap3A_1210 = tpu.vector_load %arg10[%swap3A_1207, %swap3A_1208, %swap3A_1209] {strides = array<i32>} : memref<3x80x128xf32, #tpu.memory_space<vmem>>, vector<1x1x16xf32>,
        %swap3A_1211 = vector.shape_cast %swap3A_1210 : vector<1x1x16xf32> to vector<16xf32>
        %swap3A_1212 = vector.shape_cast %mul3A_1205 : vector<16xf32> to vector<1x1x16xf32>
        tpu.vector_store %arg10[%swap3A_1207, %swap3A_1208, %swap3A_1209], %swap3A_1212 {strides = array<i32>} : memref<3x80x128xf32, #tpu.memory_space<vmem>>, vector<1x1x16xf32>,
        %get3A_1213 = arith.constant 0 : i32
        %get3A_1214 = arith.index_cast %get3A_1213 : i32 to index
        %get3A_1215 = arith.index_cast %add3A_1143 : i32 to index
        %get3A_1216 = arith.constant 80 : index
        %get3A_1217 = tpu.vector_load %arg10[%get3A_1214, %get3A_1215, %get3A_1216] {strides = array<i32>} : memref<3x80x128xf32, #tpu.memory_space<vmem>>, vector<1x1x16xf32>,
        %get3A_1218 = vector.shape_cast %get3A_1217 : vector<1x1x16xf32> to vector<16xf32>
        %mul3A_1219 = arith.mulf %get3A_1218, %gather3A_1141 : vector<16xf32>
        %swap3A_1220 = arith.constant 0 : i32
        %swap3A_1221 = arith.index_cast %swap3A_1220 : i32 to index
        %swap3A_1222 = arith.index_cast %add3A_1143 : i32 to index
        %swap3A_1223 = arith.constant 80 : index
        %swap3A_1224 = tpu.vector_load %arg10[%swap3A_1221, %swap3A_1222, %swap3A_1223] {strides = array<i32>} : memref<3x80x128xf32, #tpu.memory_space<vmem>>, vector<1x1x16xf32>,
        %swap3A_1225 = vector.shape_cast %swap3A_1224 : vector<1x1x16xf32> to vector<16xf32>
        %swap3A_1226 = vector.shape_cast %mul3A_1219 : vector<16xf32> to vector<1x1x16xf32>
        tpu.vector_store %arg10[%swap3A_1221, %swap3A_1222, %swap3A_1223], %swap3A_1226 {strides = array<i32>} : memref<3x80x128xf32, #tpu.memory_space<vmem>>, vector<1x1x16xf32>,
        %get3A_1227 = arith.constant 0 : i32
        %get3A_1228 = arith.index_cast %get3A_1227 : i32 to index
        %get3A_1229 = arith.index_cast %add3A_1143 : i32 to index
        %get3A_1230 = arith.constant 96 : index
        %get3A_1231 = tpu.vector_load %arg10[%get3A_1228, %get3A_1229, %get3A_1230] {strides = array<i32>} : memref<3x80x128xf32, #tpu.memory_space<vmem>>, vector<1x1x16xf32>,
        %get3A_1232 = vector.shape_cast %get3A_1231 : vector<1x1x16xf32> to vector<16xf32>
        %mul3A_1233 = arith.mulf %get3A_1232, %gather3A_1141 : vector<16xf32>
        %swap3A_1234 = arith.constant 0 : i32
        %swap3A_1235 = arith.index_cast %swap3A_1234 : i32 to index
        %swap3A_1236 = arith.index_cast %add3A_1143 : i32 to index
        %swap3A_1237 = arith.constant 96 : index
        %swap3A_1238 = tpu.vector_load %arg10[%swap3A_1235, %swap3A_1236, %swap3A_1237] {strides = array<i32>} : memref<3x80x128xf32, #tpu.memory_space<vmem>>, vector<1x1x16xf32>,
        %swap3A_1239 = vector.shape_cast %swap3A_1238 : vector<1x1x16xf32> to vector<16xf32>
        %swap3A_1240 = vector.shape_cast %mul3A_1233 : vector<16xf32> to vector<1x1x16xf32>
        tpu.vector_store %arg10[%swap3A_1235, %swap3A_1236, %swap3A_1237], %swap3A_1240 {strides = array<i32>} : memref<3x80x128xf32, #tpu.memory_space<vmem>>, vector<1x1x16xf32>,
        %get3A_1241 = arith.constant 0 : i32
        %get3A_1242 = arith.index_cast %get3A_1241 : i32 to index
        %get3A_1243 = arith.index_cast %add3A_1143 : i32 to index
        %get3A_1244 = arith.constant 112 : index
        %get3A_1245 = tpu.vector_load %arg10[%get3A_1242, %get3A_1243, %get3A_1244] {strides = array<i32>} : memref<3x80x128xf32, #tpu.memory_space<vmem>>, vector<1x1x16xf32>,
        %get3A_1246 = vector.shape_cast %get3A_1245 : vector<1x1x16xf32> to vector<16xf32>
        %mul3A_1247 = arith.mulf %get3A_1246, %gather3A_1141 : vector<16xf32>
        %swap3A_1248 = arith.constant 0 : i32
        %swap3A_1249 = arith.index_cast %swap3A_1248 : i32 to index
        %swap3A_1250 = arith.index_cast %add3A_1143 : i32 to index
        %swap3A_1251 = arith.constant 112 : index
        %swap3A_1252 = tpu.vector_load %arg10[%swap3A_1249, %swap3A_1250, %swap3A_1251] {strides = array<i32>} : memref<3x80x128xf32, #tpu.memory_space<vmem>>, vector<1x1x16xf32>,
        %swap3A_1253 = vector.shape_cast %swap3A_1252 : vector<1x1x16xf32> to vector<16xf32>
        %swap3A_1254 = vector.shape_cast %mul3A_1247 : vector<16xf32> to vector<1x1x16xf32>
        tpu.vector_store %arg10[%swap3A_1249, %swap3A_1250, %swap3A_1251], %swap3A_1254 {strides = array<i32>} : memref<3x80x128xf32, #tpu.memory_space<vmem>>, vector<1x1x16xf32>,
      }
      %scan3A_1067 = arith.constant 16 : i32
      %get3A_1068 = arith.constant 24 : i32
      %get3A_1069 = arith.index_cast %get3A_1068 : i32 to index
      %get3A_1070 = arith.constant 64 : index
      %get3A_1071 = tpu.vector_load %arg9[%get3A_1069, %get3A_1070] {strides = array<i32>} : memref<25x80xf32, #tpu.memory_space<vmem>>, vector<1x16xf32>,
      %get3A_1072 = vector.shape_cast %get3A_1071 : vector<1x16xf32> to vector<16xf32>
      %scan3A_1073 = arith.constant 0 : i32
      %scan3A_1074 = arith.constant 0 : i32
      %scan3A_1075 = arith.constant 16 : i32
      %scan3A_1076 = arith.addi %scan3A_1074, %scan3A_1075 : i32
      %scan3A_1077 = arith.constant 1 : i32
      scf.for %scan3A_1139 = %scan3A_1074 to %scan3A_1076 step %scan3A_1077  : i32 {
        %broadcast_in_dim3A_1140 = vector.broadcast %scan3A_1139 : i32 to vector<16x1xi32>
        %gather3A = vector.shape_cast %broadcast_in_dim3A_1140 : vector<16x1xi32> to vector<16xi32>
        %gather3A_1141 = tpu.dynamic_gather %get3A_1072[%gather3A] in [0] : vector<16xf32>, vector<16xi32> -> vector<16xf32>
        %add3A_1142 = arith.constant 64 : i32
        %add3A_1143 = arith.addi %add3A_1142, %scan3A_1139 : i32
        %get3A_1144 = arith.constant 0 : i32
        %get3A_1145 = arith.index_cast %get3A_1144 : i32 to index
        %get3A_1146 = arith.index_cast %add3A_1143 : i32 to index
        %get3A_1147 = arith.constant 0 : index
        %get3A_1148 = tpu.vector_load %arg10[%get3A_1145, %get3A_1146, %get3A_1147] {strides = array<i32>} : memref<3x80x128xf32, #tpu.memory_space<vmem>>, vector<1x1x16xf32>,
        %get3A_1149 = vector.shape_cast %get3A_1148 : vector<1x1x16xf32> to vector<16xf32>
        %mul3A_1150 = arith.mulf %get3A_1149, %gather3A_1141 : vector<16xf32>
        %swap3A = arith.constant 0 : i32
        %swap3A_1151 = arith.index_cast %swap3A : i32 to index
        %swap3A_1152 = arith.index_cast %add3A_1143 : i32 to index
        %swap3A_1153 = arith.constant 0 : index
        %swap3A_1154 = tpu.vector_load %arg10[%swap3A_1151, %swap3A_1152, %swap3A_1153] {strides = array<i32>} : memref<3x80x128xf32, #tpu.memory_space<vmem>>, vector<1x1x16xf32>,
        %swap3A_1155 = vector.shape_cast %swap3A_1154 : vector<1x1x16xf32> to vector<16xf32>
        %swap3A_1156 = vector.shape_cast %mul3A_1150 : vector<16xf32> to vector<1x1x16xf32>
        tpu.vector_store %arg10[%swap3A_1151, %swap3A_1152, %swap3A_1153], %swap3A_1156 {strides = array<i32>} : memref<3x80x128xf32, #tpu.memory_space<vmem>>, vector<1x1x16xf32>,
        %get3A_1157 = arith.constant 0 : i32
        %get3A_1158 = arith.index_cast %get3A_1157 : i32 to index
        %get3A_1159 = arith.index_cast %add3A_1143 : i32 to index
        %get3A_1160 = arith.constant 16 : index
        %get3A_1161 = tpu.vector_load %arg10[%get3A_1158, %get3A_1159, %get3A_1160] {strides = array<i32>} : memref<3x80x128xf32, #tpu.memory_space<vmem>>, vector<1x1x16xf32>,
        %get3A_1162 = vector.shape_cast %get3A_1161 : vector<1x1x16xf32> to vector<16xf32>
        %mul3A_1163 = arith.mulf %get3A_1162, %gather3A_1141 : vector<16xf32>
        %swap3A_1164 = arith.constant 0 : i32
        %swap3A_1165 = arith.index_cast %swap3A_1164 : i32 to index
        %swap3A_1166 = arith.index_cast %add3A_1143 : i32 to index
        %swap3A_1167 = arith.constant 16 : index
        %swap3A_1168 = tpu.vector_load %arg10[%swap3A_1165, %swap3A_1166, %swap3A_1167] {strides = array<i32>} : memref<3x80x128xf32, #tpu.memory_space<vmem>>, vector<1x1x16xf32>,
        %swap3A_1169 = vector.shape_cast %swap3A_1168 : vector<1x1x16xf32> to vector<16xf32>
        %swap3A_1170 = vector.shape_cast %mul3A_1163 : vector<16xf32> to vector<1x1x16xf32>
        tpu.vector_store %arg10[%swap3A_1165, %swap3A_1166, %swap3A_1167], %swap3A_1170 {strides = array<i32>} : memref<3x80x128xf32, #tpu.memory_space<vmem>>, vector<1x1x16xf32>,
        %get3A_1171 = arith.constant 0 : i32
        %get3A_1172 = arith.index_cast %get3A_1171 : i32 to index
        %get3A_1173 = arith.index_cast %add3A_1143 : i32 to index
        %get3A_1174 = arith.constant 32 : index
        %get3A_1175 = tpu.vector_load %arg10[%get3A_1172, %get3A_1173, %get3A_1174] {strides = array<i32>} : memref<3x80x128xf32, #tpu.memory_space<vmem>>, vector<1x1x16xf32>,
        %get3A_1176 = vector.shape_cast %get3A_1175 : vector<1x1x16xf32> to vector<16xf32>
        %mul3A_1177 = arith.mulf %get3A_1176, %gather3A_1141 : vector<16xf32>
        %swap3A_1178 = arith.constant 0 : i32
        %swap3A_1179 = arith.index_cast %swap3A_1178 : i32 to index
        %swap3A_1180 = arith.index_cast %add3A_1143 : i32 to index
        %swap3A_1181 = arith.constant 32 : index
        %swap3A_1182 = tpu.vector_load %arg10[%swap3A_1179, %swap3A_1180, %swap3A_1181] {strides = array<i32>} : memref<3x80x128xf32, #tpu.memory_space<vmem>>, vector<1x1x16xf32>,
        %swap3A_1183 = vector.shape_cast %swap3A_1182 : vector<1x1x16xf32> to vector<16xf32>
        %swap3A_1184 = vector.shape_cast %mul3A_1177 : vector<16xf32> to vector<1x1x16xf32>
        tpu.vector_store %arg10[%swap3A_1179, %swap3A_1180, %swap3A_1181], %swap3A_1184 {strides = array<i32>} : memref<3x80x128xf32, #tpu.memory_space<vmem>>, vector<1x1x16xf32>,
        %get3A_1185 = arith.constant 0 : i32
        %get3A_1186 = arith.index_cast %get3A_1185 : i32 to index
        %get3A_1187 = arith.index_cast %add3A_1143 : i32 to index
        %get3A_1188 = arith.constant 48 : index
        %get3A_1189 = tpu.vector_load %arg10[%get3A_1186, %get3A_1187, %get3A_1188] {strides = array<i32>} : memref<3x80x128xf32, #tpu.memory_space<vmem>>, vector<1x1x16xf32>,
        %get3A_1190 = vector.shape_cast %get3A_1189 : vector<1x1x16xf32> to vector<16xf32>
        %mul3A_1191 = arith.mulf %get3A_1190, %gather3A_1141 : vector<16xf32>
        %swap3A_1192 = arith.constant 0 : i32
        %swap3A_1193 = arith.index_cast %swap3A_1192 : i32 to index
        %swap3A_1194 = arith.index_cast %add3A_1143 : i32 to index
        %swap3A_1195 = arith.constant 48 : index
        %swap3A_1196 = tpu.vector_load %arg10[%swap3A_1193, %swap3A_1194, %swap3A_1195] {strides = array<i32>} : memref<3x80x128xf32, #tpu.memory_space<vmem>>, vector<1x1x16xf32>,
        %swap3A_1197 = vector.shape_cast %swap3A_1196 : vector<1x1x16xf32> to vector<16xf32>
        %swap3A_1198 = vector.shape_cast %mul3A_1191 : vector<16xf32> to vector<1x1x16xf32>
        tpu.vector_store %arg10[%swap3A_1193, %swap3A_1194, %swap3A_1195], %swap3A_1198 {strides = array<i32>} : memref<3x80x128xf32, #tpu.memory_space<vmem>>, vector<1x1x16xf32>,
        %get3A_1199 = arith.constant 0 : i32
        %get3A_1200 = arith.index_cast %get3A_1199 : i32 to index
        %get3A_1201 = arith.index_cast %add3A_1143 : i32 to index
        %get3A_1202 = arith.constant 64 : index
        %get3A_1203 = tpu.vector_load %arg10[%get3A_1200, %get3A_1201, %get3A_1202] {strides = array<i32>} : memref<3x80x128xf32, #tpu.memory_space<vmem>>, vector<1x1x16xf32>,
        %get3A_1204 = vector.shape_cast %get3A_1203 : vector<1x1x16xf32> to vector<16xf32>
        %mul3A_1205 = arith.mulf %get3A_1204, %gather3A_1141 : vector<16xf32>
        %swap3A_1206 = arith.constant 0 : i32
        %swap3A_1207 = arith.index_cast %swap3A_1206 : i32 to index
        %swap3A_1208 = arith.index_cast %add3A_1143 : i32 to index
        %swap3A_1209 = arith.constant 64 : index
        %swap3A_1210 = tpu.vector_load %arg10[%swap3A_1207, %swap3A_1208, %swap3A_1209] {strides = array<i32>} : memref<3x80x128xf32, #tpu.memory_space<vmem>>, vector<1x1x16xf32>,
        %swap3A_1211 = vector.shape_cast %swap3A_1210 : vector<1x1x16xf32> to vector<16xf32>
        %swap3A_1212 = vector.shape_cast %mul3A_1205 : vector<16xf32> to vector<1x1x16xf32>
        tpu.vector_store %arg10[%swap3A_1207, %swap3A_1208, %swap3A_1209], %swap3A_1212 {strides = array<i32>} : memref<3x80x128xf32, #tpu.memory_space<vmem>>, vector<1x1x16xf32>,
        %get3A_1213 = arith.constant 0 : i32
        %get3A_1214 = arith.index_cast %get3A_1213 : i32 to index
        %get3A_1215 = arith.index_cast %add3A_1143 : i32 to index
        %get3A_1216 = arith.constant 80 : index
        %get3A_1217 = tpu.vector_load %arg10[%get3A_1214, %get3A_1215, %get3A_1216] {strides = array<i32>} : memref<3x80x128xf32, #tpu.memory_space<vmem>>, vector<1x1x16xf32>,
        %get3A_1218 = vector.shape_cast %get3A_1217 : vector<1x1x16xf32> to vector<16xf32>
        %mul3A_1219 = arith.mulf %get3A_1218, %gather3A_1141 : vector<16xf32>
        %swap3A_1220 = arith.constant 0 : i32
        %swap3A_1221 = arith.index_cast %swap3A_1220 : i32 to index
        %swap3A_1222 = arith.index_cast %add3A_1143 : i32 to index
        %swap3A_1223 = arith.constant 80 : index
        %swap3A_1224 = tpu.vector_load %arg10[%swap3A_1221, %swap3A_1222, %swap3A_1223] {strides = array<i32>} : memref<3x80x128xf32, #tpu.memory_space<vmem>>, vector<1x1x16xf32>,
        %swap3A_1225 = vector.shape_cast %swap3A_1224 : vector<1x1x16xf32> to vector<16xf32>
        %swap3A_1226 = vector.shape_cast %mul3A_1219 : vector<16xf32> to vector<1x1x16xf32>
        tpu.vector_store %arg10[%swap3A_1221, %swap3A_1222, %swap3A_1223], %swap3A_1226 {strides = array<i32>} : memref<3x80x128xf32, #tpu.memory_space<vmem>>, vector<1x1x16xf32>,
        %get3A_1227 = arith.constant 0 : i32
        %get3A_1228 = arith.index_cast %get3A_1227 : i32 to index
        %get3A_1229 = arith.index_cast %add3A_1143 : i32 to index
        %get3A_1230 = arith.constant 96 : index
        %get3A_1231 = tpu.vector_load %arg10[%get3A_1228, %get3A_1229, %get3A_1230] {strides = array<i32>} : memref<3x80x128xf32, #tpu.memory_space<vmem>>, vector<1x1x16xf32>,
        %get3A_1232 = vector.shape_cast %get3A_1231 : vector<1x1x16xf32> to vector<16xf32>
        %mul3A_1233 = arith.mulf %get3A_1232, %gather3A_1141 : vector<16xf32>
        %swap3A_1234 = arith.constant 0 : i32
        %swap3A_1235 = arith.index_cast %swap3A_1234 : i32 to index
        %swap3A_1236 = arith.index_cast %add3A_1143 : i32 to index
        %swap3A_1237 = arith.constant 96 : index
        %swap3A_1238 = tpu.vector_load %arg10[%swap3A_1235, %swap3A_1236, %swap3A_1237] {strides = array<i32>} : memref<3x80x128xf32, #tpu.memory_space<vmem>>, vector<1x1x16xf32>,
        %swap3A_1239 = vector.shape_cast %swap3A_1238 : vector<1x1x16xf32> to vector<16xf32>
        %swap3A_1240 = vector.shape_cast %mul3A_1233 : vector<16xf32> to vector<1x1x16xf32>
        tpu.vector_store %arg10[%swap3A_1235, %swap3A_1236, %swap3A_1237], %swap3A_1240 {strides = array<i32>} : memref<3x80x128xf32, #tpu.memory_space<vmem>>, vector<1x1x16xf32>,
        %get3A_1241 = arith.constant 0 : i32
        %get3A_1242 = arith.index_cast %get3A_1241 : i32 to index
        %get3A_1243 = arith.index_cast %add3A_1143 : i32 to index
        %get3A_1244 = arith.constant 112 : index
        %get3A_1245 = tpu.vector_load %arg10[%get3A_1242, %get3A_1243, %get3A_1244] {strides = array<i32>} : memref<3x80x128xf32, #tpu.memory_space<vmem>>, vector<1x1x16xf32>,
        %get3A_1246 = vector.shape_cast %get3A_1245 : vector<1x1x16xf32> to vector<16xf32>
        %mul3A_1247 = arith.mulf %get3A_1246, %gather3A_1141 : vector<16xf32>
        %swap3A_1248 = arith.constant 0 : i32
        %swap3A_1249 = arith.index_cast %swap3A_1248 : i32 to index
        %swap3A_1250 = arith.index_cast %add3A_1143 : i32 to index
        %swap3A_1251 = arith.constant 112 : index
        %swap3A_1252 = tpu.vector_load %arg10[%swap3A_1249, %swap3A_1250, %swap3A_1251] {strides = array<i32>} : memref<3x80x128xf32, #tpu.memory_space<vmem>>, vector<1x1x16xf32>,
        %swap3A_1253 = vector.shape_cast %swap3A_1252 : vector<1x1x16xf32> to vector<16xf32>
        %swap3A_1254 = vector.shape_cast %mul3A_1247 : vector<16xf32> to vector<1x1x16xf32>
        tpu.vector_store %arg10[%swap3A_1249, %swap3A_1250, %swap3A_1251], %swap3A_1254 {strides = array<i32>} : memref<3x80x128xf32, #tpu.memory_space<vmem>>, vector<1x1x16xf32>,
      }
      %scan3A_1078 = arith.constant 16 : i32
      %dma_start3A_1079 = arith.constant 0 : i32
      %dma_start3A_1080 = arith.constant 24 : i32
      %dma_start3A_1081 = arith.constant 0 : i32
      %dma_start3A_1082 = arith.constant 0 : i32
      %dma_start3A_1083 = arith.constant 0 : i32
      %dma_start3A_1084 = tpu.memref_slice %arg10[%dma_start3A_1079, %dma_start3A_1082, %dma_start3A_1083] : memref<3x80x128xf32, #tpu.memory_space<vmem>> -> memref<1x80x128xf32, #tpu.memory_space<vmem>>
      %dma_start3A_1085 = tpu.memref_squeeze %dma_start3A_1084 : memref<1x80x128xf32, #tpu.memory_space<vmem>> -> memref<80x128xf32, #tpu.memory_space<vmem>>
      %dma_start3A_1086 = arith.constant 0 : i32
      %dma_start3A_1087 = tpu.memref_slice %arg8[%dma_start3A_1080, %dma_start3A_1086] : memref<25x80xi32, #tpu.memory_space<vmem>> -> memref<1x80xi32, #tpu.memory_space<vmem>>
      %dma_start3A_1088 = tpu.memref_squeeze %dma_start3A_1087 : memref<1x80xi32, #tpu.memory_space<vmem>> -> memref<80xi32, #tpu.memory_space<vmem>>
      %dma_start3A_1089 = arith.constant 0 : i32
      %dma_start3A_1090 = arith.constant 0 : i32
      %dma_start3A_1091 = tpu.memref_slice %arg13[%dma_start3A_1089, %dma_start3A_1090] : memref<10240x128xf32, #tpu.memory_space<vmem_shared>> -> memref<10240x128xf32, #tpu.memory_space<vmem_shared>>
      %dma_start3A_1092 = tpu.memref_slice %arg12[%dma_start3A_1081] : memref<3x!tpu.dma_semaphore, #tpu.memory_space<semaphore_mem>> -> memref<1x!tpu.dma_semaphore, #tpu.memory_space<semaphore_mem>>
      %dma_start3A_1093 = tpu.memref_squeeze %dma_start3A_1092 : memref<1x!tpu.dma_semaphore, #tpu.memory_space<semaphore_mem>> -> memref<!tpu.dma_semaphore, #tpu.memory_space<semaphore_mem>>
      tpu.enqueue_indirect_dma source(%dma_start3A_1085 : memref<80x128xf32, #tpu.memory_space<vmem>>) target(%dma_start3A_1091 : memref<10240x128xf32, #tpu.memory_space<vmem_shared>>) offsets(%dma_start3A_1088 : memref<80xi32, #tpu.memory_space<vmem>>) semaphore(%dma_start3A_1093 : memref<!tpu.dma_semaphore, #tpu.memory_space<semaphore_mem>>) {add = true}
      %dma_wait3A_1094 = arith.constant 0 : i32
      %dma_wait3A_1095 = arith.constant 0 : i32
      %dma_wait3A_1096 = arith.constant 0 : i32
      %dma_wait3A_1097 = arith.constant 0 : i32
      %dma_wait3A_1098 = arith.constant 0 : i32
      %dma_wait3A_1099 = tpu.memref_slice %arg10[%dma_wait3A_1094, %dma_wait3A_1097, %dma_wait3A_1098] : memref<3x80x128xf32, #tpu.memory_space<vmem>> -> memref<1x80x128xf32, #tpu.memory_space<vmem>>
      %dma_wait3A_1100 = tpu.memref_squeeze %dma_wait3A_1099 : memref<1x80x128xf32, #tpu.memory_space<vmem>> -> memref<80x128xf32, #tpu.memory_space<vmem>>
      %dma_wait3A_1101 = arith.constant 0 : i32
      %dma_wait3A_1102 = tpu.memref_slice %arg8[%dma_wait3A_1095, %dma_wait3A_1101] : memref<25x80xi32, #tpu.memory_space<vmem>> -> memref<1x80xi32, #tpu.memory_space<vmem>>
      %dma_wait3A_1103 = tpu.memref_squeeze %dma_wait3A_1102 : memref<1x80xi32, #tpu.memory_space<vmem>> -> memref<80xi32, #tpu.memory_space<vmem>>
      %dma_wait3A_1104 = arith.constant 0 : i32
      %dma_wait3A_1105 = arith.constant 0 : i32
      %dma_wait3A_1106 = tpu.memref_slice %arg13[%dma_wait3A_1104, %dma_wait3A_1105] : memref<10240x128xf32, #tpu.memory_space<vmem_shared>> -> memref<10240x128xf32, #tpu.memory_space<vmem_shared>>
      %dma_wait3A_1107 = tpu.memref_slice %arg12[%dma_wait3A_1096] : memref<3x!tpu.dma_semaphore, #tpu.memory_space<semaphore_mem>> -> memref<1x!tpu.dma_semaphore, #tpu.memory_space<semaphore_mem>>
      %dma_wait3A_1108 = tpu.memref_squeeze %dma_wait3A_1107 : memref<1x!tpu.dma_semaphore, #tpu.memory_space<semaphore_mem>> -> memref<!tpu.dma_semaphore, #tpu.memory_space<semaphore_mem>>
      tpu.wait_indirect_dma semaphore(%dma_wait3A_1108 : memref<!tpu.dma_semaphore, #tpu.memory_space<semaphore_mem>>) src(%dma_wait3A_1100 : memref<80x128xf32, #tpu.memory_space<vmem>>) dst(%dma_wait3A_1106 : memref<10240x128xf32, #tpu.memory_space<vmem_shared>>)
      %dma_wait3A_1109 = arith.constant 1 : i32
      %dma_wait3A_1110 = arith.constant 0 : i32
      %dma_wait3A_1111 = arith.constant 1 : i32
      %dma_wait3A_1112 = arith.constant 0 : i32
      %dma_wait3A_1113 = arith.constant 0 : i32
      %dma_wait3A_1114 = tpu.memref_slice %arg10[%dma_wait3A_1109, %dma_wait3A_1112, %dma_wait3A_1113] : memref<3x80x128xf32, #tpu.memory_space<vmem>> -> memref<1x80x128xf32, #tpu.memory_space<vmem>>
      %dma_wait3A_1115 = tpu.memref_squeeze %dma_wait3A_1114 : memref<1x80x128xf32, #tpu.memory_space<vmem>> -> memref<80x128xf32, #tpu.memory_space<vmem>>
      %dma_wait3A_1116 = arith.constant 0 : i32
      %dma_wait3A_1117 = tpu.memref_slice %arg8[%dma_wait3A_1110, %dma_wait3A_1116] : memref<25x80xi32, #tpu.memory_space<vmem>> -> memref<1x80xi32, #tpu.memory_space<vmem>>
      %dma_wait3A_1118 = tpu.memref_squeeze %dma_wait3A_1117 : memref<1x80xi32, #tpu.memory_space<vmem>> -> memref<80xi32, #tpu.memory_space<vmem>>
      %dma_wait3A_1119 = arith.constant 0 : i32
      %dma_wait3A_1120 = arith.constant 0 : i32
      %dma_wait3A_1121 = tpu.memref_slice %arg13[%dma_wait3A_1119, %dma_wait3A_1120] : memref<10240x128xf32, #tpu.memory_space<vmem_shared>> -> memref<10240x128xf32, #tpu.memory_space<vmem_shared>>
      %dma_wait3A_1122 = tpu.memref_slice %arg12[%dma_wait3A_1111] : memref<3x!tpu.dma_semaphore, #tpu.memory_space<semaphore_mem>> -> memref<1x!tpu.dma_semaphore, #tpu.memory_space<semaphore_mem>>
      %dma_wait3A_1123 = tpu.memref_squeeze %dma_wait3A_1122 : memref<1x!tpu.dma_semaphore, #tpu.memory_space<semaphore_mem>> -> memref<!tpu.dma_semaphore, #tpu.memory_space<semaphore_mem>>
      tpu.wait_indirect_dma semaphore(%dma_wait3A_1123 : memref<!tpu.dma_semaphore, #tpu.memory_space<semaphore_mem>>) src(%dma_wait3A_1115 : memref<80x128xf32, #tpu.memory_space<vmem>>) dst(%dma_wait3A_1121 : memref<10240x128xf32, #tpu.memory_space<vmem_shared>>)
      %dma_wait3A_1124 = arith.constant 2 : i32
      %dma_wait3A_1125 = arith.constant 0 : i32
      %dma_wait3A_1126 = arith.constant 2 : i32
      %dma_wait3A_1127 = arith.constant 0 : i32
      %dma_wait3A_1128 = arith.constant 0 : i32
      %dma_wait3A_1129 = tpu.memref_slice %arg10[%dma_wait3A_1124, %dma_wait3A_1127, %dma_wait3A_1128] : memref<3x80x128xf32, #tpu.memory_space<vmem>> -> memref<1x80x128xf32, #tpu.memory_space<vmem>>
      %dma_wait3A_1130 = tpu.memref_squeeze %dma_wait3A_1129 : memref<1x80x128xf32, #tpu.memory_space<vmem>> -> memref<80x128xf32, #tpu.memory_space<vmem>>
      %dma_wait3A_1131 = arith.constant 0 : i32
      %dma_wait3A_1132 = tpu.memref_slice %arg8[%dma_wait3A_1125, %dma_wait3A_1131] : memref<25x80xi32, #tpu.memory_space<vmem>> -> memref<1x80xi32, #tpu.memory_space<vmem>>
      %dma_wait3A_1133 = tpu.memref_squeeze %dma_wait3A_1132 : memref<1x80xi32, #tpu.memory_space<vmem>> -> memref<80xi32, #tpu.memory_space<vmem>>
      %dma_wait3A_1134 = arith.constant 0 : i32
      %dma_wait3A_1135 = arith.constant 0 : i32
      %dma_wait3A_1136 = tpu.memref_slice %arg13[%dma_wait3A_1134, %dma_wait3A_1135] : memref<10240x128xf32, #tpu.memory_space<vmem_shared>> -> memref<10240x128xf32, #tpu.memory_space<vmem_shared>>
      %dma_wait3A_1137 = tpu.memref_slice %arg12[%dma_wait3A_1126] : memref<3x!tpu.dma_semaphore, #tpu.memory_space<semaphore_mem>> -> memref<1x!tpu.dma_semaphore, #tpu.memory_space<semaphore_mem>>
      %dma_wait3A_1138 = tpu.memref_squeeze %dma_wait3A_1137 : memref<1x!tpu.dma_semaphore, #tpu.memory_space<semaphore_mem>> -> memref<!tpu.dma_semaphore, #tpu.memory_space<semaphore_mem>>
      tpu.wait_indirect_dma semaphore(%dma_wait3A_1138 : memref<!tpu.dma_semaphore, #tpu.memory_space<semaphore_mem>>) src(%dma_wait3A_1130 : memref<80x128xf32, #tpu.memory_space<vmem>>) dst(%dma_wait3A_1136 : memref<10240x128xf32, #tpu.memory_space<vmem_shared>>)
    }
    %scan3A_297 = arith.constant 5 : i32
    %barrier3A_298 = arith.constant 0 : index
    tpu.barrier barrier_id(%barrier3A_298)
    %add3A_299 = arith.constant 0 : i32
    %add3A_300 = arith.addi %mul3A_0, %add3A_299 : i32
    %dma_start3A_301 = arith.constant 0 : i32
    %dma_start3A_302 = arith.constant 0 : i32
    %dma_start3A_303 = arith.constant 0 : i32
    %dma_start3A_304 = arith.constant 0 : i32
    %dma_start3A_305 = tpu.memref_slice %arg10[%dma_start3A_301, %dma_start3A_303, %dma_start3A_304] : memref<3x80x128xf32, #tpu.memory_space<vmem>> -> memref<1x80x128xf32, #tpu.memory_space<vmem>>
    %dma_start3A_306 = tpu.memref_squeeze %dma_start3A_305 : memref<1x80x128xf32, #tpu.memory_space<vmem>> -> memref<80x128xf32, #tpu.memory_space<vmem>>
    %dma_start3A_307 = arith.constant 0 : i32
    %dma_start3A_308 = tpu.memref_slice %arg13[%add3A_300, %dma_start3A_307] : memref<10240x128xf32, #tpu.memory_space<vmem_shared>> -> memref<80x128xf32, #tpu.memory_space<vmem_shared>>
    %dma_start3A_309 = tpu.memref_slice %arg11[%dma_start3A_302] : memref<3x!tpu.dma_semaphore, #tpu.memory_space<semaphore_mem>> -> memref<1x!tpu.dma_semaphore, #tpu.memory_space<semaphore_mem>>
    %dma_start3A_310 = tpu.memref_squeeze %dma_start3A_309 : memref<1x!tpu.dma_semaphore, #tpu.memory_space<semaphore_mem>> -> memref<!tpu.dma_semaphore, #tpu.memory_space<semaphore_mem>>
    %dma_start3A_311 = arith.constant 0 : i32
    %dma_start3A_312 = arith.constant 0 : i32
    %dma_start3A_313 = tpu.memref_slice %arg10[%dma_start3A_301, %dma_start3A_311, %dma_start3A_312] : memref<3x80x128xf32, #tpu.memory_space<vmem>> -> memref<1x80x128xf32, #tpu.memory_space<vmem>>
    %dma_start3A_314 = tpu.memref_squeeze %dma_start3A_313 : memref<1x80x128xf32, #tpu.memory_space<vmem>> -> memref<80x128xf32, #tpu.memory_space<vmem>>
    %dma_start3A_315 = arith.constant 0 : i32
    %dma_start3A_316 = tpu.memref_slice %arg13[%add3A_300, %dma_start3A_315] : memref<10240x128xf32, #tpu.memory_space<vmem_shared>> -> memref<80x128xf32, #tpu.memory_space<vmem_shared>>
    tpu.enqueue_dma source(%dma_start3A_316 : memref<80x128xf32, #tpu.memory_space<vmem_shared>>) target(%dma_start3A_314 : memref<80x128xf32, #tpu.memory_space<vmem>>) target_semaphore(%dma_start3A_310 : memref<!tpu.dma_semaphore, #tpu.memory_space<semaphore_mem>>)
    %add3A_317 = arith.constant 0 : i32
    %add3A_318 = arith.addi %mul3A_0, %add3A_317 : i32
    %dma_wait3A_319 = arith.constant 0 : i32
    %dma_wait3A_320 = arith.constant 0 : i32
    %dma_wait3A_321 = arith.constant 0 : i32
    %dma_wait3A_322 = arith.constant 0 : i32
    %dma_wait3A_323 = tpu.memref_slice %arg10[%dma_wait3A_319, %dma_wait3A_321, %dma_wait3A_322] : memref<3x80x128xf32, #tpu.memory_space<vmem>> -> memref<1x80x128xf32, #tpu.memory_space<vmem>>
    %dma_wait3A_324 = tpu.memref_squeeze %dma_wait3A_323 : memref<1x80x128xf32, #tpu.memory_space<vmem>> -> memref<80x128xf32, #tpu.memory_space<vmem>>
    %dma_wait3A_325 = arith.constant 0 : i32
    %dma_wait3A_326 = tpu.memref_slice %arg13[%add3A_318, %dma_wait3A_325] : memref<10240x128xf32, #tpu.memory_space<vmem_shared>> -> memref<80x128xf32, #tpu.memory_space<vmem_shared>>
    %dma_wait3A_327 = tpu.memref_slice %arg11[%dma_wait3A_320] : memref<3x!tpu.dma_semaphore, #tpu.memory_space<semaphore_mem>> -> memref<1x!tpu.dma_semaphore, #tpu.memory_space<semaphore_mem>>
    %dma_wait3A_328 = tpu.memref_squeeze %dma_wait3A_327 : memref<1x!tpu.dma_semaphore, #tpu.memory_space<semaphore_mem>> -> memref<!tpu.dma_semaphore, #tpu.memory_space<semaphore_mem>>
    %dma_wait3A_329 = arith.constant 0 : i32
    %dma_wait3A_330 = arith.constant 0 : i32
    %dma_wait3A_331 = tpu.memref_slice %arg10[%dma_wait3A_319, %dma_wait3A_329, %dma_wait3A_330] : memref<3x80x128xf32, #tpu.memory_space<vmem>> -> memref<1x80x128xf32, #tpu.memory_space<vmem>>
    %dma_wait3A_332 = tpu.memref_squeeze %dma_wait3A_331 : memref<1x80x128xf32, #tpu.memory_space<vmem>> -> memref<80x128xf32, #tpu.memory_space<vmem>>
    %dma_wait3A_333 = arith.constant 0 : i32
    %dma_wait3A_334 = tpu.memref_slice %arg13[%add3A_318, %dma_wait3A_333] : memref<10240x128xf32, #tpu.memory_space<vmem_shared>> -> memref<80x128xf32, #tpu.memory_space<vmem_shared>>
    tpu.wait_dma2 semaphore(%dma_wait3A_328 : memref<!tpu.dma_semaphore, #tpu.memory_space<semaphore_mem>>) src(%dma_wait3A_334 : memref<80x128xf32, #tpu.memory_space<vmem_shared>>) dst(%dma_wait3A_332 : memref<80x128xf32, #tpu.memory_space<vmem>>)
    %add3A_335 = arith.constant 0 : i32
    %add3A_336 = arith.addi %mul3A_0, %add3A_335 : i32
    %dma_start3A_337 = arith.constant 0 : i32
    %dma_start3A_338 = arith.constant 0 : i32
    %dma_start3A_339 = arith.constant 0 : i32
    %dma_start3A_340 = arith.constant 0 : i32
    %dma_start3A_341 = tpu.memref_slice %arg10[%dma_start3A_337, %dma_start3A_339, %dma_start3A_340] : memref<3x80x128xf32, #tpu.memory_space<vmem>> -> memref<1x80x128xf32, #tpu.memory_space<vmem>>
    %dma_start3A_342 = tpu.memref_squeeze %dma_start3A_341 : memref<1x80x128xf32, #tpu.memory_space<vmem>> -> memref<80x128xf32, #tpu.memory_space<vmem>>
    %dma_start3A_343 = arith.constant 0 : i32
    %dma_start3A_344 = tpu.memref_slice %arg6[%arg0, %add3A_336, %dma_start3A_343] : memref<2x10240x128xf32, #tpu.memory_space<hbm>> -> memref<1x80x128xf32, #tpu.memory_space<hbm>>
    %dma_start3A_345 = tpu.memref_squeeze %dma_start3A_344 : memref<1x80x128xf32, #tpu.memory_space<hbm>> -> memref<80x128xf32, #tpu.memory_space<hbm>>
    %dma_start3A_346 = tpu.memref_slice %arg12[%dma_start3A_338] : memref<3x!tpu.dma_semaphore, #tpu.memory_space<semaphore_mem>> -> memref<1x!tpu.dma_semaphore, #tpu.memory_space<semaphore_mem>>
    %dma_start3A_347 = tpu.memref_squeeze %dma_start3A_346 : memref<1x!tpu.dma_semaphore, #tpu.memory_space<semaphore_mem>> -> memref<!tpu.dma_semaphore, #tpu.memory_space<semaphore_mem>>
    %dma_start3A_348 = arith.constant 0 : i32
    %dma_start3A_349 = tpu.memref_slice %arg6[%arg0, %add3A_336, %dma_start3A_348] : memref<2x10240x128xf32, #tpu.memory_space<hbm>> -> memref<1x80x128xf32, #tpu.memory_space<hbm>>
    %dma_start3A_350 = tpu.memref_squeeze %dma_start3A_349 : memref<1x80x128xf32, #tpu.memory_space<hbm>> -> memref<80x128xf32, #tpu.memory_space<hbm>>
    %dma_start3A_351 = arith.constant 0 : i32
    %dma_start3A_352 = arith.constant 0 : i32
    %dma_start3A_353 = tpu.memref_slice %arg10[%dma_start3A_337, %dma_start3A_351, %dma_start3A_352] : memref<3x80x128xf32, #tpu.memory_space<vmem>> -> memref<1x80x128xf32, #tpu.memory_space<vmem>>
    %dma_start3A_354 = tpu.memref_squeeze %dma_start3A_353 : memref<1x80x128xf32, #tpu.memory_space<vmem>> -> memref<80x128xf32, #tpu.memory_space<vmem>>
    tpu.enqueue_dma source(%dma_start3A_354 : memref<80x128xf32, #tpu.memory_space<vmem>>) target(%dma_start3A_350 : memref<80x128xf32, #tpu.memory_space<hbm>>) target_semaphore(%dma_start3A_347 : memref<!tpu.dma_semaphore, #tpu.memory_space<semaphore_mem>>)
    %add3A_355 = arith.constant 80 : i32
    %add3A_356 = arith.addi %mul3A_0, %add3A_355 : i32
    %dma_start3A_357 = arith.constant 1 : i32
    %dma_start3A_358 = arith.constant 1 : i32
    %dma_start3A_359 = arith.constant 0 : i32
    %dma_start3A_360 = arith.constant 0 : i32
    %dma_start3A_361 = tpu.memref_slice %arg10[%dma_start3A_357, %dma_start3A_359, %dma_start3A_360] : memref<3x80x128xf32, #tpu.memory_space<vmem>> -> memref<1x80x128xf32, #tpu.memory_space<vmem>>
    %dma_start3A_362 = tpu.memref_squeeze %dma_start3A_361 : memref<1x80x128xf32, #tpu.memory_space<vmem>> -> memref<80x128xf32, #tpu.memory_space<vmem>>
    %dma_start3A_363 = arith.constant 0 : i32
    %dma_start3A_364 = tpu.memref_slice %arg13[%add3A_356, %dma_start3A_363] : memref<10240x128xf32, #tpu.memory_space<vmem_shared>> -> memref<80x128xf32, #tpu.memory_space<vmem_shared>>
    %dma_start3A_365 = tpu.memref_slice %arg11[%dma_start3A_358] : memref<3x!tpu.dma_semaphore, #tpu.memory_space<semaphore_mem>> -> memref<1x!tpu.dma_semaphore, #tpu.memory_space<semaphore_mem>>
    %dma_start3A_366 = tpu.memref_squeeze %dma_start3A_365 : memref<1x!tpu.dma_semaphore, #tpu.memory_space<semaphore_mem>> -> memref<!tpu.dma_semaphore, #tpu.memory_space<semaphore_mem>>
    %dma_start3A_367 = arith.constant 0 : i32
    %dma_start3A_368 = arith.constant 0 : i32
    %dma_start3A_369 = tpu.memref_slice %arg10[%dma_start3A_357, %dma_start3A_367, %dma_start3A_368] : memref<3x80x128xf32, #tpu.memory_space<vmem>> -> memref<1x80x128xf32, #tpu.memory_space<vmem>>
    %dma_start3A_370 = tpu.memref_squeeze %dma_start3A_369 : memref<1x80x128xf32, #tpu.memory_space<vmem>> -> memref<80x128xf32, #tpu.memory_space<vmem>>
    %dma_start3A_371 = arith.constant 0 : i32
    %dma_start3A_372 = tpu.memref_slice %arg13[%add3A_356, %dma_start3A_371] : memref<10240x128xf32, #tpu.memory_space<vmem_shared>> -> memref<80x128xf32, #tpu.memory_space<vmem_shared>>
    tpu.enqueue_dma source(%dma_start3A_372 : memref<80x128xf32, #tpu.memory_space<vmem_shared>>) target(%dma_start3A_370 : memref<80x128xf32, #tpu.memory_space<vmem>>) target_semaphore(%dma_start3A_366 : memref<!tpu.dma_semaphore, #tpu.memory_space<semaphore_mem>>)
    %add3A_373 = arith.constant 80 : i32
    %add3A_374 = arith.addi %mul3A_0, %add3A_373 : i32
    %dma_wait3A_375 = arith.constant 1 : i32
    %dma_wait3A_376 = arith.constant 1 : i32
    %dma_wait3A_377 = arith.constant 0 : i32
    %dma_wait3A_378 = arith.constant 0 : i32
    %dma_wait3A_379 = tpu.memref_slice %arg10[%dma_wait3A_375, %dma_wait3A_377, %dma_wait3A_378] : memref<3x80x128xf32, #tpu.memory_space<vmem>> -> memref<1x80x128xf32, #tpu.memory_space<vmem>>
    %dma_wait3A_380 = tpu.memref_squeeze %dma_wait3A_379 : memref<1x80x128xf32, #tpu.memory_space<vmem>> -> memref<80x128xf32, #tpu.memory_space<vmem>>
    %dma_wait3A_381 = arith.constant 0 : i32
    %dma_wait3A_382 = tpu.memref_slice %arg13[%add3A_374, %dma_wait3A_381] : memref<10240x128xf32, #tpu.memory_space<vmem_shared>> -> memref<80x128xf32, #tpu.memory_space<vmem_shared>>
    %dma_wait3A_383 = tpu.memref_slice %arg11[%dma_wait3A_376] : memref<3x!tpu.dma_semaphore, #tpu.memory_space<semaphore_mem>> -> memref<1x!tpu.dma_semaphore, #tpu.memory_space<semaphore_mem>>
    %dma_wait3A_384 = tpu.memref_squeeze %dma_wait3A_383 : memref<1x!tpu.dma_semaphore, #tpu.memory_space<semaphore_mem>> -> memref<!tpu.dma_semaphore, #tpu.memory_space<semaphore_mem>>
    %dma_wait3A_385 = arith.constant 0 : i32
    %dma_wait3A_386 = arith.constant 0 : i32
    %dma_wait3A_387 = tpu.memref_slice %arg10[%dma_wait3A_375, %dma_wait3A_385, %dma_wait3A_386] : memref<3x80x128xf32, #tpu.memory_space<vmem>> -> memref<1x80x128xf32, #tpu.memory_space<vmem>>
    %dma_wait3A_388 = tpu.memref_squeeze %dma_wait3A_387 : memref<1x80x128xf32, #tpu.memory_space<vmem>> -> memref<80x128xf32, #tpu.memory_space<vmem>>
    %dma_wait3A_389 = arith.constant 0 : i32
    %dma_wait3A_390 = tpu.memref_slice %arg13[%add3A_374, %dma_wait3A_389] : memref<10240x128xf32, #tpu.memory_space<vmem_shared>> -> memref<80x128xf32, #tpu.memory_space<vmem_shared>>
    tpu.wait_dma2 semaphore(%dma_wait3A_384 : memref<!tpu.dma_semaphore, #tpu.memory_space<semaphore_mem>>) src(%dma_wait3A_390 : memref<80x128xf32, #tpu.memory_space<vmem_shared>>) dst(%dma_wait3A_388 : memref<80x128xf32, #tpu.memory_space<vmem>>)
    %add3A_391 = arith.constant 80 : i32
    %add3A_392 = arith.addi %mul3A_0, %add3A_391 : i32
    %dma_start3A_393 = arith.constant 1 : i32
    %dma_start3A_394 = arith.constant 1 : i32
    %dma_start3A_395 = arith.constant 0 : i32
    %dma_start3A_396 = arith.constant 0 : i32
    %dma_start3A_397 = tpu.memref_slice %arg10[%dma_start3A_393, %dma_start3A_395, %dma_start3A_396] : memref<3x80x128xf32, #tpu.memory_space<vmem>> -> memref<1x80x128xf32, #tpu.memory_space<vmem>>
    %dma_start3A_398 = tpu.memref_squeeze %dma_start3A_397 : memref<1x80x128xf32, #tpu.memory_space<vmem>> -> memref<80x128xf32, #tpu.memory_space<vmem>>
    %dma_start3A_399 = arith.constant 0 : i32
    %dma_start3A_400 = tpu.memref_slice %arg6[%arg0, %add3A_392, %dma_start3A_399] : memref<2x10240x128xf32, #tpu.memory_space<hbm>> -> memref<1x80x128xf32, #tpu.memory_space<hbm>>
    %dma_start3A_401 = tpu.memref_squeeze %dma_start3A_400 : memref<1x80x128xf32, #tpu.memory_space<hbm>> -> memref<80x128xf32, #tpu.memory_space<hbm>>
    %dma_start3A_402 = tpu.memref_slice %arg12[%dma_start3A_394] : memref<3x!tpu.dma_semaphore, #tpu.memory_space<semaphore_mem>> -> memref<1x!tpu.dma_semaphore, #tpu.memory_space<semaphore_mem>>
    %dma_start3A_403 = tpu.memref_squeeze %dma_start3A_402 : memref<1x!tpu.dma_semaphore, #tpu.memory_space<semaphore_mem>> -> memref<!tpu.dma_semaphore, #tpu.memory_space<semaphore_mem>>
    %dma_start3A_404 = arith.constant 0 : i32
    %dma_start3A_405 = tpu.memref_slice %arg6[%arg0, %add3A_392, %dma_start3A_404] : memref<2x10240x128xf32, #tpu.memory_space<hbm>> -> memref<1x80x128xf32, #tpu.memory_space<hbm>>
    %dma_start3A_406 = tpu.memref_squeeze %dma_start3A_405 : memref<1x80x128xf32, #tpu.memory_space<hbm>> -> memref<80x128xf32, #tpu.memory_space<hbm>>
    %dma_start3A_407 = arith.constant 0 : i32
    %dma_start3A_408 = arith.constant 0 : i32
    %dma_start3A_409 = tpu.memref_slice %arg10[%dma_start3A_393, %dma_start3A_407, %dma_start3A_408] : memref<3x80x128xf32, #tpu.memory_space<vmem>> -> memref<1x80x128xf32, #tpu.memory_space<vmem>>
    %dma_start3A_410 = tpu.memref_squeeze %dma_start3A_409 : memref<1x80x128xf32, #tpu.memory_space<vmem>> -> memref<80x128xf32, #tpu.memory_space<vmem>>
    tpu.enqueue_dma source(%dma_start3A_410 : memref<80x128xf32, #tpu.memory_space<vmem>>) target(%dma_start3A_406 : memref<80x128xf32, #tpu.memory_space<hbm>>) target_semaphore(%dma_start3A_403 : memref<!tpu.dma_semaphore, #tpu.memory_space<semaphore_mem>>)
    %add3A_411 = arith.constant 160 : i32
    %add3A_412 = arith.addi %mul3A_0, %add3A_411 : i32
    %dma_start3A_413 = arith.constant 2 : i32
    %dma_start3A_414 = arith.constant 2 : i32
    %dma_start3A_415 = arith.constant 0 : i32
    %dma_start3A_416 = arith.constant 0 : i32
    %dma_start3A_417 = tpu.memref_slice %arg10[%dma_start3A_413, %dma_start3A_415, %dma_start3A_416] : memref<3x80x128xf32, #tpu.memory_space<vmem>> -> memref<1x80x128xf32, #tpu.memory_space<vmem>>
    %dma_start3A_418 = tpu.memref_squeeze %dma_start3A_417 : memref<1x80x128xf32, #tpu.memory_space<vmem>> -> memref<80x128xf32, #tpu.memory_space<vmem>>
    %dma_start3A_419 = arith.constant 0 : i32
    %dma_start3A_420 = tpu.memref_slice %arg13[%add3A_412, %dma_start3A_419] : memref<10240x128xf32, #tpu.memory_space<vmem_shared>> -> memref<80x128xf32, #tpu.memory_space<vmem_shared>>
    %dma_start3A_421 = tpu.memref_slice %arg11[%dma_start3A_414] : memref<3x!tpu.dma_semaphore, #tpu.memory_space<semaphore_mem>> -> memref<1x!tpu.dma_semaphore, #tpu.memory_space<semaphore_mem>>
    %dma_start3A_422 = tpu.memref_squeeze %dma_start3A_421 : memref<1x!tpu.dma_semaphore, #tpu.memory_space<semaphore_mem>> -> memref<!tpu.dma_semaphore, #tpu.memory_space<semaphore_mem>>
    %dma_start3A_423 = arith.constant 0 : i32
    %dma_start3A_424 = arith.constant 0 : i32
    %dma_start3A_425 = tpu.memref_slice %arg10[%dma_start3A_413, %dma_start3A_423, %dma_start3A_424] : memref<3x80x128xf32, #tpu.memory_space<vmem>> -> memref<1x80x128xf32, #tpu.memory_space<vmem>>
    %dma_start3A_426 = tpu.memref_squeeze %dma_start3A_425 : memref<1x80x128xf32, #tpu.memory_space<vmem>> -> memref<80x128xf32, #tpu.memory_space<vmem>>
    %dma_start3A_427 = arith.constant 0 : i32
    %dma_start3A_428 = tpu.memref_slice %arg13[%add3A_412, %dma_start3A_427] : memref<10240x128xf32, #tpu.memory_space<vmem_shared>> -> memref<80x128xf32, #tpu.memory_space<vmem_shared>>
    tpu.enqueue_dma source(%dma_start3A_428 : memref<80x128xf32, #tpu.memory_space<vmem_shared>>) target(%dma_start3A_426 : memref<80x128xf32, #tpu.memory_space<vmem>>) target_semaphore(%dma_start3A_422 : memref<!tpu.dma_semaphore, #tpu.memory_space<semaphore_mem>>)
    %add3A_429 = arith.constant 160 : i32
    %add3A_430 = arith.addi %mul3A_0, %add3A_429 : i32
    %dma_wait3A_431 = arith.constant 2 : i32
    %dma_wait3A_432 = arith.constant 2 : i32
    %dma_wait3A_433 = arith.constant 0 : i32
    %dma_wait3A_434 = arith.constant 0 : i32
    %dma_wait3A_435 = tpu.memref_slice %arg10[%dma_wait3A_431, %dma_wait3A_433, %dma_wait3A_434] : memref<3x80x128xf32, #tpu.memory_space<vmem>> -> memref<1x80x128xf32, #tpu.memory_space<vmem>>
    %dma_wait3A_436 = tpu.memref_squeeze %dma_wait3A_435 : memref<1x80x128xf32, #tpu.memory_space<vmem>> -> memref<80x128xf32, #tpu.memory_space<vmem>>
    %dma_wait3A_437 = arith.constant 0 : i32
    %dma_wait3A_438 = tpu.memref_slice %arg13[%add3A_430, %dma_wait3A_437] : memref<10240x128xf32, #tpu.memory_space<vmem_shared>> -> memref<80x128xf32, #tpu.memory_space<vmem_shared>>
    %dma_wait3A_439 = tpu.memref_slice %arg11[%dma_wait3A_432] : memref<3x!tpu.dma_semaphore, #tpu.memory_space<semaphore_mem>> -> memref<1x!tpu.dma_semaphore, #tpu.memory_space<semaphore_mem>>
    %dma_wait3A_440 = tpu.memref_squeeze %dma_wait3A_439 : memref<1x!tpu.dma_semaphore, #tpu.memory_space<semaphore_mem>> -> memref<!tpu.dma_semaphore, #tpu.memory_space<semaphore_mem>>
    %dma_wait3A_441 = arith.constant 0 : i32
    %dma_wait3A_442 = arith.constant 0 : i32
    %dma_wait3A_443 = tpu.memref_slice %arg10[%dma_wait3A_431, %dma_wait3A_441, %dma_wait3A_442] : memref<3x80x128xf32, #tpu.memory_space<vmem>> -> memref<1x80x128xf32, #tpu.memory_space<vmem>>
    %dma_wait3A_444 = tpu.memref_squeeze %dma_wait3A_443 : memref<1x80x128xf32, #tpu.memory_space<vmem>> -> memref<80x128xf32, #tpu.memory_space<vmem>>
    %dma_wait3A_445 = arith.constant 0 : i32
    %dma_wait3A_446 = tpu.memref_slice %arg13[%add3A_430, %dma_wait3A_445] : memref<10240x128xf32, #tpu.memory_space<vmem_shared>> -> memref<80x128xf32, #tpu.memory_space<vmem_shared>>
    tpu.wait_dma2 semaphore(%dma_wait3A_440 : memref<!tpu.dma_semaphore, #tpu.memory_space<semaphore_mem>>) src(%dma_wait3A_446 : memref<80x128xf32, #tpu.memory_space<vmem_shared>>) dst(%dma_wait3A_444 : memref<80x128xf32, #tpu.memory_space<vmem>>)
    %add3A_447 = arith.constant 160 : i32
    %add3A_448 = arith.addi %mul3A_0, %add3A_447 : i32
    %dma_start3A_449 = arith.constant 2 : i32
    %dma_start3A_450 = arith.constant 2 : i32
    %dma_start3A_451 = arith.constant 0 : i32
    %dma_start3A_452 = arith.constant 0 : i32
    %dma_start3A_453 = tpu.memref_slice %arg10[%dma_start3A_449, %dma_start3A_451, %dma_start3A_452] : memref<3x80x128xf32, #tpu.memory_space<vmem>> -> memref<1x80x128xf32, #tpu.memory_space<vmem>>
    %dma_start3A_454 = tpu.memref_squeeze %dma_start3A_453 : memref<1x80x128xf32, #tpu.memory_space<vmem>> -> memref<80x128xf32, #tpu.memory_space<vmem>>
    %dma_start3A_455 = arith.constant 0 : i32
    %dma_start3A_456 = tpu.memref_slice %arg6[%arg0, %add3A_448, %dma_start3A_455] : memref<2x10240x128xf32, #tpu.memory_space<hbm>> -> memref<1x80x128xf32, #tpu.memory_space<hbm>>
    %dma_start3A_457 = tpu.memref_squeeze %dma_start3A_456 : memref<1x80x128xf32, #tpu.memory_space<hbm>> -> memref<80x128xf32, #tpu.memory_space<hbm>>
    %dma_start3A_458 = tpu.memref_slice %arg12[%dma_start3A_450] : memref<3x!tpu.dma_semaphore, #tpu.memory_space<semaphore_mem>> -> memref<1x!tpu.dma_semaphore, #tpu.memory_space<semaphore_mem>>
    %dma_start3A_459 = tpu.memref_squeeze %dma_start3A_458 : memref<1x!tpu.dma_semaphore, #tpu.memory_space<semaphore_mem>> -> memref<!tpu.dma_semaphore, #tpu.memory_space<semaphore_mem>>
    %dma_start3A_460 = arith.constant 0 : i32
    %dma_start3A_461 = tpu.memref_slice %arg6[%arg0, %add3A_448, %dma_start3A_460] : memref<2x10240x128xf32, #tpu.memory_space<hbm>> -> memref<1x80x128xf32, #tpu.memory_space<hbm>>
    %dma_start3A_462 = tpu.memref_squeeze %dma_start3A_461 : memref<1x80x128xf32, #tpu.memory_space<hbm>> -> memref<80x128xf32, #tpu.memory_space<hbm>>
    %dma_start3A_463 = arith.constant 0 : i32
    %dma_start3A_464 = arith.constant 0 : i32
    %dma_start3A_465 = tpu.memref_slice %arg10[%dma_start3A_449, %dma_start3A_463, %dma_start3A_464] : memref<3x80x128xf32, #tpu.memory_space<vmem>> -> memref<1x80x128xf32, #tpu.memory_space<vmem>>
    %dma_start3A_466 = tpu.memref_squeeze %dma_start3A_465 : memref<1x80x128xf32, #tpu.memory_space<vmem>> -> memref<80x128xf32, #tpu.memory_space<vmem>>
    tpu.enqueue_dma source(%dma_start3A_466 : memref<80x128xf32, #tpu.memory_space<vmem>>) target(%dma_start3A_462 : memref<80x128xf32, #tpu.memory_space<hbm>>) target_semaphore(%dma_start3A_459 : memref<!tpu.dma_semaphore, #tpu.memory_space<semaphore_mem>>)
    %add3A_467 = arith.constant 0 : i32
    %add3A_468 = arith.addi %mul3A_0, %add3A_467 : i32
    %dma_wait3A_469 = arith.constant 0 : i32
    %dma_wait3A_470 = arith.constant 0 : i32
    %dma_wait3A_471 = arith.constant 0 : i32
    %dma_wait3A_472 = arith.constant 0 : i32
    %dma_wait3A_473 = tpu.memref_slice %arg10[%dma_wait3A_469, %dma_wait3A_471, %dma_wait3A_472] : memref<3x80x128xf32, #tpu.memory_space<vmem>> -> memref<1x80x128xf32, #tpu.memory_space<vmem>>
    %dma_wait3A_474 = tpu.memref_squeeze %dma_wait3A_473 : memref<1x80x128xf32, #tpu.memory_space<vmem>> -> memref<80x128xf32, #tpu.memory_space<vmem>>
    %dma_wait3A_475 = arith.constant 0 : i32
    %dma_wait3A_476 = tpu.memref_slice %arg6[%arg0, %add3A_468, %dma_wait3A_475] : memref<2x10240x128xf32, #tpu.memory_space<hbm>> -> memref<1x80x128xf32, #tpu.memory_space<hbm>>
    %dma_wait3A_477 = tpu.memref_squeeze %dma_wait3A_476 : memref<1x80x128xf32, #tpu.memory_space<hbm>> -> memref<80x128xf32, #tpu.memory_space<hbm>>
    %dma_wait3A_478 = tpu.memref_slice %arg12[%dma_wait3A_470] : memref<3x!tpu.dma_semaphore, #tpu.memory_space<semaphore_mem>> -> memref<1x!tpu.dma_semaphore, #tpu.memory_space<semaphore_mem>>
    %dma_wait3A_479 = tpu.memref_squeeze %dma_wait3A_478 : memref<1x!tpu.dma_semaphore, #tpu.memory_space<semaphore_mem>> -> memref<!tpu.dma_semaphore, #tpu.memory_space<semaphore_mem>>
    %dma_wait3A_480 = arith.constant 0 : i32
    %dma_wait3A_481 = tpu.memref_slice %arg6[%arg0, %add3A_468, %dma_wait3A_480] : memref<2x10240x128xf32, #tpu.memory_space<hbm>> -> memref<1x80x128xf32, #tpu.memory_space<hbm>>
    %dma_wait3A_482 = tpu.memref_squeeze %dma_wait3A_481 : memref<1x80x128xf32, #tpu.memory_space<hbm>> -> memref<80x128xf32, #tpu.memory_space<hbm>>
    %dma_wait3A_483 = arith.constant 0 : i32
    %dma_wait3A_484 = arith.constant 0 : i32
    %dma_wait3A_485 = tpu.memref_slice %arg10[%dma_wait3A_469, %dma_wait3A_483, %dma_wait3A_484] : memref<3x80x128xf32, #tpu.memory_space<vmem>> -> memref<1x80x128xf32, #tpu.memory_space<vmem>>
    %dma_wait3A_486 = tpu.memref_squeeze %dma_wait3A_485 : memref<1x80x128xf32, #tpu.memory_space<vmem>> -> memref<80x128xf32, #tpu.memory_space<vmem>>
    tpu.wait_dma2 semaphore(%dma_wait3A_479 : memref<!tpu.dma_semaphore, #tpu.memory_space<semaphore_mem>>) src(%dma_wait3A_486 : memref<80x128xf32, #tpu.memory_space<vmem>>) dst(%dma_wait3A_482 : memref<80x128xf32, #tpu.memory_space<hbm>>)
    %add3A_487 = arith.constant 240 : i32
    %add3A_488 = arith.addi %mul3A_0, %add3A_487 : i32
    %dma_start3A_489 = arith.constant 0 : i32
    %dma_start3A_490 = arith.constant 0 : i32
    %dma_start3A_491 = arith.constant 0 : i32
    %dma_start3A_492 = arith.constant 0 : i32
    %dma_start3A_493 = tpu.memref_slice %arg10[%dma_start3A_489, %dma_start3A_491, %dma_start3A_492] : memref<3x80x128xf32, #tpu.memory_space<vmem>> -> memref<1x80x128xf32, #tpu.memory_space<vmem>>
    %dma_start3A_494 = tpu.memref_squeeze %dma_start3A_493 : memref<1x80x128xf32, #tpu.memory_space<vmem>> -> memref<80x128xf32, #tpu.memory_space<vmem>>
    %dma_start3A_495 = arith.constant 0 : i32
    %dma_start3A_496 = tpu.memref_slice %arg13[%add3A_488, %dma_start3A_495] : memref<10240x128xf32, #tpu.memory_space<vmem_shared>> -> memref<80x128xf32, #tpu.memory_space<vmem_shared>>
    %dma_start3A_497 = tpu.memref_slice %arg11[%dma_start3A_490] : memref<3x!tpu.dma_semaphore, #tpu.memory_space<semaphore_mem>> -> memref<1x!tpu.dma_semaphore, #tpu.memory_space<semaphore_mem>>
    %dma_start3A_498 = tpu.memref_squeeze %dma_start3A_497 : memref<1x!tpu.dma_semaphore, #tpu.memory_space<semaphore_mem>> -> memref<!tpu.dma_semaphore, #tpu.memory_space<semaphore_mem>>
    %dma_start3A_499 = arith.constant 0 : i32
    %dma_start3A_500 = arith.constant 0 : i32
    %dma_start3A_501 = tpu.memref_slice %arg10[%dma_start3A_489, %dma_start3A_499, %dma_start3A_500] : memref<3x80x128xf32, #tpu.memory_space<vmem>> -> memref<1x80x128xf32, #tpu.memory_space<vmem>>
    %dma_start3A_502 = tpu.memref_squeeze %dma_start3A_501 : memref<1x80x128xf32, #tpu.memory_space<vmem>> -> memref<80x128xf32, #tpu.memory_space<vmem>>
    %dma_start3A_503 = arith.constant 0 : i32
    %dma_start3A_504 = tpu.memref_slice %arg13[%add3A_488, %dma_start3A_503] : memref<10240x128xf32, #tpu.memory_space<vmem_shared>> -> memref<80x128xf32, #tpu.memory_space<vmem_shared>>
    tpu.enqueue_dma source(%dma_start3A_504 : memref<80x128xf32, #tpu.memory_space<vmem_shared>>) target(%dma_start3A_502 : memref<80x128xf32, #tpu.memory_space<vmem>>) target_semaphore(%dma_start3A_498 : memref<!tpu.dma_semaphore, #tpu.memory_space<semaphore_mem>>)
    %add3A_505 = arith.constant 240 : i32
    %add3A_506 = arith.addi %mul3A_0, %add3A_505 : i32
    %dma_wait3A_507 = arith.constant 0 : i32
    %dma_wait3A_508 = arith.constant 0 : i32
    %dma_wait3A_509 = arith.constant 0 : i32
    %dma_wait3A_510 = arith.constant 0 : i32
    %dma_wait3A_511 = tpu.memref_slice %arg10[%dma_wait3A_507, %dma_wait3A_509, %dma_wait3A_510] : memref<3x80x128xf32, #tpu.memory_space<vmem>> -> memref<1x80x128xf32, #tpu.memory_space<vmem>>
    %dma_wait3A_512 = tpu.memref_squeeze %dma_wait3A_511 : memref<1x80x128xf32, #tpu.memory_space<vmem>> -> memref<80x128xf32, #tpu.memory_space<vmem>>
    %dma_wait3A_513 = arith.constant 0 : i32
    %dma_wait3A_514 = tpu.memref_slice %arg13[%add3A_506, %dma_wait3A_513] : memref<10240x128xf32, #tpu.memory_space<vmem_shared>> -> memref<80x128xf32, #tpu.memory_space<vmem_shared>>
    %dma_wait3A_515 = tpu.memref_slice %arg11[%dma_wait3A_508] : memref<3x!tpu.dma_semaphore, #tpu.memory_space<semaphore_mem>> -> memref<1x!tpu.dma_semaphore, #tpu.memory_space<semaphore_mem>>
    %dma_wait3A_516 = tpu.memref_squeeze %dma_wait3A_515 : memref<1x!tpu.dma_semaphore, #tpu.memory_space<semaphore_mem>> -> memref<!tpu.dma_semaphore, #tpu.memory_space<semaphore_mem>>
    %dma_wait3A_517 = arith.constant 0 : i32
    %dma_wait3A_518 = arith.constant 0 : i32
    %dma_wait3A_519 = tpu.memref_slice %arg10[%dma_wait3A_507, %dma_wait3A_517, %dma_wait3A_518] : memref<3x80x128xf32, #tpu.memory_space<vmem>> -> memref<1x80x128xf32, #tpu.memory_space<vmem>>
    %dma_wait3A_520 = tpu.memref_squeeze %dma_wait3A_519 : memref<1x80x128xf32, #tpu.memory_space<vmem>> -> memref<80x128xf32, #tpu.memory_space<vmem>>
    %dma_wait3A_521 = arith.constant 0 : i32
    %dma_wait3A_522 = tpu.memref_slice %arg13[%add3A_506, %dma_wait3A_521] : memref<10240x128xf32, #tpu.memory_space<vmem_shared>> -> memref<80x128xf32, #tpu.memory_space<vmem_shared>>
    tpu.wait_dma2 semaphore(%dma_wait3A_516 : memref<!tpu.dma_semaphore, #tpu.memory_space<semaphore_mem>>) src(%dma_wait3A_522 : memref<80x128xf32, #tpu.memory_space<vmem_shared>>) dst(%dma_wait3A_520 : memref<80x128xf32, #tpu.memory_space<vmem>>)
    %add3A_523 = arith.constant 240 : i32
    %add3A_524 = arith.addi %mul3A_0, %add3A_523 : i32
    %dma_start3A_525 = arith.constant 0 : i32
    %dma_start3A_526 = arith.constant 0 : i32
    %dma_start3A_527 = arith.constant 0 : i32
    %dma_start3A_528 = arith.constant 0 : i32
    %dma_start3A_529 = tpu.memref_slice %arg10[%dma_start3A_525, %dma_start3A_527, %dma_start3A_528] : memref<3x80x128xf32, #tpu.memory_space<vmem>> -> memref<1x80x128xf32, #tpu.memory_space<vmem>>
    %dma_start3A_530 = tpu.memref_squeeze %dma_start3A_529 : memref<1x80x128xf32, #tpu.memory_space<vmem>> -> memref<80x128xf32, #tpu.memory_space<vmem>>
    %dma_start3A_531 = arith.constant 0 : i32
    %dma_start3A_532 = tpu.memref_slice %arg6[%arg0, %add3A_524, %dma_start3A_531] : memref<2x10240x128xf32, #tpu.memory_space<hbm>> -> memref<1x80x128xf32, #tpu.memory_space<hbm>>
    %dma_start3A_533 = tpu.memref_squeeze %dma_start3A_532 : memref<1x80x128xf32, #tpu.memory_space<hbm>> -> memref<80x128xf32, #tpu.memory_space<hbm>>
    %dma_start3A_534 = tpu.memref_slice %arg12[%dma_start3A_526] : memref<3x!tpu.dma_semaphore, #tpu.memory_space<semaphore_mem>> -> memref<1x!tpu.dma_semaphore, #tpu.memory_space<semaphore_mem>>
    %dma_start3A_535 = tpu.memref_squeeze %dma_start3A_534 : memref<1x!tpu.dma_semaphore, #tpu.memory_space<semaphore_mem>> -> memref<!tpu.dma_semaphore, #tpu.memory_space<semaphore_mem>>
    %dma_start3A_536 = arith.constant 0 : i32
    %dma_start3A_537 = tpu.memref_slice %arg6[%arg0, %add3A_524, %dma_start3A_536] : memref<2x10240x128xf32, #tpu.memory_space<hbm>> -> memref<1x80x128xf32, #tpu.memory_space<hbm>>
    %dma_start3A_538 = tpu.memref_squeeze %dma_start3A_537 : memref<1x80x128xf32, #tpu.memory_space<hbm>> -> memref<80x128xf32, #tpu.memory_space<hbm>>
    %dma_start3A_539 = arith.constant 0 : i32
    %dma_start3A_540 = arith.constant 0 : i32
    %dma_start3A_541 = tpu.memref_slice %arg10[%dma_start3A_525, %dma_start3A_539, %dma_start3A_540] : memref<3x80x128xf32, #tpu.memory_space<vmem>> -> memref<1x80x128xf32, #tpu.memory_space<vmem>>
    %dma_start3A_542 = tpu.memref_squeeze %dma_start3A_541 : memref<1x80x128xf32, #tpu.memory_space<vmem>> -> memref<80x128xf32, #tpu.memory_space<vmem>>
    tpu.enqueue_dma source(%dma_start3A_542 : memref<80x128xf32, #tpu.memory_space<vmem>>) target(%dma_start3A_538 : memref<80x128xf32, #tpu.memory_space<hbm>>) target_semaphore(%dma_start3A_535 : memref<!tpu.dma_semaphore, #tpu.memory_space<semaphore_mem>>)
    %add3A_543 = arith.constant 80 : i32
    %add3A_544 = arith.addi %mul3A_0, %add3A_543 : i32
    %dma_wait3A_545 = arith.constant 1 : i32
    %dma_wait3A_546 = arith.constant 1 : i32
    %dma_wait3A_547 = arith.constant 0 : i32
    %dma_wait3A_548 = arith.constant 0 : i32
    %dma_wait3A_549 = tpu.memref_slice %arg10[%dma_wait3A_545, %dma_wait3A_547, %dma_wait3A_548] : memref<3x80x128xf32, #tpu.memory_space<vmem>> -> memref<1x80x128xf32, #tpu.memory_space<vmem>>
    %dma_wait3A_550 = tpu.memref_squeeze %dma_wait3A_549 : memref<1x80x128xf32, #tpu.memory_space<vmem>> -> memref<80x128xf32, #tpu.memory_space<vmem>>
    %dma_wait3A_551 = arith.constant 0 : i32
    %dma_wait3A_552 = tpu.memref_slice %arg6[%arg0, %add3A_544, %dma_wait3A_551] : memref<2x10240x128xf32, #tpu.memory_space<hbm>> -> memref<1x80x128xf32, #tpu.memory_space<hbm>>
    %dma_wait3A_553 = tpu.memref_squeeze %dma_wait3A_552 : memref<1x80x128xf32, #tpu.memory_space<hbm>> -> memref<80x128xf32, #tpu.memory_space<hbm>>
    %dma_wait3A_554 = tpu.memref_slice %arg12[%dma_wait3A_546] : memref<3x!tpu.dma_semaphore, #tpu.memory_space<semaphore_mem>> -> memref<1x!tpu.dma_semaphore, #tpu.memory_space<semaphore_mem>>
    %dma_wait3A_555 = tpu.memref_squeeze %dma_wait3A_554 : memref<1x!tpu.dma_semaphore, #tpu.memory_space<semaphore_mem>> -> memref<!tpu.dma_semaphore, #tpu.memory_space<semaphore_mem>>
    %dma_wait3A_556 = arith.constant 0 : i32
    %dma_wait3A_557 = tpu.memref_slice %arg6[%arg0, %add3A_544, %dma_wait3A_556] : memref<2x10240x128xf32, #tpu.memory_space<hbm>> -> memref<1x80x128xf32, #tpu.memory_space<hbm>>
    %dma_wait3A_558 = tpu.memref_squeeze %dma_wait3A_557 : memref<1x80x128xf32, #tpu.memory_space<hbm>> -> memref<80x128xf32, #tpu.memory_space<hbm>>
    %dma_wait3A_559 = arith.constant 0 : i32
    %dma_wait3A_560 = arith.constant 0 : i32
    %dma_wait3A_561 = tpu.memref_slice %arg10[%dma_wait3A_545, %dma_wait3A_559, %dma_wait3A_560] : memref<3x80x128xf32, #tpu.memory_space<vmem>> -> memref<1x80x128xf32, #tpu.memory_space<vmem>>
    %dma_wait3A_562 = tpu.memref_squeeze %dma_wait3A_561 : memref<1x80x128xf32, #tpu.memory_space<vmem>> -> memref<80x128xf32, #tpu.memory_space<vmem>>
    tpu.wait_dma2 semaphore(%dma_wait3A_555 : memref<!tpu.dma_semaphore, #tpu.memory_space<semaphore_mem>>) src(%dma_wait3A_562 : memref<80x128xf32, #tpu.memory_space<vmem>>) dst(%dma_wait3A_558 : memref<80x128xf32, #tpu.memory_space<hbm>>)
    %add3A_563 = arith.constant 320 : i32
    %add3A_564 = arith.addi %mul3A_0, %add3A_563 : i32
    %dma_start3A_565 = arith.constant 1 : i32
    %dma_start3A_566 = arith.constant 1 : i32
    %dma_start3A_567 = arith.constant 0 : i32
    %dma_start3A_568 = arith.constant 0 : i32
    %dma_start3A_569 = tpu.memref_slice %arg10[%dma_start3A_565, %dma_start3A_567, %dma_start3A_568] : memref<3x80x128xf32, #tpu.memory_space<vmem>> -> memref<1x80x128xf32, #tpu.memory_space<vmem>>
    %dma_start3A_570 = tpu.memref_squeeze %dma_start3A_569 : memref<1x80x128xf32, #tpu.memory_space<vmem>> -> memref<80x128xf32, #tpu.memory_space<vmem>>
    %dma_start3A_571 = arith.constant 0 : i32
    %dma_start3A_572 = tpu.memref_slice %arg13[%add3A_564, %dma_start3A_571] : memref<10240x128xf32, #tpu.memory_space<vmem_shared>> -> memref<80x128xf32, #tpu.memory_space<vmem_shared>>
    %dma_start3A_573 = tpu.memref_slice %arg11[%dma_start3A_566] : memref<3x!tpu.dma_semaphore, #tpu.memory_space<semaphore_mem>> -> memref<1x!tpu.dma_semaphore, #tpu.memory_space<semaphore_mem>>
    %dma_start3A_574 = tpu.memref_squeeze %dma_start3A_573 : memref<1x!tpu.dma_semaphore, #tpu.memory_space<semaphore_mem>> -> memref<!tpu.dma_semaphore, #tpu.memory_space<semaphore_mem>>
    %dma_start3A_575 = arith.constant 0 : i32
    %dma_start3A_576 = arith.constant 0 : i32
    %dma_start3A_577 = tpu.memref_slice %arg10[%dma_start3A_565, %dma_start3A_575, %dma_start3A_576] : memref<3x80x128xf32, #tpu.memory_space<vmem>> -> memref<1x80x128xf32, #tpu.memory_space<vmem>>
    %dma_start3A_578 = tpu.memref_squeeze %dma_start3A_577 : memref<1x80x128xf32, #tpu.memory_space<vmem>> -> memref<80x128xf32, #tpu.memory_space<vmem>>
    %dma_start3A_579 = arith.constant 0 : i32
    %dma_start3A_580 = tpu.memref_slice %arg13[%add3A_564, %dma_start3A_579] : memref<10240x128xf32, #tpu.memory_space<vmem_shared>> -> memref<80x128xf32, #tpu.memory_space<vmem_shared>>
    tpu.enqueue_dma source(%dma_start3A_580 : memref<80x128xf32, #tpu.memory_space<vmem_shared>>) target(%dma_start3A_578 : memref<80x128xf32, #tpu.memory_space<vmem>>) target_semaphore(%dma_start3A_574 : memref<!tpu.dma_semaphore, #tpu.memory_space<semaphore_mem>>)
    %add3A_581 = arith.constant 320 : i32
    %add3A_582 = arith.addi %mul3A_0, %add3A_581 : i32
    %dma_wait3A_583 = arith.constant 1 : i32
    %dma_wait3A_584 = arith.constant 1 : i32
    %dma_wait3A_585 = arith.constant 0 : i32
    %dma_wait3A_586 = arith.constant 0 : i32
    %dma_wait3A_587 = tpu.memref_slice %arg10[%dma_wait3A_583, %dma_wait3A_585, %dma_wait3A_586] : memref<3x80x128xf32, #tpu.memory_space<vmem>> -> memref<1x80x128xf32, #tpu.memory_space<vmem>>
    %dma_wait3A_588 = tpu.memref_squeeze %dma_wait3A_587 : memref<1x80x128xf32, #tpu.memory_space<vmem>> -> memref<80x128xf32, #tpu.memory_space<vmem>>
    %dma_wait3A_589 = arith.constant 0 : i32
    %dma_wait3A_590 = tpu.memref_slice %arg13[%add3A_582, %dma_wait3A_589] : memref<10240x128xf32, #tpu.memory_space<vmem_shared>> -> memref<80x128xf32, #tpu.memory_space<vmem_shared>>
    %dma_wait3A_591 = tpu.memref_slice %arg11[%dma_wait3A_584] : memref<3x!tpu.dma_semaphore, #tpu.memory_space<semaphore_mem>> -> memref<1x!tpu.dma_semaphore, #tpu.memory_space<semaphore_mem>>
    %dma_wait3A_592 = tpu.memref_squeeze %dma_wait3A_591 : memref<1x!tpu.dma_semaphore, #tpu.memory_space<semaphore_mem>> -> memref<!tpu.dma_semaphore, #tpu.memory_space<semaphore_mem>>
    %dma_wait3A_593 = arith.constant 0 : i32
    %dma_wait3A_594 = arith.constant 0 : i32
    %dma_wait3A_595 = tpu.memref_slice %arg10[%dma_wait3A_583, %dma_wait3A_593, %dma_wait3A_594] : memref<3x80x128xf32, #tpu.memory_space<vmem>> -> memref<1x80x128xf32, #tpu.memory_space<vmem>>
    %dma_wait3A_596 = tpu.memref_squeeze %dma_wait3A_595 : memref<1x80x128xf32, #tpu.memory_space<vmem>> -> memref<80x128xf32, #tpu.memory_space<vmem>>
    %dma_wait3A_597 = arith.constant 0 : i32
    %dma_wait3A_598 = tpu.memref_slice %arg13[%add3A_582, %dma_wait3A_597] : memref<10240x128xf32, #tpu.memory_space<vmem_shared>> -> memref<80x128xf32, #tpu.memory_space<vmem_shared>>
    tpu.wait_dma2 semaphore(%dma_wait3A_592 : memref<!tpu.dma_semaphore, #tpu.memory_space<semaphore_mem>>) src(%dma_wait3A_598 : memref<80x128xf32, #tpu.memory_space<vmem_shared>>) dst(%dma_wait3A_596 : memref<80x128xf32, #tpu.memory_space<vmem>>)
    %add3A_599 = arith.constant 320 : i32
    %add3A_600 = arith.addi %mul3A_0, %add3A_599 : i32
    %dma_start3A_601 = arith.constant 1 : i32
    %dma_start3A_602 = arith.constant 1 : i32
    %dma_start3A_603 = arith.constant 0 : i32
    %dma_start3A_604 = arith.constant 0 : i32
    %dma_start3A_605 = tpu.memref_slice %arg10[%dma_start3A_601, %dma_start3A_603, %dma_start3A_604] : memref<3x80x128xf32, #tpu.memory_space<vmem>> -> memref<1x80x128xf32, #tpu.memory_space<vmem>>
    %dma_start3A_606 = tpu.memref_squeeze %dma_start3A_605 : memref<1x80x128xf32, #tpu.memory_space<vmem>> -> memref<80x128xf32, #tpu.memory_space<vmem>>
    %dma_start3A_607 = arith.constant 0 : i32
    %dma_start3A_608 = tpu.memref_slice %arg6[%arg0, %add3A_600, %dma_start3A_607] : memref<2x10240x128xf32, #tpu.memory_space<hbm>> -> memref<1x80x128xf32, #tpu.memory_space<hbm>>
    %dma_start3A_609 = tpu.memref_squeeze %dma_start3A_608 : memref<1x80x128xf32, #tpu.memory_space<hbm>> -> memref<80x128xf32, #tpu.memory_space<hbm>>
    %dma_start3A_610 = tpu.memref_slice %arg12[%dma_start3A_602] : memref<3x!tpu.dma_semaphore, #tpu.memory_space<semaphore_mem>> -> memref<1x!tpu.dma_semaphore, #tpu.memory_space<semaphore_mem>>
    %dma_start3A_611 = tpu.memref_squeeze %dma_start3A_610 : memref<1x!tpu.dma_semaphore, #tpu.memory_space<semaphore_mem>> -> memref<!tpu.dma_semaphore, #tpu.memory_space<semaphore_mem>>
    %dma_start3A_612 = arith.constant 0 : i32
    %dma_start3A_613 = tpu.memref_slice %arg6[%arg0, %add3A_600, %dma_start3A_612] : memref<2x10240x128xf32, #tpu.memory_space<hbm>> -> memref<1x80x128xf32, #tpu.memory_space<hbm>>
    %dma_start3A_614 = tpu.memref_squeeze %dma_start3A_613 : memref<1x80x128xf32, #tpu.memory_space<hbm>> -> memref<80x128xf32, #tpu.memory_space<hbm>>
    %dma_start3A_615 = arith.constant 0 : i32
    %dma_start3A_616 = arith.constant 0 : i32
    %dma_start3A_617 = tpu.memref_slice %arg10[%dma_start3A_601, %dma_start3A_615, %dma_start3A_616] : memref<3x80x128xf32, #tpu.memory_space<vmem>> -> memref<1x80x128xf32, #tpu.memory_space<vmem>>
    %dma_start3A_618 = tpu.memref_squeeze %dma_start3A_617 : memref<1x80x128xf32, #tpu.memory_space<vmem>> -> memref<80x128xf32, #tpu.memory_space<vmem>>
    tpu.enqueue_dma source(%dma_start3A_618 : memref<80x128xf32, #tpu.memory_space<vmem>>) target(%dma_start3A_614 : memref<80x128xf32, #tpu.memory_space<hbm>>) target_semaphore(%dma_start3A_611 : memref<!tpu.dma_semaphore, #tpu.memory_space<semaphore_mem>>)
    %add3A_619 = arith.constant 160 : i32
    %add3A_620 = arith.addi %mul3A_0, %add3A_619 : i32
    %dma_wait3A_621 = arith.constant 2 : i32
    %dma_wait3A_622 = arith.constant 2 : i32
    %dma_wait3A_623 = arith.constant 0 : i32
    %dma_wait3A_624 = arith.constant 0 : i32
    %dma_wait3A_625 = tpu.memref_slice %arg10[%dma_wait3A_621, %dma_wait3A_623, %dma_wait3A_624] : memref<3x80x128xf32, #tpu.memory_space<vmem>> -> memref<1x80x128xf32, #tpu.memory_space<vmem>>
    %dma_wait3A_626 = tpu.memref_squeeze %dma_wait3A_625 : memref<1x80x128xf32, #tpu.memory_space<vmem>> -> memref<80x128xf32, #tpu.memory_space<vmem>>
    %dma_wait3A_627 = arith.constant 0 : i32
    %dma_wait3A_628 = tpu.memref_slice %arg6[%arg0, %add3A_620, %dma_wait3A_627] : memref<2x10240x128xf32, #tpu.memory_space<hbm>> -> memref<1x80x128xf32, #tpu.memory_space<hbm>>
    %dma_wait3A_629 = tpu.memref_squeeze %dma_wait3A_628 : memref<1x80x128xf32, #tpu.memory_space<hbm>> -> memref<80x128xf32, #tpu.memory_space<hbm>>
    %dma_wait3A_630 = tpu.memref_slice %arg12[%dma_wait3A_622] : memref<3x!tpu.dma_semaphore, #tpu.memory_space<semaphore_mem>> -> memref<1x!tpu.dma_semaphore, #tpu.memory_space<semaphore_mem>>
    %dma_wait3A_631 = tpu.memref_squeeze %dma_wait3A_630 : memref<1x!tpu.dma_semaphore, #tpu.memory_space<semaphore_mem>> -> memref<!tpu.dma_semaphore, #tpu.memory_space<semaphore_mem>>
    %dma_wait3A_632 = arith.constant 0 : i32
    %dma_wait3A_633 = tpu.memref_slice %arg6[%arg0, %add3A_620, %dma_wait3A_632] : memref<2x10240x128xf32, #tpu.memory_space<hbm>> -> memref<1x80x128xf32, #tpu.memory_space<hbm>>
    %dma_wait3A_634 = tpu.memref_squeeze %dma_wait3A_633 : memref<1x80x128xf32, #tpu.memory_space<hbm>> -> memref<80x128xf32, #tpu.memory_space<hbm>>
    %dma_wait3A_635 = arith.constant 0 : i32
    %dma_wait3A_636 = arith.constant 0 : i32
    %dma_wait3A_637 = tpu.memref_slice %arg10[%dma_wait3A_621, %dma_wait3A_635, %dma_wait3A_636] : memref<3x80x128xf32, #tpu.memory_space<vmem>> -> memref<1x80x128xf32, #tpu.memory_space<vmem>>
    %dma_wait3A_638 = tpu.memref_squeeze %dma_wait3A_637 : memref<1x80x128xf32, #tpu.memory_space<vmem>> -> memref<80x128xf32, #tpu.memory_space<vmem>>
    tpu.wait_dma2 semaphore(%dma_wait3A_631 : memref<!tpu.dma_semaphore, #tpu.memory_space<semaphore_mem>>) src(%dma_wait3A_638 : memref<80x128xf32, #tpu.memory_space<vmem>>) dst(%dma_wait3A_634 : memref<80x128xf32, #tpu.memory_space<hbm>>)
    %add3A_639 = arith.constant 400 : i32
    %add3A_640 = arith.addi %mul3A_0, %add3A_639 : i32
    %dma_start3A_641 = arith.constant 2 : i32
    %dma_start3A_642 = arith.constant 2 : i32
    %dma_start3A_643 = arith.constant 0 : i32
    %dma_start3A_644 = arith.constant 0 : i32
    %dma_start3A_645 = tpu.memref_slice %arg10[%dma_start3A_641, %dma_start3A_643, %dma_start3A_644] : memref<3x80x128xf32, #tpu.memory_space<vmem>> -> memref<1x80x128xf32, #tpu.memory_space<vmem>>
    %dma_start3A_646 = tpu.memref_squeeze %dma_start3A_645 : memref<1x80x128xf32, #tpu.memory_space<vmem>> -> memref<80x128xf32, #tpu.memory_space<vmem>>
    %dma_start3A_647 = arith.constant 0 : i32
    %dma_start3A_648 = tpu.memref_slice %arg13[%add3A_640, %dma_start3A_647] : memref<10240x128xf32, #tpu.memory_space<vmem_shared>> -> memref<80x128xf32, #tpu.memory_space<vmem_shared>>
    %dma_start3A_649 = tpu.memref_slice %arg11[%dma_start3A_642] : memref<3x!tpu.dma_semaphore, #tpu.memory_space<semaphore_mem>> -> memref<1x!tpu.dma_semaphore, #tpu.memory_space<semaphore_mem>>
    %dma_start3A_650 = tpu.memref_squeeze %dma_start3A_649 : memref<1x!tpu.dma_semaphore, #tpu.memory_space<semaphore_mem>> -> memref<!tpu.dma_semaphore, #tpu.memory_space<semaphore_mem>>
    %dma_start3A_651 = arith.constant 0 : i32
    %dma_start3A_652 = arith.constant 0 : i32
    %dma_start3A_653 = tpu.memref_slice %arg10[%dma_start3A_641, %dma_start3A_651, %dma_start3A_652] : memref<3x80x128xf32, #tpu.memory_space<vmem>> -> memref<1x80x128xf32, #tpu.memory_space<vmem>>
    %dma_start3A_654 = tpu.memref_squeeze %dma_start3A_653 : memref<1x80x128xf32, #tpu.memory_space<vmem>> -> memref<80x128xf32, #tpu.memory_space<vmem>>
    %dma_start3A_655 = arith.constant 0 : i32
    %dma_start3A_656 = tpu.memref_slice %arg13[%add3A_640, %dma_start3A_655] : memref<10240x128xf32, #tpu.memory_space<vmem_shared>> -> memref<80x128xf32, #tpu.memory_space<vmem_shared>>
    tpu.enqueue_dma source(%dma_start3A_656 : memref<80x128xf32, #tpu.memory_space<vmem_shared>>) target(%dma_start3A_654 : memref<80x128xf32, #tpu.memory_space<vmem>>) target_semaphore(%dma_start3A_650 : memref<!tpu.dma_semaphore, #tpu.memory_space<semaphore_mem>>)
    %add3A_657 = arith.constant 400 : i32
    %add3A_658 = arith.addi %mul3A_0, %add3A_657 : i32
    %dma_wait3A_659 = arith.constant 2 : i32
    %dma_wait3A_660 = arith.constant 2 : i32
    %dma_wait3A_661 = arith.constant 0 : i32
    %dma_wait3A_662 = arith.constant 0 : i32
    %dma_wait3A_663 = tpu.memref_slice %arg10[%dma_wait3A_659, %dma_wait3A_661, %dma_wait3A_662] : memref<3x80x128xf32, #tpu.memory_space<vmem>> -> memref<1x80x128xf32, #tpu.memory_space<vmem>>
    %dma_wait3A_664 = tpu.memref_squeeze %dma_wait3A_663 : memref<1x80x128xf32, #tpu.memory_space<vmem>> -> memref<80x128xf32, #tpu.memory_space<vmem>>
    %dma_wait3A_665 = arith.constant 0 : i32
    %dma_wait3A_666 = tpu.memref_slice %arg13[%add3A_658, %dma_wait3A_665] : memref<10240x128xf32, #tpu.memory_space<vmem_shared>> -> memref<80x128xf32, #tpu.memory_space<vmem_shared>>
    %dma_wait3A_667 = tpu.memref_slice %arg11[%dma_wait3A_660] : memref<3x!tpu.dma_semaphore, #tpu.memory_space<semaphore_mem>> -> memref<1x!tpu.dma_semaphore, #tpu.memory_space<semaphore_mem>>
    %dma_wait3A_668 = tpu.memref_squeeze %dma_wait3A_667 : memref<1x!tpu.dma_semaphore, #tpu.memory_space<semaphore_mem>> -> memref<!tpu.dma_semaphore, #tpu.memory_space<semaphore_mem>>
    %dma_wait3A_669 = arith.constant 0 : i32
    %dma_wait3A_670 = arith.constant 0 : i32
    %dma_wait3A_671 = tpu.memref_slice %arg10[%dma_wait3A_659, %dma_wait3A_669, %dma_wait3A_670] : memref<3x80x128xf32, #tpu.memory_space<vmem>> -> memref<1x80x128xf32, #tpu.memory_space<vmem>>
    %dma_wait3A_672 = tpu.memref_squeeze %dma_wait3A_671 : memref<1x80x128xf32, #tpu.memory_space<vmem>> -> memref<80x128xf32, #tpu.memory_space<vmem>>
    %dma_wait3A_673 = arith.constant 0 : i32
    %dma_wait3A_674 = tpu.memref_slice %arg13[%add3A_658, %dma_wait3A_673] : memref<10240x128xf32, #tpu.memory_space<vmem_shared>> -> memref<80x128xf32, #tpu.memory_space<vmem_shared>>
    tpu.wait_dma2 semaphore(%dma_wait3A_668 : memref<!tpu.dma_semaphore, #tpu.memory_space<semaphore_mem>>) src(%dma_wait3A_674 : memref<80x128xf32, #tpu.memory_space<vmem_shared>>) dst(%dma_wait3A_672 : memref<80x128xf32, #tpu.memory_space<vmem>>)
    %add3A_675 = arith.constant 400 : i32
    %add3A_676 = arith.addi %mul3A_0, %add3A_675 : i32
    %dma_start3A_677 = arith.constant 2 : i32
    %dma_start3A_678 = arith.constant 2 : i32
    %dma_start3A_679 = arith.constant 0 : i32
    %dma_start3A_680 = arith.constant 0 : i32
    %dma_start3A_681 = tpu.memref_slice %arg10[%dma_start3A_677, %dma_start3A_679, %dma_start3A_680] : memref<3x80x128xf32, #tpu.memory_space<vmem>> -> memref<1x80x128xf32, #tpu.memory_space<vmem>>
    %dma_start3A_682 = tpu.memref_squeeze %dma_start3A_681 : memref<1x80x128xf32, #tpu.memory_space<vmem>> -> memref<80x128xf32, #tpu.memory_space<vmem>>
    %dma_start3A_683 = arith.constant 0 : i32
    %dma_start3A_684 = tpu.memref_slice %arg6[%arg0, %add3A_676, %dma_start3A_683] : memref<2x10240x128xf32, #tpu.memory_space<hbm>> -> memref<1x80x128xf32, #tpu.memory_space<hbm>>
    %dma_start3A_685 = tpu.memref_squeeze %dma_start3A_684 : memref<1x80x128xf32, #tpu.memory_space<hbm>> -> memref<80x128xf32, #tpu.memory_space<hbm>>
    %dma_start3A_686 = tpu.memref_slice %arg12[%dma_start3A_678] : memref<3x!tpu.dma_semaphore, #tpu.memory_space<semaphore_mem>> -> memref<1x!tpu.dma_semaphore, #tpu.memory_space<semaphore_mem>>
    %dma_start3A_687 = tpu.memref_squeeze %dma_start3A_686 : memref<1x!tpu.dma_semaphore, #tpu.memory_space<semaphore_mem>> -> memref<!tpu.dma_semaphore, #tpu.memory_space<semaphore_mem>>
    %dma_start3A_688 = arith.constant 0 : i32
    %dma_start3A_689 = tpu.memref_slice %arg6[%arg0, %add3A_676, %dma_start3A_688] : memref<2x10240x128xf32, #tpu.memory_space<hbm>> -> memref<1x80x128xf32, #tpu.memory_space<hbm>>
    %dma_start3A_690 = tpu.memref_squeeze %dma_start3A_689 : memref<1x80x128xf32, #tpu.memory_space<hbm>> -> memref<80x128xf32, #tpu.memory_space<hbm>>
    %dma_start3A_691 = arith.constant 0 : i32
    %dma_start3A_692 = arith.constant 0 : i32
    %dma_start3A_693 = tpu.memref_slice %arg10[%dma_start3A_677, %dma_start3A_691, %dma_start3A_692] : memref<3x80x128xf32, #tpu.memory_space<vmem>> -> memref<1x80x128xf32, #tpu.memory_space<vmem>>
    %dma_start3A_694 = tpu.memref_squeeze %dma_start3A_693 : memref<1x80x128xf32, #tpu.memory_space<vmem>> -> memref<80x128xf32, #tpu.memory_space<vmem>>
    tpu.enqueue_dma source(%dma_start3A_694 : memref<80x128xf32, #tpu.memory_space<vmem>>) target(%dma_start3A_690 : memref<80x128xf32, #tpu.memory_space<hbm>>) target_semaphore(%dma_start3A_687 : memref<!tpu.dma_semaphore, #tpu.memory_space<semaphore_mem>>)
    %add3A_695 = arith.constant 240 : i32
    %add3A_696 = arith.addi %mul3A_0, %add3A_695 : i32
    %dma_wait3A_697 = arith.constant 0 : i32
    %dma_wait3A_698 = arith.constant 0 : i32
    %dma_wait3A_699 = arith.constant 0 : i32
    %dma_wait3A_700 = arith.constant 0 : i32
    %dma_wait3A_701 = tpu.memref_slice %arg10[%dma_wait3A_697, %dma_wait3A_699, %dma_wait3A_700] : memref<3x80x128xf32, #tpu.memory_space<vmem>> -> memref<1x80x128xf32, #tpu.memory_space<vmem>>
    %dma_wait3A_702 = tpu.memref_squeeze %dma_wait3A_701 : memref<1x80x128xf32, #tpu.memory_space<vmem>> -> memref<80x128xf32, #tpu.memory_space<vmem>>
    %dma_wait3A_703 = arith.constant 0 : i32
    %dma_wait3A_704 = tpu.memref_slice %arg6[%arg0, %add3A_696, %dma_wait3A_703] : memref<2x10240x128xf32, #tpu.memory_space<hbm>> -> memref<1x80x128xf32, #tpu.memory_space<hbm>>
    %dma_wait3A_705 = tpu.memref_squeeze %dma_wait3A_704 : memref<1x80x128xf32, #tpu.memory_space<hbm>> -> memref<80x128xf32, #tpu.memory_space<hbm>>
    %dma_wait3A_706 = tpu.memref_slice %arg12[%dma_wait3A_698] : memref<3x!tpu.dma_semaphore, #tpu.memory_space<semaphore_mem>> -> memref<1x!tpu.dma_semaphore, #tpu.memory_space<semaphore_mem>>
    %dma_wait3A_707 = tpu.memref_squeeze %dma_wait3A_706 : memref<1x!tpu.dma_semaphore, #tpu.memory_space<semaphore_mem>> -> memref<!tpu.dma_semaphore, #tpu.memory_space<semaphore_mem>>
    %dma_wait3A_708 = arith.constant 0 : i32
    %dma_wait3A_709 = tpu.memref_slice %arg6[%arg0, %add3A_696, %dma_wait3A_708] : memref<2x10240x128xf32, #tpu.memory_space<hbm>> -> memref<1x80x128xf32, #tpu.memory_space<hbm>>
    %dma_wait3A_710 = tpu.memref_squeeze %dma_wait3A_709 : memref<1x80x128xf32, #tpu.memory_space<hbm>> -> memref<80x128xf32, #tpu.memory_space<hbm>>
    %dma_wait3A_711 = arith.constant 0 : i32
    %dma_wait3A_712 = arith.constant 0 : i32
    %dma_wait3A_713 = tpu.memref_slice %arg10[%dma_wait3A_697, %dma_wait3A_711, %dma_wait3A_712] : memref<3x80x128xf32, #tpu.memory_space<vmem>> -> memref<1x80x128xf32, #tpu.memory_space<vmem>>
    %dma_wait3A_714 = tpu.memref_squeeze %dma_wait3A_713 : memref<1x80x128xf32, #tpu.memory_space<vmem>> -> memref<80x128xf32, #tpu.memory_space<vmem>>
    tpu.wait_dma2 semaphore(%dma_wait3A_707 : memref<!tpu.dma_semaphore, #tpu.memory_space<semaphore_mem>>) src(%dma_wait3A_714 : memref<80x128xf32, #tpu.memory_space<vmem>>) dst(%dma_wait3A_710 : memref<80x128xf32, #tpu.memory_space<hbm>>)
    %add3A_715 = arith.constant 480 : i32
    %add3A_716 = arith.addi %mul3A_0, %add3A_715 : i32
    %dma_start3A_717 = arith.constant 0 : i32
    %dma_start3A_718 = arith.constant 0 : i32
    %dma_start3A_719 = arith.constant 0 : i32
    %dma_start3A_720 = arith.constant 0 : i32
    %dma_start3A_721 = tpu.memref_slice %arg10[%dma_start3A_717, %dma_start3A_719, %dma_start3A_720] : memref<3x80x128xf32, #tpu.memory_space<vmem>> -> memref<1x80x128xf32, #tpu.memory_space<vmem>>
    %dma_start3A_722 = tpu.memref_squeeze %dma_start3A_721 : memref<1x80x128xf32, #tpu.memory_space<vmem>> -> memref<80x128xf32, #tpu.memory_space<vmem>>
    %dma_start3A_723 = arith.constant 0 : i32
    %dma_start3A_724 = tpu.memref_slice %arg13[%add3A_716, %dma_start3A_723] : memref<10240x128xf32, #tpu.memory_space<vmem_shared>> -> memref<80x128xf32, #tpu.memory_space<vmem_shared>>
    %dma_start3A_725 = tpu.memref_slice %arg11[%dma_start3A_718] : memref<3x!tpu.dma_semaphore, #tpu.memory_space<semaphore_mem>> -> memref<1x!tpu.dma_semaphore, #tpu.memory_space<semaphore_mem>>
    %dma_start3A_726 = tpu.memref_squeeze %dma_start3A_725 : memref<1x!tpu.dma_semaphore, #tpu.memory_space<semaphore_mem>> -> memref<!tpu.dma_semaphore, #tpu.memory_space<semaphore_mem>>
    %dma_start3A_727 = arith.constant 0 : i32
    %dma_start3A_728 = arith.constant 0 : i32
    %dma_start3A_729 = tpu.memref_slice %arg10[%dma_start3A_717, %dma_start3A_727, %dma_start3A_728] : memref<3x80x128xf32, #tpu.memory_space<vmem>> -> memref<1x80x128xf32, #tpu.memory_space<vmem>>
    %dma_start3A_730 = tpu.memref_squeeze %dma_start3A_729 : memref<1x80x128xf32, #tpu.memory_space<vmem>> -> memref<80x128xf32, #tpu.memory_space<vmem>>
    %dma_start3A_731 = arith.constant 0 : i32
    %dma_start3A_732 = tpu.memref_slice %arg13[%add3A_716, %dma_start3A_731] : memref<10240x128xf32, #tpu.memory_space<vmem_shared>> -> memref<80x128xf32, #tpu.memory_space<vmem_shared>>
    tpu.enqueue_dma source(%dma_start3A_732 : memref<80x128xf32, #tpu.memory_space<vmem_shared>>) target(%dma_start3A_730 : memref<80x128xf32, #tpu.memory_space<vmem>>) target_semaphore(%dma_start3A_726 : memref<!tpu.dma_semaphore, #tpu.memory_space<semaphore_mem>>)
    %add3A_733 = arith.constant 480 : i32
    %add3A_734 = arith.addi %mul3A_0, %add3A_733 : i32
    %dma_wait3A_735 = arith.constant 0 : i32
    %dma_wait3A_736 = arith.constant 0 : i32
    %dma_wait3A_737 = arith.constant 0 : i32
    %dma_wait3A_738 = arith.constant 0 : i32
    %dma_wait3A_739 = tpu.memref_slice %arg10[%dma_wait3A_735, %dma_wait3A_737, %dma_wait3A_738] : memref<3x80x128xf32, #tpu.memory_space<vmem>> -> memref<1x80x128xf32, #tpu.memory_space<vmem>>
    %dma_wait3A_740 = tpu.memref_squeeze %dma_wait3A_739 : memref<1x80x128xf32, #tpu.memory_space<vmem>> -> memref<80x128xf32, #tpu.memory_space<vmem>>
    %dma_wait3A_741 = arith.constant 0 : i32
    %dma_wait3A_742 = tpu.memref_slice %arg13[%add3A_734, %dma_wait3A_741] : memref<10240x128xf32, #tpu.memory_space<vmem_shared>> -> memref<80x128xf32, #tpu.memory_space<vmem_shared>>
    %dma_wait3A_743 = tpu.memref_slice %arg11[%dma_wait3A_736] : memref<3x!tpu.dma_semaphore, #tpu.memory_space<semaphore_mem>> -> memref<1x!tpu.dma_semaphore, #tpu.memory_space<semaphore_mem>>
    %dma_wait3A_744 = tpu.memref_squeeze %dma_wait3A_743 : memref<1x!tpu.dma_semaphore, #tpu.memory_space<semaphore_mem>> -> memref<!tpu.dma_semaphore, #tpu.memory_space<semaphore_mem>>
    %dma_wait3A_745 = arith.constant 0 : i32
    %dma_wait3A_746 = arith.constant 0 : i32
    %dma_wait3A_747 = tpu.memref_slice %arg10[%dma_wait3A_735, %dma_wait3A_745, %dma_wait3A_746] : memref<3x80x128xf32, #tpu.memory_space<vmem>> -> memref<1x80x128xf32, #tpu.memory_space<vmem>>
    %dma_wait3A_748 = tpu.memref_squeeze %dma_wait3A_747 : memref<1x80x128xf32, #tpu.memory_space<vmem>> -> memref<80x128xf32, #tpu.memory_space<vmem>>
    %dma_wait3A_749 = arith.constant 0 : i32
    %dma_wait3A_750 = tpu.memref_slice %arg13[%add3A_734, %dma_wait3A_749] : memref<10240x128xf32, #tpu.memory_space<vmem_shared>> -> memref<80x128xf32, #tpu.memory_space<vmem_shared>>
    tpu.wait_dma2 semaphore(%dma_wait3A_744 : memref<!tpu.dma_semaphore, #tpu.memory_space<semaphore_mem>>) src(%dma_wait3A_750 : memref<80x128xf32, #tpu.memory_space<vmem_shared>>) dst(%dma_wait3A_748 : memref<80x128xf32, #tpu.memory_space<vmem>>)
    %add3A_751 = arith.constant 480 : i32
    %add3A_752 = arith.addi %mul3A_0, %add3A_751 : i32
    %dma_start3A_753 = arith.constant 0 : i32
    %dma_start3A_754 = arith.constant 0 : i32
    %dma_start3A_755 = arith.constant 0 : i32
    %dma_start3A_756 = arith.constant 0 : i32
    %dma_start3A_757 = tpu.memref_slice %arg10[%dma_start3A_753, %dma_start3A_755, %dma_start3A_756] : memref<3x80x128xf32, #tpu.memory_space<vmem>> -> memref<1x80x128xf32, #tpu.memory_space<vmem>>
    %dma_start3A_758 = tpu.memref_squeeze %dma_start3A_757 : memref<1x80x128xf32, #tpu.memory_space<vmem>> -> memref<80x128xf32, #tpu.memory_space<vmem>>
    %dma_start3A_759 = arith.constant 0 : i32
    %dma_start3A_760 = tpu.memref_slice %arg6[%arg0, %add3A_752, %dma_start3A_759] : memref<2x10240x128xf32, #tpu.memory_space<hbm>> -> memref<1x80x128xf32, #tpu.memory_space<hbm>>
    %dma_start3A_761 = tpu.memref_squeeze %dma_start3A_760 : memref<1x80x128xf32, #tpu.memory_space<hbm>> -> memref<80x128xf32, #tpu.memory_space<hbm>>
    %dma_start3A_762 = tpu.memref_slice %arg12[%dma_start3A_754] : memref<3x!tpu.dma_semaphore, #tpu.memory_space<semaphore_mem>> -> memref<1x!tpu.dma_semaphore, #tpu.memory_space<semaphore_mem>>
    %dma_start3A_763 = tpu.memref_squeeze %dma_start3A_762 : memref<1x!tpu.dma_semaphore, #tpu.memory_space<semaphore_mem>> -> memref<!tpu.dma_semaphore, #tpu.memory_space<semaphore_mem>>
    %dma_start3A_764 = arith.constant 0 : i32
    %dma_start3A_765 = tpu.memref_slice %arg6[%arg0, %add3A_752, %dma_start3A_764] : memref<2x10240x128xf32, #tpu.memory_space<hbm>> -> memref<1x80x128xf32, #tpu.memory_space<hbm>>
    %dma_start3A_766 = tpu.memref_squeeze %dma_start3A_765 : memref<1x80x128xf32, #tpu.memory_space<hbm>> -> memref<80x128xf32, #tpu.memory_space<hbm>>
    %dma_start3A_767 = arith.constant 0 : i32
    %dma_start3A_768 = arith.constant 0 : i32
    %dma_start3A_769 = tpu.memref_slice %arg10[%dma_start3A_753, %dma_start3A_767, %dma_start3A_768] : memref<3x80x128xf32, #tpu.memory_space<vmem>> -> memref<1x80x128xf32, #tpu.memory_space<vmem>>
    %dma_start3A_770 = tpu.memref_squeeze %dma_start3A_769 : memref<1x80x128xf32, #tpu.memory_space<vmem>> -> memref<80x128xf32, #tpu.memory_space<vmem>>
    tpu.enqueue_dma source(%dma_start3A_770 : memref<80x128xf32, #tpu.memory_space<vmem>>) target(%dma_start3A_766 : memref<80x128xf32, #tpu.memory_space<hbm>>) target_semaphore(%dma_start3A_763 : memref<!tpu.dma_semaphore, #tpu.memory_space<semaphore_mem>>)
    %add3A_771 = arith.constant 320 : i32
    %add3A_772 = arith.addi %mul3A_0, %add3A_771 : i32
    %dma_wait3A_773 = arith.constant 1 : i32
    %dma_wait3A_774 = arith.constant 1 : i32
    %dma_wait3A_775 = arith.constant 0 : i32
    %dma_wait3A_776 = arith.constant 0 : i32
    %dma_wait3A_777 = tpu.memref_slice %arg10[%dma_wait3A_773, %dma_wait3A_775, %dma_wait3A_776] : memref<3x80x128xf32, #tpu.memory_space<vmem>> -> memref<1x80x128xf32, #tpu.memory_space<vmem>>
    %dma_wait3A_778 = tpu.memref_squeeze %dma_wait3A_777 : memref<1x80x128xf32, #tpu.memory_space<vmem>> -> memref<80x128xf32, #tpu.memory_space<vmem>>
    %dma_wait3A_779 = arith.constant 0 : i32
    %dma_wait3A_780 = tpu.memref_slice %arg6[%arg0, %add3A_772, %dma_wait3A_779] : memref<2x10240x128xf32, #tpu.memory_space<hbm>> -> memref<1x80x128xf32, #tpu.memory_space<hbm>>
    %dma_wait3A_781 = tpu.memref_squeeze %dma_wait3A_780 : memref<1x80x128xf32, #tpu.memory_space<hbm>> -> memref<80x128xf32, #tpu.memory_space<hbm>>
    %dma_wait3A_782 = tpu.memref_slice %arg12[%dma_wait3A_774] : memref<3x!tpu.dma_semaphore, #tpu.memory_space<semaphore_mem>> -> memref<1x!tpu.dma_semaphore, #tpu.memory_space<semaphore_mem>>
    %dma_wait3A_783 = tpu.memref_squeeze %dma_wait3A_782 : memref<1x!tpu.dma_semaphore, #tpu.memory_space<semaphore_mem>> -> memref<!tpu.dma_semaphore, #tpu.memory_space<semaphore_mem>>
    %dma_wait3A_784 = arith.constant 0 : i32
    %dma_wait3A_785 = tpu.memref_slice %arg6[%arg0, %add3A_772, %dma_wait3A_784] : memref<2x10240x128xf32, #tpu.memory_space<hbm>> -> memref<1x80x128xf32, #tpu.memory_space<hbm>>
    %dma_wait3A_786 = tpu.memref_squeeze %dma_wait3A_785 : memref<1x80x128xf32, #tpu.memory_space<hbm>> -> memref<80x128xf32, #tpu.memory_space<hbm>>
    %dma_wait3A_787 = arith.constant 0 : i32
    %dma_wait3A_788 = arith.constant 0 : i32
    %dma_wait3A_789 = tpu.memref_slice %arg10[%dma_wait3A_773, %dma_wait3A_787, %dma_wait3A_788] : memref<3x80x128xf32, #tpu.memory_space<vmem>> -> memref<1x80x128xf32, #tpu.memory_space<vmem>>
    %dma_wait3A_790 = tpu.memref_squeeze %dma_wait3A_789 : memref<1x80x128xf32, #tpu.memory_space<vmem>> -> memref<80x128xf32, #tpu.memory_space<vmem>>
    tpu.wait_dma2 semaphore(%dma_wait3A_783 : memref<!tpu.dma_semaphore, #tpu.memory_space<semaphore_mem>>) src(%dma_wait3A_790 : memref<80x128xf32, #tpu.memory_space<vmem>>) dst(%dma_wait3A_786 : memref<80x128xf32, #tpu.memory_space<hbm>>)
    %add3A_791 = arith.constant 560 : i32
    %add3A_792 = arith.addi %mul3A_0, %add3A_791 : i32
    %dma_start3A_793 = arith.constant 1 : i32
    %dma_start3A_794 = arith.constant 1 : i32
    %dma_start3A_795 = arith.constant 0 : i32
    %dma_start3A_796 = arith.constant 0 : i32
    %dma_start3A_797 = tpu.memref_slice %arg10[%dma_start3A_793, %dma_start3A_795, %dma_start3A_796] : memref<3x80x128xf32, #tpu.memory_space<vmem>> -> memref<1x80x128xf32, #tpu.memory_space<vmem>>
    %dma_start3A_798 = tpu.memref_squeeze %dma_start3A_797 : memref<1x80x128xf32, #tpu.memory_space<vmem>> -> memref<80x128xf32, #tpu.memory_space<vmem>>
    %dma_start3A_799 = arith.constant 0 : i32
    %dma_start3A_800 = tpu.memref_slice %arg13[%add3A_792, %dma_start3A_799] : memref<10240x128xf32, #tpu.memory_space<vmem_shared>> -> memref<80x128xf32, #tpu.memory_space<vmem_shared>>
    %dma_start3A_801 = tpu.memref_slice %arg11[%dma_start3A_794] : memref<3x!tpu.dma_semaphore, #tpu.memory_space<semaphore_mem>> -> memref<1x!tpu.dma_semaphore, #tpu.memory_space<semaphore_mem>>
    %dma_start3A_802 = tpu.memref_squeeze %dma_start3A_801 : memref<1x!tpu.dma_semaphore, #tpu.memory_space<semaphore_mem>> -> memref<!tpu.dma_semaphore, #tpu.memory_space<semaphore_mem>>
    %dma_start3A_803 = arith.constant 0 : i32
    %dma_start3A_804 = arith.constant 0 : i32
    %dma_start3A_805 = tpu.memref_slice %arg10[%dma_start3A_793, %dma_start3A_803, %dma_start3A_804] : memref<3x80x128xf32, #tpu.memory_space<vmem>> -> memref<1x80x128xf32, #tpu.memory_space<vmem>>
    %dma_start3A_806 = tpu.memref_squeeze %dma_start3A_805 : memref<1x80x128xf32, #tpu.memory_space<vmem>> -> memref<80x128xf32, #tpu.memory_space<vmem>>
    %dma_start3A_807 = arith.constant 0 : i32
    %dma_start3A_808 = tpu.memref_slice %arg13[%add3A_792, %dma_start3A_807] : memref<10240x128xf32, #tpu.memory_space<vmem_shared>> -> memref<80x128xf32, #tpu.memory_space<vmem_shared>>
    tpu.enqueue_dma source(%dma_start3A_808 : memref<80x128xf32, #tpu.memory_space<vmem_shared>>) target(%dma_start3A_806 : memref<80x128xf32, #tpu.memory_space<vmem>>) target_semaphore(%dma_start3A_802 : memref<!tpu.dma_semaphore, #tpu.memory_space<semaphore_mem>>)
    %add3A_809 = arith.constant 560 : i32
    %add3A_810 = arith.addi %mul3A_0, %add3A_809 : i32
    %dma_wait3A_811 = arith.constant 1 : i32
    %dma_wait3A_812 = arith.constant 1 : i32
    %dma_wait3A_813 = arith.constant 0 : i32
    %dma_wait3A_814 = arith.constant 0 : i32
    %dma_wait3A_815 = tpu.memref_slice %arg10[%dma_wait3A_811, %dma_wait3A_813, %dma_wait3A_814] : memref<3x80x128xf32, #tpu.memory_space<vmem>> -> memref<1x80x128xf32, #tpu.memory_space<vmem>>
    %dma_wait3A_816 = tpu.memref_squeeze %dma_wait3A_815 : memref<1x80x128xf32, #tpu.memory_space<vmem>> -> memref<80x128xf32, #tpu.memory_space<vmem>>
    %dma_wait3A_817 = arith.constant 0 : i32
    %dma_wait3A_818 = tpu.memref_slice %arg13[%add3A_810, %dma_wait3A_817] : memref<10240x128xf32, #tpu.memory_space<vmem_shared>> -> memref<80x128xf32, #tpu.memory_space<vmem_shared>>
    %dma_wait3A_819 = tpu.memref_slice %arg11[%dma_wait3A_812] : memref<3x!tpu.dma_semaphore, #tpu.memory_space<semaphore_mem>> -> memref<1x!tpu.dma_semaphore, #tpu.memory_space<semaphore_mem>>
    %dma_wait3A_820 = tpu.memref_squeeze %dma_wait3A_819 : memref<1x!tpu.dma_semaphore, #tpu.memory_space<semaphore_mem>> -> memref<!tpu.dma_semaphore, #tpu.memory_space<semaphore_mem>>
    %dma_wait3A_821 = arith.constant 0 : i32
    %dma_wait3A_822 = arith.constant 0 : i32
    %dma_wait3A_823 = tpu.memref_slice %arg10[%dma_wait3A_811, %dma_wait3A_821, %dma_wait3A_822] : memref<3x80x128xf32, #tpu.memory_space<vmem>> -> memref<1x80x128xf32, #tpu.memory_space<vmem>>
    %dma_wait3A_824 = tpu.memref_squeeze %dma_wait3A_823 : memref<1x80x128xf32, #tpu.memory_space<vmem>> -> memref<80x128xf32, #tpu.memory_space<vmem>>
    %dma_wait3A_825 = arith.constant 0 : i32
    %dma_wait3A_826 = tpu.memref_slice %arg13[%add3A_810, %dma_wait3A_825] : memref<10240x128xf32, #tpu.memory_space<vmem_shared>> -> memref<80x128xf32, #tpu.memory_space<vmem_shared>>
    tpu.wait_dma2 semaphore(%dma_wait3A_820 : memref<!tpu.dma_semaphore, #tpu.memory_space<semaphore_mem>>) src(%dma_wait3A_826 : memref<80x128xf32, #tpu.memory_space<vmem_shared>>) dst(%dma_wait3A_824 : memref<80x128xf32, #tpu.memory_space<vmem>>)
    %add3A_827 = arith.constant 560 : i32
    %add3A_828 = arith.addi %mul3A_0, %add3A_827 : i32
    %dma_start3A_829 = arith.constant 1 : i32
    %dma_start3A_830 = arith.constant 1 : i32
    %dma_start3A_831 = arith.constant 0 : i32
    %dma_start3A_832 = arith.constant 0 : i32
    %dma_start3A_833 = tpu.memref_slice %arg10[%dma_start3A_829, %dma_start3A_831, %dma_start3A_832] : memref<3x80x128xf32, #tpu.memory_space<vmem>> -> memref<1x80x128xf32, #tpu.memory_space<vmem>>
    %dma_start3A_834 = tpu.memref_squeeze %dma_start3A_833 : memref<1x80x128xf32, #tpu.memory_space<vmem>> -> memref<80x128xf32, #tpu.memory_space<vmem>>
    %dma_start3A_835 = arith.constant 0 : i32
    %dma_start3A_836 = tpu.memref_slice %arg6[%arg0, %add3A_828, %dma_start3A_835] : memref<2x10240x128xf32, #tpu.memory_space<hbm>> -> memref<1x80x128xf32, #tpu.memory_space<hbm>>
    %dma_start3A_837 = tpu.memref_squeeze %dma_start3A_836 : memref<1x80x128xf32, #tpu.memory_space<hbm>> -> memref<80x128xf32, #tpu.memory_space<hbm>>
    %dma_start3A_838 = tpu.memref_slice %arg12[%dma_start3A_830] : memref<3x!tpu.dma_semaphore, #tpu.memory_space<semaphore_mem>> -> memref<1x!tpu.dma_semaphore, #tpu.memory_space<semaphore_mem>>
    %dma_start3A_839 = tpu.memref_squeeze %dma_start3A_838 : memref<1x!tpu.dma_semaphore, #tpu.memory_space<semaphore_mem>> -> memref<!tpu.dma_semaphore, #tpu.memory_space<semaphore_mem>>
    %dma_start3A_840 = arith.constant 0 : i32
    %dma_start3A_841 = tpu.memref_slice %arg6[%arg0, %add3A_828, %dma_start3A_840] : memref<2x10240x128xf32, #tpu.memory_space<hbm>> -> memref<1x80x128xf32, #tpu.memory_space<hbm>>
    %dma_start3A_842 = tpu.memref_squeeze %dma_start3A_841 : memref<1x80x128xf32, #tpu.memory_space<hbm>> -> memref<80x128xf32, #tpu.memory_space<hbm>>
    %dma_start3A_843 = arith.constant 0 : i32
    %dma_start3A_844 = arith.constant 0 : i32
    %dma_start3A_845 = tpu.memref_slice %arg10[%dma_start3A_829, %dma_start3A_843, %dma_start3A_844] : memref<3x80x128xf32, #tpu.memory_space<vmem>> -> memref<1x80x128xf32, #tpu.memory_space<vmem>>
    %dma_start3A_846 = tpu.memref_squeeze %dma_start3A_845 : memref<1x80x128xf32, #tpu.memory_space<vmem>> -> memref<80x128xf32, #tpu.memory_space<vmem>>
    tpu.enqueue_dma source(%dma_start3A_846 : memref<80x128xf32, #tpu.memory_space<vmem>>) target(%dma_start3A_842 : memref<80x128xf32, #tpu.memory_space<hbm>>) target_semaphore(%dma_start3A_839 : memref<!tpu.dma_semaphore, #tpu.memory_space<semaphore_mem>>)
    %add3A_847 = arith.constant 400 : i32
    %add3A_848 = arith.addi %mul3A_0, %add3A_847 : i32
    %dma_wait3A_849 = arith.constant 2 : i32
    %dma_wait3A_850 = arith.constant 2 : i32
    %dma_wait3A_851 = arith.constant 0 : i32
    %dma_wait3A_852 = arith.constant 0 : i32
    %dma_wait3A_853 = tpu.memref_slice %arg10[%dma_wait3A_849, %dma_wait3A_851, %dma_wait3A_852] : memref<3x80x128xf32, #tpu.memory_space<vmem>> -> memref<1x80x128xf32, #tpu.memory_space<vmem>>
    %dma_wait3A_854 = tpu.memref_squeeze %dma_wait3A_853 : memref<1x80x128xf32, #tpu.memory_space<vmem>> -> memref<80x128xf32, #tpu.memory_space<vmem>>
    %dma_wait3A_855 = arith.constant 0 : i32
    %dma_wait3A_856 = tpu.memref_slice %arg6[%arg0, %add3A_848, %dma_wait3A_855] : memref<2x10240x128xf32, #tpu.memory_space<hbm>> -> memref<1x80x128xf32, #tpu.memory_space<hbm>>
    %dma_wait3A_857 = tpu.memref_squeeze %dma_wait3A_856 : memref<1x80x128xf32, #tpu.memory_space<hbm>> -> memref<80x128xf32, #tpu.memory_space<hbm>>
    %dma_wait3A_858 = tpu.memref_slice %arg12[%dma_wait3A_850] : memref<3x!tpu.dma_semaphore, #tpu.memory_space<semaphore_mem>> -> memref<1x!tpu.dma_semaphore, #tpu.memory_space<semaphore_mem>>
    %dma_wait3A_859 = tpu.memref_squeeze %dma_wait3A_858 : memref<1x!tpu.dma_semaphore, #tpu.memory_space<semaphore_mem>> -> memref<!tpu.dma_semaphore, #tpu.memory_space<semaphore_mem>>
    %dma_wait3A_860 = arith.constant 0 : i32
    %dma_wait3A_861 = tpu.memref_slice %arg6[%arg0, %add3A_848, %dma_wait3A_860] : memref<2x10240x128xf32, #tpu.memory_space<hbm>> -> memref<1x80x128xf32, #tpu.memory_space<hbm>>
    %dma_wait3A_862 = tpu.memref_squeeze %dma_wait3A_861 : memref<1x80x128xf32, #tpu.memory_space<hbm>> -> memref<80x128xf32, #tpu.memory_space<hbm>>
    %dma_wait3A_863 = arith.constant 0 : i32
    %dma_wait3A_864 = arith.constant 0 : i32
    %dma_wait3A_865 = tpu.memref_slice %arg10[%dma_wait3A_849, %dma_wait3A_863, %dma_wait3A_864] : memref<3x80x128xf32, #tpu.memory_space<vmem>> -> memref<1x80x128xf32, #tpu.memory_space<vmem>>
    %dma_wait3A_866 = tpu.memref_squeeze %dma_wait3A_865 : memref<1x80x128xf32, #tpu.memory_space<vmem>> -> memref<80x128xf32, #tpu.memory_space<vmem>>
    tpu.wait_dma2 semaphore(%dma_wait3A_859 : memref<!tpu.dma_semaphore, #tpu.memory_space<semaphore_mem>>) src(%dma_wait3A_866 : memref<80x128xf32, #tpu.memory_space<vmem>>) dst(%dma_wait3A_862 : memref<80x128xf32, #tpu.memory_space<hbm>>)
    %add3A_867 = arith.constant 480 : i32
    %add3A_868 = arith.addi %mul3A_0, %add3A_867 : i32
    %dma_wait3A_869 = arith.constant 0 : i32
    %dma_wait3A_870 = arith.constant 0 : i32
    %dma_wait3A_871 = arith.constant 0 : i32
    %dma_wait3A_872 = arith.constant 0 : i32
    %dma_wait3A_873 = tpu.memref_slice %arg10[%dma_wait3A_869, %dma_wait3A_871, %dma_wait3A_872] : memref<3x80x128xf32, #tpu.memory_space<vmem>> -> memref<1x80x128xf32, #tpu.memory_space<vmem>>
    %dma_wait3A_874 = tpu.memref_squeeze %dma_wait3A_873 : memref<1x80x128xf32, #tpu.memory_space<vmem>> -> memref<80x128xf32, #tpu.memory_space<vmem>>
    %dma_wait3A_875 = arith.constant 0 : i32
    %dma_wait3A_876 = tpu.memref_slice %arg6[%arg0, %add3A_868, %dma_wait3A_875] : memref<2x10240x128xf32, #tpu.memory_space<hbm>> -> memref<1x80x128xf32, #tpu.memory_space<hbm>>
    %dma_wait3A_877 = tpu.memref_squeeze %dma_wait3A_876 : memref<1x80x128xf32, #tpu.memory_space<hbm>> -> memref<80x128xf32, #tpu.memory_space<hbm>>
    %dma_wait3A_878 = tpu.memref_slice %arg12[%dma_wait3A_870] : memref<3x!tpu.dma_semaphore, #tpu.memory_space<semaphore_mem>> -> memref<1x!tpu.dma_semaphore, #tpu.memory_space<semaphore_mem>>
    %dma_wait3A_879 = tpu.memref_squeeze %dma_wait3A_878 : memref<1x!tpu.dma_semaphore, #tpu.memory_space<semaphore_mem>> -> memref<!tpu.dma_semaphore, #tpu.memory_space<semaphore_mem>>
    %dma_wait3A_880 = arith.constant 0 : i32
    %dma_wait3A_881 = tpu.memref_slice %arg6[%arg0, %add3A_868, %dma_wait3A_880] : memref<2x10240x128xf32, #tpu.memory_space<hbm>> -> memref<1x80x128xf32, #tpu.memory_space<hbm>>
    %dma_wait3A_882 = tpu.memref_squeeze %dma_wait3A_881 : memref<1x80x128xf32, #tpu.memory_space<hbm>> -> memref<80x128xf32, #tpu.memory_space<hbm>>
    %dma_wait3A_883 = arith.constant 0 : i32
    %dma_wait3A_884 = arith.constant 0 : i32
    %dma_wait3A_885 = tpu.memref_slice %arg10[%dma_wait3A_869, %dma_wait3A_883, %dma_wait3A_884] : memref<3x80x128xf32, #tpu.memory_space<vmem>> -> memref<1x80x128xf32, #tpu.memory_space<vmem>>
    %dma_wait3A_886 = tpu.memref_squeeze %dma_wait3A_885 : memref<1x80x128xf32, #tpu.memory_space<vmem>> -> memref<80x128xf32, #tpu.memory_space<vmem>>
    tpu.wait_dma2 semaphore(%dma_wait3A_879 : memref<!tpu.dma_semaphore, #tpu.memory_space<semaphore_mem>>) src(%dma_wait3A_886 : memref<80x128xf32, #tpu.memory_space<vmem>>) dst(%dma_wait3A_882 : memref<80x128xf32, #tpu.memory_space<hbm>>)
    %add3A_887 = arith.constant 560 : i32
    %add3A_888 = arith.addi %mul3A_0, %add3A_887 : i32
    %dma_wait3A_889 = arith.constant 1 : i32
    %dma_wait3A_890 = arith.constant 1 : i32
    %dma_wait3A_891 = arith.constant 0 : i32
    %dma_wait3A_892 = arith.constant 0 : i32
    %dma_wait3A_893 = tpu.memref_slice %arg10[%dma_wait3A_889, %dma_wait3A_891, %dma_wait3A_892] : memref<3x80x128xf32, #tpu.memory_space<vmem>> -> memref<1x80x128xf32, #tpu.memory_space<vmem>>
    %dma_wait3A_894 = tpu.memref_squeeze %dma_wait3A_893 : memref<1x80x128xf32, #tpu.memory_space<vmem>> -> memref<80x128xf32, #tpu.memory_space<vmem>>
    %dma_wait3A_895 = arith.constant 0 : i32
    %dma_wait3A_896 = tpu.memref_slice %arg6[%arg0, %add3A_888, %dma_wait3A_895] : memref<2x10240x128xf32, #tpu.memory_space<hbm>> -> memref<1x80x128xf32, #tpu.memory_space<hbm>>
    %dma_wait3A_897 = tpu.memref_squeeze %dma_wait3A_896 : memref<1x80x128xf32, #tpu.memory_space<hbm>> -> memref<80x128xf32, #tpu.memory_space<hbm>>
    %dma_wait3A_898 = tpu.memref_slice %arg12[%dma_wait3A_890] : memref<3x!tpu.dma_semaphore, #tpu.memory_space<semaphore_mem>> -> memref<1x!tpu.dma_semaphore, #tpu.memory_space<semaphore_mem>>
    %dma_wait3A_899 = tpu.memref_squeeze %dma_wait3A_898 : memref<1x!tpu.dma_semaphore, #tpu.memory_space<semaphore_mem>> -> memref<!tpu.dma_semaphore, #tpu.memory_space<semaphore_mem>>
    %dma_wait3A_900 = arith.constant 0 : i32
    %dma_wait3A_901 = tpu.memref_slice %arg6[%arg0, %add3A_888, %dma_wait3A_900] : memref<2x10240x128xf32, #tpu.memory_space<hbm>> -> memref<1x80x128xf32, #tpu.memory_space<hbm>>
    %dma_wait3A_902 = tpu.memref_squeeze %dma_wait3A_901 : memref<1x80x128xf32, #tpu.memory_space<hbm>> -> memref<80x128xf32, #tpu.memory_space<hbm>>
    %dma_wait3A_903 = arith.constant 0 : i32
    %dma_wait3A_904 = arith.constant 0 : i32
    %dma_wait3A_905 = tpu.memref_slice %arg10[%dma_wait3A_889, %dma_wait3A_903, %dma_wait3A_904] : memref<3x80x128xf32, #tpu.memory_space<vmem>> -> memref<1x80x128xf32, #tpu.memory_space<vmem>>
    %dma_wait3A_906 = tpu.memref_squeeze %dma_wait3A_905 : memref<1x80x128xf32, #tpu.memory_space<vmem>> -> memref<80x128xf32, #tpu.memory_space<vmem>>
    tpu.wait_dma2 semaphore(%dma_wait3A_899 : memref<!tpu.dma_semaphore, #tpu.memory_space<semaphore_mem>>) src(%dma_wait3A_906 : memref<80x128xf32, #tpu.memory_space<vmem>>) dst(%dma_wait3A_902 : memref<80x128xf32, #tpu.memory_space<hbm>>)
    return
  }
}

module attributes {stable_mosaic.version = 14 : i64} {
  func.func @_matmul_body(%arg0: i32, %arg1: memref<5120x128xf32, #tpu.memory_space<vmem>>, %arg2: memref<128x128xf32, #tpu.memory_space<vmem>>, %arg3: memref<5120x128xf32, #tpu.memory_space<vmem>>) attributes {dimension_semantics = [#tpu.dimension_semantics<arbitrary>], iteration_bounds = array<i64: 2>, scalar_prefetch = 0 : i64, scratch_operands = 0 : i64, tpu.core_type = #tpu.core_type<tc>, window_params = [{transform_indices = @transform_0, window_bounds = array<i64: 5120, 128>}, {pipeline_mode = #tpu.pipeline_mode<synchronous>, transform_indices = @transform_1, window_bounds = array<i64: 128, 128>}, {transform_indices = @transform_2, window_bounds = array<i64: 5120, 128>}]} {
    %get3A = arith.constant 0 : index
    %get3A_0 = arith.constant 0 : index
    %get3A_1 = vector.load %arg1[%get3A, %get3A_0] : memref<5120x128xf32, #tpu.memory_space<vmem>>, vector<5120x128xf32>
    %get3A_2 = arith.constant 0 : index
    %get3A_3 = arith.constant 0 : index
    %get3A_4 = vector.load %arg2[%get3A_2, %get3A_3] : memref<128x128xf32, #tpu.memory_space<vmem>>, vector<128x128xf32>
    %dot_general3A = arith.constant dense<0.000000e+00> : vector<5120x128xf32>
    %dot_general3A_5 = tpu.matmul %get3A_1, %get3A_4, %dot_general3A {dimension_numbers = #tpu.dot_dimension_numbers<[1], [0], [0], [1], [0, 0, 1, 1], [], []>, transpose_lhs_hint = false} : vector<5120x128xf32>, vector<128x128xf32>, vector<5120x128xf32> -> vector<5120x128xf32>
    %swap3A = arith.constant 0 : index
    %swap3A_6 = arith.constant 0 : index
    %swap3A_7 = vector.load %arg3[%swap3A, %swap3A_6] : memref<5120x128xf32, #tpu.memory_space<vmem>>, vector<5120x128xf32>
    tpu.vector_store %arg3[%swap3A, %swap3A_6], %dot_general3A_5 {strides = array<i32>} : memref<5120x128xf32, #tpu.memory_space<vmem>>, vector<5120x128xf32>,
    return
  }
  func.func @transform_0(%arg0: i32) -> (i32, i32) {
    %c0_i32 = arith.constant 0 : i32
    %c0_i32_0 = arith.constant 0 : i32
    return %arg0, %c0_i32 : i32, i32
  }
  func.func @transform_1(%arg0: i32) -> (i32, i32) {
    %c0_i32 = arith.constant 0 : i32
    %c0_i32_0 = arith.constant 0 : i32
    %c0_i32_1 = arith.constant 0 : i32
    return %c0_i32, %c0_i32_0 : i32, i32
  }
  func.func @transform_2(%arg0: i32) -> (i32, i32) {
    %c0_i32 = arith.constant 0 : i32
    %c0_i32_0 = arith.constant 0 : i32
    return %arg0, %c0_i32 : i32, i32
  }
}

module attributes {stable_mosaic.version = 14 : i64} {
  func.func @_epilogue_body(%arg0: i32, %arg1: memref<1x5000x128xf32, #tpu.memory_space<vmem>>, %arg2: memref<1x5000x128xf32, #tpu.memory_space<vmem>>, %arg3: memref<5000x128xf32, #tpu.memory_space<vmem>>, %arg4: memref<1x128xf32, #tpu.memory_space<vmem>>, %arg5: memref<5000x128xf32, #tpu.memory_space<vmem>>) attributes {dimension_semantics = [#tpu.dimension_semantics<arbitrary>], iteration_bounds = array<i64: 2>, scalar_prefetch = 0 : i64, scratch_operands = 0 : i64, tpu.core_type = #tpu.core_type<tc>, window_params = [{transform_indices = @transform_0, window_bounds = array<i64: 1, 5000, 128>}, {transform_indices = @transform_1, window_bounds = array<i64: 1, 5000, 128>}, {transform_indices = @transform_2, window_bounds = array<i64: 5000, 128>}, {pipeline_mode = #tpu.pipeline_mode<synchronous>, transform_indices = @transform_3, window_bounds = array<i64: 1, 128>}, {transform_indices = @transform_4, window_bounds = array<i64: 5000, 128>}]} {
    %get3A = arith.constant 0 : index
    %get3A_0 = arith.constant 0 : index
    %get3A_1 = vector.load %arg3[%get3A, %get3A_0] : memref<5000x128xf32, #tpu.memory_space<vmem>>, vector<5000x128xf32>
    %get3A_2 = arith.constant 0 : index
    %get3A_3 = arith.constant 0 : index
    %get3A_4 = arith.constant 0 : index
    %get3A_5 = vector.load %arg1[%get3A_2, %get3A_3, %get3A_4] : memref<1x5000x128xf32, #tpu.memory_space<vmem>>, vector<1x5000x128xf32>
    %get3A_6 = vector.shape_cast %get3A_5 : vector<1x5000x128xf32> to vector<5000x128xf32>
    %get3A_7 = arith.constant 0 : index
    %get3A_8 = arith.constant 0 : index
    %get3A_9 = arith.constant 0 : index
    %get3A_10 = vector.load %arg2[%get3A_7, %get3A_8, %get3A_9] : memref<1x5000x128xf32, #tpu.memory_space<vmem>>, vector<1x5000x128xf32>
    %get3A_11 = vector.shape_cast %get3A_10 : vector<1x5000x128xf32> to vector<5000x128xf32>
    %add3A = arith.addf %get3A_6, %get3A_11 : vector<5000x128xf32>
    %mul3A = arith.mulf %get3A_1, %add3A : vector<5000x128xf32>
    %get3A_12 = arith.constant 0 : index
    %get3A_13 = arith.constant 0 : index
    %get3A_14 = vector.load %arg4[%get3A_12, %get3A_13] : memref<1x128xf32, #tpu.memory_space<vmem>>, vector<1x128xf32>
    %add3A_15 = vector.broadcast %get3A_14 : vector<1x128xf32> to vector<5000x128xf32>
    %add3A_16 = arith.addf %mul3A, %add3A_15 : vector<5000x128xf32>
    %swap3A = arith.constant 0 : index
    %swap3A_17 = arith.constant 0 : index
    %swap3A_18 = vector.load %arg5[%swap3A, %swap3A_17] : memref<5000x128xf32, #tpu.memory_space<vmem>>, vector<5000x128xf32>
    tpu.vector_store %arg5[%swap3A, %swap3A_17], %add3A_16 {strides = array<i32>} : memref<5000x128xf32, #tpu.memory_space<vmem>>, vector<5000x128xf32>,
    return
  }
  func.func @transform_0(%arg0: i32) -> (i32, i32, i32) {
    %c0_i32 = arith.constant 0 : i32
    %c0_i32_0 = arith.constant 0 : i32
    %c0_i32_1 = arith.constant 0 : i32
    return %c0_i32, %arg0, %c0_i32_0 : i32, i32, i32
  }
  func.func @transform_1(%arg0: i32) -> (i32, i32, i32) {
    %c1_i32 = arith.constant 1 : i32
    %c0_i32 = arith.constant 0 : i32
    %c0_i32_0 = arith.constant 0 : i32
    return %c1_i32, %arg0, %c0_i32 : i32, i32, i32
  }
  func.func @transform_2(%arg0: i32) -> (i32, i32) {
    %c0_i32 = arith.constant 0 : i32
    %c0_i32_0 = arith.constant 0 : i32
    return %arg0, %c0_i32 : i32, i32
  }
  func.func @transform_3(%arg0: i32) -> (i32, i32) {
    %c0_i32 = arith.constant 0 : i32
    %c0_i32_0 = arith.constant 0 : i32
    %c0_i32_1 = arith.constant 0 : i32
    return %c0_i32, %c0_i32_0 : i32, i32
  }
  func.func @transform_4(%arg0: i32) -> (i32, i32) {
    %c0_i32 = arith.constant 0 : i32
    %c0_i32_0 = arith.constant 0 : i32
    return %arg0, %c0_i32 : i32, i32
  }
}

</mosaic_0001>

<sc_bundles>
// kernel: kernel.5.cloned.1.call-start
scs
__scs_entry_jumppad:
0x0: {  	(pc) =	sbr.rel $0x88, $3  }
0x1: {  	(tag) =	ssettag $0x0;
	lr =	simm.s32 $0x1  }
0x2: {  	[smem:$0x3F9B] =	sst lr;
	_ =	strace $0xD0000000  }
0x3: {  	_ = 	snop  }
0x4: {  	_ = 	snop  }
0x5: {  	_ = 	snop  }
0x6: {  	_ = 	snop  }
0x7: {  	_ = 	snop  }
__scs_overlays_trampoline_lowered:
0x8: {  	[smem:$0x3FAA] =	sst s0  }
0x9: {  	[smem:$0x3FAB] =	sst s1  }
0xa: {  	[smem:$0x3FAC] =	sst s2  }
0xb: {  	[smem:$0x3FAD] =	sst s3  }
0xc: {  	[smem:$0x3FAE] =	sst s4  }
0xd: {  	[smem:$0x3FAF] =	sst s5  }
0xe: {  	[smem:$0x3FB0] =	sst s6  }
0xf: {  	[smem:$0x3FB1] =	sst s7  }
0x10: {  	[smem:$0x3FB2] =	sst s8  }
0x11: {  	[smem:$0x3FB3] =	sst s9;
	s0 =	simm.s32 @!p0 $0x0  }
0x12: {  	s1 =	sld [smem:$0x3F99];
	s0 =	simm.s32 @p0 $0x1  }
0x13: {  	[smem:$0x3FB4] =	sst s0;
	s0 =	simm.s32 @!p1 $0x0  }
0x14: {  	s2 =	sld [smem:$0x3F98];
	s0 =	simm.s32 @p1 $0x1  }
0x15: {  	[smem:$0x3FB5] =	sst s0;
	s0 =	simm.s32 @!p2 $0x0  }
0x16: {  	s3 =	sld [smem:$0x3FDB];
	s0 =	simm.s32 @p2 $0x1  }
0x17: {  	s4 =	simm.s32 $0x1BF5;
	[smem:$0x3FB7] =	sst s0  }
0x18: {  	s0 =	sld [smem:$0x3F9A];
	_ =	swait.ge [sflag:s4], $0x0  }
0x19: {  	s7 =	sld [smem:$0x3F9B]  }
0x1a: {  	s8 =	sadd.s32 $0xFFFFE003, lr  }
0x1b: {  	s9 =	sadd.s32 $0xFFFFFEF7, lr;
	s5 =	simm.s32 $0xFFFFFFFF;
	p2 =	slt.u32 s8, $0xFFFFF086  }
0x1c: {  	p1 =	slt.u32 s9, $0xF7A;
	s5 =	simm.s32 @!p2 $0x0  }
0x1d: {  	s5 =	simm.s32 @p1 $0x1;
	p0 =	seq.s32 s7, s2  }
0x1e: {  	s7 =	smul.u32 @!p0 $0xF7A, s2;
	p2 =	seq.s32 @!p0 s5, $0x0  }
0x1f: {  	s9 =	smul.u32 $0xF7A, s1;
	s8 =	simm.s32 @!p0 $0x1BF5;
	p2 =	por !p2, p0  }
0x20: {  	[sflag:s8] =	ssyncset.s32 @!p0 $0xFFFFF086;
	s6 =	sadd.s32 @!p0 s3, s7;
	s7 =	simm.s32 @!p0 $0x108  }
0x21: {  	s3 =	sadd.s32 s3, s9;
	s6 =	sadd.s32 @!p0 $0x88, s6;
	s7 =	simm.s32 @p2 $0x1082  }
0x22: {  	[simem:s7], [sflag:s8] =	dma.local @!p0 [hbm:s6], $0xF7A  }
0x23: {  	s9 =	sor.u32 $0xD0000000, s2;
	s6 =	simm.s32 $0x108;
	_ =	swait.ge @!p0 [sflag:s8], $0x0  }
0x24: {  	s3 =	sadd.s32 $0x88, s3;
	s6 =	simm.s32 @!p1 $0x1082;
	[sflag:s4] =	ssyncset.s32 $0xFFFFF086  }
0x25: {  	[simem:s6], [sflag:s4] =	dma.local [hbm:s3], $0xF7A  }
0x26: {  	[smem:$0x3F9B] =	sst s1;
	(tag) =	ssettag s2;
	_ =	strace s9  }
0x27: {  	s1 =	sld [smem:$0x3FAB]  }
0x28: {  	s2 =	sld [smem:$0x3FAC]  }
0x29: {  	s4 =	sld [smem:$0x3FAE]  }
0x2a: {  	p0 =	seq.s32 s5, $0x0;
	s5 =	sld [smem:$0x3FAF]  }
0x2b: {  	s6 =	sld [smem:$0x3FB0]  }
0x2c: {  	s7 =	sld [smem:$0x3FB1]  }
0x2d: {  	s3 =	simm.s32 $0x108;
	s8 =	sld [smem:$0x3FB2]  }
0x2e: {  	s3 =	simm.s32 @!p0 $0x1082;
	s9 =	sld [smem:$0x3FB3]  }
0x2f: {  	lr =	sadd.s32 s0, s3;
	s0 =	sld [smem:$0x3FAA]  }
0x30: {  	s3 =	sld [smem:$0x3FAD]  }
0x31: {  	[smem:$0x3FB6] =	sst s10  }
0x32: {  	s10 =	sld [smem:$0x3FB4];
	_ =	sdelay $0x3  }
0x33: {  	p0 =	seq.s32 s10, $0x1;
	s10 =	sld [smem:$0x3FB6];
	_ =	sdelay $0x3  }
0x34: {  	[smem:$0x3FB6] =	sst s10  }
0x35: {  	s10 =	sld [smem:$0x3FB5];
	_ =	sdelay $0x3  }
0x36: {  	p1 =	seq.s32 s10, $0x1;
	s10 =	sld [smem:$0x3FB6];
	_ =	sdelay $0x3  }
0x37: {  	[smem:$0x3FB6] =	sst s10  }
0x38: {  	s10 =	sld [smem:$0x3FB7]  }
0x39: {  	_ = 	snop;
	(pc) =	sbr.ind lr, $3  }
0x3a: {  	_ = 	snop  }
0x3b: {  	_ = 	snop  }
0x3c: {  	p2 =	seq.s32 s10, $0x1;
	s10 =	sld [smem:$0x3FB6]  }
0x3d: {  	_ =	shalt  }
0x3e: {  	_ =	shalt  }
0x3f: {  	_ =	shalt  }
0x40: {  	_ =	shalt  }
0x41: {  	_ =	shalt  }
0x42: {  	_ =	shalt  }
0x43: {  	_ =	shalt  }
0x44: {  	_ =	shalt  }
0x45: {  	_ =	shalt  }
0x46: {  	_ =	shalt  }
0x47: {  	_ =	shalt  }
0x48: {  	_ =	shalt  }
0x49: {  	_ =	shalt  }
0x4a: {  	_ =	shalt  }
0x4b: {  	_ =	shalt  }
0x4c: {  	_ =	shalt  }
0x4d: {  	_ =	shalt  }
0x4e: {  	_ =	shalt  }
0x4f: {  	_ =	shalt  }
0x50: {  	_ =	shalt  }
0x51: {  	_ =	shalt  }
0x52: {  	_ =	shalt  }
0x53: {  	_ =	shalt  }
0x54: {  	_ =	shalt  }
0x55: {  	_ =	shalt  }
0x56: {  	_ =	shalt  }
0x57: {  	_ =	shalt  }
0x58: {  	_ =	shalt  }
0x59: {  	_ =	shalt  }
0x5a: {  	_ =	shalt  }
0x5b: {  	_ =	shalt  }
0x5c: {  	_ =	shalt  }
0x5d: {  	_ =	shalt  }
0x5e: {  	_ =	shalt  }
0x5f: {  	_ =	shalt  }
0x60: {  	_ =	shalt  }
0x61: {  	_ =	shalt  }
0x62: {  	_ =	shalt  }
0x63: {  	_ =	shalt  }
0x64: {  	_ =	shalt  }
0x65: {  	_ =	shalt  }
0x66: {  	_ =	shalt  }
0x67: {  	_ =	shalt  }
0x68: {  	_ =	shalt  }
0x69: {  	_ =	shalt  }
0x6a: {  	_ =	shalt  }
0x6b: {  	_ =	shalt  }
0x6c: {  	_ =	shalt  }
0x6d: {  	_ =	shalt  }
0x6e: {  	_ =	shalt  }
0x6f: {  	_ =	shalt  }
0x70: {  	_ =	shalt  }
0x71: {  	_ =	shalt  }
0x72: {  	_ =	shalt  }
0x73: {  	_ =	shalt  }
0x74: {  	_ =	shalt  }
0x75: {  	_ =	shalt  }
0x76: {  	_ =	shalt  }
0x77: {  	_ =	shalt  }
0x78: {  	_ =	shalt  }
0x79: {  	_ =	shalt  }
0x7a: {  	_ =	shalt  }
0x7b: {  	_ =	shalt  }
0x7c: {  	_ =	shalt  }
0x7d: {  	_ =	shalt  }
0x7e: {  	_ =	shalt  }
0x7f: {  	_ =	shalt  }
0x80: {  	_ =	shalt  }
0x81: {  	_ =	shalt  }
0x82: {  	_ =	shalt  }
0x83: {  	_ =	shalt  }
0x84: {  	_ =	shalt  }
0x85: {  	_ =	shalt  }
0x86: {  	_ =	shalt  }
0x87: {  	_ =	shalt  }
.Lfunc_end0:
.L_simem_size_0:
called_computation_lowered:
.L_overlay_start_0:
0x88: {  	s2 =	sld [smem:$0x3FD9]  }
0x89: {  	s3 =	sld [smem:$0x3FFE];
	_ =	sdelay $0x1  }
0x8a: {  	s1 =	srdreg.scid  }
0x8b: {  	s0 =	sand.u32 $0x1, s1  }
0x8c: {  	s17 =	sshll.u32 s0, $0xA;
	s2 =	sadd.s32 s3, s2  }
0x8d: {  	s2 =	sadd.s32 s2, s17  }
0x8e: {  	[smem:$0x3FC2] =	sst s2  }
0x8f: {  	_ = 	snop  }
0x90: {  	s2 =	sld [smem:$0x3FD0];
	(tm) =	ssettm $0x1  }
0x91: {  	s18 =	sld [smem:$0x3FFB];
	_ =	sdelay $0x3  }
0x92: {  	_ =	strace s18  }
0x93: {  	s3 =	sld [smem:$0x3FFC];
	_ =	sdelay $0x3  }
0x94: {  	_ =	strace s3  }
0x95: {  	s3 =	sld [smem:$0x3FFD];
	_ =	sdelay $0x3  }
0x96: {  	_ =	strace s3  }
0x97: {  	_ =	strace $0x8FFFFFFF  }
0x98: {  	s19 =	sld [smem:$0x3FDB];
	_ =	sdelay $0x1  }
0x99: {  	s4 =	simm.s32 $_scs_section_size  }
0x9a: {  	s5 =	simm.s32 $_size__tile_overlayer_lowered;
	s6 =	simm.s32 $_tile_overlayer_lowered  }
0x9b: {  	s22 =	simm.s32 $0x1BFF;
	s21 =	sshll.u32 s6, $0x1;
	s3 =	sadd.s32 s4, s19  }
0x9c: {  	s7 =	simm.s32 $0x0;
	s20 =	sshll.u32 s5, $0x1;
	s5 =	sadd.s32 s21, s3  }
0x9d: {  	[timem:s7], [sflag:s22] =	dma.local [hbm:s5], s20  }
0x9e: {  	_ =	swait.ge [sflag:s22], s20  }
0x9f: {  	s4 =	ssub.s32 $0x0, s20;
	[sflag:s22] =	ssyncset.done $0x0  }
0xa0: {  	[sflag:s22] =	ssyncadd.s32 s4;
	_ =	sdelay $0x1  }
0xa1: {  	s23 =	simm.s32 $0x1B8B  }
0xa2: {  	_ =	swait.ge [sflag:s23], $0x1  }
0xa3: {  	[sflag:s23] =	ssyncset.done $0x0  }
0xa4: {  	s25 =	simm.s32 $0x1B8E;
	s24 =	sld [smem:$0x3FFE];
	[sflag:s23] =	ssyncadd.s32 $0xFFFFFFFF  }
0xa5: {  	s26 =	simm.s32 $execute0_lowered;
	[smem:$0x3FD2] =	sst s25  }
0xa6: {  	s5 =	sshll.u32 s26, $0x1;
	_ =	strace $0x80000046;
	[dreg:$0x1] =	wrdreg $0xFFFFFFFF  }
0xa7: {  	s28 =	simm.s32 $_size_execute0_lowered;
	s3 =	sadd.s32 s3, s5;
	[dreg:$0x0] =	wrdreg $0x0  }
0xa8: {  	s5 =	sshll.u32 s28, $0x1;
	[dreg:$0x2] =	wrdreg s3  }
0xa9: {  	[dreg:$0x3] =	wrdreg s5  }
0xaa: {  	[dreg:$0x4] =	wrdreg $0xC0  }
0xab: {  	_ =	task [dreg:s7], $0x5FFFF  }
0xac: {  	[dreg:$0x1] =	wrdreg $0xFFFFFFFF  }
0xad: {  	[dreg:$0x0] =	wrdreg $0x60  }
0xae: {  	[dreg:$0x2] =	wrdreg s24  }
0xaf: {  	[dreg:$0x3] =	wrdreg s2  }
0xb0: {  	[dreg:$0x4] =	wrdreg $0xA8000  }
0xb1: {  	[dreg:$0x5] =	wrdreg $0x9  }
0xb2: {  	_ =	task.clear_ibuf [dreg:s7], $0x6FFFF;
	_ =	strace $0x90000046  }
0xb3: {  	s29 =	simm.s32 $0x9;
	_ =	strace $0x80000048  }
0xb4: {  	_ =	swait.ge [sflag:s29], $0x1  }
0xb5: {  	[sflag:s29] =	ssyncadd.s32 $0xFFFFFFFF  }
0xb6: {  	_ =	strace $0x90000048  }
0xb7: {  	_ =	sfence  }
0xb8: {  	s30 =	sld [smem:$0x0];
	_ =	sdelay $0x2  }
0xb9: {  	s31 =	sshll.u32 s1, $0xD;
	s1 =	sshrl.u32 s1, $0x2  }
0xba: {  	s3 =	sand.u32 $0x4000, s31;
	s1 =	sadd.s32 s1, s30  }
0xbb: {  	s0 =	sor.u32 s3, s0;
	s1 =	sshll.u32 s1, $0x11  }
0xbc: {  	s0 =	sor.u32 s1, s0  }
0xbd: {  	s0 =	sadd.s32 $0x8F2B, s0  }
0xbe: {  	[sflag:s0] =	ssyncadd.remote.s32 $0x1  }
0xbf: {  	_ =	sfence.sel $0xFFFF  }
0xc0: {  	[dreg:$0x0] =	wrdreg $0xFFFFFFFF;
	(pc) =	sbr.abs _section_cstart, $3  }
0xc1: {  	[dreg:$0x1] =	wrdreg $0xFFFFFFFF  }
0xc2: {  	_ =	task.clear_ibuf [dreg:s7], $0x2FFFF;
	_ =	strace $0x9FFFFFFF  }
0xc3: {  	(tm) =	ssettm $0x7FFFFFFF  }
tec
execute0_lowered:
.L_overlay_start_1:
0x0: {  	(tag) =	ssettag $0x1  }
0x1: {  	s0 =	rddreg [dreg:$0x0]  }
0x2: {  	s1 =	rddreg [dreg:$0x1]  }
0x3: {  	s2 =	rddreg [dreg:$0x2];
	s3 =	srdreg.scid;
	s4 =	simm.s32 $0x0  }
0x4: {  	s15 =	stileid.u32;
	s28 =	simm.s32 $0x1;
	s29 =	simm.s32 $0x2  }
0x5: {  	s30 =	simm.s32 $0x3;
	s31 =	simm.s32 $0x4;
	s7 =	smul.u32 $0x14000, s15  }
0x6: {  	s3 =	sand.u32 $0x1, s3;
	[smem:$0x7FF] =	sst s4;
	s9 =	smul.u32 $0x50000, s15  }
0x7: {  	s5 =	sadd.s32 $0x29600, s0;
	s8 =	sadd.s32 $0x51600, s0;
	s20 =	smul.u32 $0x5000, s15  }
0x8: {  	s19 =	ssub.s32 $0x2, s3;
	_ =	strace $0x80000047;
	s14 =	smul.u32 $0x140000, s3  }
0x9: {  	s3 =	smul.u32 $0x50000, s3;
	s6 =	sshrl.u32 s19, $0x1;
	s10 =	sor.u32 $0x2800, s7  }
0xa: {  	s11 =	sadd.s32 $0x5000, s7;
	s12 =	sadd.s32 $0x7800, s7;
	s13 =	sadd.s32 $0xA000, s7  }
0xb: {  	s17 =	sadd.s32 $0xC800, s7;
	s18 =	sadd.s32 $0xF000, s7;
	s4 =	ssub.s32 s19, s6  }
0xc: {  	s21 =	sadd.s32 s7, s14;
	s16 =	sadd.s32 s14, s10;
	s7 =	sadd.s32 $0x11800, s7  }
0xd: {  	s6 =	sadd.s32 s20, s3;
	s24 =	sadd.s32 s14, s11;
	s25 =	sadd.s32 s14, s12  }
0xe: {  	s26 =	sadd.s32 s14, s13;
	s15 =	sshrl.u32 s21, $0x3;
	s16 =	sshrl.u32 s16, $0x3  }
0xf: {  	s3 =	sshrl.u32 s24, $0x3;
	s21 =	sadd.s32 s14, s17;
	s22 =	sadd.s32 s8, s15  }
0x10: {  	s23 =	sadd.s32 s8, s16;
	s15 =	sshrl.u32 s25, $0x3;
	s16 =	sshrl.u32 s26, $0x3  }
0x11: {  	s3 =	sadd.s32 s8, s3;
	s25 =	sshrl.u32 s9, $0x2;
	[dreg:$0x4] =	wrdreg s22  }
0x12: {  	s26 =	smax.u32 s4, $0x1;
	s9 =	simm.s32 $0x50;
	[dreg:$0x5] =	wrdreg s23  }
0x13: {  	[dreg:$0x6] =	wrdreg s3;
	s19 =	sadd.s32 s8, s15;
	s20 =	sadd.s32 s8, s16  }
0x14: {  	s22 =	sadd.s32 s14, s18;
	s14 =	sadd.s32 s14, s7;
	[dreg:$0x14] =	wrdreg s26  }
0x15: {  	s3 =	sshrl.u32 s21, $0x3;
	s16 =	sadd.s32 $0x15600, s0;
	[dreg:$0x7] =	wrdreg s19  }
0x16: {  	s21 =	sadd.s32 s11, s2;
	s18 =	sadd.s32 s18, s2;
	[dreg:$0x8] =	wrdreg s20  }
0x17: {  	s26 =	simm.s32 $0x3000;
	s11 =	simm.s32 $0x5800;
	[dreg:$0xe] =	wrdreg s21  }
0x18: {  	s15 =	sshrl.u32 s22, $0x3;
	s3 =	sadd.s32 s8, s3;
	[dreg:$0x12] =	wrdreg s18  }
0x19: {  	s14 =	sshrl.u32 s14, $0x3;
	s19 =	sadd.s32 s25, s2;
	[dreg:$0x9] =	wrdreg s3  }
0x1a: {  	s20 =	sadd.s32 s10, s2;
	s22 =	sadd.s32 s12, s2;
	[dreg:$0xc] =	wrdreg s19  }
0x1b: {  	s25 =	sadd.s32 s7, s2;
	s7 =	simm.s32 $0x1000;
	[dreg:$0xd] =	wrdreg s20  }
0x1c: {  	s10 =	simm.s32 $0x80;
	s12 =	simm.s32 $0x8000;
	[dreg:$0xf] =	wrdreg s22  }
0x1d: {  	s23 =	sadd.s32 s8, s15;
	s24 =	sadd.s32 s8, s14;
	[dreg:$0x13] =	wrdreg s25  }
0x1e: {  	s15 =	sadd.s32 $0x1600, s0;
	s0 =	simm.s32 $0x5;
	[dreg:$0xa] =	wrdreg s23  }
0x1f: {  	s3 =	simm.s32 $0x6;
	[dreg:$0xb] =	wrdreg s24;
	s23 =	sadd.s32 s13, s2  }
0x20: {  	s8 =	simm.s32 $0x2000;
	s24 =	sadd.s32 s17, s2;
	[dreg:$0x10] =	wrdreg s23  }
0x21: {  	v0 =	vimm.f32 $0.0e+00;
	s14 =	simm.s32 $0x0;
	s13 =	simm.s32 $0x1C00;
	[dreg:$0x11] =	wrdreg s24  }
.LBB2_1:
0x22: {  	s4 =	simm.s32 $0x0;
	s17 =	simm.s32 $0x200  }
.LBB2_2:
0x23: {  	p0 =	sne.s32 s17, $0x9E00;
	[tilespmem:s4+$0x3070] =	vst v0  }
0x24: {  	[tilespmem:s4+$0x3000] =	vst v0  }
0x25: {  	[tilespmem:s4+$0x3010] =	vst v0  }
.Ltmp0:
0x26: {  	[tilespmem:s4+$0x3020] =	vst v0;
	(pc) =	sbr.rel @p0 .LBB2_2-.Ltmp0, $4  }
0x27: {  	[tilespmem:s4+$0x3030] =	vst v0  }
0x28: {  	[tilespmem:s4+$0x3040] =	vst v0  }
0x29: {  	[tilespmem:s4+$0x3050] =	vst v0  }
0x2a: {  	[tilespmem:s4+$0x3060] =	vst v0;
	s4 =	sshra.s32 s17, $0x2;
	s17 =	sadd.s32 $0x200, s17  }
0x2b: {  	[tilespmem:s4+$0x3070] =	vst v0  }
0x2c: {  	[tilespmem:s4+$0x3000] =	vst v0  }
0x2d: {  	[tilespmem:s4+$0x3010] =	vst v0  }
0x2e: {  	[tilespmem:s4+$0x3020] =	vst v0  }
0x2f: {  	[tilespmem:s4+$0x3030] =	vst v0  }
0x30: {  	[tilespmem:s4+$0x3040] =	vst v0  }
0x31: {  	[tilespmem:s4+$0x3050] =	vst v0  }
0x32: {  	[tilespmem:s4+$0x3060] =	vst v0  }
0x33: {  	[spmem:s19] =	stream.linear.scatter [tilespmem:s26], [sflag:$0x1], $0x2800, $0x38;
	[tilespmem:$0x1E800] =	vst v63  }
0x34: {  	_ = 	snop  }
0x35: {  	[spmem:s20] =	stream.linear.scatter [tilespmem:s26], [sflag:$0x2], $0x2800, $0x38;
	[tilespmem:$0x1E800] =	vst v63  }
0x36: {  	_ = 	snop  }
0x37: {  	[spmem:s21] =	stream.linear.scatter [tilespmem:s26], [sflag:$0x3], $0x2800, $0x38;
	[tilespmem:$0x1E800] =	vst v63  }
0x38: {  	_ = 	snop  }
0x39: {  	[spmem:s22] =	stream.linear.scatter [tilespmem:s26], [sflag:$0x4], $0x2800, $0x38;
	[tilespmem:$0x1E800] =	vst v63  }
0x3a: {  	_ = 	snop  }
0x3b: {  	[spmem:s23] =	stream.linear.scatter [tilespmem:s26], [sflag:$0x5], $0x2800, $0x38;
	[tilespmem:$0x1E800] =	vst v63  }
0x3c: {  	[dreg:$0x15] =	wrdreg s14  }
0x3d: {  	[spmem:s24] =	stream.linear.scatter [tilespmem:s26], [sflag:$0x6], $0x2800, $0x38;
	[tilespmem:$0x1E800] =	vst v63  }
0x3e: {  	_ =	swait.ge [sflag:s28], $0x2800  }
0x3f: {  	[sflag:s28] =	ssyncset.done $0x0  }
0x40: {  	[sflag:s28] =	ssyncadd.s32 $0xFFFFD800  }
0x41: {  	[spmem:s18] =	stream.linear.scatter [tilespmem:s26], [sflag:$0x1], $0x2800, $0x38;
	[tilespmem:$0x1E800] =	vst v63  }
0x42: {  	_ =	swait.ge [sflag:s29], $0x2800  }
0x43: {  	[sflag:s29] =	ssyncset.done $0x0  }
0x44: {  	[sflag:s29] =	ssyncadd.s32 $0xFFFFD800  }
0x45: {  	[spmem:s25] =	stream.linear.scatter [tilespmem:s26], [sflag:$0x2], $0x2800, $0x38;
	[tilespmem:$0x1E800] =	vst v63  }
0x46: {  	_ =	swait.ge [sflag:s30], $0x2800  }
0x47: {  	[sflag:s30] =	ssyncset.done $0x0  }
0x48: {  	[sflag:s30] =	ssyncadd.s32 $0xFFFFD800  }
0x49: {  	_ =	swait.ge [sflag:s31], $0x2800  }
0x4a: {  	[sflag:s31] =	ssyncset.done $0x0  }
0x4b: {  	[sflag:s31] =	ssyncadd.s32 $0xFFFFD800  }
0x4c: {  	_ =	swait.ge [sflag:s0], $0x2800  }
0x4d: {  	[sflag:s0] =	ssyncset.done $0x0  }
0x4e: {  	[sflag:s0] =	ssyncadd.s32 $0xFFFFD800  }
0x4f: {  	_ =	swait.ge [sflag:s3], $0x2800  }
0x50: {  	[sflag:s3] =	ssyncset.done $0x0  }
0x51: {  	[sflag:s3] =	ssyncadd.s32 $0xFFFFD800  }
0x52: {  	_ =	swait.ge [sflag:s28], $0x2800  }
0x53: {  	[sflag:s28] =	ssyncset.done $0x0  }
0x54: {  	[sflag:s28] =	ssyncadd.s32 $0xFFFFD800  }
0x55: {  	_ =	swait.ge [sflag:s29], $0x2800  }
0x56: {  	[sflag:s29] =	ssyncset.done $0x0  }
0x57: {  	[sflag:s29] =	ssyncadd.s32 $0xFFFFD800  }
0x58: {  	s17 =	simm.s32 $0x0;
	s25 =	simm.s32 $0x0;
	[bflag:$0x0] =	sbarrier.arrive $0xFFFF  }
.LBB2_4:
0x59: {  	s4 =	sshll.u32 s17, $0xC  }
0x5a: {  	s4 =	sadd.s32 s4, s6  }
0x5b: {  	s4 =	sshrl.u32 s4, $0x3  }
0x5c: {  	s18 =	sadd.s32 s1, s4  }
0x5d: {  	[tilespmem:s25], [sflag:$0x1] =	stream.linear.gather [hbm4b:s18+s25], $0xC80, $0x38;
	[tilespmem:$0x1E800] =	vst v63  }
0x5e: {  	s24 =	sadd.s32 s15, s4  }
0x5f: {  	[tilespmem:s7], [sflag:$0x2] =	stream.linear.gather [hbm4b:s24+s25], $0xC80, $0x38;
	[tilespmem:$0x1E800] =	vst v63  }
0x60: {  	s4 =	sadd.s32 s16, s4  }
0x61: {  	[tilespmem:s8], [sflag:$0x3] =	stream.linear.gather [hbm4b:s4+s25], $0xC80, $0x38;
	[tilespmem:$0x1E800] =	vst v63  }
0x62: {  	_ =	swait.ge [sflag:s28], $0xC80  }
0x63: {  	[sflag:s28] =	ssyncset.done $0x0  }
0x64: {  	[sflag:s28] =	ssyncadd.s32 $0xFFFFF380  }
0x65: {  	_ =	swait.ge [sflag:s29], $0xC80  }
0x66: {  	[sflag:s29] =	ssyncset.done $0x0  }
0x67: {  	[sflag:s29] =	ssyncadd.s32 $0xFFFFF380  }
0x68: {  	_ =	swait.ge [sflag:s30], $0xC80  }
0x69: {  	[sflag:s30] =	ssyncset.done $0x0  }
0x6a: {  	[sflag:s30] =	ssyncadd.s32 $0xFFFFF380  }
0x6b: {  	[tilespmem:s26], [sflag:$0x1] =	stream.indirect.gather [hbm4b:s5+s9], $0x80, s25, s9, $0xb8;
	[tilespmem:$0x1E800] =	vst v63  }
0x6c: {  	s18 =	simm.s32 $0x0  }
0x6d: {  	[tilespmem:s11], [sflag:$0x2] =	stream.indirect.gather [hbm4b:s5+s9], $0x80, s10, s9, $0xb8;
	[tilespmem:$0x1E800] =	vst v63  }
.LBB2_5:
0x6e: {  	_ =	swait.ge [sflag:s28], $0x2800  }
0x6f: {  	p0 =	seq.s32 s18, $0x0;
	[sflag:s28] =	ssyncset.done $0x0  }
0x70: {  	s4 =	simm.s32 @!p0 $0x6;
	[sflag:s28] =	ssyncadd.s32 $0xFFFFD800  }
0x71: {  	s20 =	smul.u32 $0x180, s18;
	_ =	swait.ge @!p0 [sflag:s4], $0x2800  }
0x72: {  	[sflag:s4] =	ssyncset.done @!p0 $0x0  }
0x73: {  	s19 =	sadd.s32 $0x100, s20;
	[sflag:s4] =	ssyncadd.s32 @!p0 $0xFFFFD800  }
0x74: {  	[tilespmem:s12], [sflag:$0x3] =	stream.indirect.gather [hbm4b:s5+s9], $0x80, s19, s9, $0xb8;
	[tilespmem:$0x1E800] =	vst v63  }
0x75: {  	v1 =	vld [tilespmem:s20+$0x2000]  }
0x76: {  	s21 =	simm.s32 $0x3040  }
0x77: {  	v6 =	vld [tilespmem:s21+$0xFFFFFFC0]  }
0x78: {  	s24 =	simm.s32 $0x0;
	v8 =	vld [tilespmem:s21+$0xFFFFFFD0]  }
0x79: {  	v2 =	vmov s24;
	v7 =	vld [tilespmem:s21+$0xFFFFFFE0]  }
0x7a: {  	v4 =	vld [tilespmem:s21+$0x0];
	v2 =	vperm.xlane v1, v2  }
0x7b: {  	v5 =	vld [tilespmem:s21+$0x10]  }
0x7c: {  	v3 =	vld [tilespmem:s21+$0x20];
	v9 =	vmul.f32 v6, v2  }
0x7d: {  	s22 =	simm.s32 $0x1;
	s4 =	simm.s32 $0x3040;
	v8 =	vmul.f32 v8, v2;
	v6 =	vld [tilespmem:s21+$0x30]  }
.LBB2_6:
0x7e: {  	p0 =	sne.s32 s22, $0xF;
	[tilespmem:s21+$0xFFFFFFC0] =	vst v9;
	v7 =	vmul.f32 v7, v2;
	v9 =	vld [tilespmem:s21+$0xFFFFFFF0];
	s4 =	sadd.s32 $0x80, s4  }
0x7f: {  	v10 =	vld [tilespmem:s4+$0xFFFFFFC0];
	[tilespmem:s21+$0xFFFFFFD0] =	vst v8;
	v4 =	vmul.f32 v4, v2  }
0x80: {  	v8 =	vld [tilespmem:s4+$0xFFFFFFD0];
	[tilespmem:s21+$0xFFFFFFE0] =	vst v7;
	v5 =	vmul.f32 v5, v2  }
.Ltmp1:
0x81: {  	v11 =	vmov s22;
	v7 =	vld [tilespmem:s4+$0xFFFFFFE0];
	[tilespmem:s21+$0x0] =	vst v4;
	v3 =	vmul.f32 v3, v2;
	(pc) =	sbr.rel @p0 .LBB2_6-.Ltmp1, $4  }
0x82: {  	v11 =	vperm.xlane v1, v11;
	v4 =	vld [tilespmem:s4+$0x0];
	[tilespmem:s21+$0x10] =	vst v5;
	v6 =	vmul.f32 v6, v2  }
0x83: {  	v5 =	vld [tilespmem:s4+$0x10];
	v12 =	vmul.f32 v9, v2;
	[tilespmem:s21+$0x20] =	vst v3  }
0x84: {  	v2 =	vmov v11;
	v9 =	vmul.f32 v10, v11;
	v3 =	vld [tilespmem:s4+$0x20];
	[tilespmem:s21+$0x30] =	vst v6  }
0x85: {  	s22 =	sadd.s32 $0x1, s22;
	v8 =	vmul.f32 v8, v2;
	v6 =	vld [tilespmem:s4+$0x30];
	[tilespmem:s21+$0xFFFFFFF0] =	vst v12;
	s21 =	smov.u32 s4  }
0x86: {  	[tilespmem:s21+$0xFFFFFFC0] =	vst v9;
	v1 =	vmul.f32 v7, v2;
	v7 =	vld [tilespmem:s21+$0xFFFFFFF0]  }
0x87: {  	[tilespmem:s21+$0xFFFFFFD0] =	vst v8;
	v4 =	vmul.f32 v4, v2  }
0x88: {  	[tilespmem:s21+$0xFFFFFFE0] =	vst v1;
	v1 =	vmul.f32 v5, v2  }
0x89: {  	[tilespmem:s21+$0x0] =	vst v4;
	v3 =	vmul.f32 v3, v2  }
0x8a: {  	[tilespmem:s21+$0x10] =	vst v1;
	v1 =	vmul.f32 v6, v2  }
0x8b: {  	v2 =	vmul.f32 v7, v2;
	[tilespmem:s21+$0x20] =	vst v3  }
0x8c: {  	[tilespmem:s21+$0x30] =	vst v1  }
0x8d: {  	[tilespmem:s21+$0xFFFFFFF0] =	vst v2  }
0x8e: {  	v2 =	vld [tilespmem:s20+$0x2010]  }
0x8f: {  	s21 =	simm.s32 $0x3870  }
0x90: {  	v6 =	vld [tilespmem:s21+$0xFFFFFF90]  }
0x91: {  	s4 =	simm.s32 $0x0;
	v8 =	vld [tilespmem:s21+$0xFFFFFFA0]  }
0x92: {  	v1 =	vmov s4;
	v7 =	vld [tilespmem:s21+$0xFFFFFFB0]  }
0x93: {  	v4 =	vld [tilespmem:s21+$0xFFFFFFC0];
	v1 =	vperm.xlane v2, v1  }
0x94: {  	v5 =	vld [tilespmem:s21+$0xFFFFFFD0]  }
0x95: {  	v3 =	vld [tilespmem:s21+$0xFFFFFFE0];
	v9 =	vmul.f32 v6, v1  }
0x96: {  	s22 =	simm.s32 $0x1;
	s4 =	simm.s32 $0x3870;
	v8 =	vmul.f32 v8, v1;
	v6 =	vld [tilespmem:s21+$0x0]  }
.LBB2_8:
0x97: {  	p0 =	sne.s32 s22, $0xF;
	[tilespmem:s21+$0xFFFFFF90] =	vst v9;
	v7 =	vmul.f32 v7, v1;
	v9 =	vld [tilespmem:s21+$0xFFFFFFF0];
	s4 =	sadd.s32 $0x80, s4  }
0x98: {  	v10 =	vld [tilespmem:s4+$0xFFFFFF90];
	[tilespmem:s21+$0xFFFFFFA0] =	vst v8;
	v4 =	vmul.f32 v4, v1  }
0x99: {  	v8 =	vld [tilespmem:s4+$0xFFFFFFA0];
	[tilespmem:s21+$0xFFFFFFB0] =	vst v7;
	v5 =	vmul.f32 v5, v1  }
.Ltmp2:
0x9a: {  	v11 =	vmov s22;
	v7 =	vld [tilespmem:s4+$0xFFFFFFB0];
	[tilespmem:s21+$0xFFFFFFC0] =	vst v4;
	v3 =	vmul.f32 v3, v1;
	(pc) =	sbr.rel @p0 .LBB2_8-.Ltmp2, $4  }
0x9b: {  	v11 =	vperm.xlane v2, v11;
	v4 =	vld [tilespmem:s4+$0xFFFFFFC0];
	[tilespmem:s21+$0xFFFFFFD0] =	vst v5;
	v6 =	vmul.f32 v6, v1  }
0x9c: {  	v5 =	vld [tilespmem:s4+$0xFFFFFFD0];
	[tilespmem:s21+$0xFFFFFFE0] =	vst v3;
	v12 =	vmul.f32 v9, v1  }
0x9d: {  	v1 =	vmov v11;
	v9 =	vmul.f32 v10, v11;
	v3 =	vld [tilespmem:s4+$0xFFFFFFE0];
	[tilespmem:s21+$0x0] =	vst v6  }
0x9e: {  	s22 =	sadd.s32 $0x1, s22;
	v8 =	vmul.f32 v8, v1;
	v6 =	vld [tilespmem:s4+$0x0];
	[tilespmem:s21+$0xFFFFFFF0] =	vst v12;
	s21 =	smov.u32 s4  }
0x9f: {  	[tilespmem:s21+$0xFFFFFF90] =	vst v9;
	v2 =	vmul.f32 v7, v1;
	v7 =	vld [tilespmem:s21+$0xFFFFFFF0]  }
0xa0: {  	[tilespmem:s21+$0xFFFFFFA0] =	vst v8;
	v4 =	vmul.f32 v4, v1  }
0xa1: {  	[tilespmem:s21+$0xFFFFFFB0] =	vst v2;
	v2 =	vmul.f32 v5, v1  }
0xa2: {  	[tilespmem:s21+$0xFFFFFFC0] =	vst v4;
	v3 =	vmul.f32 v3, v1  }
0xa3: {  	[tilespmem:s21+$0xFFFFFFD0] =	vst v2;
	v2 =	vmul.f32 v6, v1  }
0xa4: {  	[tilespmem:s21+$0xFFFFFFE0] =	vst v3;
	v1 =	vmul.f32 v7, v1  }
0xa5: {  	[tilespmem:s21+$0x0] =	vst v2  }
0xa6: {  	[tilespmem:s21+$0xFFFFFFF0] =	vst v1  }
0xa7: {  	v2 =	vld [tilespmem:s20+$0x2020]  }
0xa8: {  	s21 =	simm.s32 $0x4070  }
0xa9: {  	v6 =	vld [tilespmem:s21+$0xFFFFFF90]  }
0xaa: {  	s4 =	simm.s32 $0x0;
	v8 =	vld [tilespmem:s21+$0xFFFFFFA0]  }
0xab: {  	v1 =	vmov s4;
	v7 =	vld [tilespmem:s21+$0xFFFFFFB0]  }
0xac: {  	v4 =	vld [tilespmem:s21+$0xFFFFFFC0];
	v1 =	vperm.xlane v2, v1  }
0xad: {  	v5 =	vld [tilespmem:s21+$0xFFFFFFD0]  }
0xae: {  	v3 =	vld [tilespmem:s21+$0xFFFFFFE0];
	v9 =	vmul.f32 v6, v1  }
0xaf: {  	s22 =	simm.s32 $0x1;
	s4 =	simm.s32 $0x4070;
	v8 =	vmul.f32 v8, v1;
	v6 =	vld [tilespmem:s21+$0x0]  }
.LBB2_10:
0xb0: {  	p0 =	sne.s32 s22, $0xF;
	[tilespmem:s21+$0xFFFFFF90] =	vst v9;
	v7 =	vmul.f32 v7, v1;
	v9 =	vld [tilespmem:s21+$0xFFFFFFF0];
	s4 =	sadd.s32 $0x80, s4  }
0xb1: {  	v10 =	vld [tilespmem:s4+$0xFFFFFF90];
	[tilespmem:s21+$0xFFFFFFA0] =	vst v8;
	v4 =	vmul.f32 v4, v1  }
0xb2: {  	v8 =	vld [tilespmem:s4+$0xFFFFFFA0];
	[tilespmem:s21+$0xFFFFFFB0] =	vst v7;
	v5 =	vmul.f32 v5, v1  }
.Ltmp3:
0xb3: {  	v11 =	vmov s22;
	v7 =	vld [tilespmem:s4+$0xFFFFFFB0];
	[tilespmem:s21+$0xFFFFFFC0] =	vst v4;
	v3 =	vmul.f32 v3, v1;
	(pc) =	sbr.rel @p0 .LBB2_10-.Ltmp3, $4  }
0xb4: {  	v11 =	vperm.xlane v2, v11;
	v4 =	vld [tilespmem:s4+$0xFFFFFFC0];
	[tilespmem:s21+$0xFFFFFFD0] =	vst v5;
	v6 =	vmul.f32 v6, v1  }
0xb5: {  	v5 =	vld [tilespmem:s4+$0xFFFFFFD0];
	[tilespmem:s21+$0xFFFFFFE0] =	vst v3;
	v12 =	vmul.f32 v9, v1  }
0xb6: {  	v1 =	vmov v11;
	v9 =	vmul.f32 v10, v11;
	v3 =	vld [tilespmem:s4+$0xFFFFFFE0];
	[tilespmem:s21+$0x0] =	vst v6  }
0xb7: {  	s22 =	sadd.s32 $0x1, s22;
	v8 =	vmul.f32 v8, v1;
	v6 =	vld [tilespmem:s4+$0x0];
	[tilespmem:s21+$0xFFFFFFF0] =	vst v12;
	s21 =	smov.u32 s4  }
0xb8: {  	[tilespmem:s21+$0xFFFFFF90] =	vst v9;
	v2 =	vmul.f32 v7, v1;
	v7 =	vld [tilespmem:s21+$0xFFFFFFF0]  }
0xb9: {  	[tilespmem:s21+$0xFFFFFFA0] =	vst v8;
	v4 =	vmul.f32 v4, v1  }
0xba: {  	[tilespmem:s21+$0xFFFFFFB0] =	vst v2;
	v2 =	vmul.f32 v5, v1  }
0xbb: {  	[tilespmem:s21+$0xFFFFFFC0] =	vst v4;
	v3 =	vmul.f32 v3, v1  }
0xbc: {  	[tilespmem:s21+$0xFFFFFFD0] =	vst v2;
	v2 =	vmul.f32 v6, v1  }
0xbd: {  	[tilespmem:s21+$0xFFFFFFE0] =	vst v3;
	v1 =	vmul.f32 v7, v1  }
0xbe: {  	[tilespmem:s21+$0x0] =	vst v2  }
0xbf: {  	[tilespmem:s21+$0xFFFFFFF0] =	vst v1  }
0xc0: {  	v2 =	vld [tilespmem:s20+$0x2030]  }
0xc1: {  	s21 =	simm.s32 $0x4870  }
0xc2: {  	v6 =	vld [tilespmem:s21+$0xFFFFFF90]  }
0xc3: {  	s4 =	simm.s32 $0x0;
	v8 =	vld [tilespmem:s21+$0xFFFFFFA0]  }
0xc4: {  	v1 =	vmov s4;
	v7 =	vld [tilespmem:s21+$0xFFFFFFB0]  }
0xc5: {  	v4 =	vld [tilespmem:s21+$0xFFFFFFC0];
	v1 =	vperm.xlane v2, v1  }
0xc6: {  	v5 =	vld [tilespmem:s21+$0xFFFFFFD0]  }
0xc7: {  	v3 =	vld [tilespmem:s21+$0xFFFFFFE0];
	v9 =	vmul.f32 v6, v1  }
0xc8: {  	s22 =	simm.s32 $0x1;
	s4 =	simm.s32 $0x4870;
	v8 =	vmul.f32 v8, v1;
	v6 =	vld [tilespmem:s21+$0x0]  }
.LBB2_12:
0xc9: {  	p0 =	sne.s32 s22, $0xF;
	[tilespmem:s21+$0xFFFFFF90] =	vst v9;
	v7 =	vmul.f32 v7, v1;
	v9 =	vld [tilespmem:s21+$0xFFFFFFF0];
	s4 =	sadd.s32 $0x80, s4  }
0xca: {  	v10 =	vld [tilespmem:s4+$0xFFFFFF90];
	[tilespmem:s21+$0xFFFFFFA0] =	vst v8;
	v4 =	vmul.f32 v4, v1  }
0xcb: {  	v8 =	vld [tilespmem:s4+$0xFFFFFFA0];
	[tilespmem:s21+$0xFFFFFFB0] =	vst v7;
	v5 =	vmul.f32 v5, v1  }
.Ltmp4:
0xcc: {  	v11 =	vmov s22;
	v7 =	vld [tilespmem:s4+$0xFFFFFFB0];
	[tilespmem:s21+$0xFFFFFFC0] =	vst v4;
	v3 =	vmul.f32 v3, v1;
	(pc) =	sbr.rel @p0 .LBB2_12-.Ltmp4, $4  }
0xcd: {  	v11 =	vperm.xlane v2, v11;
	v4 =	vld [tilespmem:s4+$0xFFFFFFC0];
	[tilespmem:s21+$0xFFFFFFD0] =	vst v5;
	v6 =	vmul.f32 v6, v1  }
0xce: {  	v5 =	vld [tilespmem:s4+$0xFFFFFFD0];
	[tilespmem:s21+$0xFFFFFFE0] =	vst v3;
	v12 =	vmul.f32 v9, v1  }
0xcf: {  	v1 =	vmov v11;
	v9 =	vmul.f32 v10, v11;
	v3 =	vld [tilespmem:s4+$0xFFFFFFE0];
	[tilespmem:s21+$0x0] =	vst v6  }
0xd0: {  	s22 =	sadd.s32 $0x1, s22;
	v8 =	vmul.f32 v8, v1;
	v6 =	vld [tilespmem:s4+$0x0];
	[tilespmem:s21+$0xFFFFFFF0] =	vst v12;
	s21 =	smov.u32 s4  }
0xd1: {  	[tilespmem:s21+$0xFFFFFF90] =	vst v9;
	v2 =	vmul.f32 v7, v1;
	v7 =	vld [tilespmem:s21+$0xFFFFFFF0]  }
0xd2: {  	[tilespmem:s21+$0xFFFFFFA0] =	vst v8;
	v4 =	vmul.f32 v4, v1  }
0xd3: {  	[tilespmem:s21+$0xFFFFFFB0] =	vst v2;
	v2 =	vmul.f32 v5, v1  }
0xd4: {  	[tilespmem:s21+$0xFFFFFFC0] =	vst v4;
	v3 =	vmul.f32 v3, v1  }
0xd5: {  	[tilespmem:s21+$0xFFFFFFD0] =	vst v2;
	v2 =	vmul.f32 v6, v1  }
0xd6: {  	[tilespmem:s21+$0xFFFFFFE0] =	vst v3;
	v1 =	vmul.f32 v7, v1  }
0xd7: {  	[tilespmem:s21+$0x0] =	vst v2  }
0xd8: {  	[tilespmem:s21+$0xFFFFFFF0] =	vst v1  }
0xd9: {  	v2 =	vld [tilespmem:s20+$0x2040]  }
0xda: {  	s21 =	simm.s32 $0x5070  }
0xdb: {  	v6 =	vld [tilespmem:s21+$0xFFFFFF90]  }
0xdc: {  	s4 =	simm.s32 $0x0;
	v8 =	vld [tilespmem:s21+$0xFFFFFFA0]  }
0xdd: {  	v1 =	vmov s4;
	v7 =	vld [tilespmem:s21+$0xFFFFFFB0]  }
0xde: {  	v4 =	vld [tilespmem:s21+$0xFFFFFFC0];
	v1 =	vperm.xlane v2, v1  }
0xdf: {  	v5 =	vld [tilespmem:s21+$0xFFFFFFD0]  }
0xe0: {  	v3 =	vld [tilespmem:s21+$0xFFFFFFE0];
	v9 =	vmul.f32 v6, v1  }
0xe1: {  	s22 =	simm.s32 $0x1;
	s4 =	simm.s32 $0x5070;
	v8 =	vmul.f32 v8, v1;
	v6 =	vld [tilespmem:s21+$0x0]  }
.LBB2_14:
0xe2: {  	p0 =	sne.s32 s22, $0xF;
	[tilespmem:s21+$0xFFFFFF90] =	vst v9;
	v7 =	vmul.f32 v7, v1;
	v9 =	vld [tilespmem:s21+$0xFFFFFFF0];
	s4 =	sadd.s32 $0x80, s4  }
0xe3: {  	v10 =	vld [tilespmem:s4+$0xFFFFFF90];
	[tilespmem:s21+$0xFFFFFFA0] =	vst v8;
	v4 =	vmul.f32 v4, v1  }
0xe4: {  	v8 =	vld [tilespmem:s4+$0xFFFFFFA0];
	[tilespmem:s21+$0xFFFFFFB0] =	vst v7;
	v5 =	vmul.f32 v5, v1  }
.Ltmp5:
0xe5: {  	v11 =	vmov s22;
	v7 =	vld [tilespmem:s4+$0xFFFFFFB0];
	[tilespmem:s21+$0xFFFFFFC0] =	vst v4;
	v3 =	vmul.f32 v3, v1;
	(pc) =	sbr.rel @p0 .LBB2_14-.Ltmp5, $4  }
0xe6: {  	v11 =	vperm.xlane v2, v11;
	v4 =	vld [tilespmem:s4+$0xFFFFFFC0];
	[tilespmem:s21+$0xFFFFFFD0] =	vst v5;
	v6 =	vmul.f32 v6, v1  }
0xe7: {  	v5 =	vld [tilespmem:s4+$0xFFFFFFD0];
	[tilespmem:s21+$0xFFFFFFE0] =	vst v3;
	v12 =	vmul.f32 v9, v1  }
0xe8: {  	v1 =	vmov v11;
	v9 =	vmul.f32 v10, v11;
	v3 =	vld [tilespmem:s4+$0xFFFFFFE0];
	[tilespmem:s21+$0x0] =	vst v6  }
0xe9: {  	s22 =	sadd.s32 $0x1, s22;
	v8 =	vmul.f32 v8, v1;
	v6 =	vld [tilespmem:s4+$0x0];
	[tilespmem:s21+$0xFFFFFFF0] =	vst v12;
	s21 =	smov.u32 s4  }
0xea: {  	[tilespmem:s21+$0xFFFFFF90] =	vst v9;
	v2 =	vmul.f32 v7, v1;
	v7 =	vld [tilespmem:s21+$0xFFFFFFF0]  }
0xeb: {  	[tilespmem:s21+$0xFFFFFFA0] =	vst v8;
	v4 =	vmul.f32 v4, v1  }
0xec: {  	[tilespmem:s21+$0xFFFFFFB0] =	vst v2;
	v2 =	vmul.f32 v5, v1  }
0xed: {  	[tilespmem:s21+$0xFFFFFFC0] =	vst v4;
	v3 =	vmul.f32 v3, v1  }
0xee: {  	[tilespmem:s21+$0xFFFFFFD0] =	vst v2;
	v2 =	vmul.f32 v6, v1  }
0xef: {  	[tilespmem:s21+$0xFFFFFFE0] =	vst v3;
	v1 =	vmul.f32 v7, v1  }
0xf0: {  	[tilespmem:s21+$0x0] =	vst v2  }
0xf1: {  	s4 =	sadd.s32 $0x1000, s20;
	[tilespmem:s21+$0xFFFFFFF0] =	vst v1  }
0xf2: {  	[spmem:s2] =	stream.indirect.scatter.add.f32 [tilespmem:s26], [sflag:$0x4], $0x80, s4, s9, $0xb8;
	[tilespmem:$0x1E800] =	vst v63  }
0xf3: {  	_ =	swait.ge [sflag:s29], $0x2800  }
0xf4: {  	[sflag:s29] =	ssyncset.done $0x0  }
0xf5: {  	s23 =	smul.u32 $0x600, s18;
	[sflag:s29] =	ssyncadd.s32 $0xFFFFD800  }
0xf6: {  	_ =	swait.ge [sflag:s31], $0x2800  }
0xf7: {  	s21 =	sshra.s32 s23, $0x2;
	[sflag:s31] =	ssyncset.done $0x0  }
0xf8: {  	s4 =	sadd.s32 $0x180, s21;
	[sflag:s31] =	ssyncadd.s32 $0xFFFFD800  }
0xf9: {  	[tilespmem:s26], [sflag:$0x1] =	stream.indirect.gather [hbm4b:s5+s9], $0x80, s4, s9, $0xb8;
	[tilespmem:$0x1E800] =	vst v63  }
0xfa: {  	v2 =	vld [tilespmem:s20+$0x2080]  }
0xfb: {  	s23 =	simm.s32 $0x5870  }
0xfc: {  	v6 =	vld [tilespmem:s23+$0xFFFFFF90]  }
0xfd: {  	s24 =	simm.s32 $0x0;
	v8 =	vld [tilespmem:s23+$0xFFFFFFA0]  }
0xfe: {  	v1 =	vmov s24;
	v7 =	vld [tilespmem:s23+$0xFFFFFFB0]  }
0xff: {  	v4 =	vld [tilespmem:s23+$0xFFFFFFC0];
	v1 =	vperm.xlane v2, v1  }
0x100: {  	v5 =	vld [tilespmem:s23+$0xFFFFFFD0]  }
0x101: {  	v3 =	vld [tilespmem:s23+$0xFFFFFFE0];
	v9 =	vmul.f32 v6, v1  }
0x102: {  	s22 =	sadd.s32 $0x80, s20;
	s24 =	simm.s32 $0x1;
	s4 =	simm.s32 $0x5870;
	v8 =	vmul.f32 v8, v1;
	v6 =	vld [tilespmem:s23+$0x0]  }
.LBB2_16:
0x103: {  	p0 =	sne.s32 s24, $0xF;
	[tilespmem:s23+$0xFFFFFF90] =	vst v9;
	v7 =	vmul.f32 v7, v1;
	v9 =	vld [tilespmem:s23+$0xFFFFFFF0];
	s4 =	sadd.s32 $0x80, s4  }
0x104: {  	v10 =	vld [tilespmem:s4+$0xFFFFFF90];
	[tilespmem:s23+$0xFFFFFFA0] =	vst v8;
	v4 =	vmul.f32 v4, v1  }
0x105: {  	v8 =	vld [tilespmem:s4+$0xFFFFFFA0];
	[tilespmem:s23+$0xFFFFFFB0] =	vst v7;
	v5 =	vmul.f32 v5, v1  }
.Ltmp6:
0x106: {  	v11 =	vmov s24;
	v7 =	vld [tilespmem:s4+$0xFFFFFFB0];
	[tilespmem:s23+$0xFFFFFFC0] =	vst v4;
	v3 =	vmul.f32 v3, v1;
	(pc) =	sbr.rel @p0 .LBB2_16-.Ltmp6, $4  }
0x107: {  	v11 =	vperm.xlane v2, v11;
	v4 =	vld [tilespmem:s4+$0xFFFFFFC0];
	[tilespmem:s23+$0xFFFFFFD0] =	vst v5;
	v6 =	vmul.f32 v6, v1  }
0x108: {  	v5 =	vld [tilespmem:s4+$0xFFFFFFD0];
	[tilespmem:s23+$0xFFFFFFE0] =	vst v3;
	v12 =	vmul.f32 v9, v1  }
0x109: {  	v1 =	vmov v11;
	v9 =	vmul.f32 v10, v11;
	v3 =	vld [tilespmem:s4+$0xFFFFFFE0];
	[tilespmem:s23+$0x0] =	vst v6  }
0x10a: {  	s24 =	sadd.s32 $0x1, s24;
	v8 =	vmul.f32 v8, v1;
	v6 =	vld [tilespmem:s4+$0x0];
	[tilespmem:s23+$0xFFFFFFF0] =	vst v12;
	s23 =	smov.u32 s4  }
0x10b: {  	[tilespmem:s23+$0xFFFFFF90] =	vst v9;
	v2 =	vmul.f32 v7, v1;
	v7 =	vld [tilespmem:s23+$0xFFFFFFF0]  }
0x10c: {  	[tilespmem:s23+$0xFFFFFFA0] =	vst v8;
	v4 =	vmul.f32 v4, v1  }
0x10d: {  	[tilespmem:s23+$0xFFFFFFB0] =	vst v2;
	v2 =	vmul.f32 v5, v1  }
0x10e: {  	[tilespmem:s23+$0xFFFFFFC0] =	vst v4;
	v3 =	vmul.f32 v3, v1  }
0x10f: {  	[tilespmem:s23+$0xFFFFFFD0] =	vst v2;
	v2 =	vmul.f32 v6, v1  }
0x110: {  	[tilespmem:s23+$0xFFFFFFE0] =	vst v3;
	v1 =	vmul.f32 v7, v1  }
0x111: {  	[tilespmem:s23+$0x0] =	vst v2  }
0x112: {  	[tilespmem:s23+$0xFFFFFFF0] =	vst v1  }
0x113: {  	v2 =	vld [tilespmem:s20+$0x2090]  }
0x114: {  	s23 =	simm.s32 $0x6070  }
0x115: {  	v6 =	vld [tilespmem:s23+$0xFFFFFF90]  }
0x116: {  	s4 =	simm.s32 $0x0;
	v8 =	vld [tilespmem:s23+$0xFFFFFFA0]  }
0x117: {  	v1 =	vmov s4;
	v7 =	vld [tilespmem:s23+$0xFFFFFFB0]  }
0x118: {  	v4 =	vld [tilespmem:s23+$0xFFFFFFC0];
	v1 =	vperm.xlane v2, v1  }
0x119: {  	v5 =	vld [tilespmem:s23+$0xFFFFFFD0]  }
0x11a: {  	v3 =	vld [tilespmem:s23+$0xFFFFFFE0];
	v9 =	vmul.f32 v6, v1  }
0x11b: {  	s24 =	simm.s32 $0x1;
	s4 =	simm.s32 $0x6070;
	v8 =	vmul.f32 v8, v1;
	v6 =	vld [tilespmem:s23+$0x0]  }
.LBB2_18:
0x11c: {  	p0 =	sne.s32 s24, $0xF;
	[tilespmem:s23+$0xFFFFFF90] =	vst v9;
	v7 =	vmul.f32 v7, v1;
	v9 =	vld [tilespmem:s23+$0xFFFFFFF0];
	s4 =	sadd.s32 $0x80, s4  }
0x11d: {  	v10 =	vld [tilespmem:s4+$0xFFFFFF90];
	[tilespmem:s23+$0xFFFFFFA0] =	vst v8;
	v4 =	vmul.f32 v4, v1  }
0x11e: {  	v8 =	vld [tilespmem:s4+$0xFFFFFFA0];
	[tilespmem:s23+$0xFFFFFFB0] =	vst v7;
	v5 =	vmul.f32 v5, v1  }
.Ltmp7:
0x11f: {  	v11 =	vmov s24;
	v7 =	vld [tilespmem:s4+$0xFFFFFFB0];
	[tilespmem:s23+$0xFFFFFFC0] =	vst v4;
	v3 =	vmul.f32 v3, v1;
	(pc) =	sbr.rel @p0 .LBB2_18-.Ltmp7, $4  }
0x120: {  	v11 =	vperm.xlane v2, v11;
	v4 =	vld [tilespmem:s4+$0xFFFFFFC0];
	[tilespmem:s23+$0xFFFFFFD0] =	vst v5;
	v6 =	vmul.f32 v6, v1  }
0x121: {  	v5 =	vld [tilespmem:s4+$0xFFFFFFD0];
	[tilespmem:s23+$0xFFFFFFE0] =	vst v3;
	v12 =	vmul.f32 v9, v1  }
0x122: {  	v1 =	vmov v11;
	v9 =	vmul.f32 v10, v11;
	v3 =	vld [tilespmem:s4+$0xFFFFFFE0];
	[tilespmem:s23+$0x0] =	vst v6  }
0x123: {  	s24 =	sadd.s32 $0x1, s24;
	v8 =	vmul.f32 v8, v1;
	v6 =	vld [tilespmem:s4+$0x0];
	[tilespmem:s23+$0xFFFFFFF0] =	vst v12;
	s23 =	smov.u32 s4  }
0x124: {  	[tilespmem:s23+$0xFFFFFF90] =	vst v9;
	v2 =	vmul.f32 v7, v1;
	v7 =	vld [tilespmem:s23+$0xFFFFFFF0]  }
0x125: {  	[tilespmem:s23+$0xFFFFFFA0] =	vst v8;
	v4 =	vmul.f32 v4, v1  }
0x126: {  	[tilespmem:s23+$0xFFFFFFB0] =	vst v2;
	v2 =	vmul.f32 v5, v1  }
0x127: {  	[tilespmem:s23+$0xFFFFFFC0] =	vst v4;
	v3 =	vmul.f32 v3, v1  }
0x128: {  	[tilespmem:s23+$0xFFFFFFD0] =	vst v2;
	v2 =	vmul.f32 v6, v1  }
0x129: {  	[tilespmem:s23+$0xFFFFFFE0] =	vst v3;
	v1 =	vmul.f32 v7, v1  }
0x12a: {  	[tilespmem:s23+$0x0] =	vst v2  }
0x12b: {  	[tilespmem:s23+$0xFFFFFFF0] =	vst v1  }
0x12c: {  	v2 =	vld [tilespmem:s20+$0x20A0]  }
0x12d: {  	s23 =	simm.s32 $0x6870  }
0x12e: {  	v6 =	vld [tilespmem:s23+$0xFFFFFF90]  }
0x12f: {  	s4 =	simm.s32 $0x0;
	v8 =	vld [tilespmem:s23+$0xFFFFFFA0]  }
0x130: {  	v1 =	vmov s4;
	v7 =	vld [tilespmem:s23+$0xFFFFFFB0]  }
0x131: {  	v4 =	vld [tilespmem:s23+$0xFFFFFFC0];
	v1 =	vperm.xlane v2, v1  }
0x132: {  	v5 =	vld [tilespmem:s23+$0xFFFFFFD0]  }
0x133: {  	v3 =	vld [tilespmem:s23+$0xFFFFFFE0];
	v9 =	vmul.f32 v6, v1  }
0x134: {  	s24 =	simm.s32 $0x1;
	s4 =	simm.s32 $0x6870;
	v8 =	vmul.f32 v8, v1;
	v6 =	vld [tilespmem:s23+$0x0]  }
.LBB2_20:
0x135: {  	p0 =	sne.s32 s24, $0xF;
	[tilespmem:s23+$0xFFFFFF90] =	vst v9;
	v7 =	vmul.f32 v7, v1;
	v9 =	vld [tilespmem:s23+$0xFFFFFFF0];
	s4 =	sadd.s32 $0x80, s4  }
0x136: {  	v10 =	vld [tilespmem:s4+$0xFFFFFF90];
	[tilespmem:s23+$0xFFFFFFA0] =	vst v8;
	v4 =	vmul.f32 v4, v1  }
0x137: {  	v8 =	vld [tilespmem:s4+$0xFFFFFFA0];
	[tilespmem:s23+$0xFFFFFFB0] =	vst v7;
	v5 =	vmul.f32 v5, v1  }
.Ltmp8:
0x138: {  	v11 =	vmov s24;
	v7 =	vld [tilespmem:s4+$0xFFFFFFB0];
	[tilespmem:s23+$0xFFFFFFC0] =	vst v4;
	v3 =	vmul.f32 v3, v1;
	(pc) =	sbr.rel @p0 .LBB2_20-.Ltmp8, $4  }
0x139: {  	v11 =	vperm.xlane v2, v11;
	v4 =	vld [tilespmem:s4+$0xFFFFFFC0];
	[tilespmem:s23+$0xFFFFFFD0] =	vst v5;
	v6 =	vmul.f32 v6, v1  }
0x13a: {  	v5 =	vld [tilespmem:s4+$0xFFFFFFD0];
	[tilespmem:s23+$0xFFFFFFE0] =	vst v3;
	v12 =	vmul.f32 v9, v1  }
0x13b: {  	v1 =	vmov v11;
	v9 =	vmul.f32 v10, v11;
	v3 =	vld [tilespmem:s4+$0xFFFFFFE0];
	[tilespmem:s23+$0x0] =	vst v6  }
0x13c: {  	s24 =	sadd.s32 $0x1, s24;
	v8 =	vmul.f32 v8, v1;
	v6 =	vld [tilespmem:s4+$0x0];
	[tilespmem:s23+$0xFFFFFFF0] =	vst v12;
	s23 =	smov.u32 s4  }
0x13d: {  	[tilespmem:s23+$0xFFFFFF90] =	vst v9;
	v2 =	vmul.f32 v7, v1;
	v7 =	vld [tilespmem:s23+$0xFFFFFFF0]  }
0x13e: {  	[tilespmem:s23+$0xFFFFFFA0] =	vst v8;
	v4 =	vmul.f32 v4, v1  }
0x13f: {  	[tilespmem:s23+$0xFFFFFFB0] =	vst v2;
	v2 =	vmul.f32 v5, v1  }
0x140: {  	[tilespmem:s23+$0xFFFFFFC0] =	vst v4;
	v3 =	vmul.f32 v3, v1  }
0x141: {  	[tilespmem:s23+$0xFFFFFFD0] =	vst v2;
	v2 =	vmul.f32 v6, v1  }
0x142: {  	[tilespmem:s23+$0xFFFFFFE0] =	vst v3;
	v1 =	vmul.f32 v7, v1  }
0x143: {  	[tilespmem:s23+$0x0] =	vst v2  }
0x144: {  	[tilespmem:s23+$0xFFFFFFF0] =	vst v1  }
0x145: {  	v2 =	vld [tilespmem:s20+$0x20B0]  }
0x146: {  	s23 =	simm.s32 $0x0  }
0x147: {  	v4 =	vld [tilespmem:s23+$0x7000]  }
0x148: {  	s24 =	simm.s32 $0x0;
	v8 =	vld [tilespmem:s23+$0x7010]  }
0x149: {  	v1 =	vmov s24;
	v7 =	vld [tilespmem:s23+$0x7020]  }
0x14a: {  	v5 =	vld [tilespmem:s23+$0x7030];
	v1 =	vperm.xlane v2, v1  }
0x14b: {  	v6 =	vld [tilespmem:s23+$0x7040]  }
0x14c: {  	v3 =	vld [tilespmem:s23+$0x7050];
	v9 =	vmul.f32 v4, v1  }
0x14d: {  	s4 =	simm.s32 $0x200;
	v8 =	vmul.f32 v8, v1;
	v4 =	vld [tilespmem:s23+$0x7060]  }
.LBB2_22:
0x14e: {  	s14 =	sshra.s32 s4, $0x2;
	p0 =	sne.s32 s4, $0x1E00;
	[tilespmem:s23+$0x7000] =	vst v9;
	v7 =	vmul.f32 v7, v1;
	v9 =	vld [tilespmem:s23+$0x7070]  }
0x14f: {  	v10 =	vld [tilespmem:s14+$0x7000];
	[tilespmem:s23+$0x7010] =	vst v8;
	v5 =	vmul.f32 v5, v1  }
0x150: {  	s24 =	sadd.s32 $0x1, s24;
	v8 =	vld [tilespmem:s14+$0x7010];
	[tilespmem:s23+$0x7020] =	vst v7;
	v6 =	vmul.f32 v6, v1  }
.Ltmp9:
0x151: {  	v11 =	vmov s24;
	v7 =	vld [tilespmem:s14+$0x7020];
	[tilespmem:s23+$0x7030] =	vst v5;
	v3 =	vmul.f32 v3, v1;
	(pc) =	sbr.rel @p0 .LBB2_22-.Ltmp9, $4  }
0x152: {  	v11 =	vperm.xlane v2, v11;
	v5 =	vld [tilespmem:s14+$0x7030];
	[tilespmem:s23+$0x7040] =	vst v6;
	v4 =	vmul.f32 v4, v1  }
0x153: {  	v6 =	vld [tilespmem:s14+$0x7040];
	[tilespmem:s23+$0x7050] =	vst v3;
	v12 =	vmul.f32 v9, v1  }
0x154: {  	v1 =	vmov v11;
	v9 =	vmul.f32 v10, v11;
	v3 =	vld [tilespmem:s14+$0x7050];
	[tilespmem:s23+$0x7060] =	vst v4  }
0x155: {  	s4 =	sadd.s32 $0x200, s4;
	v8 =	vmul.f32 v8, v1;
	v4 =	vld [tilespmem:s14+$0x7060];
	[tilespmem:s23+$0x7070] =	vst v12;
	s23 =	smov.u32 s14  }
0x156: {  	[tilespmem:s23+$0x7000] =	vst v9;
	v2 =	vmul.f32 v7, v1;
	v7 =	vld [tilespmem:s23+$0x7070]  }
0x157: {  	[tilespmem:s23+$0x7010] =	vst v8;
	v5 =	vmul.f32 v5, v1  }
0x158: {  	[tilespmem:s23+$0x7020] =	vst v2;
	v2 =	vmul.f32 v6, v1  }
0x159: {  	[tilespmem:s23+$0x7030] =	vst v5;
	v3 =	vmul.f32 v3, v1  }
0x15a: {  	[tilespmem:s23+$0x7040] =	vst v2;
	v2 =	vmul.f32 v4, v1  }
0x15b: {  	[tilespmem:s23+$0x7050] =	vst v3;
	v1 =	vmul.f32 v7, v1  }
0x15c: {  	[tilespmem:s23+$0x7060] =	vst v2  }
0x15d: {  	[tilespmem:s23+$0x7070] =	vst v1  }
0x15e: {  	v2 =	vld [tilespmem:s20+$0x20C0]  }
0x15f: {  	s23 =	simm.s32 $0x0  }
0x160: {  	v4 =	vld [tilespmem:s23+$0x7800]  }
0x161: {  	s24 =	simm.s32 $0x0;
	v8 =	vld [tilespmem:s23+$0x7810]  }
0x162: {  	v1 =	vmov s24;
	v7 =	vld [tilespmem:s23+$0x7820]  }
0x163: {  	v5 =	vld [tilespmem:s23+$0x7830];
	v1 =	vperm.xlane v2, v1  }
0x164: {  	v6 =	vld [tilespmem:s23+$0x7840]  }
0x165: {  	v3 =	vld [tilespmem:s23+$0x7850];
	v9 =	vmul.f32 v4, v1  }
0x166: {  	s4 =	simm.s32 $0x200;
	v8 =	vmul.f32 v8, v1;
	v4 =	vld [tilespmem:s23+$0x7860]  }
.LBB2_24:
0x167: {  	s14 =	sshra.s32 s4, $0x2;
	p0 =	sne.s32 s4, $0x1E00;
	[tilespmem:s23+$0x7800] =	vst v9;
	v7 =	vmul.f32 v7, v1;
	v9 =	vld [tilespmem:s23+$0x7870]  }
0x168: {  	v10 =	vld [tilespmem:s14+$0x7800];
	[tilespmem:s23+$0x7810] =	vst v8;
	v5 =	vmul.f32 v5, v1  }
0x169: {  	s24 =	sadd.s32 $0x1, s24;
	v8 =	vld [tilespmem:s14+$0x7810];
	[tilespmem:s23+$0x7820] =	vst v7;
	v6 =	vmul.f32 v6, v1  }
.Ltmp10:
0x16a: {  	v11 =	vmov s24;
	v7 =	vld [tilespmem:s14+$0x7820];
	[tilespmem:s23+$0x7830] =	vst v5;
	v3 =	vmul.f32 v3, v1;
	(pc) =	sbr.rel @p0 .LBB2_24-.Ltmp10, $4  }
0x16b: {  	v11 =	vperm.xlane v2, v11;
	v5 =	vld [tilespmem:s14+$0x7830];
	[tilespmem:s23+$0x7840] =	vst v6;
	v4 =	vmul.f32 v4, v1  }
0x16c: {  	v6 =	vld [tilespmem:s14+$0x7840];
	[tilespmem:s23+$0x7850] =	vst v3;
	v12 =	vmul.f32 v9, v1  }
0x16d: {  	v1 =	vmov v11;
	v9 =	vmul.f32 v10, v11;
	v3 =	vld [tilespmem:s14+$0x7850];
	[tilespmem:s23+$0x7860] =	vst v4  }
0x16e: {  	s4 =	sadd.s32 $0x200, s4;
	v8 =	vmul.f32 v8, v1;
	v4 =	vld [tilespmem:s14+$0x7860];
	[tilespmem:s23+$0x7870] =	vst v12;
	s23 =	smov.u32 s14  }
0x16f: {  	[tilespmem:s23+$0x7800] =	vst v9;
	v2 =	vmul.f32 v7, v1;
	v7 =	vld [tilespmem:s23+$0x7870]  }
0x170: {  	[tilespmem:s23+$0x7810] =	vst v8;
	v5 =	vmul.f32 v5, v1  }
0x171: {  	[tilespmem:s23+$0x7820] =	vst v2;
	v2 =	vmul.f32 v6, v1  }
0x172: {  	[tilespmem:s23+$0x7830] =	vst v5;
	v3 =	vmul.f32 v3, v1  }
0x173: {  	[tilespmem:s23+$0x7840] =	vst v2;
	v2 =	vmul.f32 v4, v1  }
0x174: {  	[tilespmem:s23+$0x7850] =	vst v3;
	v1 =	vmul.f32 v7, v1  }
0x175: {  	[tilespmem:s23+$0x7860] =	vst v2  }
0x176: {  	s4 =	sadd.s32 $0x1000, s22;
	[tilespmem:s23+$0x7870] =	vst v1  }
0x177: {  	[spmem:s2] =	stream.indirect.scatter.add.f32 [tilespmem:s11], [sflag:$0x5], $0x80, s4, s9, $0xb8;
	[tilespmem:$0x1E800] =	vst v63  }
0x178: {  	_ =	swait.ge [sflag:s30], $0x2800  }
0x179: {  	p0 =	seq.s32 s18, $0x7;
	[sflag:s30] =	ssyncset.done $0x0  }
0x17a: {  	s4 =	simm.s32 @!p0 $0x5;
	[sflag:s30] =	ssyncadd.s32 $0xFFFFD800  }
0x17b: {  	_ =	swait.ge @!p0 [sflag:s4], $0x2800  }
0x17c: {  	s14 =	simm.s32 @!p0 $0x50;
	[sflag:s4] =	ssyncset.done @!p0 $0x0  }
0x17d: {  	[sflag:s4] =	ssyncadd.s32 @!p0 $0xFFFFD800;
	s4 =	sadd.s32 @!p0 $0x200, s21;
	s21 =	simm.s32 @!p0 $0x5800  }
0x17e: {  	[tilespmem:s21], [sflag:$0x2] =	stream.indirect.gather @!p0 [hbm4b:s5+s14], $0x80, s4, s14, $0xb8;
	[tilespmem:$0x1E800] =	vst v63  }
0x17f: {  	v2 =	vld [tilespmem:s19+$0x2000]  }
0x180: {  	s21 =	simm.s32 $0x0  }
0x181: {  	v4 =	vld [tilespmem:s21+$0x8000]  }
0x182: {  	s22 =	simm.s32 $0x0;
	v8 =	vld [tilespmem:s21+$0x8010]  }
0x183: {  	v1 =	vmov s22;
	v7 =	vld [tilespmem:s21+$0x8020]  }
0x184: {  	v5 =	vld [tilespmem:s21+$0x8030];
	v1 =	vperm.xlane v2, v1  }
0x185: {  	v6 =	vld [tilespmem:s21+$0x8040]  }
0x186: {  	v3 =	vld [tilespmem:s21+$0x8050];
	v9 =	vmul.f32 v4, v1  }
0x187: {  	s4 =	simm.s32 $0x200;
	v8 =	vmul.f32 v8, v1;
	v4 =	vld [tilespmem:s21+$0x8060]  }
.LBB2_26:
0x188: {  	s14 =	sshra.s32 s4, $0x2;
	p0 =	sne.s32 s4, $0x1E00;
	[tilespmem:s21+$0x8000] =	vst v9;
	v7 =	vmul.f32 v7, v1;
	v9 =	vld [tilespmem:s21+$0x8070]  }
0x189: {  	v10 =	vld [tilespmem:s14+$0x8000];
	[tilespmem:s21+$0x8010] =	vst v8;
	v5 =	vmul.f32 v5, v1  }
0x18a: {  	s22 =	sadd.s32 $0x1, s22;
	v8 =	vld [tilespmem:s14+$0x8010];
	[tilespmem:s21+$0x8020] =	vst v7;
	v6 =	vmul.f32 v6, v1  }
.Ltmp11:
0x18b: {  	v11 =	vmov s22;
	v7 =	vld [tilespmem:s14+$0x8020];
	[tilespmem:s21+$0x8030] =	vst v5;
	v3 =	vmul.f32 v3, v1;
	(pc) =	sbr.rel @p0 .LBB2_26-.Ltmp11, $4  }
0x18c: {  	v11 =	vperm.xlane v2, v11;
	v5 =	vld [tilespmem:s14+$0x8030];
	[tilespmem:s21+$0x8040] =	vst v6;
	v4 =	vmul.f32 v4, v1  }
0x18d: {  	v6 =	vld [tilespmem:s14+$0x8040];
	[tilespmem:s21+$0x8050] =	vst v3;
	v12 =	vmul.f32 v9, v1  }
0x18e: {  	v1 =	vmov v11;
	v9 =	vmul.f32 v10, v11;
	v3 =	vld [tilespmem:s14+$0x8050];
	[tilespmem:s21+$0x8060] =	vst v4  }
0x18f: {  	s4 =	sadd.s32 $0x200, s4;
	v8 =	vmul.f32 v8, v1;
	v4 =	vld [tilespmem:s14+$0x8060];
	[tilespmem:s21+$0x8070] =	vst v12;
	s21 =	smov.u32 s14  }
0x190: {  	[tilespmem:s21+$0x8000] =	vst v9;
	v2 =	vmul.f32 v7, v1;
	v7 =	vld [tilespmem:s21+$0x8070]  }
0x191: {  	[tilespmem:s21+$0x8010] =	vst v8;
	v5 =	vmul.f32 v5, v1  }
0x192: {  	[tilespmem:s21+$0x8020] =	vst v2;
	v2 =	vmul.f32 v6, v1  }
0x193: {  	[tilespmem:s21+$0x8030] =	vst v5;
	v3 =	vmul.f32 v3, v1  }
0x194: {  	[tilespmem:s21+$0x8040] =	vst v2;
	v2 =	vmul.f32 v4, v1  }
0x195: {  	[tilespmem:s21+$0x8050] =	vst v3;
	v1 =	vmul.f32 v7, v1  }
0x196: {  	[tilespmem:s21+$0x8060] =	vst v2  }
0x197: {  	[tilespmem:s21+$0x8070] =	vst v1  }
0x198: {  	v2 =	vld [tilespmem:s20+$0x2110]  }
0x199: {  	s21 =	simm.s32 $0x0  }
0x19a: {  	v4 =	vld [tilespmem:s21+$0x8800]  }
0x19b: {  	s22 =	simm.s32 $0x0;
	v8 =	vld [tilespmem:s21+$0x8810]  }
0x19c: {  	v1 =	vmov s22;
	v7 =	vld [tilespmem:s21+$0x8820]  }
0x19d: {  	v5 =	vld [tilespmem:s21+$0x8830];
	v1 =	vperm.xlane v2, v1  }
0x19e: {  	v6 =	vld [tilespmem:s21+$0x8840]  }
0x19f: {  	v3 =	vld [tilespmem:s21+$0x8850];
	v9 =	vmul.f32 v4, v1  }
0x1a0: {  	s4 =	simm.s32 $0x200;
	v8 =	vmul.f32 v8, v1;
	v4 =	vld [tilespmem:s21+$0x8860]  }
.LBB2_28:
0x1a1: {  	s14 =	sshra.s32 s4, $0x2;
	p0 =	sne.s32 s4, $0x1E00;
	[tilespmem:s21+$0x8800] =	vst v9;
	v7 =	vmul.f32 v7, v1;
	v9 =	vld [tilespmem:s21+$0x8870]  }
0x1a2: {  	v10 =	vld [tilespmem:s14+$0x8800];
	[tilespmem:s21+$0x8810] =	vst v8;
	v5 =	vmul.f32 v5, v1  }
0x1a3: {  	s22 =	sadd.s32 $0x1, s22;
	v8 =	vld [tilespmem:s14+$0x8810];
	[tilespmem:s21+$0x8820] =	vst v7;
	v6 =	vmul.f32 v6, v1  }
.Ltmp12:
0x1a4: {  	v11 =	vmov s22;
	v7 =	vld [tilespmem:s14+$0x8820];
	[tilespmem:s21+$0x8830] =	vst v5;
	v3 =	vmul.f32 v3, v1;
	(pc) =	sbr.rel @p0 .LBB2_28-.Ltmp12, $4  }
0x1a5: {  	v11 =	vperm.xlane v2, v11;
	v5 =	vld [tilespmem:s14+$0x8830];
	[tilespmem:s21+$0x8840] =	vst v6;
	v4 =	vmul.f32 v4, v1  }
0x1a6: {  	v6 =	vld [tilespmem:s14+$0x8840];
	[tilespmem:s21+$0x8850] =	vst v3;
	v12 =	vmul.f32 v9, v1  }
0x1a7: {  	v1 =	vmov v11;
	v9 =	vmul.f32 v10, v11;
	v3 =	vld [tilespmem:s14+$0x8850];
	[tilespmem:s21+$0x8860] =	vst v4  }
0x1a8: {  	s4 =	sadd.s32 $0x200, s4;
	v8 =	vmul.f32 v8, v1;
	v4 =	vld [tilespmem:s14+$0x8860];
	[tilespmem:s21+$0x8870] =	vst v12;
	s21 =	smov.u32 s14  }
0x1a9: {  	[tilespmem:s21+$0x8800] =	vst v9;
	v2 =	vmul.f32 v7, v1;
	v7 =	vld [tilespmem:s21+$0x8870]  }
0x1aa: {  	[tilespmem:s21+$0x8810] =	vst v8;
	v5 =	vmul.f32 v5, v1  }
0x1ab: {  	[tilespmem:s21+$0x8820] =	vst v2;
	v2 =	vmul.f32 v6, v1  }
0x1ac: {  	[tilespmem:s21+$0x8830] =	vst v5;
	v3 =	vmul.f32 v3, v1  }
0x1ad: {  	[tilespmem:s21+$0x8840] =	vst v2;
	v2 =	vmul.f32 v4, v1  }
0x1ae: {  	[tilespmem:s21+$0x8850] =	vst v3;
	v1 =	vmul.f32 v7, v1  }
0x1af: {  	[tilespmem:s21+$0x8860] =	vst v2  }
0x1b0: {  	[tilespmem:s21+$0x8870] =	vst v1  }
0x1b1: {  	v2 =	vld [tilespmem:s20+$0x2120]  }
0x1b2: {  	s21 =	simm.s32 $0x0  }
0x1b3: {  	v4 =	vld [tilespmem:s21+$0x9000]  }
0x1b4: {  	s22 =	simm.s32 $0x0;
	v8 =	vld [tilespmem:s21+$0x9010]  }
0x1b5: {  	v1 =	vmov s22;
	v7 =	vld [tilespmem:s21+$0x9020]  }
0x1b6: {  	v5 =	vld [tilespmem:s21+$0x9030];
	v1 =	vperm.xlane v2, v1  }
0x1b7: {  	v6 =	vld [tilespmem:s21+$0x9040]  }
0x1b8: {  	v3 =	vld [tilespmem:s21+$0x9050];
	v9 =	vmul.f32 v4, v1  }
0x1b9: {  	s4 =	simm.s32 $0x200;
	v8 =	vmul.f32 v8, v1;
	v4 =	vld [tilespmem:s21+$0x9060]  }
.LBB2_30:
0x1ba: {  	s14 =	sshra.s32 s4, $0x2;
	p0 =	sne.s32 s4, $0x1E00;
	[tilespmem:s21+$0x9000] =	vst v9;
	v7 =	vmul.f32 v7, v1;
	v9 =	vld [tilespmem:s21+$0x9070]  }
0x1bb: {  	v10 =	vld [tilespmem:s14+$0x9000];
	[tilespmem:s21+$0x9010] =	vst v8;
	v5 =	vmul.f32 v5, v1  }
0x1bc: {  	s22 =	sadd.s32 $0x1, s22;
	v8 =	vld [tilespmem:s14+$0x9010];
	[tilespmem:s21+$0x9020] =	vst v7;
	v6 =	vmul.f32 v6, v1  }
.Ltmp13:
0x1bd: {  	v11 =	vmov s22;
	v7 =	vld [tilespmem:s14+$0x9020];
	[tilespmem:s21+$0x9030] =	vst v5;
	v3 =	vmul.f32 v3, v1;
	(pc) =	sbr.rel @p0 .LBB2_30-.Ltmp13, $4  }
0x1be: {  	v11 =	vperm.xlane v2, v11;
	v5 =	vld [tilespmem:s14+$0x9030];
	[tilespmem:s21+$0x9040] =	vst v6;
	v4 =	vmul.f32 v4, v1  }
0x1bf: {  	v6 =	vld [tilespmem:s14+$0x9040];
	[tilespmem:s21+$0x9050] =	vst v3;
	v12 =	vmul.f32 v9, v1  }
0x1c0: {  	v1 =	vmov v11;
	v9 =	vmul.f32 v10, v11;
	v3 =	vld [tilespmem:s14+$0x9050];
	[tilespmem:s21+$0x9060] =	vst v4  }
0x1c1: {  	s4 =	sadd.s32 $0x200, s4;
	v8 =	vmul.f32 v8, v1;
	v4 =	vld [tilespmem:s14+$0x9060];
	[tilespmem:s21+$0x9070] =	vst v12;
	s21 =	smov.u32 s14  }
0x1c2: {  	[tilespmem:s21+$0x9000] =	vst v9;
	v2 =	vmul.f32 v7, v1;
	v7 =	vld [tilespmem:s21+$0x9070]  }
0x1c3: {  	[tilespmem:s21+$0x9010] =	vst v8;
	v5 =	vmul.f32 v5, v1  }
0x1c4: {  	[tilespmem:s21+$0x9020] =	vst v2;
	v2 =	vmul.f32 v6, v1  }
0x1c5: {  	[tilespmem:s21+$0x9030] =	vst v5;
	v3 =	vmul.f32 v3, v1  }
0x1c6: {  	[tilespmem:s21+$0x9040] =	vst v2;
	v2 =	vmul.f32 v4, v1  }
0x1c7: {  	[tilespmem:s21+$0x9050] =	vst v3;
	v1 =	vmul.f32 v7, v1  }
0x1c8: {  	[tilespmem:s21+$0x9060] =	vst v2  }
0x1c9: {  	[tilespmem:s21+$0x9070] =	vst v1  }
0x1ca: {  	v2 =	vld [tilespmem:s20+$0x2130]  }
0x1cb: {  	s21 =	simm.s32 $0x0  }
0x1cc: {  	v4 =	vld [tilespmem:s21+$0x9800]  }
0x1cd: {  	s22 =	simm.s32 $0x0;
	v8 =	vld [tilespmem:s21+$0x9810]  }
0x1ce: {  	v1 =	vmov s22;
	v7 =	vld [tilespmem:s21+$0x9820]  }
0x1cf: {  	v5 =	vld [tilespmem:s21+$0x9830];
	v1 =	vperm.xlane v2, v1  }
0x1d0: {  	v6 =	vld [tilespmem:s21+$0x9840]  }
0x1d1: {  	v3 =	vld [tilespmem:s21+$0x9850];
	v9 =	vmul.f32 v4, v1  }
0x1d2: {  	s4 =	simm.s32 $0x200;
	v8 =	vmul.f32 v8, v1;
	v4 =	vld [tilespmem:s21+$0x9860]  }
.LBB2_32:
0x1d3: {  	s14 =	sshra.s32 s4, $0x2;
	p0 =	sne.s32 s4, $0x1E00;
	[tilespmem:s21+$0x9800] =	vst v9;
	v7 =	vmul.f32 v7, v1;
	v9 =	vld [tilespmem:s21+$0x9870]  }
0x1d4: {  	v10 =	vld [tilespmem:s14+$0x9800];
	[tilespmem:s21+$0x9810] =	vst v8;
	v5 =	vmul.f32 v5, v1  }
0x1d5: {  	s22 =	sadd.s32 $0x1, s22;
	v8 =	vld [tilespmem:s14+$0x9810];
	[tilespmem:s21+$0x9820] =	vst v7;
	v6 =	vmul.f32 v6, v1  }
.Ltmp14:
0x1d6: {  	v11 =	vmov s22;
	v7 =	vld [tilespmem:s14+$0x9820];
	[tilespmem:s21+$0x9830] =	vst v5;
	v3 =	vmul.f32 v3, v1;
	(pc) =	sbr.rel @p0 .LBB2_32-.Ltmp14, $4  }
0x1d7: {  	v11 =	vperm.xlane v2, v11;
	v5 =	vld [tilespmem:s14+$0x9830];
	[tilespmem:s21+$0x9840] =	vst v6;
	v4 =	vmul.f32 v4, v1  }
0x1d8: {  	v6 =	vld [tilespmem:s14+$0x9840];
	[tilespmem:s21+$0x9850] =	vst v3;
	v12 =	vmul.f32 v9, v1  }
0x1d9: {  	v1 =	vmov v11;
	v9 =	vmul.f32 v10, v11;
	v3 =	vld [tilespmem:s14+$0x9850];
	[tilespmem:s21+$0x9860] =	vst v4  }
0x1da: {  	s4 =	sadd.s32 $0x200, s4;
	v8 =	vmul.f32 v8, v1;
	v4 =	vld [tilespmem:s14+$0x9860];
	[tilespmem:s21+$0x9870] =	vst v12;
	s21 =	smov.u32 s14  }
0x1db: {  	[tilespmem:s21+$0x9800] =	vst v9;
	v2 =	vmul.f32 v7, v1;
	v7 =	vld [tilespmem:s21+$0x9870]  }
0x1dc: {  	[tilespmem:s21+$0x9810] =	vst v8;
	v5 =	vmul.f32 v5, v1  }
0x1dd: {  	[tilespmem:s21+$0x9820] =	vst v2;
	v2 =	vmul.f32 v6, v1  }
0x1de: {  	[tilespmem:s21+$0x9830] =	vst v5;
	v3 =	vmul.f32 v3, v1  }
0x1df: {  	[tilespmem:s21+$0x9840] =	vst v2;
	v2 =	vmul.f32 v4, v1  }
0x1e0: {  	[tilespmem:s21+$0x9850] =	vst v3;
	v1 =	vmul.f32 v7, v1  }
0x1e1: {  	[tilespmem:s21+$0x9860] =	vst v2  }
0x1e2: {  	[tilespmem:s21+$0x9870] =	vst v1  }
0x1e3: {  	v2 =	vld [tilespmem:s20+$0x2140]  }
0x1e4: {  	s20 =	simm.s32 $0x0  }
0x1e5: {  	v4 =	vld [tilespmem:s20+$0xA000]  }
0x1e6: {  	s21 =	simm.s32 $0x0;
	v8 =	vld [tilespmem:s20+$0xA010]  }
0x1e7: {  	v1 =	vmov s21;
	v7 =	vld [tilespmem:s20+$0xA020]  }
0x1e8: {  	v5 =	vld [tilespmem:s20+$0xA030];
	v1 =	vperm.xlane v2, v1  }
0x1e9: {  	v6 =	vld [tilespmem:s20+$0xA040]  }
0x1ea: {  	v3 =	vld [tilespmem:s20+$0xA050];
	v9 =	vmul.f32 v4, v1  }
0x1eb: {  	s4 =	simm.s32 $0x200;
	v8 =	vmul.f32 v8, v1;
	v4 =	vld [tilespmem:s20+$0xA060]  }
.LBB2_34:
0x1ec: {  	s14 =	sshra.s32 s4, $0x2;
	p0 =	sne.s32 s4, $0x1E00;
	[tilespmem:s20+$0xA000] =	vst v9;
	v7 =	vmul.f32 v7, v1;
	v9 =	vld [tilespmem:s20+$0xA070]  }
0x1ed: {  	v10 =	vld [tilespmem:s14+$0xA000];
	[tilespmem:s20+$0xA010] =	vst v8;
	v5 =	vmul.f32 v5, v1  }
0x1ee: {  	s21 =	sadd.s32 $0x1, s21;
	v8 =	vld [tilespmem:s14+$0xA010];
	[tilespmem:s20+$0xA020] =	vst v7;
	v6 =	vmul.f32 v6, v1  }
.Ltmp15:
0x1ef: {  	v11 =	vmov s21;
	v7 =	vld [tilespmem:s14+$0xA020];
	[tilespmem:s20+$0xA030] =	vst v5;
	v3 =	vmul.f32 v3, v1;
	(pc) =	sbr.rel @p0 .LBB2_34-.Ltmp15, $4  }
0x1f0: {  	v11 =	vperm.xlane v2, v11;
	v5 =	vld [tilespmem:s14+$0xA030];
	[tilespmem:s20+$0xA040] =	vst v6;
	v4 =	vmul.f32 v4, v1  }
0x1f1: {  	v6 =	vld [tilespmem:s14+$0xA040];
	[tilespmem:s20+$0xA050] =	vst v3;
	v12 =	vmul.f32 v9, v1  }
0x1f2: {  	v1 =	vmov v11;
	v9 =	vmul.f32 v10, v11;
	v3 =	vld [tilespmem:s14+$0xA050];
	[tilespmem:s20+$0xA060] =	vst v4  }
0x1f3: {  	s4 =	sadd.s32 $0x200, s4;
	v8 =	vmul.f32 v8, v1;
	v4 =	vld [tilespmem:s14+$0xA060];
	[tilespmem:s20+$0xA070] =	vst v12;
	s20 =	smov.u32 s14  }
0x1f4: {  	[tilespmem:s20+$0xA000] =	vst v9;
	v2 =	vmul.f32 v7, v1;
	v63 =	vld [tilespmem:s20+$0xA070]  }
0x1f5: {  	[tilespmem:s20+$0xA010] =	vst v8;
	v5 =	vmul.f32 v5, v1  }
0x1f6: {  	s18 =	sadd.s32 $0x1, s18;
	[tilespmem:s20+$0xA020] =	vst v2;
	v2 =	vmul.f32 v6, v1  }
0x1f7: {  	p0 =	sne.s32 s18, $0x8;
	[tilespmem:s20+$0xA030] =	vst v5;
	v3 =	vmul.f32 v3, v1  }
.Ltmp16:
0x1f8: {  	[tilespmem:s20+$0xA040] =	vst v2;
	v2 =	vmul.f32 v4, v1;
	(pc) =	sbr.rel @p0 .LBB2_5-.Ltmp16, $4  }
0x1f9: {  	[tilespmem:s20+$0xA050] =	vst v3;
	v1 =	vmul.f32 v63, v1  }
0x1fa: {  	[tilespmem:s20+$0xA060] =	vst v2  }
0x1fb: {  	s4 =	sadd.s32 $0x1000, s19;
	[tilespmem:s20+$0xA070] =	vst v1  }
0x1fc: {  	[spmem:s2] =	stream.indirect.scatter.add.f32 [tilespmem:s12], [sflag:$0x6], $0x80, s4, s9, $0xb8;
	[tilespmem:$0x1E800] =	vst v63  }
0x1fd: {  	_ =	swait.ge [sflag:s28], $0x2800  }
0x1fe: {  	[sflag:s28] =	ssyncset.done $0x0  }
0x1ff: {  	[sflag:s28] =	ssyncadd.s32 $0xFFFFD800  }
0x200: {  	v1 =	vld [tilespmem:$0x2C00]  }
0x201: {  	s18 =	simm.s32 $0x3040  }
0x202: {  	v6 =	vld [tilespmem:s18+$0xFFFFFFC0]  }
0x203: {  	s4 =	simm.s32 $0x0;
	v8 =	vld [tilespmem:s18+$0xFFFFFFD0]  }
0x204: {  	v2 =	vmov s4;
	v7 =	vld [tilespmem:s18+$0xFFFFFFE0]  }
0x205: {  	v4 =	vld [tilespmem:s18+$0x0];
	v2 =	vperm.xlane v1, v2  }
0x206: {  	v5 =	vld [tilespmem:s18+$0x10]  }
0x207: {  	v3 =	vld [tilespmem:s18+$0x20];
	v9 =	vmul.f32 v6, v2  }
0x208: {  	s19 =	simm.s32 $0x3040;
	s4 =	simm.s32 $0x1;
	v8 =	vmul.f32 v8, v2;
	v6 =	vld [tilespmem:s18+$0x30]  }
.LBB2_37:
0x209: {  	p0 =	sne.s32 s4, $0xF;
	[tilespmem:s18+$0xFFFFFFC0] =	vst v9;
	v7 =	vmul.f32 v7, v2;
	v9 =	vld [tilespmem:s18+$0xFFFFFFF0];
	s19 =	sadd.s32 $0x80, s19  }
0x20a: {  	v10 =	vld [tilespmem:s19+$0xFFFFFFC0];
	[tilespmem:s18+$0xFFFFFFD0] =	vst v8;
	v4 =	vmul.f32 v4, v2  }
0x20b: {  	v8 =	vld [tilespmem:s19+$0xFFFFFFD0];
	[tilespmem:s18+$0xFFFFFFE0] =	vst v7;
	v5 =	vmul.f32 v5, v2  }
.Ltmp17:
0x20c: {  	v11 =	vmov s4;
	v7 =	vld [tilespmem:s19+$0xFFFFFFE0];
	[tilespmem:s18+$0x0] =	vst v4;
	v3 =	vmul.f32 v3, v2;
	(pc) =	sbr.rel @p0 .LBB2_37-.Ltmp17, $4  }
0x20d: {  	v11 =	vperm.xlane v1, v11;
	v4 =	vld [tilespmem:s19+$0x0];
	[tilespmem:s18+$0x10] =	vst v5;
	v6 =	vmul.f32 v6, v2  }
0x20e: {  	v5 =	vld [tilespmem:s19+$0x10];
	v12 =	vmul.f32 v9, v2;
	[tilespmem:s18+$0x20] =	vst v3  }
0x20f: {  	v2 =	vmov v11;
	v9 =	vmul.f32 v10, v11;
	v3 =	vld [tilespmem:s19+$0x20];
	[tilespmem:s18+$0x30] =	vst v6  }
0x210: {  	s4 =	sadd.s32 $0x1, s4;
	v8 =	vmul.f32 v8, v2;
	v6 =	vld [tilespmem:s19+$0x30];
	[tilespmem:s18+$0xFFFFFFF0] =	vst v12;
	s18 =	smov.u32 s19  }
0x211: {  	[tilespmem:s18+$0xFFFFFFC0] =	vst v9;
	v1 =	vmul.f32 v7, v2;
	v7 =	vld [tilespmem:s18+$0xFFFFFFF0]  }
0x212: {  	[tilespmem:s18+$0xFFFFFFD0] =	vst v8;
	v4 =	vmul.f32 v4, v2  }
0x213: {  	[tilespmem:s18+$0xFFFFFFE0] =	vst v1;
	v1 =	vmul.f32 v5, v2  }
0x214: {  	[tilespmem:s18+$0x0] =	vst v4;
	v3 =	vmul.f32 v3, v2  }
0x215: {  	[tilespmem:s18+$0x10] =	vst v1;
	v1 =	vmul.f32 v6, v2  }
0x216: {  	v2 =	vmul.f32 v7, v2;
	[tilespmem:s18+$0x20] =	vst v3  }
0x217: {  	[tilespmem:s18+$0x30] =	vst v1  }
0x218: {  	[tilespmem:s18+$0xFFFFFFF0] =	vst v2  }
0x219: {  	v2 =	vld [tilespmem:$0x2C10]  }
0x21a: {  	s18 =	simm.s32 $0x3870  }
0x21b: {  	v6 =	vld [tilespmem:s18+$0xFFFFFF90]  }
0x21c: {  	s4 =	simm.s32 $0x0;
	v8 =	vld [tilespmem:s18+$0xFFFFFFA0]  }
0x21d: {  	v1 =	vmov s4;
	v7 =	vld [tilespmem:s18+$0xFFFFFFB0]  }
0x21e: {  	v4 =	vld [tilespmem:s18+$0xFFFFFFC0];
	v1 =	vperm.xlane v2, v1  }
0x21f: {  	v5 =	vld [tilespmem:s18+$0xFFFFFFD0]  }
0x220: {  	v3 =	vld [tilespmem:s18+$0xFFFFFFE0];
	v9 =	vmul.f32 v6, v1  }
0x221: {  	s19 =	simm.s32 $0x3870;
	s4 =	simm.s32 $0x1;
	v8 =	vmul.f32 v8, v1;
	v6 =	vld [tilespmem:s18+$0x0]  }
.LBB2_39:
0x222: {  	p0 =	sne.s32 s4, $0xF;
	[tilespmem:s18+$0xFFFFFF90] =	vst v9;
	v7 =	vmul.f32 v7, v1;
	v9 =	vld [tilespmem:s18+$0xFFFFFFF0];
	s19 =	sadd.s32 $0x80, s19  }
0x223: {  	v10 =	vld [tilespmem:s19+$0xFFFFFF90];
	[tilespmem:s18+$0xFFFFFFA0] =	vst v8;
	v4 =	vmul.f32 v4, v1  }
0x224: {  	v8 =	vld [tilespmem:s19+$0xFFFFFFA0];
	[tilespmem:s18+$0xFFFFFFB0] =	vst v7;
	v5 =	vmul.f32 v5, v1  }
.Ltmp18:
0x225: {  	v11 =	vmov s4;
	v7 =	vld [tilespmem:s19+$0xFFFFFFB0];
	[tilespmem:s18+$0xFFFFFFC0] =	vst v4;
	v3 =	vmul.f32 v3, v1;
	(pc) =	sbr.rel @p0 .LBB2_39-.Ltmp18, $4  }
0x226: {  	v11 =	vperm.xlane v2, v11;
	v4 =	vld [tilespmem:s19+$0xFFFFFFC0];
	[tilespmem:s18+$0xFFFFFFD0] =	vst v5;
	v6 =	vmul.f32 v6, v1  }
0x227: {  	v5 =	vld [tilespmem:s19+$0xFFFFFFD0];
	[tilespmem:s18+$0xFFFFFFE0] =	vst v3;
	v12 =	vmul.f32 v9, v1  }
0x228: {  	v1 =	vmov v11;
	v9 =	vmul.f32 v10, v11;
	v3 =	vld [tilespmem:s19+$0xFFFFFFE0];
	[tilespmem:s18+$0x0] =	vst v6  }
0x229: {  	s4 =	sadd.s32 $0x1, s4;
	v8 =	vmul.f32 v8, v1;
	v6 =	vld [tilespmem:s19+$0x0];
	[tilespmem:s18+$0xFFFFFFF0] =	vst v12;
	s18 =	smov.u32 s19  }
0x22a: {  	[tilespmem:s18+$0xFFFFFF90] =	vst v9;
	v2 =	vmul.f32 v7, v1;
	v7 =	vld [tilespmem:s18+$0xFFFFFFF0]  }
0x22b: {  	[tilespmem:s18+$0xFFFFFFA0] =	vst v8;
	v4 =	vmul.f32 v4, v1  }
0x22c: {  	[tilespmem:s18+$0xFFFFFFB0] =	vst v2;
	v2 =	vmul.f32 v5, v1  }
0x22d: {  	[tilespmem:s18+$0xFFFFFFC0] =	vst v4;
	v3 =	vmul.f32 v3, v1  }
0x22e: {  	[tilespmem:s18+$0xFFFFFFD0] =	vst v2;
	v2 =	vmul.f32 v6, v1  }
0x22f: {  	[tilespmem:s18+$0xFFFFFFE0] =	vst v3;
	v1 =	vmul.f32 v7, v1  }
0x230: {  	[tilespmem:s18+$0x0] =	vst v2  }
0x231: {  	[tilespmem:s18+$0xFFFFFFF0] =	vst v1  }
0x232: {  	v2 =	vld [tilespmem:$0x2C20]  }
0x233: {  	s18 =	simm.s32 $0x4070  }
0x234: {  	v6 =	vld [tilespmem:s18+$0xFFFFFF90]  }
0x235: {  	s4 =	simm.s32 $0x0;
	v8 =	vld [tilespmem:s18+$0xFFFFFFA0]  }
0x236: {  	v1 =	vmov s4;
	v7 =	vld [tilespmem:s18+$0xFFFFFFB0]  }
0x237: {  	v4 =	vld [tilespmem:s18+$0xFFFFFFC0];
	v1 =	vperm.xlane v2, v1  }
0x238: {  	v5 =	vld [tilespmem:s18+$0xFFFFFFD0]  }
0x239: {  	v3 =	vld [tilespmem:s18+$0xFFFFFFE0];
	v9 =	vmul.f32 v6, v1  }
0x23a: {  	s19 =	simm.s32 $0x4070;
	s4 =	simm.s32 $0x1;
	v8 =	vmul.f32 v8, v1;
	v6 =	vld [tilespmem:s18+$0x0]  }
.LBB2_41:
0x23b: {  	p0 =	sne.s32 s4, $0xF;
	[tilespmem:s18+$0xFFFFFF90] =	vst v9;
	v7 =	vmul.f32 v7, v1;
	v9 =	vld [tilespmem:s18+$0xFFFFFFF0];
	s19 =	sadd.s32 $0x80, s19  }
0x23c: {  	v10 =	vld [tilespmem:s19+$0xFFFFFF90];
	[tilespmem:s18+$0xFFFFFFA0] =	vst v8;
	v4 =	vmul.f32 v4, v1  }
0x23d: {  	v8 =	vld [tilespmem:s19+$0xFFFFFFA0];
	[tilespmem:s18+$0xFFFFFFB0] =	vst v7;
	v5 =	vmul.f32 v5, v1  }
.Ltmp19:
0x23e: {  	v11 =	vmov s4;
	v7 =	vld [tilespmem:s19+$0xFFFFFFB0];
	[tilespmem:s18+$0xFFFFFFC0] =	vst v4;
	v3 =	vmul.f32 v3, v1;
	(pc) =	sbr.rel @p0 .LBB2_41-.Ltmp19, $4  }
0x23f: {  	v11 =	vperm.xlane v2, v11;
	v4 =	vld [tilespmem:s19+$0xFFFFFFC0];
	[tilespmem:s18+$0xFFFFFFD0] =	vst v5;
	v6 =	vmul.f32 v6, v1  }
0x240: {  	v5 =	vld [tilespmem:s19+$0xFFFFFFD0];
	[tilespmem:s18+$0xFFFFFFE0] =	vst v3;
	v12 =	vmul.f32 v9, v1  }
0x241: {  	v1 =	vmov v11;
	v9 =	vmul.f32 v10, v11;
	v3 =	vld [tilespmem:s19+$0xFFFFFFE0];
	[tilespmem:s18+$0x0] =	vst v6  }
0x242: {  	s4 =	sadd.s32 $0x1, s4;
	v8 =	vmul.f32 v8, v1;
	v6 =	vld [tilespmem:s19+$0x0];
	[tilespmem:s18+$0xFFFFFFF0] =	vst v12;
	s18 =	smov.u32 s19  }
0x243: {  	[tilespmem:s18+$0xFFFFFF90] =	vst v9;
	v2 =	vmul.f32 v7, v1;
	v7 =	vld [tilespmem:s18+$0xFFFFFFF0]  }
0x244: {  	[tilespmem:s18+$0xFFFFFFA0] =	vst v8;
	v4 =	vmul.f32 v4, v1  }
0x245: {  	[tilespmem:s18+$0xFFFFFFB0] =	vst v2;
	v2 =	vmul.f32 v5, v1  }
0x246: {  	[tilespmem:s18+$0xFFFFFFC0] =	vst v4;
	v3 =	vmul.f32 v3, v1  }
0x247: {  	[tilespmem:s18+$0xFFFFFFD0] =	vst v2;
	v2 =	vmul.f32 v6, v1  }
0x248: {  	[tilespmem:s18+$0xFFFFFFE0] =	vst v3;
	v1 =	vmul.f32 v7, v1  }
0x249: {  	[tilespmem:s18+$0x0] =	vst v2  }
0x24a: {  	[tilespmem:s18+$0xFFFFFFF0] =	vst v1  }
0x24b: {  	v2 =	vld [tilespmem:$0x2C30]  }
0x24c: {  	s18 =	simm.s32 $0x4870  }
0x24d: {  	v6 =	vld [tilespmem:s18+$0xFFFFFF90]  }
0x24e: {  	s4 =	simm.s32 $0x0;
	v8 =	vld [tilespmem:s18+$0xFFFFFFA0]  }
0x24f: {  	v1 =	vmov s4;
	v7 =	vld [tilespmem:s18+$0xFFFFFFB0]  }
0x250: {  	v4 =	vld [tilespmem:s18+$0xFFFFFFC0];
	v1 =	vperm.xlane v2, v1  }
0x251: {  	v5 =	vld [tilespmem:s18+$0xFFFFFFD0]  }
0x252: {  	v3 =	vld [tilespmem:s18+$0xFFFFFFE0];
	v9 =	vmul.f32 v6, v1  }
0x253: {  	s19 =	simm.s32 $0x4870;
	s4 =	simm.s32 $0x1;
	v8 =	vmul.f32 v8, v1;
	v6 =	vld [tilespmem:s18+$0x0]  }
.LBB2_43:
0x254: {  	p0 =	sne.s32 s4, $0xF;
	[tilespmem:s18+$0xFFFFFF90] =	vst v9;
	v7 =	vmul.f32 v7, v1;
	v9 =	vld [tilespmem:s18+$0xFFFFFFF0];
	s19 =	sadd.s32 $0x80, s19  }
0x255: {  	v10 =	vld [tilespmem:s19+$0xFFFFFF90];
	[tilespmem:s18+$0xFFFFFFA0] =	vst v8;
	v4 =	vmul.f32 v4, v1  }
0x256: {  	v8 =	vld [tilespmem:s19+$0xFFFFFFA0];
	[tilespmem:s18+$0xFFFFFFB0] =	vst v7;
	v5 =	vmul.f32 v5, v1  }
.Ltmp20:
0x257: {  	v11 =	vmov s4;
	v7 =	vld [tilespmem:s19+$0xFFFFFFB0];
	[tilespmem:s18+$0xFFFFFFC0] =	vst v4;
	v3 =	vmul.f32 v3, v1;
	(pc) =	sbr.rel @p0 .LBB2_43-.Ltmp20, $4  }
0x258: {  	v11 =	vperm.xlane v2, v11;
	v4 =	vld [tilespmem:s19+$0xFFFFFFC0];
	[tilespmem:s18+$0xFFFFFFD0] =	vst v5;
	v6 =	vmul.f32 v6, v1  }
0x259: {  	v5 =	vld [tilespmem:s19+$0xFFFFFFD0];
	[tilespmem:s18+$0xFFFFFFE0] =	vst v3;
	v12 =	vmul.f32 v9, v1  }
0x25a: {  	v1 =	vmov v11;
	v9 =	vmul.f32 v10, v11;
	v3 =	vld [tilespmem:s19+$0xFFFFFFE0];
	[tilespmem:s18+$0x0] =	vst v6  }
0x25b: {  	s4 =	sadd.s32 $0x1, s4;
	v8 =	vmul.f32 v8, v1;
	v6 =	vld [tilespmem:s19+$0x0];
	[tilespmem:s18+$0xFFFFFFF0] =	vst v12;
	s18 =	smov.u32 s19  }
0x25c: {  	[tilespmem:s18+$0xFFFFFF90] =	vst v9;
	v2 =	vmul.f32 v7, v1;
	v7 =	vld [tilespmem:s18+$0xFFFFFFF0]  }
0x25d: {  	[tilespmem:s18+$0xFFFFFFA0] =	vst v8;
	v4 =	vmul.f32 v4, v1  }
0x25e: {  	[tilespmem:s18+$0xFFFFFFB0] =	vst v2;
	v2 =	vmul.f32 v5, v1  }
0x25f: {  	[tilespmem:s18+$0xFFFFFFC0] =	vst v4;
	v3 =	vmul.f32 v3, v1  }
0x260: {  	[tilespmem:s18+$0xFFFFFFD0] =	vst v2;
	v2 =	vmul.f32 v6, v1  }
0x261: {  	[tilespmem:s18+$0xFFFFFFE0] =	vst v3;
	v1 =	vmul.f32 v7, v1  }
0x262: {  	[tilespmem:s18+$0x0] =	vst v2  }
0x263: {  	[tilespmem:s18+$0xFFFFFFF0] =	vst v1  }
0x264: {  	v2 =	vld [tilespmem:$0x2C40]  }
0x265: {  	s18 =	simm.s32 $0x5070  }
0x266: {  	v6 =	vld [tilespmem:s18+$0xFFFFFF90]  }
0x267: {  	s4 =	simm.s32 $0x0;
	v8 =	vld [tilespmem:s18+$0xFFFFFFA0]  }
0x268: {  	v1 =	vmov s4;
	v7 =	vld [tilespmem:s18+$0xFFFFFFB0]  }
0x269: {  	v4 =	vld [tilespmem:s18+$0xFFFFFFC0];
	v1 =	vperm.xlane v2, v1  }
0x26a: {  	v5 =	vld [tilespmem:s18+$0xFFFFFFD0]  }
0x26b: {  	v3 =	vld [tilespmem:s18+$0xFFFFFFE0];
	v9 =	vmul.f32 v6, v1  }
0x26c: {  	s19 =	simm.s32 $0x5070;
	s4 =	simm.s32 $0x1;
	v8 =	vmul.f32 v8, v1;
	v6 =	vld [tilespmem:s18+$0x0]  }
.LBB2_45:
0x26d: {  	p0 =	sne.s32 s4, $0xF;
	[tilespmem:s18+$0xFFFFFF90] =	vst v9;
	v7 =	vmul.f32 v7, v1;
	v9 =	vld [tilespmem:s18+$0xFFFFFFF0];
	s19 =	sadd.s32 $0x80, s19  }
0x26e: {  	v10 =	vld [tilespmem:s19+$0xFFFFFF90];
	[tilespmem:s18+$0xFFFFFFA0] =	vst v8;
	v4 =	vmul.f32 v4, v1  }
0x26f: {  	v8 =	vld [tilespmem:s19+$0xFFFFFFA0];
	[tilespmem:s18+$0xFFFFFFB0] =	vst v7;
	v5 =	vmul.f32 v5, v1  }
.Ltmp21:
0x270: {  	v11 =	vmov s4;
	v7 =	vld [tilespmem:s19+$0xFFFFFFB0];
	[tilespmem:s18+$0xFFFFFFC0] =	vst v4;
	v3 =	vmul.f32 v3, v1;
	(pc) =	sbr.rel @p0 .LBB2_45-.Ltmp21, $4  }
0x271: {  	v11 =	vperm.xlane v2, v11;
	v4 =	vld [tilespmem:s19+$0xFFFFFFC0];
	[tilespmem:s18+$0xFFFFFFD0] =	vst v5;
	v6 =	vmul.f32 v6, v1  }
0x272: {  	v5 =	vld [tilespmem:s19+$0xFFFFFFD0];
	[tilespmem:s18+$0xFFFFFFE0] =	vst v3;
	v12 =	vmul.f32 v9, v1  }
0x273: {  	v1 =	vmov v11;
	v9 =	vmul.f32 v10, v11;
	v3 =	vld [tilespmem:s19+$0xFFFFFFE0];
	[tilespmem:s18+$0x0] =	vst v6  }
0x274: {  	s4 =	sadd.s32 $0x1, s4;
	v8 =	vmul.f32 v8, v1;
	v6 =	vld [tilespmem:s19+$0x0];
	[tilespmem:s18+$0xFFFFFFF0] =	vst v12;
	s18 =	smov.u32 s19  }
0x275: {  	[tilespmem:s18+$0xFFFFFF90] =	vst v9;
	v2 =	vmul.f32 v7, v1;
	v63 =	vld [tilespmem:s18+$0xFFFFFFF0]  }
0x276: {  	[tilespmem:s18+$0xFFFFFFA0] =	vst v8;
	v4 =	vmul.f32 v4, v1  }
0x277: {  	[tilespmem:s18+$0xFFFFFFB0] =	vst v2;
	v2 =	vmul.f32 v5, v1  }
0x278: {  	[tilespmem:s18+$0xFFFFFFC0] =	vst v4;
	v3 =	vmul.f32 v3, v1  }
0x279: {  	[tilespmem:s18+$0xFFFFFFD0] =	vst v2;
	v2 =	vmul.f32 v6, v1  }
0x27a: {  	[tilespmem:s18+$0xFFFFFFE0] =	vst v3;
	v1 =	vmul.f32 v63, v1  }
0x27b: {  	[tilespmem:s18+$0x0] =	vst v2  }
0x27c: {  	[tilespmem:s18+$0xFFFFFFF0] =	vst v1  }
0x27d: {  	[spmem:s2] =	stream.indirect.scatter.add.f32 [tilespmem:s26], [sflag:$0x4], $0x80, s13, s9, $0xb8;
	[tilespmem:$0x1E800] =	vst v63  }
0x27e: {  	_ =	swait.ge [sflag:s31], $0x2800  }
0x27f: {  	[sflag:s31] =	ssyncset.done $0x0  }
0x280: {  	s17 =	sadd.s32 $0x1, s17;
	[sflag:s31] =	ssyncadd.s32 $0xFFFFD800  }
0x281: {  	p0 =	sne.s32 s17, $0x5;
	_ =	swait.ge [sflag:s0], $0x2800  }
.Ltmp22:
0x282: {  	[sflag:s0] =	ssyncset.done $0x0;
	(pc) =	sbr.rel @p0 .LBB2_4-.Ltmp22, $4  }
0x283: {  	[sflag:s0] =	ssyncadd.s32 $0xFFFFD800  }
0x284: {  	_ =	swait.ge [sflag:s3], $0x2800  }
0x285: {  	[sflag:s3] =	ssyncset.done $0x0  }
0x286: {  	[sflag:s3] =	ssyncadd.s32 $0xFFFFD800  }
0x287: {  	[bflag:$0x0] =	sbarrier.arrive $0xFFFF  }
0x288: {  	s19 =	rddreg [dreg:$0xc]  }
0x289: {  	[tilespmem:s26], [sflag:$0x1] =	stream.linear.gather [spmem:s19], $0x2800, $0x38;
	[tilespmem:$0x1E800] =	vst v63  }
0x28a: {  	_ =	swait.ge [sflag:s28], $0x2800  }
0x28b: {  	[sflag:s28] =	ssyncset.done $0x0  }
0x28c: {  	s4 =	simm.s32 $0x0;
	s14 =	rddreg [dreg:$0x4];
	[sflag:s28] =	ssyncadd.s32 $0xFFFFD800  }
0x28d: {  	[hbm4b:s14+s4] =	stream.linear.scatter [tilespmem:s26], [sflag:$0x4], $0x2800, $0x38;
	[tilespmem:$0x1E800] =	vst v63  }
0x28e: {  	s20 =	rddreg [dreg:$0xd]  }
0x28f: {  	[tilespmem:s11], [sflag:$0x2] =	stream.linear.gather [spmem:s20], $0x2800, $0x38;
	[tilespmem:$0x1E800] =	vst v63  }
0x290: {  	_ =	swait.ge [sflag:s29], $0x2800  }
0x291: {  	[sflag:s29] =	ssyncset.done $0x0  }
0x292: {  	s23 =	rddreg [dreg:$0x5];
	[sflag:s29] =	ssyncadd.s32 $0xFFFFD800  }
0x293: {  	[hbm4b:s23+s4] =	stream.linear.scatter [tilespmem:s11], [sflag:$0x5], $0x2800, $0x38;
	[tilespmem:$0x1E800] =	vst v63  }
0x294: {  	s21 =	rddreg [dreg:$0xe]  }
0x295: {  	[tilespmem:s12], [sflag:$0x3] =	stream.linear.gather [spmem:s21], $0x2800, $0x38;
	[tilespmem:$0x1E800] =	vst v63  }
0x296: {  	_ =	swait.ge [sflag:s30], $0x2800  }
0x297: {  	[sflag:s30] =	ssyncset.done $0x0  }
0x298: {  	s24 =	rddreg [dreg:$0x6];
	[sflag:s30] =	ssyncadd.s32 $0xFFFFD800  }
0x299: {  	[hbm4b:s24+s4] =	stream.linear.scatter [tilespmem:s12], [sflag:$0x6], $0x2800, $0x38;
	[tilespmem:$0x1E800] =	vst v63  }
0x29a: {  	_ =	swait.ge [sflag:s31], $0x2800  }
0x29b: {  	[sflag:s31] =	ssyncset.done $0x0  }
0x29c: {  	s22 =	rddreg [dreg:$0xf];
	[sflag:s31] =	ssyncadd.s32 $0xFFFFD800  }
0x29d: {  	[tilespmem:s26], [sflag:$0x1] =	stream.linear.gather [spmem:s22], $0x2800, $0x38;
	[tilespmem:$0x1E800] =	vst v63  }
0x29e: {  	_ =	swait.ge [sflag:s28], $0x2800  }
0x29f: {  	[sflag:s28] =	ssyncset.done $0x0  }
0x2a0: {  	s25 =	rddreg [dreg:$0x7];
	[sflag:s28] =	ssyncadd.s32 $0xFFFFD800  }
0x2a1: {  	[hbm4b:s25+s4] =	stream.linear.scatter [tilespmem:s26], [sflag:$0x4], $0x2800, $0x38;
	[tilespmem:$0x1E800] =	vst v63  }
0x2a2: {  	_ =	swait.ge [sflag:s0], $0x2800  }
0x2a3: {  	[sflag:s0] =	ssyncset.done $0x0  }
0x2a4: {  	s23 =	rddreg [dreg:$0x10];
	[sflag:s0] =	ssyncadd.s32 $0xFFFFD800  }
0x2a5: {  	[tilespmem:s11], [sflag:$0x2] =	stream.linear.gather [spmem:s23], $0x2800, $0x38;
	[tilespmem:$0x1E800] =	vst v63  }
0x2a6: {  	_ =	swait.ge [sflag:s29], $0x2800  }
0x2a7: {  	[sflag:s29] =	ssyncset.done $0x0  }
0x2a8: {  	s17 =	rddreg [dreg:$0x8];
	[sflag:s29] =	ssyncadd.s32 $0xFFFFD800  }
0x2a9: {  	[hbm4b:s17+s4] =	stream.linear.scatter [tilespmem:s11], [sflag:$0x5], $0x2800, $0x38;
	[tilespmem:$0x1E800] =	vst v63  }
0x2aa: {  	_ =	swait.ge [sflag:s3], $0x2800  }
0x2ab: {  	[sflag:s3] =	ssyncset.done $0x0  }
0x2ac: {  	s24 =	rddreg [dreg:$0x11];
	[sflag:s3] =	ssyncadd.s32 $0xFFFFD800  }
0x2ad: {  	[tilespmem:s12], [sflag:$0x3] =	stream.linear.gather [spmem:s24], $0x2800, $0x38;
	[tilespmem:$0x1E800] =	vst v63  }
0x2ae: {  	_ =	swait.ge [sflag:s30], $0x2800  }
0x2af: {  	[sflag:s30] =	ssyncset.done $0x0  }
0x2b0: {  	s18 =	rddreg [dreg:$0x9];
	[sflag:s30] =	ssyncadd.s32 $0xFFFFD800  }
0x2b1: {  	[hbm4b:s18+s4] =	stream.linear.scatter [tilespmem:s12], [sflag:$0x6], $0x2800, $0x38;
	[tilespmem:$0x1E800] =	vst v63  }
0x2b2: {  	_ =	swait.ge [sflag:s31], $0x2800  }
0x2b3: {  	[sflag:s31] =	ssyncset.done $0x0  }
0x2b4: {  	s18 =	rddreg [dreg:$0x12];
	[sflag:s31] =	ssyncadd.s32 $0xFFFFD800  }
0x2b5: {  	[tilespmem:s26], [sflag:$0x1] =	stream.linear.gather [spmem:s18], $0x2800, $0x38;
	[tilespmem:$0x1E800] =	vst v63  }
0x2b6: {  	_ =	swait.ge [sflag:s28], $0x2800  }
0x2b7: {  	[sflag:s28] =	ssyncset.done $0x0  }
0x2b8: {  	s25 =	rddreg [dreg:$0xa];
	[sflag:s28] =	ssyncadd.s32 $0xFFFFD800  }
0x2b9: {  	[hbm4b:s25+s4] =	stream.linear.scatter [tilespmem:s26], [sflag:$0x4], $0x2800, $0x38;
	[tilespmem:$0x1E800] =	vst v63  }
0x2ba: {  	_ =	swait.ge [sflag:s0], $0x2800  }
0x2bb: {  	[sflag:s0] =	ssyncset.done $0x0  }
0x2bc: {  	s25 =	rddreg [dreg:$0x13];
	[sflag:s0] =	ssyncadd.s32 $0xFFFFD800  }
0x2bd: {  	[tilespmem:s11], [sflag:$0x2] =	stream.linear.gather [spmem:s25], $0x2800, $0x38;
	[tilespmem:$0x1E800] =	vst v63  }
0x2be: {  	_ =	swait.ge [sflag:s29], $0x2800  }
0x2bf: {  	[sflag:s29] =	ssyncset.done $0x0  }
0x2c0: {  	s17 =	rddreg [dreg:$0xb];
	[sflag:s29] =	ssyncadd.s32 $0xFFFFD800  }
0x2c1: {  	[hbm4b:s17+s4] =	stream.linear.scatter [tilespmem:s11], [sflag:$0x5], $0x2800, $0x38;
	[tilespmem:$0x1E800] =	vst v63  }
0x2c2: {  	_ =	swait.ge [sflag:s3], $0x2800  }
0x2c3: {  	[sflag:s3] =	ssyncset.done $0x0  }
0x2c4: {  	[sflag:s3] =	ssyncadd.s32 $0xFFFFD800  }
0x2c5: {  	_ =	swait.ge [sflag:s31], $0x2800  }
0x2c6: {  	[sflag:s31] =	ssyncset.done $0x0  }
0x2c7: {  	[sflag:s31] =	ssyncadd.s32 $0xFFFFD800  }
0x2c8: {  	_ =	swait.ge [sflag:s0], $0x2800  }
0x2c9: {  	s4 =	rddreg [dreg:$0x15]  }
0x2ca: {  	s17 =	rddreg [dreg:$0x14];
	s14 =	sadd.s32 $0x1, s4  }
0x2cb: {  	p0 =	sne.s32 s14, s17  }
.Ltmp23:
0x2cc: {  	_ = 	snop;
	(pc) =	sbr.rel @p0 .LBB2_1-.Ltmp23, $3  }
0x2cd: {  	_ =	sdelay $0x1  }
0x2ce: {  	[sflag:s0] =	ssyncset.done $0x0  }
0x2cf: {  	[sflag:s0] =	ssyncadd.s32 $0xFFFFD800  }
0x2d0: {  	_ =	sfence.sel $0x180000  }
0x2d1: {  	[bflag:$0x0] =	sbarrier.arrive $0xFFFF  }
0x2d2: {  	_ =	strace $0x90000047  }
0x2d3: {  	s0 =	stileid.u32;
	[bflag:$0x2] =	sbarrier.arrive $0xFFFF  }
0x2d4: {  	p0 =	sne.s32 s0, $0x0;
	s0 =	rddreg [dreg:$0x3]  }
0x2d5: {  	s0 =	sadd.s32 @!p0 $0x100000, s0  }
0x2d6: {  	[sflag:s0] =	ssyncadd.tile.s32 @!p0 $0x1;
	_ =	shalt  }
.Lfunc_end2:
_tile_overlayer_lowered:
.L_overlay_start_2:
0x2d7: {  	(tag) =	ssettag $0x2  }
0x2d8: {  	s0 =	rddreg [dreg:$0x0];
	s2 =	stileid.u32  }
0x2d9: {  	s1 =	rddreg [dreg:$0x1];
	p0 =	sne.s32 s2, $0x0  }
0x2da: {  	s3 =	rddreg [dreg:$0x2];
	[bflag:$0x3] =	sbarrier.arrive $0xFFFF;
	s2 =	simm.s32 @!p0 $0x1C07  }
0x2db: {  	[timem:s3], [sflag:s2] =	dma.local @!p0 [hbm:s0], s1  }
0x2dc: {  	s0 =	simm.s32 @!p0 $0x7  }
0x2dd: {  	_ =	swait.ge @!p0 [sflag:s0], s1  }
0x2de: {  	s1 =	ssub.s32 @!p0 $0x0, s1;
	[sflag:s0] =	ssyncset.done @!p0 $0x0  }
0x2df: {  	[sflag:s0] =	ssyncadd.s32 @!p0 s1  }
0x2e0: {  	[bflag:$0x3] =	sbarrier.arrive $0xFFFF  }
0x2e1: {  	_ =	shalt  }

</sc_bundles>
